<compile_context>
chip_gen: v7x
topology: tpu7x:2x2x1
jax: 0.10.2.dev20260603
libtpu: 0.0.44.dev20260713+nightly
codegen_flags: <defaults>
</compile_context>

<pallas_src>
import functools

import jax
import jax.numpy as jnp
from jax import lax
from jax.experimental import pallas as pl
from jax.experimental.pallas import tpu as pltpu
from jax.experimental.pallas import tpu_sc as plsc

N = 2048
DIM = 128
TDIM = 3 * DIM
ACCW = TDIM + DIM
NSUB = 16
NW = 32
CPW = N // NW
LANES = 16


def _gates(iou, fc):
    ig = jax.nn.sigmoid(iou[:, :DIM])
    og = jax.nn.sigmoid(iou[:, DIM:2 * DIM])
    ug = jnp.tanh(iou[:, 2 * DIM:TDIM])
    cc = ig * ug + fc
    hc = og * jnp.tanh(cc)
    return cc, hc


def _scatter_sel(lvl_v, pv_ref, r):
    jcol = jax.lax.broadcasted_iota(jnp.int32, (N, 1), 0)
    return jnp.logical_and(lvl_v == r, pv_ref[...] < jcol)


def _init_body(x_ref, pv_ref, wioux_ref, wfx_ref, wcat_ref,
               acc_ref, xf_ref, ewiou_ref, ewf_ref, ce_ref, h_ref, lvl_ref,
               tot_ref, gt_ref):
    ones_col = jnp.ones((N, 1), jnp.bfloat16)
    jrow = jax.lax.broadcasted_iota(jnp.int32, (N, DIM), 0)
    dnum = (((0,), (0,)), ((), ()))
    for blk in range(N // DIM):
        lane_ids = jax.lax.broadcasted_iota(jnp.int32, (N, DIM), 1) + blk * DIM
        eq = pv_ref[...] == lane_ids
        eqf = eq.astype(jnp.bfloat16)
        gtf = (eq & (jrow > lane_ids)).astype(jnp.bfloat16)
        tot_ref[pl.ds(blk * DIM, DIM), :] = jax.lax.dot_general(
            eqf, ones_col, dnum, preferred_element_type=jnp.float32)
        gt_ref[pl.ds(blk * DIM, DIM), :] = jax.lax.dot_general(
            gtf, ones_col, dnum, preferred_element_type=jnp.float32)
    hard_col = (gt_ref[...] > 0.0).astype(jnp.bfloat16)
    for blk in range(N // DIM):
        lane_ids = jax.lax.broadcasted_iota(jnp.int32, (N, DIM), 1) + blk * DIM
        eq = pv_ref[...] == lane_ids
        gtf = (eq & (jrow > lane_ids)).astype(jnp.bfloat16) * hard_col
        nh = jax.lax.dot_general(
            gtf, ones_col, dnum, preferred_element_type=jnp.float32)
        lvl_ref[pl.ds(blk * DIM, DIM), :] = nh.astype(jnp.int32)
    nhard = lvl_ref[...].astype(jnp.float32)
    is0 = gt_ref[...] == 0.0
    is1 = jnp.logical_and(jnp.logical_not(is0), nhard == 0.0)
    lvl_ref[...] = jnp.where(is0, 0, jnp.where(is1, 1, 2)).astype(jnp.int32)

    dn = (((1,), (1,)), ((), ()))
    acc_ref[...] = jax.lax.dot_general(
        x_ref[...], wioux_ref[...], dn, preferred_element_type=jnp.float32)
    xf_ref[...] = jax.lax.dot_general(
        x_ref[...], wfx_ref[...], dn, preferred_element_type=jnp.float32)

    cc, hc = _gates(acc_ref[...], jnp.float32(0.0))
    is_leaf = tot_ref[...] == 0.0
    xi = x_ref[...]
    cc = jnp.where(is_leaf, jnp.tanh(xi), cc)
    hc = jnp.where(is_leaf, xi, hc)

    lvl_v = lvl_ref[...]
    mask0 = lvl_v == 0
    sm0f = _scatter_sel(lvl_v, pv_ref, 0).astype(jnp.float32)
    h_ref[...] = hc * mask0.astype(jnp.float32)
    hw = jax.lax.dot_general(
        hc * sm0f, wcat_ref[...], dn, preferred_element_type=jnp.float32)
    ewiou_ref[...] = hw[:, :TDIM]
    ewf_ref[...] = hw[:, TDIM:]
    ce_ref[...] = cc * sm0f


def _mm_scatter(pr_ref, ewiou_ref, msgf_ref, acc_in_ref, acc_ref,
                fc_in=True):
    dm = (((1,), (0,)), ((), ()))
    ih = ewiou_ref[...].astype(jnp.bfloat16)
    il = (ewiou_ref[...] - ih.astype(jnp.float32)).astype(jnp.bfloat16)
    fh = msgf_ref[...].astype(jnp.bfloat16)
    fl = (msgf_ref[...] - fh.astype(jnp.float32)).astype(jnp.bfloat16)
    for blk in range(N // DIM):
        pid = jax.lax.broadcasted_iota(jnp.int32, (DIM, N), 0) + blk * DIM
        eqT = (pr_ref[...] == pid).astype(jnp.bfloat16)
        add_iou = (jax.lax.dot_general(
                       eqT, ih, dm, preferred_element_type=jnp.float32)
                   + jax.lax.dot_general(
                       eqT, il, dm, preferred_element_type=jnp.float32))
        add_fc = (jax.lax.dot_general(
                      eqT, fh, dm, preferred_element_type=jnp.float32)
                  + jax.lax.dot_general(
                      eqT, fl, dm, preferred_element_type=jnp.float32))
        acc_ref[pl.ds(blk * DIM, DIM), :TDIM] = (
            acc_in_ref[pl.ds(blk * DIM, DIM), :TDIM] + add_iou)
        if fc_in:
            acc_ref[pl.ds(blk * DIM, DIM), TDIM:] = (
                acc_in_ref[pl.ds(blk * DIM, DIM), TDIM:] + add_fc)
        else:
            acc_ref[pl.ds(blk * DIM, DIM), TDIM:] = add_fc


def _apply_round1_body(lvl_smem, acc_in_ref, ewiou_ref, msgf_ref, lvl_ref,
                       pv_ref, pr_ref, h_in_ref, wcat_ref,
                       acc_ref, ewiou1_ref, ewf1_ref, ce_ref, h_ref,
                       rlist_ref, cnt_ref):
    dn = (((1,), (1,)), ((), ()))

    def build(t, c2):
        idx = N - 1 - t
        rlist_ref[c2] = idx
        return c2 + (lvl_smem[idx] == 2).astype(jnp.int32)

    c2 = jax.lax.fori_loop(0, N, build, jnp.int32(0))
    cnt_ref[0] = c2
    for k in range(1, 8):
        cnt_ref[k] = 0

    _mm_scatter(pr_ref, ewiou_ref, msgf_ref, acc_in_ref, acc_ref,
                fc_in=False)

    cc, hc = _gates(acc_ref[:, :TDIM], acc_ref[:, TDIM:])
    lvl_v = lvl_ref[...]
    mask1 = lvl_v == 1
    sm1 = _scatter_sel(lvl_v, pv_ref, 1).astype(jnp.float32)
    h_ref[...] = jnp.where(mask1, hc, h_in_ref[...])
    hw = jax.lax.dot_general(
        hc * sm1, wcat_ref[...], dn, preferred_element_type=jnp.float32)
    ewiou1_ref[...] = hw[:, :TDIM]
    ewf1_ref[...] = hw[:, TDIM:]
    ce_ref[...] = cc * sm1


def _apply_residue_body(parent_smem, rlist_smem, cnt_smem,
                        acc_in_ref, ewiou_ref, msgf_ref, xf_ref, h_in_ref,
                        pr_ref, wcat_ref, h_ref, acc_ref):
    dn = (((1,), (1,)), ((), ()))
    h_ref[...] = h_in_ref[...]
    _mm_scatter(pr_ref, ewiou_ref, msgf_ref, acc_in_ref, acc_ref)

    def step(t, _):
        idx = rlist_smem[t]
        p = parent_smem[idx]
        row = acc_ref[pl.ds(idx, 1), :]
        cc, hc = _gates(row[:, :TDIM], row[:, TDIM:])
        h_ref[pl.ds(idx, 1), :] = hc

        @pl.when(p < idx)
        def _():
            hw = jax.lax.dot_general(
                hc, wcat_ref[...], dn, preferred_element_type=jnp.float32)
            prow = acc_ref[pl.ds(p, 1), :]
            xfp = xf_ref[pl.ds(p, 1), :]
            fmsg = jax.nn.sigmoid(xfp + hw[:, TDIM:]) * cc
            upd = jnp.concatenate([hw[:, :TDIM], fmsg], axis=1)
            acc_ref[pl.ds(p, 1), :] = prow + upd

        return 0

    jax.lax.fori_loop(0, cnt_smem[0], step, 0)


def _sc_msg_body(xf_hbm, ewf_hbm, ce_hbm, parent_hbm, msgf_hbm,
                 pidx_v, ewf_v, ce_v, xfp_v, sem, sem2, sem3):
    w = lax.axis_index("c") * NSUB + lax.axis_index("s")
    base = w * CPW

    cp_ew = pltpu.async_copy(ewf_hbm.at[pl.ds(base, CPW)], ewf_v, sem2)
    cp_ce = pltpu.async_copy(ce_hbm.at[pl.ds(base, CPW)], ce_v, sem3)
    pltpu.sync_copy(parent_hbm.at[pl.ds(base, CPW)], pidx_v)
    pltpu.async_copy(xf_hbm.at[pidx_v], xfp_v, sem).wait()
    cp_ew.wait()
    cp_ce.wait()

    def edge(j, _):
        for k in range(DIM // LANES):
            hf = ewf_v[j, pl.ds(k * LANES, LANES)]
            xv = xfp_v[j, pl.ds(k * LANES, LANES)]
            sig = 1.0 / (1.0 + jnp.exp(-(xv + hf)))
            ewf_v[j, pl.ds(k * LANES, LANES)] = (
                sig * ce_v[j, pl.ds(k * LANES, LANES)])
        return 0

    lax.fori_loop(0, CPW, edge, 0)
    pltpu.sync_copy(ewf_v, msgf_hbm.at[pl.ds(base, CPW)])


def _sc_msgs(xf, ewf, ce, parent):
    mesh = plsc.VectorSubcoreMesh(core_axis_name="c", subcore_axis_name="s")
    f = functools.partial(
        pl.kernel, mesh=mesh,
        out_type=jax.ShapeDtypeStruct((N, DIM), jnp.float32),
        scratch_types=[
            pltpu.VMEM((CPW,), jnp.int32),
            pltpu.VMEM((CPW, DIM), jnp.float32),
            pltpu.VMEM((CPW, DIM), jnp.float32),
            pltpu.VMEM((CPW, DIM), jnp.float32),
            pltpu.SemaphoreType.DMA,
            pltpu.SemaphoreType.DMA,
            pltpu.SemaphoreType.DMA,
        ],
    )(_sc_msg_body)
    return f(xf, ewf, ce, parent)


def _vm(n=1):
    return [pl.BlockSpec(memory_space=pltpu.VMEM)] * n


def _sm(n=1):
    return [pl.BlockSpec(memory_space=pltpu.SMEM)] * n


def kernel(x, parent, depth, W_ioux, W_iouh, W_fx, W_fh):
    del depth
    parent = parent.astype(jnp.int32)
    pv = parent.reshape(N, 1)
    pr = parent.reshape(1, N)
    w_cat = jnp.concatenate([W_iouh, W_fh], axis=0)

    acc0, xf, ewiou0, ewf0, ce0, h0, lvl = pl.pallas_call(
        _init_body,
        out_shape=(
            jax.ShapeDtypeStruct((N, TDIM), jnp.float32),
            jax.ShapeDtypeStruct((N, DIM), jnp.float32),
            jax.ShapeDtypeStruct((N, TDIM), jnp.float32),
            jax.ShapeDtypeStruct((N, DIM), jnp.float32),
            jax.ShapeDtypeStruct((N, DIM), jnp.float32),
            jax.ShapeDtypeStruct((N, DIM), jnp.float32),
            jax.ShapeDtypeStruct((N, 1), jnp.int32),
        ),
        in_specs=_vm(5),
        out_specs=tuple(_vm(7)),
        scratch_shapes=[
            pltpu.VMEM((N, 1), jnp.float32),
            pltpu.VMEM((N, 1), jnp.float32),
        ],
    )(x, pv, W_ioux, W_fx, w_cat)

    msgf0 = _sc_msgs(xf, ewf0, ce0, parent)

    acc1, ewiou1, ewf1, ce1, h1, rlist, cnts = pl.pallas_call(
        _apply_round1_body,
        out_shape=(
            jax.ShapeDtypeStruct((N, ACCW), jnp.float32),
            jax.ShapeDtypeStruct((N, TDIM), jnp.float32),
            jax.ShapeDtypeStruct((N, DIM), jnp.float32),
            jax.ShapeDtypeStruct((N, DIM), jnp.float32),
            jax.ShapeDtypeStruct((N, DIM), jnp.float32),
            jax.ShapeDtypeStruct((N,), jnp.int32),
            jax.ShapeDtypeStruct((8,), jnp.int32),
        ),
        in_specs=_sm(1) + _vm(8),
        out_specs=tuple(_vm(5)) + tuple(_sm(2)),
    )(lvl.reshape(N), acc0, ewiou0, msgf0, lvl, pv, pr, h0, w_cat)

    msgf1 = _sc_msgs(xf, ewf1, ce1, parent)

    return pl.pallas_call(
        _apply_residue_body,
        out_shape=jax.ShapeDtypeStruct((N, DIM), jnp.float32),
        in_specs=_sm(3) + _vm(7),
        out_specs=pl.BlockSpec(memory_space=pltpu.VMEM),
        scratch_shapes=[pltpu.VMEM((N, ACCW), jnp.float32)],
    )(parent, rlist, cnts, acc1, ewiou1, msgf1, xf, h1, pr, w_cat)

# --- scband reference (transcript-rebuilt; emitter-appended) ---
"""Pipeline reference for scband-child-sum-tree-lstmop-63385127354391 (READ-ONLY COPY).

The authoritative reference and input builder live on the scoring server;
editing this copy changes nothing except your own understanding.
"""

import jax, jax.numpy as jnp
import numpy as np

N = 2048
DIM = 128


def setup_inputs(seed: int = 0):
    key = jax.random.key(seed)
    k1, k2, k3, k4, k5, k6 = jax.random.split(key, 6)
    x = jax.random.normal(k1, (N, DIM), dtype=jnp.float32)
    parent = jax.random.randint(k2, (N,), 0, N, dtype=jnp.int32)
    depth = jnp.arange(N, dtype=jnp.int32)
    scale = 1.0 / np.sqrt(DIM)
    W_ioux = jax.random.normal(k3, (3 * DIM, DIM), dtype=jnp.float32) * scale
    W_iouh = jax.random.normal(k4, (3 * DIM, DIM), dtype=jnp.float32) * scale
    W_fx = jax.random.normal(k5, (DIM, DIM), dtype=jnp.float32) * scale
    W_fh = jax.random.normal(k6, (DIM, DIM), dtype=jnp.float32) * scale
    return {"x": x, "parent": parent, "depth": depth, "W_ioux": W_ioux, "W_iouh": W_iouh, "W_fx": W_fx, "W_fh": W_fh}


def _treelstm(x, parent, depth, W_ioux, W_iouh, W_fx, W_fh):
    n = x.shape[0]
    order = jnp.argsort(-depth, stable=True)
    valid = (parent >= 0) & (parent < n)

    def body(i, carry):
        h, c = carry
        idx = order[i]
        mask = (valid & (parent == idx)).astype(x.dtype)[:, None]
        num_ch = jnp.sum(mask)
        xi = x[idx][None, :]
        h_sum = jnp.sum(mask * h, axis=0, keepdims=True)
        iou = xi @ W_ioux.T + h_sum @ W_iouh.T
        ig, og, ug = jnp.split(iou, 3, axis=-1)
        ig = jax.nn.sigmoid(ig)
        og = jax.nn.sigmoid(og)
        ug = jnp.tanh(ug)
        f = jax.nn.sigmoid(xi @ W_fx.T + h @ W_fh.T)
        cc_int = jnp.sum(mask * (f * c), axis=0, keepdims=True) + ig * ug
        hc_int = og * jnp.tanh(cc_int)
        cc_leaf = jnp.tanh(xi)
        hc_leaf = xi
        is_leaf = num_ch == 0
        cc = jnp.where(is_leaf, cc_leaf, cc_int)
        hc = jnp.where(is_leaf, hc_leaf, hc_int)
        h = h.at[idx].set(hc[0])
        c = c.at[idx].set(cc[0])
        return h, c

    h0 = jnp.zeros_like(x)
    c0 = jnp.zeros_like(x)
    h, c = jax.lax.fori_loop(0, n, body, (h0, c0))
    return h


def reference(x, parent, depth, W_ioux, W_iouh, W_fx, W_fh):
    return _treelstm(x, parent, depth, W_ioux, W_iouh, W_fx, W_fh)

if __name__ == "__main__":
    import jax
    _d = setup_inputs()
    print(jax.jit(kernel)(*tuple(_d.values())))

</pallas_src>

<mosaic_0001>
#map = affine_map<(d0, d1) -> (0, 0)>
#map1 = affine_map<(d0, d1) -> (0)>
module attributes {stable_mosaic.version = 14 : i64} {
  func.func @_sc_msg_body(%arg0: i32, %arg1: i32, %arg2: memref<2048x128xf32, #tpu.memory_space<hbm>>, %arg3: memref<2048x128xf32, #tpu.memory_space<hbm>>, %arg4: memref<2048x128xf32, #tpu.memory_space<hbm>>, %arg5: memref<2048xi32, #tpu.memory_space<hbm>>, %arg6: memref<2048x128xf32, #tpu.memory_space<hbm>>, %arg7: memref<64xi32, #tpu.memory_space<vmem>>, %arg8: memref<64x128xf32, #tpu.memory_space<vmem>>, %arg9: memref<64x128xf32, #tpu.memory_space<vmem>>, %arg10: memref<64x128xf32, #tpu.memory_space<vmem>>, %arg11: memref<!tpu.dma_semaphore, #tpu.memory_space<semaphore_mem>>, %arg12: memref<!tpu.dma_semaphore, #tpu.memory_space<semaphore_mem>>, %arg13: memref<!tpu.dma_semaphore, #tpu.memory_space<semaphore_mem>>) attributes {dimension_semantics = [#tpu.dimension_semantics<core_parallel>, #tpu.dimension_semantics<subcore_parallel>], iteration_bounds = array<i64: 2, 16>, scalar_prefetch = 0 : i64, scratch_operands = 7 : i64, tpu.core_type = #tpu.core_type<sc_vector_subcore>, window_params = [{transform_indices = #map}, {transform_indices = #map}, {transform_indices = #map}, {transform_indices = #map1}, {transform_indices = #map}]} {
    %mul3A = arith.constant 16 : i32
    %mul3A_0 = arith.muli %arg0, %mul3A : i32
    %add3A = arith.addi %mul3A_0, %arg1 : i32
    %mul3A_1 = arith.constant 64 : i32
    %mul3A_2 = arith.muli %add3A, %mul3A_1 : i32
    %dma_start3A = arith.constant 0 : i32
    %dma_start3A_3 = tpu.memref_slice %arg3[%mul3A_2, %dma_start3A] : memref<2048x128xf32, #tpu.memory_space<hbm>> -> memref<64x128xf32, #tpu.memory_space<hbm>>
    %dma_start3A_4 = arith.constant 0 : i32
    %dma_start3A_5 = tpu.memref_slice %arg3[%mul3A_2, %dma_start3A_4] : memref<2048x128xf32, #tpu.memory_space<hbm>> -> memref<64x128xf32, #tpu.memory_space<hbm>>
    tpu.enqueue_dma source(%dma_start3A_5 : memref<64x128xf32, #tpu.memory_space<hbm>>) target(%arg8 : memref<64x128xf32, #tpu.memory_space<vmem>>) target_semaphore(%arg12 : memref<!tpu.dma_semaphore, #tpu.memory_space<semaphore_mem>>)
    %dma_start3A_6 = arith.constant 0 : i32
    %dma_start3A_7 = tpu.memref_slice %arg4[%mul3A_2, %dma_start3A_6] : memref<2048x128xf32, #tpu.memory_space<hbm>> -> memref<64x128xf32, #tpu.memory_space<hbm>>
    %dma_start3A_8 = arith.constant 0 : i32
    %dma_start3A_9 = tpu.memref_slice %arg4[%mul3A_2, %dma_start3A_8] : memref<2048x128xf32, #tpu.memory_space<hbm>> -> memref<64x128xf32, #tpu.memory_space<hbm>>
    tpu.enqueue_dma source(%dma_start3A_9 : memref<64x128xf32, #tpu.memory_space<hbm>>) target(%arg9 : memref<64x128xf32, #tpu.memory_space<vmem>>) target_semaphore(%arg13 : memref<!tpu.dma_semaphore, #tpu.memory_space<semaphore_mem>>)
    "tpu.region"() ({
      %run_scoped3A = tpu.sem_alloc : memref<!tpu.dma_semaphore, #tpu.memory_space<semaphore_mem>>
      %dma_start3A_29 = tpu.memref_slice %arg5[%mul3A_2] : memref<2048xi32, #tpu.memory_space<hbm>> -> memref<64xi32, #tpu.memory_space<hbm>>
      %dma_start3A_30 = tpu.memref_slice %arg5[%mul3A_2] : memref<2048xi32, #tpu.memory_space<hbm>> -> memref<64xi32, #tpu.memory_space<hbm>>
      tpu.enqueue_dma source(%dma_start3A_30 : memref<64xi32, #tpu.memory_space<hbm>>) target(%arg7 : memref<64xi32, #tpu.memory_space<vmem>>) target_semaphore(%run_scoped3A : memref<!tpu.dma_semaphore, #tpu.memory_space<semaphore_mem>>)
      %dma_wait3A_31 = tpu.memref_slice %arg5[%mul3A_2] : memref<2048xi32, #tpu.memory_space<hbm>> -> memref<64xi32, #tpu.memory_space<hbm>>
      %dma_wait3A_32 = tpu.memref_slice %arg5[%mul3A_2] : memref<2048xi32, #tpu.memory_space<hbm>> -> memref<64xi32, #tpu.memory_space<hbm>>
      tpu.wait_dma2 semaphore(%run_scoped3A : memref<!tpu.dma_semaphore, #tpu.memory_space<semaphore_mem>>) src(%dma_wait3A_32 : memref<64xi32, #tpu.memory_space<hbm>>) dst(%arg7 : memref<64xi32, #tpu.memory_space<vmem>>)
      tpu.yield
    }) : () -> ()
    %dma_start3A_10 = arith.constant 0 : i32
    %dma_start3A_11 = arith.constant 0 : i32
    %dma_start3A_12 = tpu.memref_slice %arg2[%dma_start3A_10, %dma_start3A_11] : memref<2048x128xf32, #tpu.memory_space<hbm>> -> memref<2048x128xf32, #tpu.memory_space<hbm>>
    tpu.enqueue_indirect_dma source(%dma_start3A_12 : memref<2048x128xf32, #tpu.memory_space<hbm>>) target(%arg10 : memref<64x128xf32, #tpu.memory_space<vmem>>) offsets(%arg7 : memref<64xi32, #tpu.memory_space<vmem>>) semaphore(%arg11 : memref<!tpu.dma_semaphore, #tpu.memory_space<semaphore_mem>>)
    %dma_wait3A = arith.constant 0 : i32
    %dma_wait3A_13 = arith.constant 0 : i32
    %dma_wait3A_14 = tpu.memref_slice %arg2[%dma_wait3A, %dma_wait3A_13] : memref<2048x128xf32, #tpu.memory_space<hbm>> -> memref<2048x128xf32, #tpu.memory_space<hbm>>
    tpu.wait_indirect_dma semaphore(%arg11 : memref<!tpu.dma_semaphore, #tpu.memory_space<semaphore_mem>>) src(%dma_wait3A_14 : memref<2048x128xf32, #tpu.memory_space<hbm>>) dst(%arg10 : memref<64x128xf32, #tpu.memory_space<vmem>>)
    %dma_wait3A_15 = arith.constant 0 : i32
    %dma_wait3A_16 = tpu.memref_slice %arg3[%mul3A_2, %dma_wait3A_15] : memref<2048x128xf32, #tpu.memory_space<hbm>> -> memref<64x128xf32, #tpu.memory_space<hbm>>
    %dma_wait3A_17 = arith.constant 0 : i32
    %dma_wait3A_18 = tpu.memref_slice %arg3[%mul3A_2, %dma_wait3A_17] : memref<2048x128xf32, #tpu.memory_space<hbm>> -> memref<64x128xf32, #tpu.memory_space<hbm>>
    tpu.wait_dma2 semaphore(%arg12 : memref<!tpu.dma_semaphore, #tpu.memory_space<semaphore_mem>>) src(%dma_wait3A_18 : memref<64x128xf32, #tpu.memory_space<hbm>>) dst(%arg8 : memref<64x128xf32, #tpu.memory_space<vmem>>)
    %dma_wait3A_19 = arith.constant 0 : i32
    %dma_wait3A_20 = tpu.memref_slice %arg4[%mul3A_2, %dma_wait3A_19] : memref<2048x128xf32, #tpu.memory_space<hbm>> -> memref<64x128xf32, #tpu.memory_space<hbm>>
    %dma_wait3A_21 = arith.constant 0 : i32
    %dma_wait3A_22 = tpu.memref_slice %arg4[%mul3A_2, %dma_wait3A_21] : memref<2048x128xf32, #tpu.memory_space<hbm>> -> memref<64x128xf32, #tpu.memory_space<hbm>>
    tpu.wait_dma2 semaphore(%arg13 : memref<!tpu.dma_semaphore, #tpu.memory_space<semaphore_mem>>) src(%dma_wait3A_22 : memref<64x128xf32, #tpu.memory_space<hbm>>) dst(%arg9 : memref<64x128xf32, #tpu.memory_space<vmem>>)
    %scan3A = arith.constant 0 : i32
    %scan3A_23 = arith.constant 0 : i32
    %scan3A_24 = arith.constant 64 : i32
    %scan3A_25 = arith.addi %scan3A_23, %scan3A_24 : i32
    %scan3A_26 = arith.constant 1 : i32
    %scan3A_27 = scf.for %scan3A_29 = %scan3A_23 to %scan3A_25 step %scan3A_26 iter_args(%scan3A_30 = %scan3A) -> (i32)  : i32 {
      %get3A = arith.index_cast %scan3A_29 : i32 to index
      %get3A_31 = arith.constant 0 : index
      %get3A_32 = tpu.vector_load %arg8[%get3A, %get3A_31] {strides = array<i32>} : memref<64x128xf32, #tpu.memory_space<vmem>>, vector<1x16xf32>,
      %get3A_33 = vector.shape_cast %get3A_32 : vector<1x16xf32> to vector<16xf32>
      %get3A_34 = arith.index_cast %scan3A_29 : i32 to index
      %get3A_35 = arith.constant 0 : index
      %get3A_36 = tpu.vector_load %arg10[%get3A_34, %get3A_35] {strides = array<i32>} : memref<64x128xf32, #tpu.memory_space<vmem>>, vector<1x16xf32>,
      %get3A_37 = vector.shape_cast %get3A_36 : vector<1x16xf32> to vector<16xf32>
      %add3A_38 = arith.addf %get3A_37, %get3A_33 : vector<16xf32>
      %neg3A = arith.constant 0.000000e+00 : f32
      %neg3A_39 = vector.broadcast %neg3A : f32 to vector<16xf32>
      %neg3A_40 = arith.subf %neg3A_39, %add3A_38 : vector<16xf32>
      %exp3A = math.exp %neg3A_40 : vector<16xf32>
      %add3A_41 = arith.constant 1.000000e+00 : f32
      %add3A_42 = vector.broadcast %add3A_41 : f32 to vector<16xf32>
      %add3A_43 = arith.addf %add3A_42, %exp3A : vector<16xf32>
      %div3A = arith.constant 1.000000e+00 : f32
      %div3A_44 = vector.broadcast %div3A : f32 to vector<16xf32>
      %div3A_45 = arith.divf %div3A_44, %add3A_43 : vector<16xf32>
      %get3A_46 = arith.index_cast %scan3A_29 : i32 to index
      %get3A_47 = arith.constant 0 : index
      %get3A_48 = tpu.vector_load %arg9[%get3A_46, %get3A_47] {strides = array<i32>} : memref<64x128xf32, #tpu.memory_space<vmem>>, vector<1x16xf32>,
      %get3A_49 = vector.shape_cast %get3A_48 : vector<1x16xf32> to vector<16xf32>
      %mul3A_50 = arith.mulf %div3A_45, %get3A_49 : vector<16xf32>
      %swap3A = arith.index_cast %scan3A_29 : i32 to index
      %swap3A_51 = arith.constant 0 : index
      %swap3A_52 = tpu.vector_load %arg8[%swap3A, %swap3A_51] {strides = array<i32>} : memref<64x128xf32, #tpu.memory_space<vmem>>, vector<1x16xf32>,
      %swap3A_53 = vector.shape_cast %swap3A_52 : vector<1x16xf32> to vector<16xf32>
      %swap3A_54 = vector.shape_cast %mul3A_50 : vector<16xf32> to vector<1x16xf32>
      tpu.vector_store %arg8[%swap3A, %swap3A_51], %swap3A_54 {strides = array<i32>} : memref<64x128xf32, #tpu.memory_space<vmem>>, vector<1x16xf32>,
      %get3A_55 = arith.index_cast %scan3A_29 : i32 to index
      %get3A_56 = arith.constant 16 : index
      %get3A_57 = tpu.vector_load %arg8[%get3A_55, %get3A_56] {strides = array<i32>} : memref<64x128xf32, #tpu.memory_space<vmem>>, vector<1x16xf32>,
      %get3A_58 = vector.shape_cast %get3A_57 : vector<1x16xf32> to vector<16xf32>
      %get3A_59 = arith.index_cast %scan3A_29 : i32 to index
      %get3A_60 = arith.constant 16 : index
      %get3A_61 = tpu.vector_load %arg10[%get3A_59, %get3A_60] {strides = array<i32>} : memref<64x128xf32, #tpu.memory_space<vmem>>, vector<1x16xf32>,
      %get3A_62 = vector.shape_cast %get3A_61 : vector<1x16xf32> to vector<16xf32>
      %add3A_63 = arith.addf %get3A_62, %get3A_58 : vector<16xf32>
      %neg3A_64 = arith.constant 0.000000e+00 : f32
      %neg3A_65 = vector.broadcast %neg3A_64 : f32 to vector<16xf32>
      %neg3A_66 = arith.subf %neg3A_65, %add3A_63 : vector<16xf32>
      %exp3A_67 = math.exp %neg3A_66 : vector<16xf32>
      %add3A_68 = arith.constant 1.000000e+00 : f32
      %add3A_69 = vector.broadcast %add3A_68 : f32 to vector<16xf32>
      %add3A_70 = arith.addf %add3A_69, %exp3A_67 : vector<16xf32>
      %div3A_71 = arith.constant 1.000000e+00 : f32
      %div3A_72 = vector.broadcast %div3A_71 : f32 to vector<16xf32>
      %div3A_73 = arith.divf %div3A_72, %add3A_70 : vector<16xf32>
      %get3A_74 = arith.index_cast %scan3A_29 : i32 to index
      %get3A_75 = arith.constant 16 : index
      %get3A_76 = tpu.vector_load %arg9[%get3A_74, %get3A_75] {strides = array<i32>} : memref<64x128xf32, #tpu.memory_space<vmem>>, vector<1x16xf32>,
      %get3A_77 = vector.shape_cast %get3A_76 : vector<1x16xf32> to vector<16xf32>
      %mul3A_78 = arith.mulf %div3A_73, %get3A_77 : vector<16xf32>
      %swap3A_79 = arith.index_cast %scan3A_29 : i32 to index
      %swap3A_80 = arith.constant 16 : index
      %swap3A_81 = tpu.vector_load %arg8[%swap3A_79, %swap3A_80] {strides = array<i32>} : memref<64x128xf32, #tpu.memory_space<vmem>>, vector<1x16xf32>,
      %swap3A_82 = vector.shape_cast %swap3A_81 : vector<1x16xf32> to vector<16xf32>
      %swap3A_83 = vector.shape_cast %mul3A_78 : vector<16xf32> to vector<1x16xf32>
      tpu.vector_store %arg8[%swap3A_79, %swap3A_80], %swap3A_83 {strides = array<i32>} : memref<64x128xf32, #tpu.memory_space<vmem>>, vector<1x16xf32>,
      %get3A_84 = arith.index_cast %scan3A_29 : i32 to index
      %get3A_85 = arith.constant 32 : index
      %get3A_86 = tpu.vector_load %arg8[%get3A_84, %get3A_85] {strides = array<i32>} : memref<64x128xf32, #tpu.memory_space<vmem>>, vector<1x16xf32>,
      %get3A_87 = vector.shape_cast %get3A_86 : vector<1x16xf32> to vector<16xf32>
      %get3A_88 = arith.index_cast %scan3A_29 : i32 to index
      %get3A_89 = arith.constant 32 : index
      %get3A_90 = tpu.vector_load %arg10[%get3A_88, %get3A_89] {strides = array<i32>} : memref<64x128xf32, #tpu.memory_space<vmem>>, vector<1x16xf32>,
      %get3A_91 = vector.shape_cast %get3A_90 : vector<1x16xf32> to vector<16xf32>
      %add3A_92 = arith.addf %get3A_91, %get3A_87 : vector<16xf32>
      %neg3A_93 = arith.constant 0.000000e+00 : f32
      %neg3A_94 = vector.broadcast %neg3A_93 : f32 to vector<16xf32>
      %neg3A_95 = arith.subf %neg3A_94, %add3A_92 : vector<16xf32>
      %exp3A_96 = math.exp %neg3A_95 : vector<16xf32>
      %add3A_97 = arith.constant 1.000000e+00 : f32
      %add3A_98 = vector.broadcast %add3A_97 : f32 to vector<16xf32>
      %add3A_99 = arith.addf %add3A_98, %exp3A_96 : vector<16xf32>
      %div3A_100 = arith.constant 1.000000e+00 : f32
      %div3A_101 = vector.broadcast %div3A_100 : f32 to vector<16xf32>
      %div3A_102 = arith.divf %div3A_101, %add3A_99 : vector<16xf32>
      %get3A_103 = arith.index_cast %scan3A_29 : i32 to index
      %get3A_104 = arith.constant 32 : index
      %get3A_105 = tpu.vector_load %arg9[%get3A_103, %get3A_104] {strides = array<i32>} : memref<64x128xf32, #tpu.memory_space<vmem>>, vector<1x16xf32>,
      %get3A_106 = vector.shape_cast %get3A_105 : vector<1x16xf32> to vector<16xf32>
      %mul3A_107 = arith.mulf %div3A_102, %get3A_106 : vector<16xf32>
      %swap3A_108 = arith.index_cast %scan3A_29 : i32 to index
      %swap3A_109 = arith.constant 32 : index
      %swap3A_110 = tpu.vector_load %arg8[%swap3A_108, %swap3A_109] {strides = array<i32>} : memref<64x128xf32, #tpu.memory_space<vmem>>, vector<1x16xf32>,
      %swap3A_111 = vector.shape_cast %swap3A_110 : vector<1x16xf32> to vector<16xf32>
      %swap3A_112 = vector.shape_cast %mul3A_107 : vector<16xf32> to vector<1x16xf32>
      tpu.vector_store %arg8[%swap3A_108, %swap3A_109], %swap3A_112 {strides = array<i32>} : memref<64x128xf32, #tpu.memory_space<vmem>>, vector<1x16xf32>,
      %get3A_113 = arith.index_cast %scan3A_29 : i32 to index
      %get3A_114 = arith.constant 48 : index
      %get3A_115 = tpu.vector_load %arg8[%get3A_113, %get3A_114] {strides = array<i32>} : memref<64x128xf32, #tpu.memory_space<vmem>>, vector<1x16xf32>,
      %get3A_116 = vector.shape_cast %get3A_115 : vector<1x16xf32> to vector<16xf32>
      %get3A_117 = arith.index_cast %scan3A_29 : i32 to index
      %get3A_118 = arith.constant 48 : index
      %get3A_119 = tpu.vector_load %arg10[%get3A_117, %get3A_118] {strides = array<i32>} : memref<64x128xf32, #tpu.memory_space<vmem>>, vector<1x16xf32>,
      %get3A_120 = vector.shape_cast %get3A_119 : vector<1x16xf32> to vector<16xf32>
      %add3A_121 = arith.addf %get3A_120, %get3A_116 : vector<16xf32>
      %neg3A_122 = arith.constant 0.000000e+00 : f32
      %neg3A_123 = vector.broadcast %neg3A_122 : f32 to vector<16xf32>
      %neg3A_124 = arith.subf %neg3A_123, %add3A_121 : vector<16xf32>
      %exp3A_125 = math.exp %neg3A_124 : vector<16xf32>
      %add3A_126 = arith.constant 1.000000e+00 : f32
      %add3A_127 = vector.broadcast %add3A_126 : f32 to vector<16xf32>
      %add3A_128 = arith.addf %add3A_127, %exp3A_125 : vector<16xf32>
      %div3A_129 = arith.constant 1.000000e+00 : f32
      %div3A_130 = vector.broadcast %div3A_129 : f32 to vector<16xf32>
      %div3A_131 = arith.divf %div3A_130, %add3A_128 : vector<16xf32>
      %get3A_132 = arith.index_cast %scan3A_29 : i32 to index
      %get3A_133 = arith.constant 48 : index
      %get3A_134 = tpu.vector_load %arg9[%get3A_132, %get3A_133] {strides = array<i32>} : memref<64x128xf32, #tpu.memory_space<vmem>>, vector<1x16xf32>,
      %get3A_135 = vector.shape_cast %get3A_134 : vector<1x16xf32> to vector<16xf32>
      %mul3A_136 = arith.mulf %div3A_131, %get3A_135 : vector<16xf32>
      %swap3A_137 = arith.index_cast %scan3A_29 : i32 to index
      %swap3A_138 = arith.constant 48 : index
      %swap3A_139 = tpu.vector_load %arg8[%swap3A_137, %swap3A_138] {strides = array<i32>} : memref<64x128xf32, #tpu.memory_space<vmem>>, vector<1x16xf32>,
      %swap3A_140 = vector.shape_cast %swap3A_139 : vector<1x16xf32> to vector<16xf32>
      %swap3A_141 = vector.shape_cast %mul3A_136 : vector<16xf32> to vector<1x16xf32>
      tpu.vector_store %arg8[%swap3A_137, %swap3A_138], %swap3A_141 {strides = array<i32>} : memref<64x128xf32, #tpu.memory_space<vmem>>, vector<1x16xf32>,
      %get3A_142 = arith.index_cast %scan3A_29 : i32 to index
      %get3A_143 = arith.constant 64 : index
      %get3A_144 = tpu.vector_load %arg8[%get3A_142, %get3A_143] {strides = array<i32>} : memref<64x128xf32, #tpu.memory_space<vmem>>, vector<1x16xf32>,
      %get3A_145 = vector.shape_cast %get3A_144 : vector<1x16xf32> to vector<16xf32>
      %get3A_146 = arith.index_cast %scan3A_29 : i32 to index
      %get3A_147 = arith.constant 64 : index
      %get3A_148 = tpu.vector_load %arg10[%get3A_146, %get3A_147] {strides = array<i32>} : memref<64x128xf32, #tpu.memory_space<vmem>>, vector<1x16xf32>,
      %get3A_149 = vector.shape_cast %get3A_148 : vector<1x16xf32> to vector<16xf32>
      %add3A_150 = arith.addf %get3A_149, %get3A_145 : vector<16xf32>
      %neg3A_151 = arith.constant 0.000000e+00 : f32
      %neg3A_152 = vector.broadcast %neg3A_151 : f32 to vector<16xf32>
      %neg3A_153 = arith.subf %neg3A_152, %add3A_150 : vector<16xf32>
      %exp3A_154 = math.exp %neg3A_153 : vector<16xf32>
      %add3A_155 = arith.constant 1.000000e+00 : f32
      %add3A_156 = vector.broadcast %add3A_155 : f32 to vector<16xf32>
      %add3A_157 = arith.addf %add3A_156, %exp3A_154 : vector<16xf32>
      %div3A_158 = arith.constant 1.000000e+00 : f32
      %div3A_159 = vector.broadcast %div3A_158 : f32 to vector<16xf32>
      %div3A_160 = arith.divf %div3A_159, %add3A_157 : vector<16xf32>
      %get3A_161 = arith.index_cast %scan3A_29 : i32 to index
      %get3A_162 = arith.constant 64 : index
      %get3A_163 = tpu.vector_load %arg9[%get3A_161, %get3A_162] {strides = array<i32>} : memref<64x128xf32, #tpu.memory_space<vmem>>, vector<1x16xf32>,
      %get3A_164 = vector.shape_cast %get3A_163 : vector<1x16xf32> to vector<16xf32>
      %mul3A_165 = arith.mulf %div3A_160, %get3A_164 : vector<16xf32>
      %swap3A_166 = arith.index_cast %scan3A_29 : i32 to index
      %swap3A_167 = arith.constant 64 : index
      %swap3A_168 = tpu.vector_load %arg8[%swap3A_166, %swap3A_167] {strides = array<i32>} : memref<64x128xf32, #tpu.memory_space<vmem>>, vector<1x16xf32>,
      %swap3A_169 = vector.shape_cast %swap3A_168 : vector<1x16xf32> to vector<16xf32>
      %swap3A_170 = vector.shape_cast %mul3A_165 : vector<16xf32> to vector<1x16xf32>
      tpu.vector_store %arg8[%swap3A_166, %swap3A_167], %swap3A_170 {strides = array<i32>} : memref<64x128xf32, #tpu.memory_space<vmem>>, vector<1x16xf32>,
      %get3A_171 = arith.index_cast %scan3A_29 : i32 to index
      %get3A_172 = arith.constant 80 : index
      %get3A_173 = tpu.vector_load %arg8[%get3A_171, %get3A_172] {strides = array<i32>} : memref<64x128xf32, #tpu.memory_space<vmem>>, vector<1x16xf32>,
      %get3A_174 = vector.shape_cast %get3A_173 : vector<1x16xf32> to vector<16xf32>
      %get3A_175 = arith.index_cast %scan3A_29 : i32 to index
      %get3A_176 = arith.constant 80 : index
      %get3A_177 = tpu.vector_load %arg10[%get3A_175, %get3A_176] {strides = array<i32>} : memref<64x128xf32, #tpu.memory_space<vmem>>, vector<1x16xf32>,
      %get3A_178 = vector.shape_cast %get3A_177 : vector<1x16xf32> to vector<16xf32>
      %add3A_179 = arith.addf %get3A_178, %get3A_174 : vector<16xf32>
      %neg3A_180 = arith.constant 0.000000e+00 : f32
      %neg3A_181 = vector.broadcast %neg3A_180 : f32 to vector<16xf32>
      %neg3A_182 = arith.subf %neg3A_181, %add3A_179 : vector<16xf32>
      %exp3A_183 = math.exp %neg3A_182 : vector<16xf32>
      %add3A_184 = arith.constant 1.000000e+00 : f32
      %add3A_185 = vector.broadcast %add3A_184 : f32 to vector<16xf32>
      %add3A_186 = arith.addf %add3A_185, %exp3A_183 : vector<16xf32>
      %div3A_187 = arith.constant 1.000000e+00 : f32
      %div3A_188 = vector.broadcast %div3A_187 : f32 to vector<16xf32>
      %div3A_189 = arith.divf %div3A_188, %add3A_186 : vector<16xf32>
      %get3A_190 = arith.index_cast %scan3A_29 : i32 to index
      %get3A_191 = arith.constant 80 : index
      %get3A_192 = tpu.vector_load %arg9[%get3A_190, %get3A_191] {strides = array<i32>} : memref<64x128xf32, #tpu.memory_space<vmem>>, vector<1x16xf32>,
      %get3A_193 = vector.shape_cast %get3A_192 : vector<1x16xf32> to vector<16xf32>
      %mul3A_194 = arith.mulf %div3A_189, %get3A_193 : vector<16xf32>
      %swap3A_195 = arith.index_cast %scan3A_29 : i32 to index
      %swap3A_196 = arith.constant 80 : index
      %swap3A_197 = tpu.vector_load %arg8[%swap3A_195, %swap3A_196] {strides = array<i32>} : memref<64x128xf32, #tpu.memory_space<vmem>>, vector<1x16xf32>,
      %swap3A_198 = vector.shape_cast %swap3A_197 : vector<1x16xf32> to vector<16xf32>
      %swap3A_199 = vector.shape_cast %mul3A_194 : vector<16xf32> to vector<1x16xf32>
      tpu.vector_store %arg8[%swap3A_195, %swap3A_196], %swap3A_199 {strides = array<i32>} : memref<64x128xf32, #tpu.memory_space<vmem>>, vector<1x16xf32>,
      %get3A_200 = arith.index_cast %scan3A_29 : i32 to index
      %get3A_201 = arith.constant 96 : index
      %get3A_202 = tpu.vector_load %arg8[%get3A_200, %get3A_201] {strides = array<i32>} : memref<64x128xf32, #tpu.memory_space<vmem>>, vector<1x16xf32>,
      %get3A_203 = vector.shape_cast %get3A_202 : vector<1x16xf32> to vector<16xf32>
      %get3A_204 = arith.index_cast %scan3A_29 : i32 to index
      %get3A_205 = arith.constant 96 : index
      %get3A_206 = tpu.vector_load %arg10[%get3A_204, %get3A_205] {strides = array<i32>} : memref<64x128xf32, #tpu.memory_space<vmem>>, vector<1x16xf32>,
      %get3A_207 = vector.shape_cast %get3A_206 : vector<1x16xf32> to vector<16xf32>
      %add3A_208 = arith.addf %get3A_207, %get3A_203 : vector<16xf32>
      %neg3A_209 = arith.constant 0.000000e+00 : f32
      %neg3A_210 = vector.broadcast %neg3A_209 : f32 to vector<16xf32>
      %neg3A_211 = arith.subf %neg3A_210, %add3A_208 : vector<16xf32>
      %exp3A_212 = math.exp %neg3A_211 : vector<16xf32>
      %add3A_213 = arith.constant 1.000000e+00 : f32
      %add3A_214 = vector.broadcast %add3A_213 : f32 to vector<16xf32>
      %add3A_215 = arith.addf %add3A_214, %exp3A_212 : vector<16xf32>
      %div3A_216 = arith.constant 1.000000e+00 : f32
      %div3A_217 = vector.broadcast %div3A_216 : f32 to vector<16xf32>
      %div3A_218 = arith.divf %div3A_217, %add3A_215 : vector<16xf32>
      %get3A_219 = arith.index_cast %scan3A_29 : i32 to index
      %get3A_220 = arith.constant 96 : index
      %get3A_221 = tpu.vector_load %arg9[%get3A_219, %get3A_220] {strides = array<i32>} : memref<64x128xf32, #tpu.memory_space<vmem>>, vector<1x16xf32>,
      %get3A_222 = vector.shape_cast %get3A_221 : vector<1x16xf32> to vector<16xf32>
      %mul3A_223 = arith.mulf %div3A_218, %get3A_222 : vector<16xf32>
      %swap3A_224 = arith.index_cast %scan3A_29 : i32 to index
      %swap3A_225 = arith.constant 96 : index
      %swap3A_226 = tpu.vector_load %arg8[%swap3A_224, %swap3A_225] {strides = array<i32>} : memref<64x128xf32, #tpu.memory_space<vmem>>, vector<1x16xf32>,
      %swap3A_227 = vector.shape_cast %swap3A_226 : vector<1x16xf32> to vector<16xf32>
      %swap3A_228 = vector.shape_cast %mul3A_223 : vector<16xf32> to vector<1x16xf32>
      tpu.vector_store %arg8[%swap3A_224, %swap3A_225], %swap3A_228 {strides = array<i32>} : memref<64x128xf32, #tpu.memory_space<vmem>>, vector<1x16xf32>,
      %get3A_229 = arith.index_cast %scan3A_29 : i32 to index
      %get3A_230 = arith.constant 112 : index
      %get3A_231 = tpu.vector_load %arg8[%get3A_229, %get3A_230] {strides = array<i32>} : memref<64x128xf32, #tpu.memory_space<vmem>>, vector<1x16xf32>,
      %get3A_232 = vector.shape_cast %get3A_231 : vector<1x16xf32> to vector<16xf32>
      %get3A_233 = arith.index_cast %scan3A_29 : i32 to index
      %get3A_234 = arith.constant 112 : index
      %get3A_235 = tpu.vector_load %arg10[%get3A_233, %get3A_234] {strides = array<i32>} : memref<64x128xf32, #tpu.memory_space<vmem>>, vector<1x16xf32>,
      %get3A_236 = vector.shape_cast %get3A_235 : vector<1x16xf32> to vector<16xf32>
      %add3A_237 = arith.addf %get3A_236, %get3A_232 : vector<16xf32>
      %neg3A_238 = arith.constant 0.000000e+00 : f32
      %neg3A_239 = vector.broadcast %neg3A_238 : f32 to vector<16xf32>
      %neg3A_240 = arith.subf %neg3A_239, %add3A_237 : vector<16xf32>
      %exp3A_241 = math.exp %neg3A_240 : vector<16xf32>
      %add3A_242 = arith.constant 1.000000e+00 : f32
      %add3A_243 = vector.broadcast %add3A_242 : f32 to vector<16xf32>
      %add3A_244 = arith.addf %add3A_243, %exp3A_241 : vector<16xf32>
      %div3A_245 = arith.constant 1.000000e+00 : f32
      %div3A_246 = vector.broadcast %div3A_245 : f32 to vector<16xf32>
      %div3A_247 = arith.divf %div3A_246, %add3A_244 : vector<16xf32>
      %get3A_248 = arith.index_cast %scan3A_29 : i32 to index
      %get3A_249 = arith.constant 112 : index
      %get3A_250 = tpu.vector_load %arg9[%get3A_248, %get3A_249] {strides = array<i32>} : memref<64x128xf32, #tpu.memory_space<vmem>>, vector<1x16xf32>,
      %get3A_251 = vector.shape_cast %get3A_250 : vector<1x16xf32> to vector<16xf32>
      %mul3A_252 = arith.mulf %div3A_247, %get3A_251 : vector<16xf32>
      %swap3A_253 = arith.index_cast %scan3A_29 : i32 to index
      %swap3A_254 = arith.constant 112 : index
      %swap3A_255 = tpu.vector_load %arg8[%swap3A_253, %swap3A_254] {strides = array<i32>} : memref<64x128xf32, #tpu.memory_space<vmem>>, vector<1x16xf32>,
      %swap3A_256 = vector.shape_cast %swap3A_255 : vector<1x16xf32> to vector<16xf32>
      %swap3A_257 = vector.shape_cast %mul3A_252 : vector<16xf32> to vector<1x16xf32>
      tpu.vector_store %arg8[%swap3A_253, %swap3A_254], %swap3A_257 {strides = array<i32>} : memref<64x128xf32, #tpu.memory_space<vmem>>, vector<1x16xf32>,
      %scan3A_258 = arith.constant 0 : i32
      scf.yield %scan3A_258 : i32
    }
    %scan3A_28 = arith.constant 64 : i32
    "tpu.region"() ({
      %run_scoped3A = tpu.sem_alloc : memref<!tpu.dma_semaphore, #tpu.memory_space<semaphore_mem>>
      %dma_start3A_29 = arith.constant 0 : i32
      %dma_start3A_30 = tpu.memref_slice %arg6[%mul3A_2, %dma_start3A_29] : memref<2048x128xf32, #tpu.memory_space<hbm>> -> memref<64x128xf32, #tpu.memory_space<hbm>>
      %dma_start3A_31 = arith.constant 0 : i32
      %dma_start3A_32 = tpu.memref_slice %arg6[%mul3A_2, %dma_start3A_31] : memref<2048x128xf32, #tpu.memory_space<hbm>> -> memref<64x128xf32, #tpu.memory_space<hbm>>
      tpu.enqueue_dma source(%arg8 : memref<64x128xf32, #tpu.memory_space<vmem>>) target(%dma_start3A_32 : memref<64x128xf32, #tpu.memory_space<hbm>>) target_semaphore(%run_scoped3A : memref<!tpu.dma_semaphore, #tpu.memory_space<semaphore_mem>>)
      %dma_wait3A_33 = arith.constant 0 : i32
      %dma_wait3A_34 = tpu.memref_slice %arg6[%mul3A_2, %dma_wait3A_33] : memref<2048x128xf32, #tpu.memory_space<hbm>> -> memref<64x128xf32, #tpu.memory_space<hbm>>
      %dma_wait3A_35 = arith.constant 0 : i32
      %dma_wait3A_36 = tpu.memref_slice %arg6[%mul3A_2, %dma_wait3A_35] : memref<2048x128xf32, #tpu.memory_space<hbm>> -> memref<64x128xf32, #tpu.memory_space<hbm>>
      tpu.wait_dma2 semaphore(%run_scoped3A : memref<!tpu.dma_semaphore, #tpu.memory_space<semaphore_mem>>) src(%arg8 : memref<64x128xf32, #tpu.memory_space<vmem>>) dst(%dma_wait3A_36 : memref<64x128xf32, #tpu.memory_space<hbm>>)
      tpu.yield
    }) : () -> ()
    return
  }
}

#map = affine_map<(d0, d1) -> (0, 0)>
#map1 = affine_map<(d0, d1) -> (0)>
module attributes {stable_mosaic.version = 14 : i64} {
  func.func @_sc_msg_body(%arg0: i32, %arg1: i32, %arg2: memref<2048x128xf32, #tpu.memory_space<hbm>>, %arg3: memref<2048x128xf32, #tpu.memory_space<hbm>>, %arg4: memref<2048x128xf32, #tpu.memory_space<hbm>>, %arg5: memref<2048xi32, #tpu.memory_space<hbm>>, %arg6: memref<2048x128xf32, #tpu.memory_space<hbm>>, %arg7: memref<64xi32, #tpu.memory_space<vmem>>, %arg8: memref<64x128xf32, #tpu.memory_space<vmem>>, %arg9: memref<64x128xf32, #tpu.memory_space<vmem>>, %arg10: memref<64x128xf32, #tpu.memory_space<vmem>>, %arg11: memref<!tpu.dma_semaphore, #tpu.memory_space<semaphore_mem>>, %arg12: memref<!tpu.dma_semaphore, #tpu.memory_space<semaphore_mem>>, %arg13: memref<!tpu.dma_semaphore, #tpu.memory_space<semaphore_mem>>) attributes {dimension_semantics = [#tpu.dimension_semantics<core_parallel>, #tpu.dimension_semantics<subcore_parallel>], iteration_bounds = array<i64: 2, 16>, scalar_prefetch = 0 : i64, scratch_operands = 7 : i64, tpu.core_type = #tpu.core_type<sc_vector_subcore>, window_params = [{transform_indices = #map}, {transform_indices = #map}, {transform_indices = #map}, {transform_indices = #map1}, {transform_indices = #map}]} {
    %mul3A = arith.constant 16 : i32
    %mul3A_0 = arith.muli %arg0, %mul3A : i32
    %add3A = arith.addi %mul3A_0, %arg1 : i32
    %mul3A_1 = arith.constant 64 : i32
    %mul3A_2 = arith.muli %add3A, %mul3A_1 : i32
    %dma_start3A = arith.constant 0 : i32
    %dma_start3A_3 = tpu.memref_slice %arg3[%mul3A_2, %dma_start3A] : memref<2048x128xf32, #tpu.memory_space<hbm>> -> memref<64x128xf32, #tpu.memory_space<hbm>>
    %dma_start3A_4 = arith.constant 0 : i32
    %dma_start3A_5 = tpu.memref_slice %arg3[%mul3A_2, %dma_start3A_4] : memref<2048x128xf32, #tpu.memory_space<hbm>> -> memref<64x128xf32, #tpu.memory_space<hbm>>
    tpu.enqueue_dma source(%dma_start3A_5 : memref<64x128xf32, #tpu.memory_space<hbm>>) target(%arg8 : memref<64x128xf32, #tpu.memory_space<vmem>>) target_semaphore(%arg12 : memref<!tpu.dma_semaphore, #tpu.memory_space<semaphore_mem>>)
    %dma_start3A_6 = arith.constant 0 : i32
    %dma_start3A_7 = tpu.memref_slice %arg4[%mul3A_2, %dma_start3A_6] : memref<2048x128xf32, #tpu.memory_space<hbm>> -> memref<64x128xf32, #tpu.memory_space<hbm>>
    %dma_start3A_8 = arith.constant 0 : i32
    %dma_start3A_9 = tpu.memref_slice %arg4[%mul3A_2, %dma_start3A_8] : memref<2048x128xf32, #tpu.memory_space<hbm>> -> memref<64x128xf32, #tpu.memory_space<hbm>>
    tpu.enqueue_dma source(%dma_start3A_9 : memref<64x128xf32, #tpu.memory_space<hbm>>) target(%arg9 : memref<64x128xf32, #tpu.memory_space<vmem>>) target_semaphore(%arg13 : memref<!tpu.dma_semaphore, #tpu.memory_space<semaphore_mem>>)
    "tpu.region"() ({
      %run_scoped3A = tpu.sem_alloc : memref<!tpu.dma_semaphore, #tpu.memory_space<semaphore_mem>>
      %dma_start3A_29 = tpu.memref_slice %arg5[%mul3A_2] : memref<2048xi32, #tpu.memory_space<hbm>> -> memref<64xi32, #tpu.memory_space<hbm>>
      %dma_start3A_30 = tpu.memref_slice %arg5[%mul3A_2] : memref<2048xi32, #tpu.memory_space<hbm>> -> memref<64xi32, #tpu.memory_space<hbm>>
      tpu.enqueue_dma source(%dma_start3A_30 : memref<64xi32, #tpu.memory_space<hbm>>) target(%arg7 : memref<64xi32, #tpu.memory_space<vmem>>) target_semaphore(%run_scoped3A : memref<!tpu.dma_semaphore, #tpu.memory_space<semaphore_mem>>)
      %dma_wait3A_31 = tpu.memref_slice %arg5[%mul3A_2] : memref<2048xi32, #tpu.memory_space<hbm>> -> memref<64xi32, #tpu.memory_space<hbm>>
      %dma_wait3A_32 = tpu.memref_slice %arg5[%mul3A_2] : memref<2048xi32, #tpu.memory_space<hbm>> -> memref<64xi32, #tpu.memory_space<hbm>>
      tpu.wait_dma2 semaphore(%run_scoped3A : memref<!tpu.dma_semaphore, #tpu.memory_space<semaphore_mem>>) src(%dma_wait3A_32 : memref<64xi32, #tpu.memory_space<hbm>>) dst(%arg7 : memref<64xi32, #tpu.memory_space<vmem>>)
      tpu.yield
    }) : () -> ()
    %dma_start3A_10 = arith.constant 0 : i32
    %dma_start3A_11 = arith.constant 0 : i32
    %dma_start3A_12 = tpu.memref_slice %arg2[%dma_start3A_10, %dma_start3A_11] : memref<2048x128xf32, #tpu.memory_space<hbm>> -> memref<2048x128xf32, #tpu.memory_space<hbm>>
    tpu.enqueue_indirect_dma source(%dma_start3A_12 : memref<2048x128xf32, #tpu.memory_space<hbm>>) target(%arg10 : memref<64x128xf32, #tpu.memory_space<vmem>>) offsets(%arg7 : memref<64xi32, #tpu.memory_space<vmem>>) semaphore(%arg11 : memref<!tpu.dma_semaphore, #tpu.memory_space<semaphore_mem>>)
    %dma_wait3A = arith.constant 0 : i32
    %dma_wait3A_13 = arith.constant 0 : i32
    %dma_wait3A_14 = tpu.memref_slice %arg2[%dma_wait3A, %dma_wait3A_13] : memref<2048x128xf32, #tpu.memory_space<hbm>> -> memref<2048x128xf32, #tpu.memory_space<hbm>>
    tpu.wait_indirect_dma semaphore(%arg11 : memref<!tpu.dma_semaphore, #tpu.memory_space<semaphore_mem>>) src(%dma_wait3A_14 : memref<2048x128xf32, #tpu.memory_space<hbm>>) dst(%arg10 : memref<64x128xf32, #tpu.memory_space<vmem>>)
    %dma_wait3A_15 = arith.constant 0 : i32
    %dma_wait3A_16 = tpu.memref_slice %arg3[%mul3A_2, %dma_wait3A_15] : memref<2048x128xf32, #tpu.memory_space<hbm>> -> memref<64x128xf32, #tpu.memory_space<hbm>>
    %dma_wait3A_17 = arith.constant 0 : i32
    %dma_wait3A_18 = tpu.memref_slice %arg3[%mul3A_2, %dma_wait3A_17] : memref<2048x128xf32, #tpu.memory_space<hbm>> -> memref<64x128xf32, #tpu.memory_space<hbm>>
    tpu.wait_dma2 semaphore(%arg12 : memref<!tpu.dma_semaphore, #tpu.memory_space<semaphore_mem>>) src(%dma_wait3A_18 : memref<64x128xf32, #tpu.memory_space<hbm>>) dst(%arg8 : memref<64x128xf32, #tpu.memory_space<vmem>>)
    %dma_wait3A_19 = arith.constant 0 : i32
    %dma_wait3A_20 = tpu.memref_slice %arg4[%mul3A_2, %dma_wait3A_19] : memref<2048x128xf32, #tpu.memory_space<hbm>> -> memref<64x128xf32, #tpu.memory_space<hbm>>
    %dma_wait3A_21 = arith.constant 0 : i32
    %dma_wait3A_22 = tpu.memref_slice %arg4[%mul3A_2, %dma_wait3A_21] : memref<2048x128xf32, #tpu.memory_space<hbm>> -> memref<64x128xf32, #tpu.memory_space<hbm>>
    tpu.wait_dma2 semaphore(%arg13 : memref<!tpu.dma_semaphore, #tpu.memory_space<semaphore_mem>>) src(%dma_wait3A_22 : memref<64x128xf32, #tpu.memory_space<hbm>>) dst(%arg9 : memref<64x128xf32, #tpu.memory_space<vmem>>)
    %scan3A = arith.constant 0 : i32
    %scan3A_23 = arith.constant 0 : i32
    %scan3A_24 = arith.constant 64 : i32
    %scan3A_25 = arith.addi %scan3A_23, %scan3A_24 : i32
    %scan3A_26 = arith.constant 1 : i32
    %scan3A_27 = scf.for %scan3A_29 = %scan3A_23 to %scan3A_25 step %scan3A_26 iter_args(%scan3A_30 = %scan3A) -> (i32)  : i32 {
      %get3A = arith.index_cast %scan3A_29 : i32 to index
      %get3A_31 = arith.constant 0 : index
      %get3A_32 = tpu.vector_load %arg8[%get3A, %get3A_31] {strides = array<i32>} : memref<64x128xf32, #tpu.memory_space<vmem>>, vector<1x16xf32>,
      %get3A_33 = vector.shape_cast %get3A_32 : vector<1x16xf32> to vector<16xf32>
      %get3A_34 = arith.index_cast %scan3A_29 : i32 to index
      %get3A_35 = arith.constant 0 : index
      %get3A_36 = tpu.vector_load %arg10[%get3A_34, %get3A_35] {strides = array<i32>} : memref<64x128xf32, #tpu.memory_space<vmem>>, vector<1x16xf32>,
      %get3A_37 = vector.shape_cast %get3A_36 : vector<1x16xf32> to vector<16xf32>
      %add3A_38 = arith.addf %get3A_37, %get3A_33 : vector<16xf32>
      %neg3A = arith.constant 0.000000e+00 : f32
      %neg3A_39 = vector.broadcast %neg3A : f32 to vector<16xf32>
      %neg3A_40 = arith.subf %neg3A_39, %add3A_38 : vector<16xf32>
      %exp3A = math.exp %neg3A_40 : vector<16xf32>
      %add3A_41 = arith.constant 1.000000e+00 : f32
      %add3A_42 = vector.broadcast %add3A_41 : f32 to vector<16xf32>
      %add3A_43 = arith.addf %add3A_42, %exp3A : vector<16xf32>
      %div3A = arith.constant 1.000000e+00 : f32
      %div3A_44 = vector.broadcast %div3A : f32 to vector<16xf32>
      %div3A_45 = arith.divf %div3A_44, %add3A_43 : vector<16xf32>
      %get3A_46 = arith.index_cast %scan3A_29 : i32 to index
      %get3A_47 = arith.constant 0 : index
      %get3A_48 = tpu.vector_load %arg9[%get3A_46, %get3A_47] {strides = array<i32>} : memref<64x128xf32, #tpu.memory_space<vmem>>, vector<1x16xf32>,
      %get3A_49 = vector.shape_cast %get3A_48 : vector<1x16xf32> to vector<16xf32>
      %mul3A_50 = arith.mulf %div3A_45, %get3A_49 : vector<16xf32>
      %swap3A = arith.index_cast %scan3A_29 : i32 to index
      %swap3A_51 = arith.constant 0 : index
      %swap3A_52 = tpu.vector_load %arg8[%swap3A, %swap3A_51] {strides = array<i32>} : memref<64x128xf32, #tpu.memory_space<vmem>>, vector<1x16xf32>,
      %swap3A_53 = vector.shape_cast %swap3A_52 : vector<1x16xf32> to vector<16xf32>
      %swap3A_54 = vector.shape_cast %mul3A_50 : vector<16xf32> to vector<1x16xf32>
      tpu.vector_store %arg8[%swap3A, %swap3A_51], %swap3A_54 {strides = array<i32>} : memref<64x128xf32, #tpu.memory_space<vmem>>, vector<1x16xf32>,
      %get3A_55 = arith.index_cast %scan3A_29 : i32 to index
      %get3A_56 = arith.constant 16 : index
      %get3A_57 = tpu.vector_load %arg8[%get3A_55, %get3A_56] {strides = array<i32>} : memref<64x128xf32, #tpu.memory_space<vmem>>, vector<1x16xf32>,
      %get3A_58 = vector.shape_cast %get3A_57 : vector<1x16xf32> to vector<16xf32>
      %get3A_59 = arith.index_cast %scan3A_29 : i32 to index
      %get3A_60 = arith.constant 16 : index
      %get3A_61 = tpu.vector_load %arg10[%get3A_59, %get3A_60] {strides = array<i32>} : memref<64x128xf32, #tpu.memory_space<vmem>>, vector<1x16xf32>,
      %get3A_62 = vector.shape_cast %get3A_61 : vector<1x16xf32> to vector<16xf32>
      %add3A_63 = arith.addf %get3A_62, %get3A_58 : vector<16xf32>
      %neg3A_64 = arith.constant 0.000000e+00 : f32
      %neg3A_65 = vector.broadcast %neg3A_64 : f32 to vector<16xf32>
      %neg3A_66 = arith.subf %neg3A_65, %add3A_63 : vector<16xf32>
      %exp3A_67 = math.exp %neg3A_66 : vector<16xf32>
      %add3A_68 = arith.constant 1.000000e+00 : f32
      %add3A_69 = vector.broadcast %add3A_68 : f32 to vector<16xf32>
      %add3A_70 = arith.addf %add3A_69, %exp3A_67 : vector<16xf32>
      %div3A_71 = arith.constant 1.000000e+00 : f32
      %div3A_72 = vector.broadcast %div3A_71 : f32 to vector<16xf32>
      %div3A_73 = arith.divf %div3A_72, %add3A_70 : vector<16xf32>
      %get3A_74 = arith.index_cast %scan3A_29 : i32 to index
      %get3A_75 = arith.constant 16 : index
      %get3A_76 = tpu.vector_load %arg9[%get3A_74, %get3A_75] {strides = array<i32>} : memref<64x128xf32, #tpu.memory_space<vmem>>, vector<1x16xf32>,
      %get3A_77 = vector.shape_cast %get3A_76 : vector<1x16xf32> to vector<16xf32>
      %mul3A_78 = arith.mulf %div3A_73, %get3A_77 : vector<16xf32>
      %swap3A_79 = arith.index_cast %scan3A_29 : i32 to index
      %swap3A_80 = arith.constant 16 : index
      %swap3A_81 = tpu.vector_load %arg8[%swap3A_79, %swap3A_80] {strides = array<i32>} : memref<64x128xf32, #tpu.memory_space<vmem>>, vector<1x16xf32>,
      %swap3A_82 = vector.shape_cast %swap3A_81 : vector<1x16xf32> to vector<16xf32>
      %swap3A_83 = vector.shape_cast %mul3A_78 : vector<16xf32> to vector<1x16xf32>
      tpu.vector_store %arg8[%swap3A_79, %swap3A_80], %swap3A_83 {strides = array<i32>} : memref<64x128xf32, #tpu.memory_space<vmem>>, vector<1x16xf32>,
      %get3A_84 = arith.index_cast %scan3A_29 : i32 to index
      %get3A_85 = arith.constant 32 : index
      %get3A_86 = tpu.vector_load %arg8[%get3A_84, %get3A_85] {strides = array<i32>} : memref<64x128xf32, #tpu.memory_space<vmem>>, vector<1x16xf32>,
      %get3A_87 = vector.shape_cast %get3A_86 : vector<1x16xf32> to vector<16xf32>
      %get3A_88 = arith.index_cast %scan3A_29 : i32 to index
      %get3A_89 = arith.constant 32 : index
      %get3A_90 = tpu.vector_load %arg10[%get3A_88, %get3A_89] {strides = array<i32>} : memref<64x128xf32, #tpu.memory_space<vmem>>, vector<1x16xf32>,
      %get3A_91 = vector.shape_cast %get3A_90 : vector<1x16xf32> to vector<16xf32>
      %add3A_92 = arith.addf %get3A_91, %get3A_87 : vector<16xf32>
      %neg3A_93 = arith.constant 0.000000e+00 : f32
      %neg3A_94 = vector.broadcast %neg3A_93 : f32 to vector<16xf32>
      %neg3A_95 = arith.subf %neg3A_94, %add3A_92 : vector<16xf32>
      %exp3A_96 = math.exp %neg3A_95 : vector<16xf32>
      %add3A_97 = arith.constant 1.000000e+00 : f32
      %add3A_98 = vector.broadcast %add3A_97 : f32 to vector<16xf32>
      %add3A_99 = arith.addf %add3A_98, %exp3A_96 : vector<16xf32>
      %div3A_100 = arith.constant 1.000000e+00 : f32
      %div3A_101 = vector.broadcast %div3A_100 : f32 to vector<16xf32>
      %div3A_102 = arith.divf %div3A_101, %add3A_99 : vector<16xf32>
      %get3A_103 = arith.index_cast %scan3A_29 : i32 to index
      %get3A_104 = arith.constant 32 : index
      %get3A_105 = tpu.vector_load %arg9[%get3A_103, %get3A_104] {strides = array<i32>} : memref<64x128xf32, #tpu.memory_space<vmem>>, vector<1x16xf32>,
      %get3A_106 = vector.shape_cast %get3A_105 : vector<1x16xf32> to vector<16xf32>
      %mul3A_107 = arith.mulf %div3A_102, %get3A_106 : vector<16xf32>
      %swap3A_108 = arith.index_cast %scan3A_29 : i32 to index
      %swap3A_109 = arith.constant 32 : index
      %swap3A_110 = tpu.vector_load %arg8[%swap3A_108, %swap3A_109] {strides = array<i32>} : memref<64x128xf32, #tpu.memory_space<vmem>>, vector<1x16xf32>,
      %swap3A_111 = vector.shape_cast %swap3A_110 : vector<1x16xf32> to vector<16xf32>
      %swap3A_112 = vector.shape_cast %mul3A_107 : vector<16xf32> to vector<1x16xf32>
      tpu.vector_store %arg8[%swap3A_108, %swap3A_109], %swap3A_112 {strides = array<i32>} : memref<64x128xf32, #tpu.memory_space<vmem>>, vector<1x16xf32>,
      %get3A_113 = arith.index_cast %scan3A_29 : i32 to index
      %get3A_114 = arith.constant 48 : index
      %get3A_115 = tpu.vector_load %arg8[%get3A_113, %get3A_114] {strides = array<i32>} : memref<64x128xf32, #tpu.memory_space<vmem>>, vector<1x16xf32>,
      %get3A_116 = vector.shape_cast %get3A_115 : vector<1x16xf32> to vector<16xf32>
      %get3A_117 = arith.index_cast %scan3A_29 : i32 to index
      %get3A_118 = arith.constant 48 : index
      %get3A_119 = tpu.vector_load %arg10[%get3A_117, %get3A_118] {strides = array<i32>} : memref<64x128xf32, #tpu.memory_space<vmem>>, vector<1x16xf32>,
      %get3A_120 = vector.shape_cast %get3A_119 : vector<1x16xf32> to vector<16xf32>
      %add3A_121 = arith.addf %get3A_120, %get3A_116 : vector<16xf32>
      %neg3A_122 = arith.constant 0.000000e+00 : f32
      %neg3A_123 = vector.broadcast %neg3A_122 : f32 to vector<16xf32>
      %neg3A_124 = arith.subf %neg3A_123, %add3A_121 : vector<16xf32>
      %exp3A_125 = math.exp %neg3A_124 : vector<16xf32>
      %add3A_126 = arith.constant 1.000000e+00 : f32
      %add3A_127 = vector.broadcast %add3A_126 : f32 to vector<16xf32>
      %add3A_128 = arith.addf %add3A_127, %exp3A_125 : vector<16xf32>
      %div3A_129 = arith.constant 1.000000e+00 : f32
      %div3A_130 = vector.broadcast %div3A_129 : f32 to vector<16xf32>
      %div3A_131 = arith.divf %div3A_130, %add3A_128 : vector<16xf32>
      %get3A_132 = arith.index_cast %scan3A_29 : i32 to index
      %get3A_133 = arith.constant 48 : index
      %get3A_134 = tpu.vector_load %arg9[%get3A_132, %get3A_133] {strides = array<i32>} : memref<64x128xf32, #tpu.memory_space<vmem>>, vector<1x16xf32>,
      %get3A_135 = vector.shape_cast %get3A_134 : vector<1x16xf32> to vector<16xf32>
      %mul3A_136 = arith.mulf %div3A_131, %get3A_135 : vector<16xf32>
      %swap3A_137 = arith.index_cast %scan3A_29 : i32 to index
      %swap3A_138 = arith.constant 48 : index
      %swap3A_139 = tpu.vector_load %arg8[%swap3A_137, %swap3A_138] {strides = array<i32>} : memref<64x128xf32, #tpu.memory_space<vmem>>, vector<1x16xf32>,
      %swap3A_140 = vector.shape_cast %swap3A_139 : vector<1x16xf32> to vector<16xf32>
      %swap3A_141 = vector.shape_cast %mul3A_136 : vector<16xf32> to vector<1x16xf32>
      tpu.vector_store %arg8[%swap3A_137, %swap3A_138], %swap3A_141 {strides = array<i32>} : memref<64x128xf32, #tpu.memory_space<vmem>>, vector<1x16xf32>,
      %get3A_142 = arith.index_cast %scan3A_29 : i32 to index
      %get3A_143 = arith.constant 64 : index
      %get3A_144 = tpu.vector_load %arg8[%get3A_142, %get3A_143] {strides = array<i32>} : memref<64x128xf32, #tpu.memory_space<vmem>>, vector<1x16xf32>,
      %get3A_145 = vector.shape_cast %get3A_144 : vector<1x16xf32> to vector<16xf32>
      %get3A_146 = arith.index_cast %scan3A_29 : i32 to index
      %get3A_147 = arith.constant 64 : index
      %get3A_148 = tpu.vector_load %arg10[%get3A_146, %get3A_147] {strides = array<i32>} : memref<64x128xf32, #tpu.memory_space<vmem>>, vector<1x16xf32>,
      %get3A_149 = vector.shape_cast %get3A_148 : vector<1x16xf32> to vector<16xf32>
      %add3A_150 = arith.addf %get3A_149, %get3A_145 : vector<16xf32>
      %neg3A_151 = arith.constant 0.000000e+00 : f32
      %neg3A_152 = vector.broadcast %neg3A_151 : f32 to vector<16xf32>
      %neg3A_153 = arith.subf %neg3A_152, %add3A_150 : vector<16xf32>
      %exp3A_154 = math.exp %neg3A_153 : vector<16xf32>
      %add3A_155 = arith.constant 1.000000e+00 : f32
      %add3A_156 = vector.broadcast %add3A_155 : f32 to vector<16xf32>
      %add3A_157 = arith.addf %add3A_156, %exp3A_154 : vector<16xf32>
      %div3A_158 = arith.constant 1.000000e+00 : f32
      %div3A_159 = vector.broadcast %div3A_158 : f32 to vector<16xf32>
      %div3A_160 = arith.divf %div3A_159, %add3A_157 : vector<16xf32>
      %get3A_161 = arith.index_cast %scan3A_29 : i32 to index
      %get3A_162 = arith.constant 64 : index
      %get3A_163 = tpu.vector_load %arg9[%get3A_161, %get3A_162] {strides = array<i32>} : memref<64x128xf32, #tpu.memory_space<vmem>>, vector<1x16xf32>,
      %get3A_164 = vector.shape_cast %get3A_163 : vector<1x16xf32> to vector<16xf32>
      %mul3A_165 = arith.mulf %div3A_160, %get3A_164 : vector<16xf32>
      %swap3A_166 = arith.index_cast %scan3A_29 : i32 to index
      %swap3A_167 = arith.constant 64 : index
      %swap3A_168 = tpu.vector_load %arg8[%swap3A_166, %swap3A_167] {strides = array<i32>} : memref<64x128xf32, #tpu.memory_space<vmem>>, vector<1x16xf32>,
      %swap3A_169 = vector.shape_cast %swap3A_168 : vector<1x16xf32> to vector<16xf32>
      %swap3A_170 = vector.shape_cast %mul3A_165 : vector<16xf32> to vector<1x16xf32>
      tpu.vector_store %arg8[%swap3A_166, %swap3A_167], %swap3A_170 {strides = array<i32>} : memref<64x128xf32, #tpu.memory_space<vmem>>, vector<1x16xf32>,
      %get3A_171 = arith.index_cast %scan3A_29 : i32 to index
      %get3A_172 = arith.constant 80 : index
      %get3A_173 = tpu.vector_load %arg8[%get3A_171, %get3A_172] {strides = array<i32>} : memref<64x128xf32, #tpu.memory_space<vmem>>, vector<1x16xf32>,
      %get3A_174 = vector.shape_cast %get3A_173 : vector<1x16xf32> to vector<16xf32>
      %get3A_175 = arith.index_cast %scan3A_29 : i32 to index
      %get3A_176 = arith.constant 80 : index
      %get3A_177 = tpu.vector_load %arg10[%get3A_175, %get3A_176] {strides = array<i32>} : memref<64x128xf32, #tpu.memory_space<vmem>>, vector<1x16xf32>,
      %get3A_178 = vector.shape_cast %get3A_177 : vector<1x16xf32> to vector<16xf32>
      %add3A_179 = arith.addf %get3A_178, %get3A_174 : vector<16xf32>
      %neg3A_180 = arith.constant 0.000000e+00 : f32
      %neg3A_181 = vector.broadcast %neg3A_180 : f32 to vector<16xf32>
      %neg3A_182 = arith.subf %neg3A_181, %add3A_179 : vector<16xf32>
      %exp3A_183 = math.exp %neg3A_182 : vector<16xf32>
      %add3A_184 = arith.constant 1.000000e+00 : f32
      %add3A_185 = vector.broadcast %add3A_184 : f32 to vector<16xf32>
      %add3A_186 = arith.addf %add3A_185, %exp3A_183 : vector<16xf32>
      %div3A_187 = arith.constant 1.000000e+00 : f32
      %div3A_188 = vector.broadcast %div3A_187 : f32 to vector<16xf32>
      %div3A_189 = arith.divf %div3A_188, %add3A_186 : vector<16xf32>
      %get3A_190 = arith.index_cast %scan3A_29 : i32 to index
      %get3A_191 = arith.constant 80 : index
      %get3A_192 = tpu.vector_load %arg9[%get3A_190, %get3A_191] {strides = array<i32>} : memref<64x128xf32, #tpu.memory_space<vmem>>, vector<1x16xf32>,
      %get3A_193 = vector.shape_cast %get3A_192 : vector<1x16xf32> to vector<16xf32>
      %mul3A_194 = arith.mulf %div3A_189, %get3A_193 : vector<16xf32>
      %swap3A_195 = arith.index_cast %scan3A_29 : i32 to index
      %swap3A_196 = arith.constant 80 : index
      %swap3A_197 = tpu.vector_load %arg8[%swap3A_195, %swap3A_196] {strides = array<i32>} : memref<64x128xf32, #tpu.memory_space<vmem>>, vector<1x16xf32>,
      %swap3A_198 = vector.shape_cast %swap3A_197 : vector<1x16xf32> to vector<16xf32>
      %swap3A_199 = vector.shape_cast %mul3A_194 : vector<16xf32> to vector<1x16xf32>
      tpu.vector_store %arg8[%swap3A_195, %swap3A_196], %swap3A_199 {strides = array<i32>} : memref<64x128xf32, #tpu.memory_space<vmem>>, vector<1x16xf32>,
      %get3A_200 = arith.index_cast %scan3A_29 : i32 to index
      %get3A_201 = arith.constant 96 : index
      %get3A_202 = tpu.vector_load %arg8[%get3A_200, %get3A_201] {strides = array<i32>} : memref<64x128xf32, #tpu.memory_space<vmem>>, vector<1x16xf32>,
      %get3A_203 = vector.shape_cast %get3A_202 : vector<1x16xf32> to vector<16xf32>
      %get3A_204 = arith.index_cast %scan3A_29 : i32 to index
      %get3A_205 = arith.constant 96 : index
      %get3A_206 = tpu.vector_load %arg10[%get3A_204, %get3A_205] {strides = array<i32>} : memref<64x128xf32, #tpu.memory_space<vmem>>, vector<1x16xf32>,
      %get3A_207 = vector.shape_cast %get3A_206 : vector<1x16xf32> to vector<16xf32>
      %add3A_208 = arith.addf %get3A_207, %get3A_203 : vector<16xf32>
      %neg3A_209 = arith.constant 0.000000e+00 : f32
      %neg3A_210 = vector.broadcast %neg3A_209 : f32 to vector<16xf32>
      %neg3A_211 = arith.subf %neg3A_210, %add3A_208 : vector<16xf32>
      %exp3A_212 = math.exp %neg3A_211 : vector<16xf32>
      %add3A_213 = arith.constant 1.000000e+00 : f32
      %add3A_214 = vector.broadcast %add3A_213 : f32 to vector<16xf32>
      %add3A_215 = arith.addf %add3A_214, %exp3A_212 : vector<16xf32>
      %div3A_216 = arith.constant 1.000000e+00 : f32
      %div3A_217 = vector.broadcast %div3A_216 : f32 to vector<16xf32>
      %div3A_218 = arith.divf %div3A_217, %add3A_215 : vector<16xf32>
      %get3A_219 = arith.index_cast %scan3A_29 : i32 to index
      %get3A_220 = arith.constant 96 : index
      %get3A_221 = tpu.vector_load %arg9[%get3A_219, %get3A_220] {strides = array<i32>} : memref<64x128xf32, #tpu.memory_space<vmem>>, vector<1x16xf32>,
      %get3A_222 = vector.shape_cast %get3A_221 : vector<1x16xf32> to vector<16xf32>
      %mul3A_223 = arith.mulf %div3A_218, %get3A_222 : vector<16xf32>
      %swap3A_224 = arith.index_cast %scan3A_29 : i32 to index
      %swap3A_225 = arith.constant 96 : index
      %swap3A_226 = tpu.vector_load %arg8[%swap3A_224, %swap3A_225] {strides = array<i32>} : memref<64x128xf32, #tpu.memory_space<vmem>>, vector<1x16xf32>,
      %swap3A_227 = vector.shape_cast %swap3A_226 : vector<1x16xf32> to vector<16xf32>
      %swap3A_228 = vector.shape_cast %mul3A_223 : vector<16xf32> to vector<1x16xf32>
      tpu.vector_store %arg8[%swap3A_224, %swap3A_225], %swap3A_228 {strides = array<i32>} : memref<64x128xf32, #tpu.memory_space<vmem>>, vector<1x16xf32>,
      %get3A_229 = arith.index_cast %scan3A_29 : i32 to index
      %get3A_230 = arith.constant 112 : index
      %get3A_231 = tpu.vector_load %arg8[%get3A_229, %get3A_230] {strides = array<i32>} : memref<64x128xf32, #tpu.memory_space<vmem>>, vector<1x16xf32>,
      %get3A_232 = vector.shape_cast %get3A_231 : vector<1x16xf32> to vector<16xf32>
      %get3A_233 = arith.index_cast %scan3A_29 : i32 to index
      %get3A_234 = arith.constant 112 : index
      %get3A_235 = tpu.vector_load %arg10[%get3A_233, %get3A_234] {strides = array<i32>} : memref<64x128xf32, #tpu.memory_space<vmem>>, vector<1x16xf32>,
      %get3A_236 = vector.shape_cast %get3A_235 : vector<1x16xf32> to vector<16xf32>
      %add3A_237 = arith.addf %get3A_236, %get3A_232 : vector<16xf32>
      %neg3A_238 = arith.constant 0.000000e+00 : f32
      %neg3A_239 = vector.broadcast %neg3A_238 : f32 to vector<16xf32>
      %neg3A_240 = arith.subf %neg3A_239, %add3A_237 : vector<16xf32>
      %exp3A_241 = math.exp %neg3A_240 : vector<16xf32>
      %add3A_242 = arith.constant 1.000000e+00 : f32
      %add3A_243 = vector.broadcast %add3A_242 : f32 to vector<16xf32>
      %add3A_244 = arith.addf %add3A_243, %exp3A_241 : vector<16xf32>
      %div3A_245 = arith.constant 1.000000e+00 : f32
      %div3A_246 = vector.broadcast %div3A_245 : f32 to vector<16xf32>
      %div3A_247 = arith.divf %div3A_246, %add3A_244 : vector<16xf32>
      %get3A_248 = arith.index_cast %scan3A_29 : i32 to index
      %get3A_249 = arith.constant 112 : index
      %get3A_250 = tpu.vector_load %arg9[%get3A_248, %get3A_249] {strides = array<i32>} : memref<64x128xf32, #tpu.memory_space<vmem>>, vector<1x16xf32>,
      %get3A_251 = vector.shape_cast %get3A_250 : vector<1x16xf32> to vector<16xf32>
      %mul3A_252 = arith.mulf %div3A_247, %get3A_251 : vector<16xf32>
      %swap3A_253 = arith.index_cast %scan3A_29 : i32 to index
      %swap3A_254 = arith.constant 112 : index
      %swap3A_255 = tpu.vector_load %arg8[%swap3A_253, %swap3A_254] {strides = array<i32>} : memref<64x128xf32, #tpu.memory_space<vmem>>, vector<1x16xf32>,
      %swap3A_256 = vector.shape_cast %swap3A_255 : vector<1x16xf32> to vector<16xf32>
      %swap3A_257 = vector.shape_cast %mul3A_252 : vector<16xf32> to vector<1x16xf32>
      tpu.vector_store %arg8[%swap3A_253, %swap3A_254], %swap3A_257 {strides = array<i32>} : memref<64x128xf32, #tpu.memory_space<vmem>>, vector<1x16xf32>,
      %scan3A_258 = arith.constant 0 : i32
      scf.yield %scan3A_258 : i32
    }
    %scan3A_28 = arith.constant 64 : i32
    "tpu.region"() ({
      %run_scoped3A = tpu.sem_alloc : memref<!tpu.dma_semaphore, #tpu.memory_space<semaphore_mem>>
      %dma_start3A_29 = arith.constant 0 : i32
      %dma_start3A_30 = tpu.memref_slice %arg6[%mul3A_2, %dma_start3A_29] : memref<2048x128xf32, #tpu.memory_space<hbm>> -> memref<64x128xf32, #tpu.memory_space<hbm>>
      %dma_start3A_31 = arith.constant 0 : i32
      %dma_start3A_32 = tpu.memref_slice %arg6[%mul3A_2, %dma_start3A_31] : memref<2048x128xf32, #tpu.memory_space<hbm>> -> memref<64x128xf32, #tpu.memory_space<hbm>>
      tpu.enqueue_dma source(%arg8 : memref<64x128xf32, #tpu.memory_space<vmem>>) target(%dma_start3A_32 : memref<64x128xf32, #tpu.memory_space<hbm>>) target_semaphore(%run_scoped3A : memref<!tpu.dma_semaphore, #tpu.memory_space<semaphore_mem>>)
      %dma_wait3A_33 = arith.constant 0 : i32
      %dma_wait3A_34 = tpu.memref_slice %arg6[%mul3A_2, %dma_wait3A_33] : memref<2048x128xf32, #tpu.memory_space<hbm>> -> memref<64x128xf32, #tpu.memory_space<hbm>>
      %dma_wait3A_35 = arith.constant 0 : i32
      %dma_wait3A_36 = tpu.memref_slice %arg6[%mul3A_2, %dma_wait3A_35] : memref<2048x128xf32, #tpu.memory_space<hbm>> -> memref<64x128xf32, #tpu.memory_space<hbm>>
      tpu.wait_dma2 semaphore(%run_scoped3A : memref<!tpu.dma_semaphore, #tpu.memory_space<semaphore_mem>>) src(%arg8 : memref<64x128xf32, #tpu.memory_space<vmem>>) dst(%dma_wait3A_36 : memref<64x128xf32, #tpu.memory_space<hbm>>)
      tpu.yield
    }) : () -> ()
    return
  }
}

module attributes {stable_mosaic.version = 14 : i64} {
  func.func @_init_body(%arg0: memref<2048x128xf32, #tpu.memory_space<vmem>>, %arg1: memref<2048x1xi32, #tpu.memory_space<vmem>>, %arg2: memref<384x128xf32, #tpu.memory_space<vmem>>, %arg3: memref<128x128xf32, #tpu.memory_space<vmem>>, %arg4: memref<512x128xf32, #tpu.memory_space<vmem>>, %arg5: memref<2048x384xf32, #tpu.memory_space<vmem>>, %arg6: memref<2048x128xf32, #tpu.memory_space<vmem>>, %arg7: memref<2048x384xf32, #tpu.memory_space<vmem>>, %arg8: memref<2048x128xf32, #tpu.memory_space<vmem>>, %arg9: memref<2048x128xf32, #tpu.memory_space<vmem>>, %arg10: memref<2048x128xf32, #tpu.memory_space<vmem>>, %arg11: memref<2048x1xi32, #tpu.memory_space<vmem>>, %arg12: memref<2048x1xf32, #tpu.memory_space<vmem>>, %arg13: memref<2048x1xf32, #tpu.memory_space<vmem>>) attributes {dimension_semantics = [], scalar_prefetch = 0 : i64, scratch_operands = 2 : i64, tpu.core_type = #tpu.core_type<tc>} {
    %broadcast_in_dim3A = arith.constant 1.000000e+00 : bf16
    %broadcast_in_dim3A_0 = vector.broadcast %broadcast_in_dim3A : bf16 to vector<2048x1xbf16>
    %iota3A = tpu.iota {dimensions = array<i32: 0>} : vector<2048x128xi32>
    %iota3A_1 = tpu.iota {dimensions = array<i32: 1>} : vector<2048x128xi32>
    %add3A = arith.constant 0 : i32
    %add3A_2 = vector.broadcast %add3A : i32 to vector<2048x128xi32>
    %add3A_3 = arith.addi %iota3A_1, %add3A_2 : vector<2048x128xi32>
    %get3A = arith.constant 0 : index
    %get3A_4 = arith.constant 0 : index
    %get3A_5 = vector.load %arg1[%get3A, %get3A_4] : memref<2048x1xi32, #tpu.memory_space<vmem>>, vector<2048x1xi32>
    %eq3A = vector.broadcast %get3A_5 : vector<2048x1xi32> to vector<2048x128xi32>
    %eq3A_6 = arith.cmpi eq, %eq3A, %add3A_3 : vector<2048x128xi32>
    %convert_element_type3A = arith.extui %eq3A_6 : vector<2048x128xi1> to vector<2048x128xi32>
    %convert_element_type3A_7 = arith.sitofp %convert_element_type3A : vector<2048x128xi32> to vector<2048x128xf32>
    %convert_element_type3A_8 = arith.truncf %convert_element_type3A_7 : vector<2048x128xf32> to vector<2048x128xbf16>
    %gt3A = arith.cmpi sgt, %iota3A, %add3A_3 : vector<2048x128xi32>
    %and3A = arith.andi %eq3A_6, %gt3A : vector<2048x128xi1>
    %convert_element_type3A_9 = arith.extui %and3A : vector<2048x128xi1> to vector<2048x128xi32>
    %convert_element_type3A_10 = arith.sitofp %convert_element_type3A_9 : vector<2048x128xi32> to vector<2048x128xf32>
    %convert_element_type3A_11 = arith.truncf %convert_element_type3A_10 : vector<2048x128xf32> to vector<2048x128xbf16>
    %dot_general3A = arith.constant dense<0.000000e+00> : vector<128x1xf32>
    %dot_general3A_12 = tpu.matmul %convert_element_type3A_8, %broadcast_in_dim3A_0, %dot_general3A {dimension_numbers = #tpu.dot_dimension_numbers<[0], [0], [1], [1], [0, 1, 1, 1], [], []>, transpose_lhs_hint = false} : vector<2048x128xbf16>, vector<2048x1xbf16>, vector<128x1xf32> -> vector<128x1xf32>
    %swap3A = arith.constant 0 : index
    %swap3A_13 = arith.constant 0 : index
    %swap3A_14 = vector.load %arg12[%swap3A, %swap3A_13] : memref<2048x1xf32, #tpu.memory_space<vmem>>, vector<128x1xf32>
    tpu.vector_store %arg12[%swap3A, %swap3A_13], %dot_general3A_12 {strides = array<i32>} : memref<2048x1xf32, #tpu.memory_space<vmem>>, vector<128x1xf32>,
    %dot_general3A_15 = arith.constant dense<0.000000e+00> : vector<128x1xf32>
    %dot_general3A_16 = tpu.matmul %convert_element_type3A_11, %broadcast_in_dim3A_0, %dot_general3A_15 {dimension_numbers = #tpu.dot_dimension_numbers<[0], [0], [1], [1], [0, 1, 1, 1], [], []>, transpose_lhs_hint = false} : vector<2048x128xbf16>, vector<2048x1xbf16>, vector<128x1xf32> -> vector<128x1xf32>
    %swap3A_17 = arith.constant 0 : index
    %swap3A_18 = arith.constant 0 : index
    %swap3A_19 = vector.load %arg13[%swap3A_17, %swap3A_18] : memref<2048x1xf32, #tpu.memory_space<vmem>>, vector<128x1xf32>
    tpu.vector_store %arg13[%swap3A_17, %swap3A_18], %dot_general3A_16 {strides = array<i32>} : memref<2048x1xf32, #tpu.memory_space<vmem>>, vector<128x1xf32>,
    %iota3A_20 = tpu.iota {dimensions = array<i32: 1>} : vector<2048x128xi32>
    %add3A_21 = arith.constant 128 : i32
    %add3A_22 = vector.broadcast %add3A_21 : i32 to vector<2048x128xi32>
    %add3A_23 = arith.addi %iota3A_20, %add3A_22 : vector<2048x128xi32>
    %get3A_24 = arith.constant 0 : index
    %get3A_25 = arith.constant 0 : index
    %get3A_26 = vector.load %arg1[%get3A_24, %get3A_25] : memref<2048x1xi32, #tpu.memory_space<vmem>>, vector<2048x1xi32>
    %eq3A_27 = vector.broadcast %get3A_26 : vector<2048x1xi32> to vector<2048x128xi32>
    %eq3A_28 = arith.cmpi eq, %eq3A_27, %add3A_23 : vector<2048x128xi32>
    %convert_element_type3A_29 = arith.extui %eq3A_28 : vector<2048x128xi1> to vector<2048x128xi32>
    %convert_element_type3A_30 = arith.sitofp %convert_element_type3A_29 : vector<2048x128xi32> to vector<2048x128xf32>
    %convert_element_type3A_31 = arith.truncf %convert_element_type3A_30 : vector<2048x128xf32> to vector<2048x128xbf16>
    %gt3A_32 = arith.cmpi sgt, %iota3A, %add3A_23 : vector<2048x128xi32>
    %and3A_33 = arith.andi %eq3A_28, %gt3A_32 : vector<2048x128xi1>
    %convert_element_type3A_34 = arith.extui %and3A_33 : vector<2048x128xi1> to vector<2048x128xi32>
    %convert_element_type3A_35 = arith.sitofp %convert_element_type3A_34 : vector<2048x128xi32> to vector<2048x128xf32>
    %convert_element_type3A_36 = arith.truncf %convert_element_type3A_35 : vector<2048x128xf32> to vector<2048x128xbf16>
    %dot_general3A_37 = arith.constant dense<0.000000e+00> : vector<128x1xf32>
    %dot_general3A_38 = tpu.matmul %convert_element_type3A_31, %broadcast_in_dim3A_0, %dot_general3A_37 {dimension_numbers = #tpu.dot_dimension_numbers<[0], [0], [1], [1], [0, 1, 1, 1], [], []>, transpose_lhs_hint = false} : vector<2048x128xbf16>, vector<2048x1xbf16>, vector<128x1xf32> -> vector<128x1xf32>
    %swap3A_39 = arith.constant 128 : index
    %swap3A_40 = arith.constant 0 : index
    %swap3A_41 = vector.load %arg12[%swap3A_39, %swap3A_40] : memref<2048x1xf32, #tpu.memory_space<vmem>>, vector<128x1xf32>
    tpu.vector_store %arg12[%swap3A_39, %swap3A_40], %dot_general3A_38 {strides = array<i32>} : memref<2048x1xf32, #tpu.memory_space<vmem>>, vector<128x1xf32>,
    %dot_general3A_42 = arith.constant dense<0.000000e+00> : vector<128x1xf32>
    %dot_general3A_43 = tpu.matmul %convert_element_type3A_36, %broadcast_in_dim3A_0, %dot_general3A_42 {dimension_numbers = #tpu.dot_dimension_numbers<[0], [0], [1], [1], [0, 1, 1, 1], [], []>, transpose_lhs_hint = false} : vector<2048x128xbf16>, vector<2048x1xbf16>, vector<128x1xf32> -> vector<128x1xf32>
    %swap3A_44 = arith.constant 128 : index
    %swap3A_45 = arith.constant 0 : index
    %swap3A_46 = vector.load %arg13[%swap3A_44, %swap3A_45] : memref<2048x1xf32, #tpu.memory_space<vmem>>, vector<128x1xf32>
    tpu.vector_store %arg13[%swap3A_44, %swap3A_45], %dot_general3A_43 {strides = array<i32>} : memref<2048x1xf32, #tpu.memory_space<vmem>>, vector<128x1xf32>,
    %iota3A_47 = tpu.iota {dimensions = array<i32: 1>} : vector<2048x128xi32>
    %add3A_48 = arith.constant 256 : i32
    %add3A_49 = vector.broadcast %add3A_48 : i32 to vector<2048x128xi32>
    %add3A_50 = arith.addi %iota3A_47, %add3A_49 : vector<2048x128xi32>
    %get3A_51 = arith.constant 0 : index
    %get3A_52 = arith.constant 0 : index
    %get3A_53 = vector.load %arg1[%get3A_51, %get3A_52] : memref<2048x1xi32, #tpu.memory_space<vmem>>, vector<2048x1xi32>
    %eq3A_54 = vector.broadcast %get3A_53 : vector<2048x1xi32> to vector<2048x128xi32>
    %eq3A_55 = arith.cmpi eq, %eq3A_54, %add3A_50 : vector<2048x128xi32>
    %convert_element_type3A_56 = arith.extui %eq3A_55 : vector<2048x128xi1> to vector<2048x128xi32>
    %convert_element_type3A_57 = arith.sitofp %convert_element_type3A_56 : vector<2048x128xi32> to vector<2048x128xf32>
    %convert_element_type3A_58 = arith.truncf %convert_element_type3A_57 : vector<2048x128xf32> to vector<2048x128xbf16>
    %gt3A_59 = arith.cmpi sgt, %iota3A, %add3A_50 : vector<2048x128xi32>
    %and3A_60 = arith.andi %eq3A_55, %gt3A_59 : vector<2048x128xi1>
    %convert_element_type3A_61 = arith.extui %and3A_60 : vector<2048x128xi1> to vector<2048x128xi32>
    %convert_element_type3A_62 = arith.sitofp %convert_element_type3A_61 : vector<2048x128xi32> to vector<2048x128xf32>
    %convert_element_type3A_63 = arith.truncf %convert_element_type3A_62 : vector<2048x128xf32> to vector<2048x128xbf16>
    %dot_general3A_64 = arith.constant dense<0.000000e+00> : vector<128x1xf32>
    %dot_general3A_65 = tpu.matmul %convert_element_type3A_58, %broadcast_in_dim3A_0, %dot_general3A_64 {dimension_numbers = #tpu.dot_dimension_numbers<[0], [0], [1], [1], [0, 1, 1, 1], [], []>, transpose_lhs_hint = false} : vector<2048x128xbf16>, vector<2048x1xbf16>, vector<128x1xf32> -> vector<128x1xf32>
    %swap3A_66 = arith.constant 256 : index
    %swap3A_67 = arith.constant 0 : index
    %swap3A_68 = vector.load %arg12[%swap3A_66, %swap3A_67] : memref<2048x1xf32, #tpu.memory_space<vmem>>, vector<128x1xf32>
    tpu.vector_store %arg12[%swap3A_66, %swap3A_67], %dot_general3A_65 {strides = array<i32>} : memref<2048x1xf32, #tpu.memory_space<vmem>>, vector<128x1xf32>,
    %dot_general3A_69 = arith.constant dense<0.000000e+00> : vector<128x1xf32>
    %dot_general3A_70 = tpu.matmul %convert_element_type3A_63, %broadcast_in_dim3A_0, %dot_general3A_69 {dimension_numbers = #tpu.dot_dimension_numbers<[0], [0], [1], [1], [0, 1, 1, 1], [], []>, transpose_lhs_hint = false} : vector<2048x128xbf16>, vector<2048x1xbf16>, vector<128x1xf32> -> vector<128x1xf32>
    %swap3A_71 = arith.constant 256 : index
    %swap3A_72 = arith.constant 0 : index
    %swap3A_73 = vector.load %arg13[%swap3A_71, %swap3A_72] : memref<2048x1xf32, #tpu.memory_space<vmem>>, vector<128x1xf32>
    tpu.vector_store %arg13[%swap3A_71, %swap3A_72], %dot_general3A_70 {strides = array<i32>} : memref<2048x1xf32, #tpu.memory_space<vmem>>, vector<128x1xf32>,
    %iota3A_74 = tpu.iota {dimensions = array<i32: 1>} : vector<2048x128xi32>
    %add3A_75 = arith.constant 384 : i32
    %add3A_76 = vector.broadcast %add3A_75 : i32 to vector<2048x128xi32>
    %add3A_77 = arith.addi %iota3A_74, %add3A_76 : vector<2048x128xi32>
    %get3A_78 = arith.constant 0 : index
    %get3A_79 = arith.constant 0 : index
    %get3A_80 = vector.load %arg1[%get3A_78, %get3A_79] : memref<2048x1xi32, #tpu.memory_space<vmem>>, vector<2048x1xi32>
    %eq3A_81 = vector.broadcast %get3A_80 : vector<2048x1xi32> to vector<2048x128xi32>
    %eq3A_82 = arith.cmpi eq, %eq3A_81, %add3A_77 : vector<2048x128xi32>
    %convert_element_type3A_83 = arith.extui %eq3A_82 : vector<2048x128xi1> to vector<2048x128xi32>
    %convert_element_type3A_84 = arith.sitofp %convert_element_type3A_83 : vector<2048x128xi32> to vector<2048x128xf32>
    %convert_element_type3A_85 = arith.truncf %convert_element_type3A_84 : vector<2048x128xf32> to vector<2048x128xbf16>
    %gt3A_86 = arith.cmpi sgt, %iota3A, %add3A_77 : vector<2048x128xi32>
    %and3A_87 = arith.andi %eq3A_82, %gt3A_86 : vector<2048x128xi1>
    %convert_element_type3A_88 = arith.extui %and3A_87 : vector<2048x128xi1> to vector<2048x128xi32>
    %convert_element_type3A_89 = arith.sitofp %convert_element_type3A_88 : vector<2048x128xi32> to vector<2048x128xf32>
    %convert_element_type3A_90 = arith.truncf %convert_element_type3A_89 : vector<2048x128xf32> to vector<2048x128xbf16>
    %dot_general3A_91 = arith.constant dense<0.000000e+00> : vector<128x1xf32>
    %dot_general3A_92 = tpu.matmul %convert_element_type3A_85, %broadcast_in_dim3A_0, %dot_general3A_91 {dimension_numbers = #tpu.dot_dimension_numbers<[0], [0], [1], [1], [0, 1, 1, 1], [], []>, transpose_lhs_hint = false} : vector<2048x128xbf16>, vector<2048x1xbf16>, vector<128x1xf32> -> vector<128x1xf32>
    %swap3A_93 = arith.constant 384 : index
    %swap3A_94 = arith.constant 0 : index
    %swap3A_95 = vector.load %arg12[%swap3A_93, %swap3A_94] : memref<2048x1xf32, #tpu.memory_space<vmem>>, vector<128x1xf32>
    tpu.vector_store %arg12[%swap3A_93, %swap3A_94], %dot_general3A_92 {strides = array<i32>} : memref<2048x1xf32, #tpu.memory_space<vmem>>, vector<128x1xf32>,
    %dot_general3A_96 = arith.constant dense<0.000000e+00> : vector<128x1xf32>
    %dot_general3A_97 = tpu.matmul %convert_element_type3A_90, %broadcast_in_dim3A_0, %dot_general3A_96 {dimension_numbers = #tpu.dot_dimension_numbers<[0], [0], [1], [1], [0, 1, 1, 1], [], []>, transpose_lhs_hint = false} : vector<2048x128xbf16>, vector<2048x1xbf16>, vector<128x1xf32> -> vector<128x1xf32>
    %swap3A_98 = arith.constant 384 : index
    %swap3A_99 = arith.constant 0 : index
    %swap3A_100 = vector.load %arg13[%swap3A_98, %swap3A_99] : memref<2048x1xf32, #tpu.memory_space<vmem>>, vector<128x1xf32>
    tpu.vector_store %arg13[%swap3A_98, %swap3A_99], %dot_general3A_97 {strides = array<i32>} : memref<2048x1xf32, #tpu.memory_space<vmem>>, vector<128x1xf32>,
    %iota3A_101 = tpu.iota {dimensions = array<i32: 1>} : vector<2048x128xi32>
    %add3A_102 = arith.constant 512 : i32
    %add3A_103 = vector.broadcast %add3A_102 : i32 to vector<2048x128xi32>
    %add3A_104 = arith.addi %iota3A_101, %add3A_103 : vector<2048x128xi32>
    %get3A_105 = arith.constant 0 : index
    %get3A_106 = arith.constant 0 : index
    %get3A_107 = vector.load %arg1[%get3A_105, %get3A_106] : memref<2048x1xi32, #tpu.memory_space<vmem>>, vector<2048x1xi32>
    %eq3A_108 = vector.broadcast %get3A_107 : vector<2048x1xi32> to vector<2048x128xi32>
    %eq3A_109 = arith.cmpi eq, %eq3A_108, %add3A_104 : vector<2048x128xi32>
    %convert_element_type3A_110 = arith.extui %eq3A_109 : vector<2048x128xi1> to vector<2048x128xi32>
    %convert_element_type3A_111 = arith.sitofp %convert_element_type3A_110 : vector<2048x128xi32> to vector<2048x128xf32>
    %convert_element_type3A_112 = arith.truncf %convert_element_type3A_111 : vector<2048x128xf32> to vector<2048x128xbf16>
    %gt3A_113 = arith.cmpi sgt, %iota3A, %add3A_104 : vector<2048x128xi32>
    %and3A_114 = arith.andi %eq3A_109, %gt3A_113 : vector<2048x128xi1>
    %convert_element_type3A_115 = arith.extui %and3A_114 : vector<2048x128xi1> to vector<2048x128xi32>
    %convert_element_type3A_116 = arith.sitofp %convert_element_type3A_115 : vector<2048x128xi32> to vector<2048x128xf32>
    %convert_element_type3A_117 = arith.truncf %convert_element_type3A_116 : vector<2048x128xf32> to vector<2048x128xbf16>
    %dot_general3A_118 = arith.constant dense<0.000000e+00> : vector<128x1xf32>
    %dot_general3A_119 = tpu.matmul %convert_element_type3A_112, %broadcast_in_dim3A_0, %dot_general3A_118 {dimension_numbers = #tpu.dot_dimension_numbers<[0], [0], [1], [1], [0, 1, 1, 1], [], []>, transpose_lhs_hint = false} : vector<2048x128xbf16>, vector<2048x1xbf16>, vector<128x1xf32> -> vector<128x1xf32>
    %swap3A_120 = arith.constant 512 : index
    %swap3A_121 = arith.constant 0 : index
    %swap3A_122 = vector.load %arg12[%swap3A_120, %swap3A_121] : memref<2048x1xf32, #tpu.memory_space<vmem>>, vector<128x1xf32>
    tpu.vector_store %arg12[%swap3A_120, %swap3A_121], %dot_general3A_119 {strides = array<i32>} : memref<2048x1xf32, #tpu.memory_space<vmem>>, vector<128x1xf32>,
    %dot_general3A_123 = arith.constant dense<0.000000e+00> : vector<128x1xf32>
    %dot_general3A_124 = tpu.matmul %convert_element_type3A_117, %broadcast_in_dim3A_0, %dot_general3A_123 {dimension_numbers = #tpu.dot_dimension_numbers<[0], [0], [1], [1], [0, 1, 1, 1], [], []>, transpose_lhs_hint = false} : vector<2048x128xbf16>, vector<2048x1xbf16>, vector<128x1xf32> -> vector<128x1xf32>
    %swap3A_125 = arith.constant 512 : index
    %swap3A_126 = arith.constant 0 : index
    %swap3A_127 = vector.load %arg13[%swap3A_125, %swap3A_126] : memref<2048x1xf32, #tpu.memory_space<vmem>>, vector<128x1xf32>
    tpu.vector_store %arg13[%swap3A_125, %swap3A_126], %dot_general3A_124 {strides = array<i32>} : memref<2048x1xf32, #tpu.memory_space<vmem>>, vector<128x1xf32>,
    %iota3A_128 = tpu.iota {dimensions = array<i32: 1>} : vector<2048x128xi32>
    %add3A_129 = arith.constant 640 : i32
    %add3A_130 = vector.broadcast %add3A_129 : i32 to vector<2048x128xi32>
    %add3A_131 = arith.addi %iota3A_128, %add3A_130 : vector<2048x128xi32>
    %get3A_132 = arith.constant 0 : index
    %get3A_133 = arith.constant 0 : index
    %get3A_134 = vector.load %arg1[%get3A_132, %get3A_133] : memref<2048x1xi32, #tpu.memory_space<vmem>>, vector<2048x1xi32>
    %eq3A_135 = vector.broadcast %get3A_134 : vector<2048x1xi32> to vector<2048x128xi32>
    %eq3A_136 = arith.cmpi eq, %eq3A_135, %add3A_131 : vector<2048x128xi32>
    %convert_element_type3A_137 = arith.extui %eq3A_136 : vector<2048x128xi1> to vector<2048x128xi32>
    %convert_element_type3A_138 = arith.sitofp %convert_element_type3A_137 : vector<2048x128xi32> to vector<2048x128xf32>
    %convert_element_type3A_139 = arith.truncf %convert_element_type3A_138 : vector<2048x128xf32> to vector<2048x128xbf16>
    %gt3A_140 = arith.cmpi sgt, %iota3A, %add3A_131 : vector<2048x128xi32>
    %and3A_141 = arith.andi %eq3A_136, %gt3A_140 : vector<2048x128xi1>
    %convert_element_type3A_142 = arith.extui %and3A_141 : vector<2048x128xi1> to vector<2048x128xi32>
    %convert_element_type3A_143 = arith.sitofp %convert_element_type3A_142 : vector<2048x128xi32> to vector<2048x128xf32>
    %convert_element_type3A_144 = arith.truncf %convert_element_type3A_143 : vector<2048x128xf32> to vector<2048x128xbf16>
    %dot_general3A_145 = arith.constant dense<0.000000e+00> : vector<128x1xf32>
    %dot_general3A_146 = tpu.matmul %convert_element_type3A_139, %broadcast_in_dim3A_0, %dot_general3A_145 {dimension_numbers = #tpu.dot_dimension_numbers<[0], [0], [1], [1], [0, 1, 1, 1], [], []>, transpose_lhs_hint = false} : vector<2048x128xbf16>, vector<2048x1xbf16>, vector<128x1xf32> -> vector<128x1xf32>
    %swap3A_147 = arith.constant 640 : index
    %swap3A_148 = arith.constant 0 : index
    %swap3A_149 = vector.load %arg12[%swap3A_147, %swap3A_148] : memref<2048x1xf32, #tpu.memory_space<vmem>>, vector<128x1xf32>
    tpu.vector_store %arg12[%swap3A_147, %swap3A_148], %dot_general3A_146 {strides = array<i32>} : memref<2048x1xf32, #tpu.memory_space<vmem>>, vector<128x1xf32>,
    %dot_general3A_150 = arith.constant dense<0.000000e+00> : vector<128x1xf32>
    %dot_general3A_151 = tpu.matmul %convert_element_type3A_144, %broadcast_in_dim3A_0, %dot_general3A_150 {dimension_numbers = #tpu.dot_dimension_numbers<[0], [0], [1], [1], [0, 1, 1, 1], [], []>, transpose_lhs_hint = false} : vector<2048x128xbf16>, vector<2048x1xbf16>, vector<128x1xf32> -> vector<128x1xf32>
    %swap3A_152 = arith.constant 640 : index
    %swap3A_153 = arith.constant 0 : index
    %swap3A_154 = vector.load %arg13[%swap3A_152, %swap3A_153] : memref<2048x1xf32, #tpu.memory_space<vmem>>, vector<128x1xf32>
    tpu.vector_store %arg13[%swap3A_152, %swap3A_153], %dot_general3A_151 {strides = array<i32>} : memref<2048x1xf32, #tpu.memory_space<vmem>>, vector<128x1xf32>,
    %iota3A_155 = tpu.iota {dimensions = array<i32: 1>} : vector<2048x128xi32>
    %add3A_156 = arith.constant 768 : i32
    %add3A_157 = vector.broadcast %add3A_156 : i32 to vector<2048x128xi32>
    %add3A_158 = arith.addi %iota3A_155, %add3A_157 : vector<2048x128xi32>
    %get3A_159 = arith.constant 0 : index
    %get3A_160 = arith.constant 0 : index
    %get3A_161 = vector.load %arg1[%get3A_159, %get3A_160] : memref<2048x1xi32, #tpu.memory_space<vmem>>, vector<2048x1xi32>
    %eq3A_162 = vector.broadcast %get3A_161 : vector<2048x1xi32> to vector<2048x128xi32>
    %eq3A_163 = arith.cmpi eq, %eq3A_162, %add3A_158 : vector<2048x128xi32>
    %convert_element_type3A_164 = arith.extui %eq3A_163 : vector<2048x128xi1> to vector<2048x128xi32>
    %convert_element_type3A_165 = arith.sitofp %convert_element_type3A_164 : vector<2048x128xi32> to vector<2048x128xf32>
    %convert_element_type3A_166 = arith.truncf %convert_element_type3A_165 : vector<2048x128xf32> to vector<2048x128xbf16>
    %gt3A_167 = arith.cmpi sgt, %iota3A, %add3A_158 : vector<2048x128xi32>
    %and3A_168 = arith.andi %eq3A_163, %gt3A_167 : vector<2048x128xi1>
    %convert_element_type3A_169 = arith.extui %and3A_168 : vector<2048x128xi1> to vector<2048x128xi32>
    %convert_element_type3A_170 = arith.sitofp %convert_element_type3A_169 : vector<2048x128xi32> to vector<2048x128xf32>
    %convert_element_type3A_171 = arith.truncf %convert_element_type3A_170 : vector<2048x128xf32> to vector<2048x128xbf16>
    %dot_general3A_172 = arith.constant dense<0.000000e+00> : vector<128x1xf32>
    %dot_general3A_173 = tpu.matmul %convert_element_type3A_166, %broadcast_in_dim3A_0, %dot_general3A_172 {dimension_numbers = #tpu.dot_dimension_numbers<[0], [0], [1], [1], [0, 1, 1, 1], [], []>, transpose_lhs_hint = false} : vector<2048x128xbf16>, vector<2048x1xbf16>, vector<128x1xf32> -> vector<128x1xf32>
    %swap3A_174 = arith.constant 768 : index
    %swap3A_175 = arith.constant 0 : index
    %swap3A_176 = vector.load %arg12[%swap3A_174, %swap3A_175] : memref<2048x1xf32, #tpu.memory_space<vmem>>, vector<128x1xf32>
    tpu.vector_store %arg12[%swap3A_174, %swap3A_175], %dot_general3A_173 {strides = array<i32>} : memref<2048x1xf32, #tpu.memory_space<vmem>>, vector<128x1xf32>,
    %dot_general3A_177 = arith.constant dense<0.000000e+00> : vector<128x1xf32>
    %dot_general3A_178 = tpu.matmul %convert_element_type3A_171, %broadcast_in_dim3A_0, %dot_general3A_177 {dimension_numbers = #tpu.dot_dimension_numbers<[0], [0], [1], [1], [0, 1, 1, 1], [], []>, transpose_lhs_hint = false} : vector<2048x128xbf16>, vector<2048x1xbf16>, vector<128x1xf32> -> vector<128x1xf32>
    %swap3A_179 = arith.constant 768 : index
    %swap3A_180 = arith.constant 0 : index
    %swap3A_181 = vector.load %arg13[%swap3A_179, %swap3A_180] : memref<2048x1xf32, #tpu.memory_space<vmem>>, vector<128x1xf32>
    tpu.vector_store %arg13[%swap3A_179, %swap3A_180], %dot_general3A_178 {strides = array<i32>} : memref<2048x1xf32, #tpu.memory_space<vmem>>, vector<128x1xf32>,
    %iota3A_182 = tpu.iota {dimensions = array<i32: 1>} : vector<2048x128xi32>
    %add3A_183 = arith.constant 896 : i32
    %add3A_184 = vector.broadcast %add3A_183 : i32 to vector<2048x128xi32>
    %add3A_185 = arith.addi %iota3A_182, %add3A_184 : vector<2048x128xi32>
    %get3A_186 = arith.constant 0 : index
    %get3A_187 = arith.constant 0 : index
    %get3A_188 = vector.load %arg1[%get3A_186, %get3A_187] : memref<2048x1xi32, #tpu.memory_space<vmem>>, vector<2048x1xi32>
    %eq3A_189 = vector.broadcast %get3A_188 : vector<2048x1xi32> to vector<2048x128xi32>
    %eq3A_190 = arith.cmpi eq, %eq3A_189, %add3A_185 : vector<2048x128xi32>
    %convert_element_type3A_191 = arith.extui %eq3A_190 : vector<2048x128xi1> to vector<2048x128xi32>
    %convert_element_type3A_192 = arith.sitofp %convert_element_type3A_191 : vector<2048x128xi32> to vector<2048x128xf32>
    %convert_element_type3A_193 = arith.truncf %convert_element_type3A_192 : vector<2048x128xf32> to vector<2048x128xbf16>
    %gt3A_194 = arith.cmpi sgt, %iota3A, %add3A_185 : vector<2048x128xi32>
    %and3A_195 = arith.andi %eq3A_190, %gt3A_194 : vector<2048x128xi1>
    %convert_element_type3A_196 = arith.extui %and3A_195 : vector<2048x128xi1> to vector<2048x128xi32>
    %convert_element_type3A_197 = arith.sitofp %convert_element_type3A_196 : vector<2048x128xi32> to vector<2048x128xf32>
    %convert_element_type3A_198 = arith.truncf %convert_element_type3A_197 : vector<2048x128xf32> to vector<2048x128xbf16>
    %dot_general3A_199 = arith.constant dense<0.000000e+00> : vector<128x1xf32>
    %dot_general3A_200 = tpu.matmul %convert_element_type3A_193, %broadcast_in_dim3A_0, %dot_general3A_199 {dimension_numbers = #tpu.dot_dimension_numbers<[0], [0], [1], [1], [0, 1, 1, 1], [], []>, transpose_lhs_hint = false} : vector<2048x128xbf16>, vector<2048x1xbf16>, vector<128x1xf32> -> vector<128x1xf32>
    %swap3A_201 = arith.constant 896 : index
    %swap3A_202 = arith.constant 0 : index
    %swap3A_203 = vector.load %arg12[%swap3A_201, %swap3A_202] : memref<2048x1xf32, #tpu.memory_space<vmem>>, vector<128x1xf32>
    tpu.vector_store %arg12[%swap3A_201, %swap3A_202], %dot_general3A_200 {strides = array<i32>} : memref<2048x1xf32, #tpu.memory_space<vmem>>, vector<128x1xf32>,
    %dot_general3A_204 = arith.constant dense<0.000000e+00> : vector<128x1xf32>
    %dot_general3A_205 = tpu.matmul %convert_element_type3A_198, %broadcast_in_dim3A_0, %dot_general3A_204 {dimension_numbers = #tpu.dot_dimension_numbers<[0], [0], [1], [1], [0, 1, 1, 1], [], []>, transpose_lhs_hint = false} : vector<2048x128xbf16>, vector<2048x1xbf16>, vector<128x1xf32> -> vector<128x1xf32>
    %swap3A_206 = arith.constant 896 : index
    %swap3A_207 = arith.constant 0 : index
    %swap3A_208 = vector.load %arg13[%swap3A_206, %swap3A_207] : memref<2048x1xf32, #tpu.memory_space<vmem>>, vector<128x1xf32>
    tpu.vector_store %arg13[%swap3A_206, %swap3A_207], %dot_general3A_205 {strides = array<i32>} : memref<2048x1xf32, #tpu.memory_space<vmem>>, vector<128x1xf32>,
    %iota3A_209 = tpu.iota {dimensions = array<i32: 1>} : vector<2048x128xi32>
    %add3A_210 = arith.constant 1024 : i32
    %add3A_211 = vector.broadcast %add3A_210 : i32 to vector<2048x128xi32>
    %add3A_212 = arith.addi %iota3A_209, %add3A_211 : vector<2048x128xi32>
    %get3A_213 = arith.constant 0 : index
    %get3A_214 = arith.constant 0 : index
    %get3A_215 = vector.load %arg1[%get3A_213, %get3A_214] : memref<2048x1xi32, #tpu.memory_space<vmem>>, vector<2048x1xi32>
    %eq3A_216 = vector.broadcast %get3A_215 : vector<2048x1xi32> to vector<2048x128xi32>
    %eq3A_217 = arith.cmpi eq, %eq3A_216, %add3A_212 : vector<2048x128xi32>
    %convert_element_type3A_218 = arith.extui %eq3A_217 : vector<2048x128xi1> to vector<2048x128xi32>
    %convert_element_type3A_219 = arith.sitofp %convert_element_type3A_218 : vector<2048x128xi32> to vector<2048x128xf32>
    %convert_element_type3A_220 = arith.truncf %convert_element_type3A_219 : vector<2048x128xf32> to vector<2048x128xbf16>
    %gt3A_221 = arith.cmpi sgt, %iota3A, %add3A_212 : vector<2048x128xi32>
    %and3A_222 = arith.andi %eq3A_217, %gt3A_221 : vector<2048x128xi1>
    %convert_element_type3A_223 = arith.extui %and3A_222 : vector<2048x128xi1> to vector<2048x128xi32>
    %convert_element_type3A_224 = arith.sitofp %convert_element_type3A_223 : vector<2048x128xi32> to vector<2048x128xf32>
    %convert_element_type3A_225 = arith.truncf %convert_element_type3A_224 : vector<2048x128xf32> to vector<2048x128xbf16>
    %dot_general3A_226 = arith.constant dense<0.000000e+00> : vector<128x1xf32>
    %dot_general3A_227 = tpu.matmul %convert_element_type3A_220, %broadcast_in_dim3A_0, %dot_general3A_226 {dimension_numbers = #tpu.dot_dimension_numbers<[0], [0], [1], [1], [0, 1, 1, 1], [], []>, transpose_lhs_hint = false} : vector<2048x128xbf16>, vector<2048x1xbf16>, vector<128x1xf32> -> vector<128x1xf32>
    %swap3A_228 = arith.constant 1024 : index
    %swap3A_229 = arith.constant 0 : index
    %swap3A_230 = vector.load %arg12[%swap3A_228, %swap3A_229] : memref<2048x1xf32, #tpu.memory_space<vmem>>, vector<128x1xf32>
    tpu.vector_store %arg12[%swap3A_228, %swap3A_229], %dot_general3A_227 {strides = array<i32>} : memref<2048x1xf32, #tpu.memory_space<vmem>>, vector<128x1xf32>,
    %dot_general3A_231 = arith.constant dense<0.000000e+00> : vector<128x1xf32>
    %dot_general3A_232 = tpu.matmul %convert_element_type3A_225, %broadcast_in_dim3A_0, %dot_general3A_231 {dimension_numbers = #tpu.dot_dimension_numbers<[0], [0], [1], [1], [0, 1, 1, 1], [], []>, transpose_lhs_hint = false} : vector<2048x128xbf16>, vector<2048x1xbf16>, vector<128x1xf32> -> vector<128x1xf32>
    %swap3A_233 = arith.constant 1024 : index
    %swap3A_234 = arith.constant 0 : index
    %swap3A_235 = vector.load %arg13[%swap3A_233, %swap3A_234] : memref<2048x1xf32, #tpu.memory_space<vmem>>, vector<128x1xf32>
    tpu.vector_store %arg13[%swap3A_233, %swap3A_234], %dot_general3A_232 {strides = array<i32>} : memref<2048x1xf32, #tpu.memory_space<vmem>>, vector<128x1xf32>,
    %iota3A_236 = tpu.iota {dimensions = array<i32: 1>} : vector<2048x128xi32>
    %add3A_237 = arith.constant 1152 : i32
    %add3A_238 = vector.broadcast %add3A_237 : i32 to vector<2048x128xi32>
    %add3A_239 = arith.addi %iota3A_236, %add3A_238 : vector<2048x128xi32>
    %get3A_240 = arith.constant 0 : index
    %get3A_241 = arith.constant 0 : index
    %get3A_242 = vector.load %arg1[%get3A_240, %get3A_241] : memref<2048x1xi32, #tpu.memory_space<vmem>>, vector<2048x1xi32>
    %eq3A_243 = vector.broadcast %get3A_242 : vector<2048x1xi32> to vector<2048x128xi32>
    %eq3A_244 = arith.cmpi eq, %eq3A_243, %add3A_239 : vector<2048x128xi32>
    %convert_element_type3A_245 = arith.extui %eq3A_244 : vector<2048x128xi1> to vector<2048x128xi32>
    %convert_element_type3A_246 = arith.sitofp %convert_element_type3A_245 : vector<2048x128xi32> to vector<2048x128xf32>
    %convert_element_type3A_247 = arith.truncf %convert_element_type3A_246 : vector<2048x128xf32> to vector<2048x128xbf16>
    %gt3A_248 = arith.cmpi sgt, %iota3A, %add3A_239 : vector<2048x128xi32>
    %and3A_249 = arith.andi %eq3A_244, %gt3A_248 : vector<2048x128xi1>
    %convert_element_type3A_250 = arith.extui %and3A_249 : vector<2048x128xi1> to vector<2048x128xi32>
    %convert_element_type3A_251 = arith.sitofp %convert_element_type3A_250 : vector<2048x128xi32> to vector<2048x128xf32>
    %convert_element_type3A_252 = arith.truncf %convert_element_type3A_251 : vector<2048x128xf32> to vector<2048x128xbf16>
    %dot_general3A_253 = arith.constant dense<0.000000e+00> : vector<128x1xf32>
    %dot_general3A_254 = tpu.matmul %convert_element_type3A_247, %broadcast_in_dim3A_0, %dot_general3A_253 {dimension_numbers = #tpu.dot_dimension_numbers<[0], [0], [1], [1], [0, 1, 1, 1], [], []>, transpose_lhs_hint = false} : vector<2048x128xbf16>, vector<2048x1xbf16>, vector<128x1xf32> -> vector<128x1xf32>
    %swap3A_255 = arith.constant 1152 : index
    %swap3A_256 = arith.constant 0 : index
    %swap3A_257 = vector.load %arg12[%swap3A_255, %swap3A_256] : memref<2048x1xf32, #tpu.memory_space<vmem>>, vector<128x1xf32>
    tpu.vector_store %arg12[%swap3A_255, %swap3A_256], %dot_general3A_254 {strides = array<i32>} : memref<2048x1xf32, #tpu.memory_space<vmem>>, vector<128x1xf32>,
    %dot_general3A_258 = arith.constant dense<0.000000e+00> : vector<128x1xf32>
    %dot_general3A_259 = tpu.matmul %convert_element_type3A_252, %broadcast_in_dim3A_0, %dot_general3A_258 {dimension_numbers = #tpu.dot_dimension_numbers<[0], [0], [1], [1], [0, 1, 1, 1], [], []>, transpose_lhs_hint = false} : vector<2048x128xbf16>, vector<2048x1xbf16>, vector<128x1xf32> -> vector<128x1xf32>
    %swap3A_260 = arith.constant 1152 : index
    %swap3A_261 = arith.constant 0 : index
    %swap3A_262 = vector.load %arg13[%swap3A_260, %swap3A_261] : memref<2048x1xf32, #tpu.memory_space<vmem>>, vector<128x1xf32>
    tpu.vector_store %arg13[%swap3A_260, %swap3A_261], %dot_general3A_259 {strides = array<i32>} : memref<2048x1xf32, #tpu.memory_space<vmem>>, vector<128x1xf32>,
    %iota3A_263 = tpu.iota {dimensions = array<i32: 1>} : vector<2048x128xi32>
    %add3A_264 = arith.constant 1280 : i32
    %add3A_265 = vector.broadcast %add3A_264 : i32 to vector<2048x128xi32>
    %add3A_266 = arith.addi %iota3A_263, %add3A_265 : vector<2048x128xi32>
    %get3A_267 = arith.constant 0 : index
    %get3A_268 = arith.constant 0 : index
    %get3A_269 = vector.load %arg1[%get3A_267, %get3A_268] : memref<2048x1xi32, #tpu.memory_space<vmem>>, vector<2048x1xi32>
    %eq3A_270 = vector.broadcast %get3A_269 : vector<2048x1xi32> to vector<2048x128xi32>
    %eq3A_271 = arith.cmpi eq, %eq3A_270, %add3A_266 : vector<2048x128xi32>
    %convert_element_type3A_272 = arith.extui %eq3A_271 : vector<2048x128xi1> to vector<2048x128xi32>
    %convert_element_type3A_273 = arith.sitofp %convert_element_type3A_272 : vector<2048x128xi32> to vector<2048x128xf32>
    %convert_element_type3A_274 = arith.truncf %convert_element_type3A_273 : vector<2048x128xf32> to vector<2048x128xbf16>
    %gt3A_275 = arith.cmpi sgt, %iota3A, %add3A_266 : vector<2048x128xi32>
    %and3A_276 = arith.andi %eq3A_271, %gt3A_275 : vector<2048x128xi1>
    %convert_element_type3A_277 = arith.extui %and3A_276 : vector<2048x128xi1> to vector<2048x128xi32>
    %convert_element_type3A_278 = arith.sitofp %convert_element_type3A_277 : vector<2048x128xi32> to vector<2048x128xf32>
    %convert_element_type3A_279 = arith.truncf %convert_element_type3A_278 : vector<2048x128xf32> to vector<2048x128xbf16>
    %dot_general3A_280 = arith.constant dense<0.000000e+00> : vector<128x1xf32>
    %dot_general3A_281 = tpu.matmul %convert_element_type3A_274, %broadcast_in_dim3A_0, %dot_general3A_280 {dimension_numbers = #tpu.dot_dimension_numbers<[0], [0], [1], [1], [0, 1, 1, 1], [], []>, transpose_lhs_hint = false} : vector<2048x128xbf16>, vector<2048x1xbf16>, vector<128x1xf32> -> vector<128x1xf32>
    %swap3A_282 = arith.constant 1280 : index
    %swap3A_283 = arith.constant 0 : index
    %swap3A_284 = vector.load %arg12[%swap3A_282, %swap3A_283] : memref<2048x1xf32, #tpu.memory_space<vmem>>, vector<128x1xf32>
    tpu.vector_store %arg12[%swap3A_282, %swap3A_283], %dot_general3A_281 {strides = array<i32>} : memref<2048x1xf32, #tpu.memory_space<vmem>>, vector<128x1xf32>,
    %dot_general3A_285 = arith.constant dense<0.000000e+00> : vector<128x1xf32>
    %dot_general3A_286 = tpu.matmul %convert_element_type3A_279, %broadcast_in_dim3A_0, %dot_general3A_285 {dimension_numbers = #tpu.dot_dimension_numbers<[0], [0], [1], [1], [0, 1, 1, 1], [], []>, transpose_lhs_hint = false} : vector<2048x128xbf16>, vector<2048x1xbf16>, vector<128x1xf32> -> vector<128x1xf32>
    %swap3A_287 = arith.constant 1280 : index
    %swap3A_288 = arith.constant 0 : index
    %swap3A_289 = vector.load %arg13[%swap3A_287, %swap3A_288] : memref<2048x1xf32, #tpu.memory_space<vmem>>, vector<128x1xf32>
    tpu.vector_store %arg13[%swap3A_287, %swap3A_288], %dot_general3A_286 {strides = array<i32>} : memref<2048x1xf32, #tpu.memory_space<vmem>>, vector<128x1xf32>,
    %iota3A_290 = tpu.iota {dimensions = array<i32: 1>} : vector<2048x128xi32>
    %add3A_291 = arith.constant 1408 : i32
    %add3A_292 = vector.broadcast %add3A_291 : i32 to vector<2048x128xi32>
    %add3A_293 = arith.addi %iota3A_290, %add3A_292 : vector<2048x128xi32>
    %get3A_294 = arith.constant 0 : index
    %get3A_295 = arith.constant 0 : index
    %get3A_296 = vector.load %arg1[%get3A_294, %get3A_295] : memref<2048x1xi32, #tpu.memory_space<vmem>>, vector<2048x1xi32>
    %eq3A_297 = vector.broadcast %get3A_296 : vector<2048x1xi32> to vector<2048x128xi32>
    %eq3A_298 = arith.cmpi eq, %eq3A_297, %add3A_293 : vector<2048x128xi32>
    %convert_element_type3A_299 = arith.extui %eq3A_298 : vector<2048x128xi1> to vector<2048x128xi32>
    %convert_element_type3A_300 = arith.sitofp %convert_element_type3A_299 : vector<2048x128xi32> to vector<2048x128xf32>
    %convert_element_type3A_301 = arith.truncf %convert_element_type3A_300 : vector<2048x128xf32> to vector<2048x128xbf16>
    %gt3A_302 = arith.cmpi sgt, %iota3A, %add3A_293 : vector<2048x128xi32>
    %and3A_303 = arith.andi %eq3A_298, %gt3A_302 : vector<2048x128xi1>
    %convert_element_type3A_304 = arith.extui %and3A_303 : vector<2048x128xi1> to vector<2048x128xi32>
    %convert_element_type3A_305 = arith.sitofp %convert_element_type3A_304 : vector<2048x128xi32> to vector<2048x128xf32>
    %convert_element_type3A_306 = arith.truncf %convert_element_type3A_305 : vector<2048x128xf32> to vector<2048x128xbf16>
    %dot_general3A_307 = arith.constant dense<0.000000e+00> : vector<128x1xf32>
    %dot_general3A_308 = tpu.matmul %convert_element_type3A_301, %broadcast_in_dim3A_0, %dot_general3A_307 {dimension_numbers = #tpu.dot_dimension_numbers<[0], [0], [1], [1], [0, 1, 1, 1], [], []>, transpose_lhs_hint = false} : vector<2048x128xbf16>, vector<2048x1xbf16>, vector<128x1xf32> -> vector<128x1xf32>
    %swap3A_309 = arith.constant 1408 : index
    %swap3A_310 = arith.constant 0 : index
    %swap3A_311 = vector.load %arg12[%swap3A_309, %swap3A_310] : memref<2048x1xf32, #tpu.memory_space<vmem>>, vector<128x1xf32>
    tpu.vector_store %arg12[%swap3A_309, %swap3A_310], %dot_general3A_308 {strides = array<i32>} : memref<2048x1xf32, #tpu.memory_space<vmem>>, vector<128x1xf32>,
    %dot_general3A_312 = arith.constant dense<0.000000e+00> : vector<128x1xf32>
    %dot_general3A_313 = tpu.matmul %convert_element_type3A_306, %broadcast_in_dim3A_0, %dot_general3A_312 {dimension_numbers = #tpu.dot_dimension_numbers<[0], [0], [1], [1], [0, 1, 1, 1], [], []>, transpose_lhs_hint = false} : vector<2048x128xbf16>, vector<2048x1xbf16>, vector<128x1xf32> -> vector<128x1xf32>
    %swap3A_314 = arith.constant 1408 : index
    %swap3A_315 = arith.constant 0 : index
    %swap3A_316 = vector.load %arg13[%swap3A_314, %swap3A_315] : memref<2048x1xf32, #tpu.memory_space<vmem>>, vector<128x1xf32>
    tpu.vector_store %arg13[%swap3A_314, %swap3A_315], %dot_general3A_313 {strides = array<i32>} : memref<2048x1xf32, #tpu.memory_space<vmem>>, vector<128x1xf32>,
    %iota3A_317 = tpu.iota {dimensions = array<i32: 1>} : vector<2048x128xi32>
    %add3A_318 = arith.constant 1536 : i32
    %add3A_319 = vector.broadcast %add3A_318 : i32 to vector<2048x128xi32>
    %add3A_320 = arith.addi %iota3A_317, %add3A_319 : vector<2048x128xi32>
    %get3A_321 = arith.constant 0 : index
    %get3A_322 = arith.constant 0 : index
    %get3A_323 = vector.load %arg1[%get3A_321, %get3A_322] : memref<2048x1xi32, #tpu.memory_space<vmem>>, vector<2048x1xi32>
    %eq3A_324 = vector.broadcast %get3A_323 : vector<2048x1xi32> to vector<2048x128xi32>
    %eq3A_325 = arith.cmpi eq, %eq3A_324, %add3A_320 : vector<2048x128xi32>
    %convert_element_type3A_326 = arith.extui %eq3A_325 : vector<2048x128xi1> to vector<2048x128xi32>
    %convert_element_type3A_327 = arith.sitofp %convert_element_type3A_326 : vector<2048x128xi32> to vector<2048x128xf32>
    %convert_element_type3A_328 = arith.truncf %convert_element_type3A_327 : vector<2048x128xf32> to vector<2048x128xbf16>
    %gt3A_329 = arith.cmpi sgt, %iota3A, %add3A_320 : vector<2048x128xi32>
    %and3A_330 = arith.andi %eq3A_325, %gt3A_329 : vector<2048x128xi1>
    %convert_element_type3A_331 = arith.extui %and3A_330 : vector<2048x128xi1> to vector<2048x128xi32>
    %convert_element_type3A_332 = arith.sitofp %convert_element_type3A_331 : vector<2048x128xi32> to vector<2048x128xf32>
    %convert_element_type3A_333 = arith.truncf %convert_element_type3A_332 : vector<2048x128xf32> to vector<2048x128xbf16>
    %dot_general3A_334 = arith.constant dense<0.000000e+00> : vector<128x1xf32>
    %dot_general3A_335 = tpu.matmul %convert_element_type3A_328, %broadcast_in_dim3A_0, %dot_general3A_334 {dimension_numbers = #tpu.dot_dimension_numbers<[0], [0], [1], [1], [0, 1, 1, 1], [], []>, transpose_lhs_hint = false} : vector<2048x128xbf16>, vector<2048x1xbf16>, vector<128x1xf32> -> vector<128x1xf32>
    %swap3A_336 = arith.constant 1536 : index
    %swap3A_337 = arith.constant 0 : index
    %swap3A_338 = vector.load %arg12[%swap3A_336, %swap3A_337] : memref<2048x1xf32, #tpu.memory_space<vmem>>, vector<128x1xf32>
    tpu.vector_store %arg12[%swap3A_336, %swap3A_337], %dot_general3A_335 {strides = array<i32>} : memref<2048x1xf32, #tpu.memory_space<vmem>>, vector<128x1xf32>,
    %dot_general3A_339 = arith.constant dense<0.000000e+00> : vector<128x1xf32>
    %dot_general3A_340 = tpu.matmul %convert_element_type3A_333, %broadcast_in_dim3A_0, %dot_general3A_339 {dimension_numbers = #tpu.dot_dimension_numbers<[0], [0], [1], [1], [0, 1, 1, 1], [], []>, transpose_lhs_hint = false} : vector<2048x128xbf16>, vector<2048x1xbf16>, vector<128x1xf32> -> vector<128x1xf32>
    %swap3A_341 = arith.constant 1536 : index
    %swap3A_342 = arith.constant 0 : index
    %swap3A_343 = vector.load %arg13[%swap3A_341, %swap3A_342] : memref<2048x1xf32, #tpu.memory_space<vmem>>, vector<128x1xf32>
    tpu.vector_store %arg13[%swap3A_341, %swap3A_342], %dot_general3A_340 {strides = array<i32>} : memref<2048x1xf32, #tpu.memory_space<vmem>>, vector<128x1xf32>,
    %iota3A_344 = tpu.iota {dimensions = array<i32: 1>} : vector<2048x128xi32>
    %add3A_345 = arith.constant 1664 : i32
    %add3A_346 = vector.broadcast %add3A_345 : i32 to vector<2048x128xi32>
    %add3A_347 = arith.addi %iota3A_344, %add3A_346 : vector<2048x128xi32>
    %get3A_348 = arith.constant 0 : index
    %get3A_349 = arith.constant 0 : index
    %get3A_350 = vector.load %arg1[%get3A_348, %get3A_349] : memref<2048x1xi32, #tpu.memory_space<vmem>>, vector<2048x1xi32>
    %eq3A_351 = vector.broadcast %get3A_350 : vector<2048x1xi32> to vector<2048x128xi32>
    %eq3A_352 = arith.cmpi eq, %eq3A_351, %add3A_347 : vector<2048x128xi32>
    %convert_element_type3A_353 = arith.extui %eq3A_352 : vector<2048x128xi1> to vector<2048x128xi32>
    %convert_element_type3A_354 = arith.sitofp %convert_element_type3A_353 : vector<2048x128xi32> to vector<2048x128xf32>
    %convert_element_type3A_355 = arith.truncf %convert_element_type3A_354 : vector<2048x128xf32> to vector<2048x128xbf16>
    %gt3A_356 = arith.cmpi sgt, %iota3A, %add3A_347 : vector<2048x128xi32>
    %and3A_357 = arith.andi %eq3A_352, %gt3A_356 : vector<2048x128xi1>
    %convert_element_type3A_358 = arith.extui %and3A_357 : vector<2048x128xi1> to vector<2048x128xi32>
    %convert_element_type3A_359 = arith.sitofp %convert_element_type3A_358 : vector<2048x128xi32> to vector<2048x128xf32>
    %convert_element_type3A_360 = arith.truncf %convert_element_type3A_359 : vector<2048x128xf32> to vector<2048x128xbf16>
    %dot_general3A_361 = arith.constant dense<0.000000e+00> : vector<128x1xf32>
    %dot_general3A_362 = tpu.matmul %convert_element_type3A_355, %broadcast_in_dim3A_0, %dot_general3A_361 {dimension_numbers = #tpu.dot_dimension_numbers<[0], [0], [1], [1], [0, 1, 1, 1], [], []>, transpose_lhs_hint = false} : vector<2048x128xbf16>, vector<2048x1xbf16>, vector<128x1xf32> -> vector<128x1xf32>
    %swap3A_363 = arith.constant 1664 : index
    %swap3A_364 = arith.constant 0 : index
    %swap3A_365 = vector.load %arg12[%swap3A_363, %swap3A_364] : memref<2048x1xf32, #tpu.memory_space<vmem>>, vector<128x1xf32>
    tpu.vector_store %arg12[%swap3A_363, %swap3A_364], %dot_general3A_362 {strides = array<i32>} : memref<2048x1xf32, #tpu.memory_space<vmem>>, vector<128x1xf32>,
    %dot_general3A_366 = arith.constant dense<0.000000e+00> : vector<128x1xf32>
    %dot_general3A_367 = tpu.matmul %convert_element_type3A_360, %broadcast_in_dim3A_0, %dot_general3A_366 {dimension_numbers = #tpu.dot_dimension_numbers<[0], [0], [1], [1], [0, 1, 1, 1], [], []>, transpose_lhs_hint = false} : vector<2048x128xbf16>, vector<2048x1xbf16>, vector<128x1xf32> -> vector<128x1xf32>
    %swap3A_368 = arith.constant 1664 : index
    %swap3A_369 = arith.constant 0 : index
    %swap3A_370 = vector.load %arg13[%swap3A_368, %swap3A_369] : memref<2048x1xf32, #tpu.memory_space<vmem>>, vector<128x1xf32>
    tpu.vector_store %arg13[%swap3A_368, %swap3A_369], %dot_general3A_367 {strides = array<i32>} : memref<2048x1xf32, #tpu.memory_space<vmem>>, vector<128x1xf32>,
    %iota3A_371 = tpu.iota {dimensions = array<i32: 1>} : vector<2048x128xi32>
    %add3A_372 = arith.constant 1792 : i32
    %add3A_373 = vector.broadcast %add3A_372 : i32 to vector<2048x128xi32>
    %add3A_374 = arith.addi %iota3A_371, %add3A_373 : vector<2048x128xi32>
    %get3A_375 = arith.constant 0 : index
    %get3A_376 = arith.constant 0 : index
    %get3A_377 = vector.load %arg1[%get3A_375, %get3A_376] : memref<2048x1xi32, #tpu.memory_space<vmem>>, vector<2048x1xi32>
    %eq3A_378 = vector.broadcast %get3A_377 : vector<2048x1xi32> to vector<2048x128xi32>
    %eq3A_379 = arith.cmpi eq, %eq3A_378, %add3A_374 : vector<2048x128xi32>
    %convert_element_type3A_380 = arith.extui %eq3A_379 : vector<2048x128xi1> to vector<2048x128xi32>
    %convert_element_type3A_381 = arith.sitofp %convert_element_type3A_380 : vector<2048x128xi32> to vector<2048x128xf32>
    %convert_element_type3A_382 = arith.truncf %convert_element_type3A_381 : vector<2048x128xf32> to vector<2048x128xbf16>
    %gt3A_383 = arith.cmpi sgt, %iota3A, %add3A_374 : vector<2048x128xi32>
    %and3A_384 = arith.andi %eq3A_379, %gt3A_383 : vector<2048x128xi1>
    %convert_element_type3A_385 = arith.extui %and3A_384 : vector<2048x128xi1> to vector<2048x128xi32>
    %convert_element_type3A_386 = arith.sitofp %convert_element_type3A_385 : vector<2048x128xi32> to vector<2048x128xf32>
    %convert_element_type3A_387 = arith.truncf %convert_element_type3A_386 : vector<2048x128xf32> to vector<2048x128xbf16>
    %dot_general3A_388 = arith.constant dense<0.000000e+00> : vector<128x1xf32>
    %dot_general3A_389 = tpu.matmul %convert_element_type3A_382, %broadcast_in_dim3A_0, %dot_general3A_388 {dimension_numbers = #tpu.dot_dimension_numbers<[0], [0], [1], [1], [0, 1, 1, 1], [], []>, transpose_lhs_hint = false} : vector<2048x128xbf16>, vector<2048x1xbf16>, vector<128x1xf32> -> vector<128x1xf32>
    %swap3A_390 = arith.constant 1792 : index
    %swap3A_391 = arith.constant 0 : index
    %swap3A_392 = vector.load %arg12[%swap3A_390, %swap3A_391] : memref<2048x1xf32, #tpu.memory_space<vmem>>, vector<128x1xf32>
    tpu.vector_store %arg12[%swap3A_390, %swap3A_391], %dot_general3A_389 {strides = array<i32>} : memref<2048x1xf32, #tpu.memory_space<vmem>>, vector<128x1xf32>,
    %dot_general3A_393 = arith.constant dense<0.000000e+00> : vector<128x1xf32>
    %dot_general3A_394 = tpu.matmul %convert_element_type3A_387, %broadcast_in_dim3A_0, %dot_general3A_393 {dimension_numbers = #tpu.dot_dimension_numbers<[0], [0], [1], [1], [0, 1, 1, 1], [], []>, transpose_lhs_hint = false} : vector<2048x128xbf16>, vector<2048x1xbf16>, vector<128x1xf32> -> vector<128x1xf32>
    %swap3A_395 = arith.constant 1792 : index
    %swap3A_396 = arith.constant 0 : index
    %swap3A_397 = vector.load %arg13[%swap3A_395, %swap3A_396] : memref<2048x1xf32, #tpu.memory_space<vmem>>, vector<128x1xf32>
    tpu.vector_store %arg13[%swap3A_395, %swap3A_396], %dot_general3A_394 {strides = array<i32>} : memref<2048x1xf32, #tpu.memory_space<vmem>>, vector<128x1xf32>,
    %iota3A_398 = tpu.iota {dimensions = array<i32: 1>} : vector<2048x128xi32>
    %add3A_399 = arith.constant 1920 : i32
    %add3A_400 = vector.broadcast %add3A_399 : i32 to vector<2048x128xi32>
    %add3A_401 = arith.addi %iota3A_398, %add3A_400 : vector<2048x128xi32>
    %get3A_402 = arith.constant 0 : index
    %get3A_403 = arith.constant 0 : index
    %get3A_404 = vector.load %arg1[%get3A_402, %get3A_403] : memref<2048x1xi32, #tpu.memory_space<vmem>>, vector<2048x1xi32>
    %eq3A_405 = vector.broadcast %get3A_404 : vector<2048x1xi32> to vector<2048x128xi32>
    %eq3A_406 = arith.cmpi eq, %eq3A_405, %add3A_401 : vector<2048x128xi32>
    %convert_element_type3A_407 = arith.extui %eq3A_406 : vector<2048x128xi1> to vector<2048x128xi32>
    %convert_element_type3A_408 = arith.sitofp %convert_element_type3A_407 : vector<2048x128xi32> to vector<2048x128xf32>
    %convert_element_type3A_409 = arith.truncf %convert_element_type3A_408 : vector<2048x128xf32> to vector<2048x128xbf16>
    %gt3A_410 = arith.cmpi sgt, %iota3A, %add3A_401 : vector<2048x128xi32>
    %and3A_411 = arith.andi %eq3A_406, %gt3A_410 : vector<2048x128xi1>
    %convert_element_type3A_412 = arith.extui %and3A_411 : vector<2048x128xi1> to vector<2048x128xi32>
    %convert_element_type3A_413 = arith.sitofp %convert_element_type3A_412 : vector<2048x128xi32> to vector<2048x128xf32>
    %convert_element_type3A_414 = arith.truncf %convert_element_type3A_413 : vector<2048x128xf32> to vector<2048x128xbf16>
    %dot_general3A_415 = arith.constant dense<0.000000e+00> : vector<128x1xf32>
    %dot_general3A_416 = tpu.matmul %convert_element_type3A_409, %broadcast_in_dim3A_0, %dot_general3A_415 {dimension_numbers = #tpu.dot_dimension_numbers<[0], [0], [1], [1], [0, 1, 1, 1], [], []>, transpose_lhs_hint = false} : vector<2048x128xbf16>, vector<2048x1xbf16>, vector<128x1xf32> -> vector<128x1xf32>
    %swap3A_417 = arith.constant 1920 : index
    %swap3A_418 = arith.constant 0 : index
    %swap3A_419 = vector.load %arg12[%swap3A_417, %swap3A_418] : memref<2048x1xf32, #tpu.memory_space<vmem>>, vector<128x1xf32>
    tpu.vector_store %arg12[%swap3A_417, %swap3A_418], %dot_general3A_416 {strides = array<i32>} : memref<2048x1xf32, #tpu.memory_space<vmem>>, vector<128x1xf32>,
    %dot_general3A_420 = arith.constant dense<0.000000e+00> : vector<128x1xf32>
    %dot_general3A_421 = tpu.matmul %convert_element_type3A_414, %broadcast_in_dim3A_0, %dot_general3A_420 {dimension_numbers = #tpu.dot_dimension_numbers<[0], [0], [1], [1], [0, 1, 1, 1], [], []>, transpose_lhs_hint = false} : vector<2048x128xbf16>, vector<2048x1xbf16>, vector<128x1xf32> -> vector<128x1xf32>
    %swap3A_422 = arith.constant 1920 : index
    %swap3A_423 = arith.constant 0 : index
    %swap3A_424 = vector.load %arg13[%swap3A_422, %swap3A_423] : memref<2048x1xf32, #tpu.memory_space<vmem>>, vector<128x1xf32>
    tpu.vector_store %arg13[%swap3A_422, %swap3A_423], %dot_general3A_421 {strides = array<i32>} : memref<2048x1xf32, #tpu.memory_space<vmem>>, vector<128x1xf32>,
    %get3A_425 = arith.constant 0 : index
    %get3A_426 = arith.constant 0 : index
    %get3A_427 = vector.load %arg13[%get3A_425, %get3A_426] : memref<2048x1xf32, #tpu.memory_space<vmem>>, vector<2048x1xf32>
    %gt3A_428 = arith.constant 0.000000e+00 : f32
    %gt3A_429 = vector.broadcast %gt3A_428 : f32 to vector<2048x1xf32>
    %gt3A_430 = arith.cmpf ogt, %get3A_427, %gt3A_429 : vector<2048x1xf32>
    %convert_element_type3A_431 = arith.extui %gt3A_430 : vector<2048x1xi1> to vector<2048x1xi32>
    %convert_element_type3A_432 = arith.sitofp %convert_element_type3A_431 : vector<2048x1xi32> to vector<2048x1xf32>
    %convert_element_type3A_433 = arith.truncf %convert_element_type3A_432 : vector<2048x1xf32> to vector<2048x1xbf16>
    %iota3A_434 = tpu.iota {dimensions = array<i32: 1>} : vector<2048x128xi32>
    %add3A_435 = arith.constant 0 : i32
    %add3A_436 = vector.broadcast %add3A_435 : i32 to vector<2048x128xi32>
    %add3A_437 = arith.addi %iota3A_434, %add3A_436 : vector<2048x128xi32>
    %get3A_438 = arith.constant 0 : index
    %get3A_439 = arith.constant 0 : index
    %get3A_440 = vector.load %arg1[%get3A_438, %get3A_439] : memref<2048x1xi32, #tpu.memory_space<vmem>>, vector<2048x1xi32>
    %eq3A_441 = vector.broadcast %get3A_440 : vector<2048x1xi32> to vector<2048x128xi32>
    %eq3A_442 = arith.cmpi eq, %eq3A_441, %add3A_437 : vector<2048x128xi32>
    %gt3A_443 = arith.cmpi sgt, %iota3A, %add3A_437 : vector<2048x128xi32>
    %and3A_444 = arith.andi %eq3A_442, %gt3A_443 : vector<2048x128xi1>
    %convert_element_type3A_445 = arith.extui %and3A_444 : vector<2048x128xi1> to vector<2048x128xi32>
    %convert_element_type3A_446 = arith.sitofp %convert_element_type3A_445 : vector<2048x128xi32> to vector<2048x128xf32>
    %convert_element_type3A_447 = arith.truncf %convert_element_type3A_446 : vector<2048x128xf32> to vector<2048x128xbf16>
    %mul3A = vector.broadcast %convert_element_type3A_433 : vector<2048x1xbf16> to vector<2048x128xbf16>
    %mul3A_448 = arith.mulf %convert_element_type3A_447, %mul3A : vector<2048x128xbf16>
    %dot_general3A_449 = arith.constant dense<0.000000e+00> : vector<128x1xf32>
    %dot_general3A_450 = tpu.matmul %mul3A_448, %broadcast_in_dim3A_0, %dot_general3A_449 {dimension_numbers = #tpu.dot_dimension_numbers<[0], [0], [1], [1], [0, 1, 1, 1], [], []>, transpose_lhs_hint = false} : vector<2048x128xbf16>, vector<2048x1xbf16>, vector<128x1xf32> -> vector<128x1xf32>
    %convert_element_type3A_451 = arith.fptosi %dot_general3A_450 : vector<128x1xf32> to vector<128x1xi32>
    %swap3A_452 = arith.constant 0 : index
    %swap3A_453 = arith.constant 0 : index
    %swap3A_454 = vector.load %arg11[%swap3A_452, %swap3A_453] : memref<2048x1xi32, #tpu.memory_space<vmem>>, vector<128x1xi32>
    tpu.vector_store %arg11[%swap3A_452, %swap3A_453], %convert_element_type3A_451 {strides = array<i32>} : memref<2048x1xi32, #tpu.memory_space<vmem>>, vector<128x1xi32>,
    %iota3A_455 = tpu.iota {dimensions = array<i32: 1>} : vector<2048x128xi32>
    %add3A_456 = arith.constant 128 : i32
    %add3A_457 = vector.broadcast %add3A_456 : i32 to vector<2048x128xi32>
    %add3A_458 = arith.addi %iota3A_455, %add3A_457 : vector<2048x128xi32>
    %get3A_459 = arith.constant 0 : index
    %get3A_460 = arith.constant 0 : index
    %get3A_461 = vector.load %arg1[%get3A_459, %get3A_460] : memref<2048x1xi32, #tpu.memory_space<vmem>>, vector<2048x1xi32>
    %eq3A_462 = vector.broadcast %get3A_461 : vector<2048x1xi32> to vector<2048x128xi32>
    %eq3A_463 = arith.cmpi eq, %eq3A_462, %add3A_458 : vector<2048x128xi32>
    %gt3A_464 = arith.cmpi sgt, %iota3A, %add3A_458 : vector<2048x128xi32>
    %and3A_465 = arith.andi %eq3A_463, %gt3A_464 : vector<2048x128xi1>
    %convert_element_type3A_466 = arith.extui %and3A_465 : vector<2048x128xi1> to vector<2048x128xi32>
    %convert_element_type3A_467 = arith.sitofp %convert_element_type3A_466 : vector<2048x128xi32> to vector<2048x128xf32>
    %convert_element_type3A_468 = arith.truncf %convert_element_type3A_467 : vector<2048x128xf32> to vector<2048x128xbf16>
    %mul3A_469 = vector.broadcast %convert_element_type3A_433 : vector<2048x1xbf16> to vector<2048x128xbf16>
    %mul3A_470 = arith.mulf %convert_element_type3A_468, %mul3A_469 : vector<2048x128xbf16>
    %dot_general3A_471 = arith.constant dense<0.000000e+00> : vector<128x1xf32>
    %dot_general3A_472 = tpu.matmul %mul3A_470, %broadcast_in_dim3A_0, %dot_general3A_471 {dimension_numbers = #tpu.dot_dimension_numbers<[0], [0], [1], [1], [0, 1, 1, 1], [], []>, transpose_lhs_hint = false} : vector<2048x128xbf16>, vector<2048x1xbf16>, vector<128x1xf32> -> vector<128x1xf32>
    %convert_element_type3A_473 = arith.fptosi %dot_general3A_472 : vector<128x1xf32> to vector<128x1xi32>
    %swap3A_474 = arith.constant 128 : index
    %swap3A_475 = arith.constant 0 : index
    %swap3A_476 = vector.load %arg11[%swap3A_474, %swap3A_475] : memref<2048x1xi32, #tpu.memory_space<vmem>>, vector<128x1xi32>
    tpu.vector_store %arg11[%swap3A_474, %swap3A_475], %convert_element_type3A_473 {strides = array<i32>} : memref<2048x1xi32, #tpu.memory_space<vmem>>, vector<128x1xi32>,
    %iota3A_477 = tpu.iota {dimensions = array<i32: 1>} : vector<2048x128xi32>
    %add3A_478 = arith.constant 256 : i32
    %add3A_479 = vector.broadcast %add3A_478 : i32 to vector<2048x128xi32>
    %add3A_480 = arith.addi %iota3A_477, %add3A_479 : vector<2048x128xi32>
    %get3A_481 = arith.constant 0 : index
    %get3A_482 = arith.constant 0 : index
    %get3A_483 = vector.load %arg1[%get3A_481, %get3A_482] : memref<2048x1xi32, #tpu.memory_space<vmem>>, vector<2048x1xi32>
    %eq3A_484 = vector.broadcast %get3A_483 : vector<2048x1xi32> to vector<2048x128xi32>
    %eq3A_485 = arith.cmpi eq, %eq3A_484, %add3A_480 : vector<2048x128xi32>
    %gt3A_486 = arith.cmpi sgt, %iota3A, %add3A_480 : vector<2048x128xi32>
    %and3A_487 = arith.andi %eq3A_485, %gt3A_486 : vector<2048x128xi1>
    %convert_element_type3A_488 = arith.extui %and3A_487 : vector<2048x128xi1> to vector<2048x128xi32>
    %convert_element_type3A_489 = arith.sitofp %convert_element_type3A_488 : vector<2048x128xi32> to vector<2048x128xf32>
    %convert_element_type3A_490 = arith.truncf %convert_element_type3A_489 : vector<2048x128xf32> to vector<2048x128xbf16>
    %mul3A_491 = vector.broadcast %convert_element_type3A_433 : vector<2048x1xbf16> to vector<2048x128xbf16>
    %mul3A_492 = arith.mulf %convert_element_type3A_490, %mul3A_491 : vector<2048x128xbf16>
    %dot_general3A_493 = arith.constant dense<0.000000e+00> : vector<128x1xf32>
    %dot_general3A_494 = tpu.matmul %mul3A_492, %broadcast_in_dim3A_0, %dot_general3A_493 {dimension_numbers = #tpu.dot_dimension_numbers<[0], [0], [1], [1], [0, 1, 1, 1], [], []>, transpose_lhs_hint = false} : vector<2048x128xbf16>, vector<2048x1xbf16>, vector<128x1xf32> -> vector<128x1xf32>
    %convert_element_type3A_495 = arith.fptosi %dot_general3A_494 : vector<128x1xf32> to vector<128x1xi32>
    %swap3A_496 = arith.constant 256 : index
    %swap3A_497 = arith.constant 0 : index
    %swap3A_498 = vector.load %arg11[%swap3A_496, %swap3A_497] : memref<2048x1xi32, #tpu.memory_space<vmem>>, vector<128x1xi32>
    tpu.vector_store %arg11[%swap3A_496, %swap3A_497], %convert_element_type3A_495 {strides = array<i32>} : memref<2048x1xi32, #tpu.memory_space<vmem>>, vector<128x1xi32>,
    %iota3A_499 = tpu.iota {dimensions = array<i32: 1>} : vector<2048x128xi32>
    %add3A_500 = arith.constant 384 : i32
    %add3A_501 = vector.broadcast %add3A_500 : i32 to vector<2048x128xi32>
    %add3A_502 = arith.addi %iota3A_499, %add3A_501 : vector<2048x128xi32>
    %get3A_503 = arith.constant 0 : index
    %get3A_504 = arith.constant 0 : index
    %get3A_505 = vector.load %arg1[%get3A_503, %get3A_504] : memref<2048x1xi32, #tpu.memory_space<vmem>>, vector<2048x1xi32>
    %eq3A_506 = vector.broadcast %get3A_505 : vector<2048x1xi32> to vector<2048x128xi32>
    %eq3A_507 = arith.cmpi eq, %eq3A_506, %add3A_502 : vector<2048x128xi32>
    %gt3A_508 = arith.cmpi sgt, %iota3A, %add3A_502 : vector<2048x128xi32>
    %and3A_509 = arith.andi %eq3A_507, %gt3A_508 : vector<2048x128xi1>
    %convert_element_type3A_510 = arith.extui %and3A_509 : vector<2048x128xi1> to vector<2048x128xi32>
    %convert_element_type3A_511 = arith.sitofp %convert_element_type3A_510 : vector<2048x128xi32> to vector<2048x128xf32>
    %convert_element_type3A_512 = arith.truncf %convert_element_type3A_511 : vector<2048x128xf32> to vector<2048x128xbf16>
    %mul3A_513 = vector.broadcast %convert_element_type3A_433 : vector<2048x1xbf16> to vector<2048x128xbf16>
    %mul3A_514 = arith.mulf %convert_element_type3A_512, %mul3A_513 : vector<2048x128xbf16>
    %dot_general3A_515 = arith.constant dense<0.000000e+00> : vector<128x1xf32>
    %dot_general3A_516 = tpu.matmul %mul3A_514, %broadcast_in_dim3A_0, %dot_general3A_515 {dimension_numbers = #tpu.dot_dimension_numbers<[0], [0], [1], [1], [0, 1, 1, 1], [], []>, transpose_lhs_hint = false} : vector<2048x128xbf16>, vector<2048x1xbf16>, vector<128x1xf32> -> vector<128x1xf32>
    %convert_element_type3A_517 = arith.fptosi %dot_general3A_516 : vector<128x1xf32> to vector<128x1xi32>
    %swap3A_518 = arith.constant 384 : index
    %swap3A_519 = arith.constant 0 : index
    %swap3A_520 = vector.load %arg11[%swap3A_518, %swap3A_519] : memref<2048x1xi32, #tpu.memory_space<vmem>>, vector<128x1xi32>
    tpu.vector_store %arg11[%swap3A_518, %swap3A_519], %convert_element_type3A_517 {strides = array<i32>} : memref<2048x1xi32, #tpu.memory_space<vmem>>, vector<128x1xi32>,
    %iota3A_521 = tpu.iota {dimensions = array<i32: 1>} : vector<2048x128xi32>
    %add3A_522 = arith.constant 512 : i32
    %add3A_523 = vector.broadcast %add3A_522 : i32 to vector<2048x128xi32>
    %add3A_524 = arith.addi %iota3A_521, %add3A_523 : vector<2048x128xi32>
    %get3A_525 = arith.constant 0 : index
    %get3A_526 = arith.constant 0 : index
    %get3A_527 = vector.load %arg1[%get3A_525, %get3A_526] : memref<2048x1xi32, #tpu.memory_space<vmem>>, vector<2048x1xi32>
    %eq3A_528 = vector.broadcast %get3A_527 : vector<2048x1xi32> to vector<2048x128xi32>
    %eq3A_529 = arith.cmpi eq, %eq3A_528, %add3A_524 : vector<2048x128xi32>
    %gt3A_530 = arith.cmpi sgt, %iota3A, %add3A_524 : vector<2048x128xi32>
    %and3A_531 = arith.andi %eq3A_529, %gt3A_530 : vector<2048x128xi1>
    %convert_element_type3A_532 = arith.extui %and3A_531 : vector<2048x128xi1> to vector<2048x128xi32>
    %convert_element_type3A_533 = arith.sitofp %convert_element_type3A_532 : vector<2048x128xi32> to vector<2048x128xf32>
    %convert_element_type3A_534 = arith.truncf %convert_element_type3A_533 : vector<2048x128xf32> to vector<2048x128xbf16>
    %mul3A_535 = vector.broadcast %convert_element_type3A_433 : vector<2048x1xbf16> to vector<2048x128xbf16>
    %mul3A_536 = arith.mulf %convert_element_type3A_534, %mul3A_535 : vector<2048x128xbf16>
    %dot_general3A_537 = arith.constant dense<0.000000e+00> : vector<128x1xf32>
    %dot_general3A_538 = tpu.matmul %mul3A_536, %broadcast_in_dim3A_0, %dot_general3A_537 {dimension_numbers = #tpu.dot_dimension_numbers<[0], [0], [1], [1], [0, 1, 1, 1], [], []>, transpose_lhs_hint = false} : vector<2048x128xbf16>, vector<2048x1xbf16>, vector<128x1xf32> -> vector<128x1xf32>
    %convert_element_type3A_539 = arith.fptosi %dot_general3A_538 : vector<128x1xf32> to vector<128x1xi32>
    %swap3A_540 = arith.constant 512 : index
    %swap3A_541 = arith.constant 0 : index
    %swap3A_542 = vector.load %arg11[%swap3A_540, %swap3A_541] : memref<2048x1xi32, #tpu.memory_space<vmem>>, vector<128x1xi32>
    tpu.vector_store %arg11[%swap3A_540, %swap3A_541], %convert_element_type3A_539 {strides = array<i32>} : memref<2048x1xi32, #tpu.memory_space<vmem>>, vector<128x1xi32>,
    %iota3A_543 = tpu.iota {dimensions = array<i32: 1>} : vector<2048x128xi32>
    %add3A_544 = arith.constant 640 : i32
    %add3A_545 = vector.broadcast %add3A_544 : i32 to vector<2048x128xi32>
    %add3A_546 = arith.addi %iota3A_543, %add3A_545 : vector<2048x128xi32>
    %get3A_547 = arith.constant 0 : index
    %get3A_548 = arith.constant 0 : index
    %get3A_549 = vector.load %arg1[%get3A_547, %get3A_548] : memref<2048x1xi32, #tpu.memory_space<vmem>>, vector<2048x1xi32>
    %eq3A_550 = vector.broadcast %get3A_549 : vector<2048x1xi32> to vector<2048x128xi32>
    %eq3A_551 = arith.cmpi eq, %eq3A_550, %add3A_546 : vector<2048x128xi32>
    %gt3A_552 = arith.cmpi sgt, %iota3A, %add3A_546 : vector<2048x128xi32>
    %and3A_553 = arith.andi %eq3A_551, %gt3A_552 : vector<2048x128xi1>
    %convert_element_type3A_554 = arith.extui %and3A_553 : vector<2048x128xi1> to vector<2048x128xi32>
    %convert_element_type3A_555 = arith.sitofp %convert_element_type3A_554 : vector<2048x128xi32> to vector<2048x128xf32>
    %convert_element_type3A_556 = arith.truncf %convert_element_type3A_555 : vector<2048x128xf32> to vector<2048x128xbf16>
    %mul3A_557 = vector.broadcast %convert_element_type3A_433 : vector<2048x1xbf16> to vector<2048x128xbf16>
    %mul3A_558 = arith.mulf %convert_element_type3A_556, %mul3A_557 : vector<2048x128xbf16>
    %dot_general3A_559 = arith.constant dense<0.000000e+00> : vector<128x1xf32>
    %dot_general3A_560 = tpu.matmul %mul3A_558, %broadcast_in_dim3A_0, %dot_general3A_559 {dimension_numbers = #tpu.dot_dimension_numbers<[0], [0], [1], [1], [0, 1, 1, 1], [], []>, transpose_lhs_hint = false} : vector<2048x128xbf16>, vector<2048x1xbf16>, vector<128x1xf32> -> vector<128x1xf32>
    %convert_element_type3A_561 = arith.fptosi %dot_general3A_560 : vector<128x1xf32> to vector<128x1xi32>
    %swap3A_562 = arith.constant 640 : index
    %swap3A_563 = arith.constant 0 : index
    %swap3A_564 = vector.load %arg11[%swap3A_562, %swap3A_563] : memref<2048x1xi32, #tpu.memory_space<vmem>>, vector<128x1xi32>
    tpu.vector_store %arg11[%swap3A_562, %swap3A_563], %convert_element_type3A_561 {strides = array<i32>} : memref<2048x1xi32, #tpu.memory_space<vmem>>, vector<128x1xi32>,
    %iota3A_565 = tpu.iota {dimensions = array<i32: 1>} : vector<2048x128xi32>
    %add3A_566 = arith.constant 768 : i32
    %add3A_567 = vector.broadcast %add3A_566 : i32 to vector<2048x128xi32>
    %add3A_568 = arith.addi %iota3A_565, %add3A_567 : vector<2048x128xi32>
    %get3A_569 = arith.constant 0 : index
    %get3A_570 = arith.constant 0 : index
    %get3A_571 = vector.load %arg1[%get3A_569, %get3A_570] : memref<2048x1xi32, #tpu.memory_space<vmem>>, vector<2048x1xi32>
    %eq3A_572 = vector.broadcast %get3A_571 : vector<2048x1xi32> to vector<2048x128xi32>
    %eq3A_573 = arith.cmpi eq, %eq3A_572, %add3A_568 : vector<2048x128xi32>
    %gt3A_574 = arith.cmpi sgt, %iota3A, %add3A_568 : vector<2048x128xi32>
    %and3A_575 = arith.andi %eq3A_573, %gt3A_574 : vector<2048x128xi1>
    %convert_element_type3A_576 = arith.extui %and3A_575 : vector<2048x128xi1> to vector<2048x128xi32>
    %convert_element_type3A_577 = arith.sitofp %convert_element_type3A_576 : vector<2048x128xi32> to vector<2048x128xf32>
    %convert_element_type3A_578 = arith.truncf %convert_element_type3A_577 : vector<2048x128xf32> to vector<2048x128xbf16>
    %mul3A_579 = vector.broadcast %convert_element_type3A_433 : vector<2048x1xbf16> to vector<2048x128xbf16>
    %mul3A_580 = arith.mulf %convert_element_type3A_578, %mul3A_579 : vector<2048x128xbf16>
    %dot_general3A_581 = arith.constant dense<0.000000e+00> : vector<128x1xf32>
    %dot_general3A_582 = tpu.matmul %mul3A_580, %broadcast_in_dim3A_0, %dot_general3A_581 {dimension_numbers = #tpu.dot_dimension_numbers<[0], [0], [1], [1], [0, 1, 1, 1], [], []>, transpose_lhs_hint = false} : vector<2048x128xbf16>, vector<2048x1xbf16>, vector<128x1xf32> -> vector<128x1xf32>
    %convert_element_type3A_583 = arith.fptosi %dot_general3A_582 : vector<128x1xf32> to vector<128x1xi32>
    %swap3A_584 = arith.constant 768 : index
    %swap3A_585 = arith.constant 0 : index
    %swap3A_586 = vector.load %arg11[%swap3A_584, %swap3A_585] : memref<2048x1xi32, #tpu.memory_space<vmem>>, vector<128x1xi32>
    tpu.vector_store %arg11[%swap3A_584, %swap3A_585], %convert_element_type3A_583 {strides = array<i32>} : memref<2048x1xi32, #tpu.memory_space<vmem>>, vector<128x1xi32>,
    %iota3A_587 = tpu.iota {dimensions = array<i32: 1>} : vector<2048x128xi32>
    %add3A_588 = arith.constant 896 : i32
    %add3A_589 = vector.broadcast %add3A_588 : i32 to vector<2048x128xi32>
    %add3A_590 = arith.addi %iota3A_587, %add3A_589 : vector<2048x128xi32>
    %get3A_591 = arith.constant 0 : index
    %get3A_592 = arith.constant 0 : index
    %get3A_593 = vector.load %arg1[%get3A_591, %get3A_592] : memref<2048x1xi32, #tpu.memory_space<vmem>>, vector<2048x1xi32>
    %eq3A_594 = vector.broadcast %get3A_593 : vector<2048x1xi32> to vector<2048x128xi32>
    %eq3A_595 = arith.cmpi eq, %eq3A_594, %add3A_590 : vector<2048x128xi32>
    %gt3A_596 = arith.cmpi sgt, %iota3A, %add3A_590 : vector<2048x128xi32>
    %and3A_597 = arith.andi %eq3A_595, %gt3A_596 : vector<2048x128xi1>
    %convert_element_type3A_598 = arith.extui %and3A_597 : vector<2048x128xi1> to vector<2048x128xi32>
    %convert_element_type3A_599 = arith.sitofp %convert_element_type3A_598 : vector<2048x128xi32> to vector<2048x128xf32>
    %convert_element_type3A_600 = arith.truncf %convert_element_type3A_599 : vector<2048x128xf32> to vector<2048x128xbf16>
    %mul3A_601 = vector.broadcast %convert_element_type3A_433 : vector<2048x1xbf16> to vector<2048x128xbf16>
    %mul3A_602 = arith.mulf %convert_element_type3A_600, %mul3A_601 : vector<2048x128xbf16>
    %dot_general3A_603 = arith.constant dense<0.000000e+00> : vector<128x1xf32>
    %dot_general3A_604 = tpu.matmul %mul3A_602, %broadcast_in_dim3A_0, %dot_general3A_603 {dimension_numbers = #tpu.dot_dimension_numbers<[0], [0], [1], [1], [0, 1, 1, 1], [], []>, transpose_lhs_hint = false} : vector<2048x128xbf16>, vector<2048x1xbf16>, vector<128x1xf32> -> vector<128x1xf32>
    %convert_element_type3A_605 = arith.fptosi %dot_general3A_604 : vector<128x1xf32> to vector<128x1xi32>
    %swap3A_606 = arith.constant 896 : index
    %swap3A_607 = arith.constant 0 : index
    %swap3A_608 = vector.load %arg11[%swap3A_606, %swap3A_607] : memref<2048x1xi32, #tpu.memory_space<vmem>>, vector<128x1xi32>
    tpu.vector_store %arg11[%swap3A_606, %swap3A_607], %convert_element_type3A_605 {strides = array<i32>} : memref<2048x1xi32, #tpu.memory_space<vmem>>, vector<128x1xi32>,
    %iota3A_609 = tpu.iota {dimensions = array<i32: 1>} : vector<2048x128xi32>
    %add3A_610 = arith.constant 1024 : i32
    %add3A_611 = vector.broadcast %add3A_610 : i32 to vector<2048x128xi32>
    %add3A_612 = arith.addi %iota3A_609, %add3A_611 : vector<2048x128xi32>
    %get3A_613 = arith.constant 0 : index
    %get3A_614 = arith.constant 0 : index
    %get3A_615 = vector.load %arg1[%get3A_613, %get3A_614] : memref<2048x1xi32, #tpu.memory_space<vmem>>, vector<2048x1xi32>
    %eq3A_616 = vector.broadcast %get3A_615 : vector<2048x1xi32> to vector<2048x128xi32>
    %eq3A_617 = arith.cmpi eq, %eq3A_616, %add3A_612 : vector<2048x128xi32>
    %gt3A_618 = arith.cmpi sgt, %iota3A, %add3A_612 : vector<2048x128xi32>
    %and3A_619 = arith.andi %eq3A_617, %gt3A_618 : vector<2048x128xi1>
    %convert_element_type3A_620 = arith.extui %and3A_619 : vector<2048x128xi1> to vector<2048x128xi32>
    %convert_element_type3A_621 = arith.sitofp %convert_element_type3A_620 : vector<2048x128xi32> to vector<2048x128xf32>
    %convert_element_type3A_622 = arith.truncf %convert_element_type3A_621 : vector<2048x128xf32> to vector<2048x128xbf16>
    %mul3A_623 = vector.broadcast %convert_element_type3A_433 : vector<2048x1xbf16> to vector<2048x128xbf16>
    %mul3A_624 = arith.mulf %convert_element_type3A_622, %mul3A_623 : vector<2048x128xbf16>
    %dot_general3A_625 = arith.constant dense<0.000000e+00> : vector<128x1xf32>
    %dot_general3A_626 = tpu.matmul %mul3A_624, %broadcast_in_dim3A_0, %dot_general3A_625 {dimension_numbers = #tpu.dot_dimension_numbers<[0], [0], [1], [1], [0, 1, 1, 1], [], []>, transpose_lhs_hint = false} : vector<2048x128xbf16>, vector<2048x1xbf16>, vector<128x1xf32> -> vector<128x1xf32>
    %convert_element_type3A_627 = arith.fptosi %dot_general3A_626 : vector<128x1xf32> to vector<128x1xi32>
    %swap3A_628 = arith.constant 1024 : index
    %swap3A_629 = arith.constant 0 : index
    %swap3A_630 = vector.load %arg11[%swap3A_628, %swap3A_629] : memref<2048x1xi32, #tpu.memory_space<vmem>>, vector<128x1xi32>
    tpu.vector_store %arg11[%swap3A_628, %swap3A_629], %convert_element_type3A_627 {strides = array<i32>} : memref<2048x1xi32, #tpu.memory_space<vmem>>, vector<128x1xi32>,
    %iota3A_631 = tpu.iota {dimensions = array<i32: 1>} : vector<2048x128xi32>
    %add3A_632 = arith.constant 1152 : i32
    %add3A_633 = vector.broadcast %add3A_632 : i32 to vector<2048x128xi32>
    %add3A_634 = arith.addi %iota3A_631, %add3A_633 : vector<2048x128xi32>
    %get3A_635 = arith.constant 0 : index
    %get3A_636 = arith.constant 0 : index
    %get3A_637 = vector.load %arg1[%get3A_635, %get3A_636] : memref<2048x1xi32, #tpu.memory_space<vmem>>, vector<2048x1xi32>
    %eq3A_638 = vector.broadcast %get3A_637 : vector<2048x1xi32> to vector<2048x128xi32>
    %eq3A_639 = arith.cmpi eq, %eq3A_638, %add3A_634 : vector<2048x128xi32>
    %gt3A_640 = arith.cmpi sgt, %iota3A, %add3A_634 : vector<2048x128xi32>
    %and3A_641 = arith.andi %eq3A_639, %gt3A_640 : vector<2048x128xi1>
    %convert_element_type3A_642 = arith.extui %and3A_641 : vector<2048x128xi1> to vector<2048x128xi32>
    %convert_element_type3A_643 = arith.sitofp %convert_element_type3A_642 : vector<2048x128xi32> to vector<2048x128xf32>
    %convert_element_type3A_644 = arith.truncf %convert_element_type3A_643 : vector<2048x128xf32> to vector<2048x128xbf16>
    %mul3A_645 = vector.broadcast %convert_element_type3A_433 : vector<2048x1xbf16> to vector<2048x128xbf16>
    %mul3A_646 = arith.mulf %convert_element_type3A_644, %mul3A_645 : vector<2048x128xbf16>
    %dot_general3A_647 = arith.constant dense<0.000000e+00> : vector<128x1xf32>
    %dot_general3A_648 = tpu.matmul %mul3A_646, %broadcast_in_dim3A_0, %dot_general3A_647 {dimension_numbers = #tpu.dot_dimension_numbers<[0], [0], [1], [1], [0, 1, 1, 1], [], []>, transpose_lhs_hint = false} : vector<2048x128xbf16>, vector<2048x1xbf16>, vector<128x1xf32> -> vector<128x1xf32>
    %convert_element_type3A_649 = arith.fptosi %dot_general3A_648 : vector<128x1xf32> to vector<128x1xi32>
    %swap3A_650 = arith.constant 1152 : index
    %swap3A_651 = arith.constant 0 : index
    %swap3A_652 = vector.load %arg11[%swap3A_650, %swap3A_651] : memref<2048x1xi32, #tpu.memory_space<vmem>>, vector<128x1xi32>
    tpu.vector_store %arg11[%swap3A_650, %swap3A_651], %convert_element_type3A_649 {strides = array<i32>} : memref<2048x1xi32, #tpu.memory_space<vmem>>, vector<128x1xi32>,
    %iota3A_653 = tpu.iota {dimensions = array<i32: 1>} : vector<2048x128xi32>
    %add3A_654 = arith.constant 1280 : i32
    %add3A_655 = vector.broadcast %add3A_654 : i32 to vector<2048x128xi32>
    %add3A_656 = arith.addi %iota3A_653, %add3A_655 : vector<2048x128xi32>
    %get3A_657 = arith.constant 0 : index
    %get3A_658 = arith.constant 0 : index
    %get3A_659 = vector.load %arg1[%get3A_657, %get3A_658] : memref<2048x1xi32, #tpu.memory_space<vmem>>, vector<2048x1xi32>
    %eq3A_660 = vector.broadcast %get3A_659 : vector<2048x1xi32> to vector<2048x128xi32>
    %eq3A_661 = arith.cmpi eq, %eq3A_660, %add3A_656 : vector<2048x128xi32>
    %gt3A_662 = arith.cmpi sgt, %iota3A, %add3A_656 : vector<2048x128xi32>
    %and3A_663 = arith.andi %eq3A_661, %gt3A_662 : vector<2048x128xi1>
    %convert_element_type3A_664 = arith.extui %and3A_663 : vector<2048x128xi1> to vector<2048x128xi32>
    %convert_element_type3A_665 = arith.sitofp %convert_element_type3A_664 : vector<2048x128xi32> to vector<2048x128xf32>
    %convert_element_type3A_666 = arith.truncf %convert_element_type3A_665 : vector<2048x128xf32> to vector<2048x128xbf16>
    %mul3A_667 = vector.broadcast %convert_element_type3A_433 : vector<2048x1xbf16> to vector<2048x128xbf16>
    %mul3A_668 = arith.mulf %convert_element_type3A_666, %mul3A_667 : vector<2048x128xbf16>
    %dot_general3A_669 = arith.constant dense<0.000000e+00> : vector<128x1xf32>
    %dot_general3A_670 = tpu.matmul %mul3A_668, %broadcast_in_dim3A_0, %dot_general3A_669 {dimension_numbers = #tpu.dot_dimension_numbers<[0], [0], [1], [1], [0, 1, 1, 1], [], []>, transpose_lhs_hint = false} : vector<2048x128xbf16>, vector<2048x1xbf16>, vector<128x1xf32> -> vector<128x1xf32>
    %convert_element_type3A_671 = arith.fptosi %dot_general3A_670 : vector<128x1xf32> to vector<128x1xi32>
    %swap3A_672 = arith.constant 1280 : index
    %swap3A_673 = arith.constant 0 : index
    %swap3A_674 = vector.load %arg11[%swap3A_672, %swap3A_673] : memref<2048x1xi32, #tpu.memory_space<vmem>>, vector<128x1xi32>
    tpu.vector_store %arg11[%swap3A_672, %swap3A_673], %convert_element_type3A_671 {strides = array<i32>} : memref<2048x1xi32, #tpu.memory_space<vmem>>, vector<128x1xi32>,
    %iota3A_675 = tpu.iota {dimensions = array<i32: 1>} : vector<2048x128xi32>
    %add3A_676 = arith.constant 1408 : i32
    %add3A_677 = vector.broadcast %add3A_676 : i32 to vector<2048x128xi32>
    %add3A_678 = arith.addi %iota3A_675, %add3A_677 : vector<2048x128xi32>
    %get3A_679 = arith.constant 0 : index
    %get3A_680 = arith.constant 0 : index
    %get3A_681 = vector.load %arg1[%get3A_679, %get3A_680] : memref<2048x1xi32, #tpu.memory_space<vmem>>, vector<2048x1xi32>
    %eq3A_682 = vector.broadcast %get3A_681 : vector<2048x1xi32> to vector<2048x128xi32>
    %eq3A_683 = arith.cmpi eq, %eq3A_682, %add3A_678 : vector<2048x128xi32>
    %gt3A_684 = arith.cmpi sgt, %iota3A, %add3A_678 : vector<2048x128xi32>
    %and3A_685 = arith.andi %eq3A_683, %gt3A_684 : vector<2048x128xi1>
    %convert_element_type3A_686 = arith.extui %and3A_685 : vector<2048x128xi1> to vector<2048x128xi32>
    %convert_element_type3A_687 = arith.sitofp %convert_element_type3A_686 : vector<2048x128xi32> to vector<2048x128xf32>
    %convert_element_type3A_688 = arith.truncf %convert_element_type3A_687 : vector<2048x128xf32> to vector<2048x128xbf16>
    %mul3A_689 = vector.broadcast %convert_element_type3A_433 : vector<2048x1xbf16> to vector<2048x128xbf16>
    %mul3A_690 = arith.mulf %convert_element_type3A_688, %mul3A_689 : vector<2048x128xbf16>
    %dot_general3A_691 = arith.constant dense<0.000000e+00> : vector<128x1xf32>
    %dot_general3A_692 = tpu.matmul %mul3A_690, %broadcast_in_dim3A_0, %dot_general3A_691 {dimension_numbers = #tpu.dot_dimension_numbers<[0], [0], [1], [1], [0, 1, 1, 1], [], []>, transpose_lhs_hint = false} : vector<2048x128xbf16>, vector<2048x1xbf16>, vector<128x1xf32> -> vector<128x1xf32>
    %convert_element_type3A_693 = arith.fptosi %dot_general3A_692 : vector<128x1xf32> to vector<128x1xi32>
    %swap3A_694 = arith.constant 1408 : index
    %swap3A_695 = arith.constant 0 : index
    %swap3A_696 = vector.load %arg11[%swap3A_694, %swap3A_695] : memref<2048x1xi32, #tpu.memory_space<vmem>>, vector<128x1xi32>
    tpu.vector_store %arg11[%swap3A_694, %swap3A_695], %convert_element_type3A_693 {strides = array<i32>} : memref<2048x1xi32, #tpu.memory_space<vmem>>, vector<128x1xi32>,
    %iota3A_697 = tpu.iota {dimensions = array<i32: 1>} : vector<2048x128xi32>
    %add3A_698 = arith.constant 1536 : i32
    %add3A_699 = vector.broadcast %add3A_698 : i32 to vector<2048x128xi32>
    %add3A_700 = arith.addi %iota3A_697, %add3A_699 : vector<2048x128xi32>
    %get3A_701 = arith.constant 0 : index
    %get3A_702 = arith.constant 0 : index
    %get3A_703 = vector.load %arg1[%get3A_701, %get3A_702] : memref<2048x1xi32, #tpu.memory_space<vmem>>, vector<2048x1xi32>
    %eq3A_704 = vector.broadcast %get3A_703 : vector<2048x1xi32> to vector<2048x128xi32>
    %eq3A_705 = arith.cmpi eq, %eq3A_704, %add3A_700 : vector<2048x128xi32>
    %gt3A_706 = arith.cmpi sgt, %iota3A, %add3A_700 : vector<2048x128xi32>
    %and3A_707 = arith.andi %eq3A_705, %gt3A_706 : vector<2048x128xi1>
    %convert_element_type3A_708 = arith.extui %and3A_707 : vector<2048x128xi1> to vector<2048x128xi32>
    %convert_element_type3A_709 = arith.sitofp %convert_element_type3A_708 : vector<2048x128xi32> to vector<2048x128xf32>
    %convert_element_type3A_710 = arith.truncf %convert_element_type3A_709 : vector<2048x128xf32> to vector<2048x128xbf16>
    %mul3A_711 = vector.broadcast %convert_element_type3A_433 : vector<2048x1xbf16> to vector<2048x128xbf16>
    %mul3A_712 = arith.mulf %convert_element_type3A_710, %mul3A_711 : vector<2048x128xbf16>
    %dot_general3A_713 = arith.constant dense<0.000000e+00> : vector<128x1xf32>
    %dot_general3A_714 = tpu.matmul %mul3A_712, %broadcast_in_dim3A_0, %dot_general3A_713 {dimension_numbers = #tpu.dot_dimension_numbers<[0], [0], [1], [1], [0, 1, 1, 1], [], []>, transpose_lhs_hint = false} : vector<2048x128xbf16>, vector<2048x1xbf16>, vector<128x1xf32> -> vector<128x1xf32>
    %convert_element_type3A_715 = arith.fptosi %dot_general3A_714 : vector<128x1xf32> to vector<128x1xi32>
    %swap3A_716 = arith.constant 1536 : index
    %swap3A_717 = arith.constant 0 : index
    %swap3A_718 = vector.load %arg11[%swap3A_716, %swap3A_717] : memref<2048x1xi32, #tpu.memory_space<vmem>>, vector<128x1xi32>
    tpu.vector_store %arg11[%swap3A_716, %swap3A_717], %convert_element_type3A_715 {strides = array<i32>} : memref<2048x1xi32, #tpu.memory_space<vmem>>, vector<128x1xi32>,
    %iota3A_719 = tpu.iota {dimensions = array<i32: 1>} : vector<2048x128xi32>
    %add3A_720 = arith.constant 1664 : i32
    %add3A_721 = vector.broadcast %add3A_720 : i32 to vector<2048x128xi32>
    %add3A_722 = arith.addi %iota3A_719, %add3A_721 : vector<2048x128xi32>
    %get3A_723 = arith.constant 0 : index
    %get3A_724 = arith.constant 0 : index
    %get3A_725 = vector.load %arg1[%get3A_723, %get3A_724] : memref<2048x1xi32, #tpu.memory_space<vmem>>, vector<2048x1xi32>
    %eq3A_726 = vector.broadcast %get3A_725 : vector<2048x1xi32> to vector<2048x128xi32>
    %eq3A_727 = arith.cmpi eq, %eq3A_726, %add3A_722 : vector<2048x128xi32>
    %gt3A_728 = arith.cmpi sgt, %iota3A, %add3A_722 : vector<2048x128xi32>
    %and3A_729 = arith.andi %eq3A_727, %gt3A_728 : vector<2048x128xi1>
    %convert_element_type3A_730 = arith.extui %and3A_729 : vector<2048x128xi1> to vector<2048x128xi32>
    %convert_element_type3A_731 = arith.sitofp %convert_element_type3A_730 : vector<2048x128xi32> to vector<2048x128xf32>
    %convert_element_type3A_732 = arith.truncf %convert_element_type3A_731 : vector<2048x128xf32> to vector<2048x128xbf16>
    %mul3A_733 = vector.broadcast %convert_element_type3A_433 : vector<2048x1xbf16> to vector<2048x128xbf16>
    %mul3A_734 = arith.mulf %convert_element_type3A_732, %mul3A_733 : vector<2048x128xbf16>
    %dot_general3A_735 = arith.constant dense<0.000000e+00> : vector<128x1xf32>
    %dot_general3A_736 = tpu.matmul %mul3A_734, %broadcast_in_dim3A_0, %dot_general3A_735 {dimension_numbers = #tpu.dot_dimension_numbers<[0], [0], [1], [1], [0, 1, 1, 1], [], []>, transpose_lhs_hint = false} : vector<2048x128xbf16>, vector<2048x1xbf16>, vector<128x1xf32> -> vector<128x1xf32>
    %convert_element_type3A_737 = arith.fptosi %dot_general3A_736 : vector<128x1xf32> to vector<128x1xi32>
    %swap3A_738 = arith.constant 1664 : index
    %swap3A_739 = arith.constant 0 : index
    %swap3A_740 = vector.load %arg11[%swap3A_738, %swap3A_739] : memref<2048x1xi32, #tpu.memory_space<vmem>>, vector<128x1xi32>
    tpu.vector_store %arg11[%swap3A_738, %swap3A_739], %convert_element_type3A_737 {strides = array<i32>} : memref<2048x1xi32, #tpu.memory_space<vmem>>, vector<128x1xi32>,
    %iota3A_741 = tpu.iota {dimensions = array<i32: 1>} : vector<2048x128xi32>
    %add3A_742 = arith.constant 1792 : i32
    %add3A_743 = vector.broadcast %add3A_742 : i32 to vector<2048x128xi32>
    %add3A_744 = arith.addi %iota3A_741, %add3A_743 : vector<2048x128xi32>
    %get3A_745 = arith.constant 0 : index
    %get3A_746 = arith.constant 0 : index
    %get3A_747 = vector.load %arg1[%get3A_745, %get3A_746] : memref<2048x1xi32, #tpu.memory_space<vmem>>, vector<2048x1xi32>
    %eq3A_748 = vector.broadcast %get3A_747 : vector<2048x1xi32> to vector<2048x128xi32>
    %eq3A_749 = arith.cmpi eq, %eq3A_748, %add3A_744 : vector<2048x128xi32>
    %gt3A_750 = arith.cmpi sgt, %iota3A, %add3A_744 : vector<2048x128xi32>
    %and3A_751 = arith.andi %eq3A_749, %gt3A_750 : vector<2048x128xi1>
    %convert_element_type3A_752 = arith.extui %and3A_751 : vector<2048x128xi1> to vector<2048x128xi32>
    %convert_element_type3A_753 = arith.sitofp %convert_element_type3A_752 : vector<2048x128xi32> to vector<2048x128xf32>
    %convert_element_type3A_754 = arith.truncf %convert_element_type3A_753 : vector<2048x128xf32> to vector<2048x128xbf16>
    %mul3A_755 = vector.broadcast %convert_element_type3A_433 : vector<2048x1xbf16> to vector<2048x128xbf16>
    %mul3A_756 = arith.mulf %convert_element_type3A_754, %mul3A_755 : vector<2048x128xbf16>
    %dot_general3A_757 = arith.constant dense<0.000000e+00> : vector<128x1xf32>
    %dot_general3A_758 = tpu.matmul %mul3A_756, %broadcast_in_dim3A_0, %dot_general3A_757 {dimension_numbers = #tpu.dot_dimension_numbers<[0], [0], [1], [1], [0, 1, 1, 1], [], []>, transpose_lhs_hint = false} : vector<2048x128xbf16>, vector<2048x1xbf16>, vector<128x1xf32> -> vector<128x1xf32>
    %convert_element_type3A_759 = arith.fptosi %dot_general3A_758 : vector<128x1xf32> to vector<128x1xi32>
    %swap3A_760 = arith.constant 1792 : index
    %swap3A_761 = arith.constant 0 : index
    %swap3A_762 = vector.load %arg11[%swap3A_760, %swap3A_761] : memref<2048x1xi32, #tpu.memory_space<vmem>>, vector<128x1xi32>
    tpu.vector_store %arg11[%swap3A_760, %swap3A_761], %convert_element_type3A_759 {strides = array<i32>} : memref<2048x1xi32, #tpu.memory_space<vmem>>, vector<128x1xi32>,
    %iota3A_763 = tpu.iota {dimensions = array<i32: 1>} : vector<2048x128xi32>
    %add3A_764 = arith.constant 1920 : i32
    %add3A_765 = vector.broadcast %add3A_764 : i32 to vector<2048x128xi32>
    %add3A_766 = arith.addi %iota3A_763, %add3A_765 : vector<2048x128xi32>
    %get3A_767 = arith.constant 0 : index
    %get3A_768 = arith.constant 0 : index
    %get3A_769 = vector.load %arg1[%get3A_767, %get3A_768] : memref<2048x1xi32, #tpu.memory_space<vmem>>, vector<2048x1xi32>
    %eq3A_770 = vector.broadcast %get3A_769 : vector<2048x1xi32> to vector<2048x128xi32>
    %eq3A_771 = arith.cmpi eq, %eq3A_770, %add3A_766 : vector<2048x128xi32>
    %gt3A_772 = arith.cmpi sgt, %iota3A, %add3A_766 : vector<2048x128xi32>
    %and3A_773 = arith.andi %eq3A_771, %gt3A_772 : vector<2048x128xi1>
    %convert_element_type3A_774 = arith.extui %and3A_773 : vector<2048x128xi1> to vector<2048x128xi32>
    %convert_element_type3A_775 = arith.sitofp %convert_element_type3A_774 : vector<2048x128xi32> to vector<2048x128xf32>
    %convert_element_type3A_776 = arith.truncf %convert_element_type3A_775 : vector<2048x128xf32> to vector<2048x128xbf16>
    %mul3A_777 = vector.broadcast %convert_element_type3A_433 : vector<2048x1xbf16> to vector<2048x128xbf16>
    %mul3A_778 = arith.mulf %convert_element_type3A_776, %mul3A_777 : vector<2048x128xbf16>
    %dot_general3A_779 = arith.constant dense<0.000000e+00> : vector<128x1xf32>
    %dot_general3A_780 = tpu.matmul %mul3A_778, %broadcast_in_dim3A_0, %dot_general3A_779 {dimension_numbers = #tpu.dot_dimension_numbers<[0], [0], [1], [1], [0, 1, 1, 1], [], []>, transpose_lhs_hint = false} : vector<2048x128xbf16>, vector<2048x1xbf16>, vector<128x1xf32> -> vector<128x1xf32>
    %convert_element_type3A_781 = arith.fptosi %dot_general3A_780 : vector<128x1xf32> to vector<128x1xi32>
    %swap3A_782 = arith.constant 1920 : index
    %swap3A_783 = arith.constant 0 : index
    %swap3A_784 = vector.load %arg11[%swap3A_782, %swap3A_783] : memref<2048x1xi32, #tpu.memory_space<vmem>>, vector<128x1xi32>
    tpu.vector_store %arg11[%swap3A_782, %swap3A_783], %convert_element_type3A_781 {strides = array<i32>} : memref<2048x1xi32, #tpu.memory_space<vmem>>, vector<128x1xi32>,
    %get3A_785 = arith.constant 0 : index
    %get3A_786 = arith.constant 0 : index
    %get3A_787 = vector.load %arg11[%get3A_785, %get3A_786] : memref<2048x1xi32, #tpu.memory_space<vmem>>, vector<2048x1xi32>
    %convert_element_type3A_788 = arith.sitofp %get3A_787 : vector<2048x1xi32> to vector<2048x1xf32>
    %get3A_789 = arith.constant 0 : index
    %get3A_790 = arith.constant 0 : index
    %get3A_791 = vector.load %arg13[%get3A_789, %get3A_790] : memref<2048x1xf32, #tpu.memory_space<vmem>>, vector<2048x1xf32>
    %eq3A_792 = arith.constant 0.000000e+00 : f32
    %eq3A_793 = vector.broadcast %eq3A_792 : f32 to vector<2048x1xf32>
    %eq3A_794 = arith.cmpf oeq, %get3A_791, %eq3A_793 : vector<2048x1xf32>
    %not3A = arith.constant dense<true> : vector<2048x1xi1>
    %not3A_795 = arith.xori %eq3A_794, %not3A : vector<2048x1xi1>
    %eq3A_796 = arith.constant 0.000000e+00 : f32
    %eq3A_797 = vector.broadcast %eq3A_796 : f32 to vector<2048x1xf32>
    %eq3A_798 = arith.cmpf oeq, %convert_element_type3A_788, %eq3A_797 : vector<2048x1xf32>
    %and3A_799 = arith.andi %not3A_795, %eq3A_798 : vector<2048x1xi1>
    %jit3A = arith.constant 1 : i32
    %jit3A_800 = arith.constant 2 : i32
    %broadcast_in_dim3A_801 = vector.broadcast %jit3A : i32 to vector<2048x1xi32>
    %broadcast_in_dim3A_802 = vector.broadcast %jit3A_800 : i32 to vector<2048x1xi32>
    %select_n3A = arith.select %and3A_799, %broadcast_in_dim3A_801, %broadcast_in_dim3A_802 : vector<2048x1xi1>, vector<2048x1xi32>
    %jit3A_803 = arith.constant 0 : i32
    %broadcast_in_dim3A_804 = vector.broadcast %jit3A_803 : i32 to vector<2048x1xi32>
    %select_n3A_805 = arith.select %eq3A_794, %broadcast_in_dim3A_804, %select_n3A : vector<2048x1xi1>, vector<2048x1xi32>
    %swap3A_806 = arith.constant 0 : index
    %swap3A_807 = arith.constant 0 : index
    %swap3A_808 = vector.load %arg11[%swap3A_806, %swap3A_807] : memref<2048x1xi32, #tpu.memory_space<vmem>>, vector<2048x1xi32>
    tpu.vector_store %arg11[%swap3A_806, %swap3A_807], %select_n3A_805 {strides = array<i32>} : memref<2048x1xi32, #tpu.memory_space<vmem>>, vector<2048x1xi32>,
    %get3A_809 = arith.constant 0 : index
    %get3A_810 = arith.constant 0 : index
    %get3A_811 = vector.load %arg0[%get3A_809, %get3A_810] : memref<2048x128xf32, #tpu.memory_space<vmem>>, vector<2048x128xf32>
    %get3A_812 = arith.constant 0 : index
    %get3A_813 = arith.constant 0 : index
    %get3A_814 = vector.load %arg2[%get3A_812, %get3A_813] : memref<384x128xf32, #tpu.memory_space<vmem>>, vector<384x128xf32>
    %dot_general3A_815 = arith.constant dense<0.000000e+00> : vector<2048x384xf32>
    %dot_general3A_816 = tpu.matmul %get3A_811, %get3A_814, %dot_general3A_815 {dimension_numbers = #tpu.dot_dimension_numbers<[1], [1], [0], [0], [0, 0, 1, 0], [], []>, transpose_lhs_hint = false} : vector<2048x128xf32>, vector<384x128xf32>, vector<2048x384xf32> -> vector<2048x384xf32>
    %swap3A_817 = arith.constant 0 : index
    %swap3A_818 = arith.constant 0 : index
    %swap3A_819 = vector.load %arg5[%swap3A_817, %swap3A_818] : memref<2048x384xf32, #tpu.memory_space<vmem>>, vector<2048x384xf32>
    tpu.vector_store %arg5[%swap3A_817, %swap3A_818], %dot_general3A_816 {strides = array<i32>} : memref<2048x384xf32, #tpu.memory_space<vmem>>, vector<2048x384xf32>,
    %get3A_820 = arith.constant 0 : index
    %get3A_821 = arith.constant 0 : index
    %get3A_822 = vector.load %arg0[%get3A_820, %get3A_821] : memref<2048x128xf32, #tpu.memory_space<vmem>>, vector<2048x128xf32>
    %get3A_823 = arith.constant 0 : index
    %get3A_824 = arith.constant 0 : index
    %get3A_825 = vector.load %arg3[%get3A_823, %get3A_824] : memref<128x128xf32, #tpu.memory_space<vmem>>, vector<128x128xf32>
    %dot_general3A_826 = arith.constant dense<0.000000e+00> : vector<2048x128xf32>
    %dot_general3A_827 = tpu.matmul %get3A_822, %get3A_825, %dot_general3A_826 {dimension_numbers = #tpu.dot_dimension_numbers<[1], [1], [0], [0], [0, 0, 1, 0], [], []>, transpose_lhs_hint = false} : vector<2048x128xf32>, vector<128x128xf32>, vector<2048x128xf32> -> vector<2048x128xf32>
    %swap3A_828 = arith.constant 0 : index
    %swap3A_829 = arith.constant 0 : index
    %swap3A_830 = vector.load %arg6[%swap3A_828, %swap3A_829] : memref<2048x128xf32, #tpu.memory_space<vmem>>, vector<2048x128xf32>
    tpu.vector_store %arg6[%swap3A_828, %swap3A_829], %dot_general3A_827 {strides = array<i32>} : memref<2048x128xf32, #tpu.memory_space<vmem>>, vector<2048x128xf32>,
    %get3A_831 = arith.constant 0 : index
    %get3A_832 = arith.constant 0 : index
    %get3A_833 = vector.load %arg5[%get3A_831, %get3A_832] : memref<2048x384xf32, #tpu.memory_space<vmem>>, vector<2048x384xf32>
    %slice3A = vector.extract_strided_slice %get3A_833 {offsets = [0, 0], sizes = [2048, 128], strides = [1, 1]} : vector<2048x384xf32> to vector<2048x128xf32>
    %logistic3A = arith.negf %slice3A : vector<2048x128xf32>
    %logistic3A_834 = math.exp %logistic3A : vector<2048x128xf32>
    %logistic3A_835 = arith.constant 1.000000e+00 : f32
    %logistic3A_836 = vector.broadcast %logistic3A_835 : f32 to vector<2048x128xf32>
    %logistic3A_837 = arith.addf %logistic3A_836, %logistic3A_834 : vector<2048x128xf32>
    %logistic3A_838 = arith.divf %logistic3A_836, %logistic3A_837 : vector<2048x128xf32>
    %slice3A_839 = vector.extract_strided_slice %get3A_833 {offsets = [0, 128], sizes = [2048, 128], strides = [1, 1]} : vector<2048x384xf32> to vector<2048x128xf32>
    %logistic3A_840 = arith.negf %slice3A_839 : vector<2048x128xf32>
    %logistic3A_841 = math.exp %logistic3A_840 : vector<2048x128xf32>
    %logistic3A_842 = arith.constant 1.000000e+00 : f32
    %logistic3A_843 = vector.broadcast %logistic3A_842 : f32 to vector<2048x128xf32>
    %logistic3A_844 = arith.addf %logistic3A_843, %logistic3A_841 : vector<2048x128xf32>
    %logistic3A_845 = arith.divf %logistic3A_843, %logistic3A_844 : vector<2048x128xf32>
    %slice3A_846 = vector.extract_strided_slice %get3A_833 {offsets = [0, 256], sizes = [2048, 128], strides = [1, 1]} : vector<2048x384xf32> to vector<2048x128xf32>
    %tanh3A = math.tanh %slice3A_846 : vector<2048x128xf32>
    %mul3A_847 = arith.mulf %logistic3A_838, %tanh3A : vector<2048x128xf32>
    %add3A_848 = arith.constant 0.000000e+00 : f32
    %add3A_849 = vector.broadcast %add3A_848 : f32 to vector<2048x128xf32>
    %add3A_850 = arith.addf %mul3A_847, %add3A_849 : vector<2048x128xf32>
    %tanh3A_851 = math.tanh %add3A_850 : vector<2048x128xf32>
    %mul3A_852 = arith.mulf %logistic3A_845, %tanh3A_851 : vector<2048x128xf32>
    %get3A_853 = arith.constant 0 : index
    %get3A_854 = arith.constant 0 : index
    %get3A_855 = vector.load %arg12[%get3A_853, %get3A_854] : memref<2048x1xf32, #tpu.memory_space<vmem>>, vector<2048x1xf32>
    %eq3A_856 = arith.constant 0.000000e+00 : f32
    %eq3A_857 = vector.broadcast %eq3A_856 : f32 to vector<2048x1xf32>
    %eq3A_858 = arith.cmpf oeq, %get3A_855, %eq3A_857 : vector<2048x1xf32>
    %get3A_859 = arith.constant 0 : index
    %get3A_860 = arith.constant 0 : index
    %get3A_861 = vector.load %arg0[%get3A_859, %get3A_860] : memref<2048x128xf32, #tpu.memory_space<vmem>>, vector<2048x128xf32>
    %tanh3A_862 = math.tanh %get3A_861 : vector<2048x128xf32>
    %broadcast_in_dim3A_863 = vector.shape_cast %eq3A_858 : vector<2048x1xi1> to vector<2048x1xi1>
    %broadcast_in_dim3A_864 = vector.broadcast %broadcast_in_dim3A_863 : vector<2048x1xi1> to vector<2048x128xi1>
    %select_n3A_865 = arith.select %broadcast_in_dim3A_864, %tanh3A_862, %add3A_850 : vector<2048x128xi1>, vector<2048x128xf32>
    %broadcast_in_dim3A_866 = vector.shape_cast %eq3A_858 : vector<2048x1xi1> to vector<2048x1xi1>
    %broadcast_in_dim3A_867 = vector.broadcast %broadcast_in_dim3A_866 : vector<2048x1xi1> to vector<2048x128xi1>
    %select_n3A_868 = arith.select %broadcast_in_dim3A_867, %get3A_861, %mul3A_852 : vector<2048x128xi1>, vector<2048x128xf32>
    %get3A_869 = arith.constant 0 : index
    %get3A_870 = arith.constant 0 : index
    %get3A_871 = vector.load %arg11[%get3A_869, %get3A_870] : memref<2048x1xi32, #tpu.memory_space<vmem>>, vector<2048x1xi32>
    %eq3A_872 = arith.constant 0 : i32
    %eq3A_873 = vector.broadcast %eq3A_872 : i32 to vector<2048x1xi32>
    %eq3A_874 = arith.cmpi eq, %get3A_871, %eq3A_873 : vector<2048x1xi32>
    %iota3A_875 = tpu.iota {dimensions = array<i32: 0>} : vector<2048x1xi32>
    %eq3A_876 = arith.constant 0 : i32
    %eq3A_877 = vector.broadcast %eq3A_876 : i32 to vector<2048x1xi32>
    %eq3A_878 = arith.cmpi eq, %get3A_871, %eq3A_877 : vector<2048x1xi32>
    %get3A_879 = arith.constant 0 : index
    %get3A_880 = arith.constant 0 : index
    %get3A_881 = vector.load %arg1[%get3A_879, %get3A_880] : memref<2048x1xi32, #tpu.memory_space<vmem>>, vector<2048x1xi32>
    %lt3A = arith.cmpi slt, %get3A_881, %iota3A_875 : vector<2048x1xi32>
    %and3A_882 = arith.andi %eq3A_878, %lt3A : vector<2048x1xi1>
    %convert_element_type3A_883 = arith.extui %and3A_882 : vector<2048x1xi1> to vector<2048x1xi32>
    %convert_element_type3A_884 = arith.sitofp %convert_element_type3A_883 : vector<2048x1xi32> to vector<2048x1xf32>
    %convert_element_type3A_885 = arith.extui %eq3A_874 : vector<2048x1xi1> to vector<2048x1xi32>
    %convert_element_type3A_886 = arith.sitofp %convert_element_type3A_885 : vector<2048x1xi32> to vector<2048x1xf32>
    %mul3A_887 = vector.broadcast %convert_element_type3A_886 : vector<2048x1xf32> to vector<2048x128xf32>
    %mul3A_888 = arith.mulf %select_n3A_868, %mul3A_887 : vector<2048x128xf32>
    %swap3A_889 = arith.constant 0 : index
    %swap3A_890 = arith.constant 0 : index
    %swap3A_891 = vector.load %arg10[%swap3A_889, %swap3A_890] : memref<2048x128xf32, #tpu.memory_space<vmem>>, vector<2048x128xf32>
    tpu.vector_store %arg10[%swap3A_889, %swap3A_890], %mul3A_888 {strides = array<i32>} : memref<2048x128xf32, #tpu.memory_space<vmem>>, vector<2048x128xf32>,
    %mul3A_892 = vector.broadcast %convert_element_type3A_884 : vector<2048x1xf32> to vector<2048x128xf32>
    %mul3A_893 = arith.mulf %select_n3A_868, %mul3A_892 : vector<2048x128xf32>
    %get3A_894 = arith.constant 0 : index
    %get3A_895 = arith.constant 0 : index
    %get3A_896 = vector.load %arg4[%get3A_894, %get3A_895] : memref<512x128xf32, #tpu.memory_space<vmem>>, vector<512x128xf32>
    %dot_general3A_897 = arith.constant dense<0.000000e+00> : vector<2048x512xf32>
    %dot_general3A_898 = tpu.matmul %mul3A_893, %get3A_896, %dot_general3A_897 {dimension_numbers = #tpu.dot_dimension_numbers<[1], [1], [0], [0], [0, 0, 1, 0], [], []>, transpose_lhs_hint = false} : vector<2048x128xf32>, vector<512x128xf32>, vector<2048x512xf32> -> vector<2048x512xf32>
    %slice3A_899 = vector.extract_strided_slice %dot_general3A_898 {offsets = [0, 0], sizes = [2048, 384], strides = [1, 1]} : vector<2048x512xf32> to vector<2048x384xf32>
    %swap3A_900 = arith.constant 0 : index
    %swap3A_901 = arith.constant 0 : index
    %swap3A_902 = vector.load %arg7[%swap3A_900, %swap3A_901] : memref<2048x384xf32, #tpu.memory_space<vmem>>, vector<2048x384xf32>
    tpu.vector_store %arg7[%swap3A_900, %swap3A_901], %slice3A_899 {strides = array<i32>} : memref<2048x384xf32, #tpu.memory_space<vmem>>, vector<2048x384xf32>,
    %slice3A_903 = vector.extract_strided_slice %dot_general3A_898 {offsets = [0, 384], sizes = [2048, 128], strides = [1, 1]} : vector<2048x512xf32> to vector<2048x128xf32>
    %swap3A_904 = arith.constant 0 : index
    %swap3A_905 = arith.constant 0 : index
    %swap3A_906 = vector.load %arg8[%swap3A_904, %swap3A_905] : memref<2048x128xf32, #tpu.memory_space<vmem>>, vector<2048x128xf32>
    tpu.vector_store %arg8[%swap3A_904, %swap3A_905], %slice3A_903 {strides = array<i32>} : memref<2048x128xf32, #tpu.memory_space<vmem>>, vector<2048x128xf32>,
    %mul3A_907 = vector.broadcast %convert_element_type3A_884 : vector<2048x1xf32> to vector<2048x128xf32>
    %mul3A_908 = arith.mulf %select_n3A_865, %mul3A_907 : vector<2048x128xf32>
    %swap3A_909 = arith.constant 0 : index
    %swap3A_910 = arith.constant 0 : index
    %swap3A_911 = vector.load %arg9[%swap3A_909, %swap3A_910] : memref<2048x128xf32, #tpu.memory_space<vmem>>, vector<2048x128xf32>
    tpu.vector_store %arg9[%swap3A_909, %swap3A_910], %mul3A_908 {strides = array<i32>} : memref<2048x128xf32, #tpu.memory_space<vmem>>, vector<2048x128xf32>,
    return
  }
}

module attributes {stable_mosaic.version = 14 : i64} {
  func.func @_apply_round1_body(%arg0: memref<2048xi32, #tpu.memory_space<smem>>, %arg1: memref<2048x384xf32, #tpu.memory_space<vmem>>, %arg2: memref<2048x384xf32, #tpu.memory_space<vmem>>, %arg3: memref<2048x128xf32, #tpu.memory_space<vmem>>, %arg4: memref<2048x1xi32, #tpu.memory_space<vmem>>, %arg5: memref<2048x1xi32, #tpu.memory_space<vmem>>, %arg6: memref<1x2048xi32, #tpu.memory_space<vmem>>, %arg7: memref<2048x128xf32, #tpu.memory_space<vmem>>, %arg8: memref<512x128xf32, #tpu.memory_space<vmem>>, %arg9: memref<2048x512xf32, #tpu.memory_space<vmem>>, %arg10: memref<2048x384xf32, #tpu.memory_space<vmem>>, %arg11: memref<2048x128xf32, #tpu.memory_space<vmem>>, %arg12: memref<2048x128xf32, #tpu.memory_space<vmem>>, %arg13: memref<2048x128xf32, #tpu.memory_space<vmem>>, %arg14: memref<2048xi32, #tpu.memory_space<smem>>, %arg15: memref<8xi32, #tpu.memory_space<smem>>) attributes {dimension_semantics = [], scalar_prefetch = 0 : i64, scratch_operands = 0 : i64, tpu.core_type = #tpu.core_type<tc>} {
    %scan3A = arith.constant 0 : i32
    %scan3A_0 = arith.constant 0 : i32
    %scan3A_1 = arith.constant 2048 : i32
    %scan3A_2 = arith.addi %scan3A_0, %scan3A_1 : i32
    %scan3A_3 = arith.constant 1 : i32
    %scan3A_4 = scf.for %scan3A_617 = %scan3A_0 to %scan3A_2 step %scan3A_3 iter_args(%scan3A_618 = %scan3A) -> (i32)  : i32 {
      %sub3A_619 = arith.constant 2047 : i32
      %sub3A_620 = arith.subi %sub3A_619, %scan3A_617 : i32
      %swap3A_621 = arith.index_cast %scan3A_618 : i32 to index
      %swap3A_622 = memref.load %arg14[%swap3A_621] : memref<2048xi32, #tpu.memory_space<smem>>
      memref.store %sub3A_620, %arg14[%swap3A_621] : memref<2048xi32, #tpu.memory_space<smem>>
      %get3A_623 = arith.index_cast %sub3A_620 : i32 to index
      %get3A_624 = memref.load %arg0[%get3A_623] : memref<2048xi32, #tpu.memory_space<smem>>
      %eq3A_625 = arith.constant 2 : i32
      %eq3A_626 = arith.cmpi eq, %get3A_624, %eq3A_625 : i32
      %convert_element_type3A_627 = arith.extui %eq3A_626 : i1 to i32
      %add3A_628 = arith.addi %scan3A_618, %convert_element_type3A_627 : i32
      scf.yield %add3A_628 : i32
    }
    %scan3A_5 = arith.constant 2048 : i32
    %swap3A = arith.constant 0 : index
    %swap3A_6 = memref.load %arg15[%swap3A] : memref<8xi32, #tpu.memory_space<smem>>
    memref.store %scan3A_4, %arg15[%swap3A] : memref<8xi32, #tpu.memory_space<smem>>
    %swap3A_7 = arith.constant 0 : i32
    %swap3A_8 = arith.constant 1 : index
    %swap3A_9 = memref.load %arg15[%swap3A_8] : memref<8xi32, #tpu.memory_space<smem>>
    memref.store %swap3A_7, %arg15[%swap3A_8] : memref<8xi32, #tpu.memory_space<smem>>
    %swap3A_10 = arith.constant 0 : i32
    %swap3A_11 = arith.constant 2 : index
    %swap3A_12 = memref.load %arg15[%swap3A_11] : memref<8xi32, #tpu.memory_space<smem>>
    memref.store %swap3A_10, %arg15[%swap3A_11] : memref<8xi32, #tpu.memory_space<smem>>
    %swap3A_13 = arith.constant 0 : i32
    %swap3A_14 = arith.constant 3 : index
    %swap3A_15 = memref.load %arg15[%swap3A_14] : memref<8xi32, #tpu.memory_space<smem>>
    memref.store %swap3A_13, %arg15[%swap3A_14] : memref<8xi32, #tpu.memory_space<smem>>
    %swap3A_16 = arith.constant 0 : i32
    %swap3A_17 = arith.constant 4 : index
    %swap3A_18 = memref.load %arg15[%swap3A_17] : memref<8xi32, #tpu.memory_space<smem>>
    memref.store %swap3A_16, %arg15[%swap3A_17] : memref<8xi32, #tpu.memory_space<smem>>
    %swap3A_19 = arith.constant 0 : i32
    %swap3A_20 = arith.constant 5 : index
    %swap3A_21 = memref.load %arg15[%swap3A_20] : memref<8xi32, #tpu.memory_space<smem>>
    memref.store %swap3A_19, %arg15[%swap3A_20] : memref<8xi32, #tpu.memory_space<smem>>
    %swap3A_22 = arith.constant 0 : i32
    %swap3A_23 = arith.constant 6 : index
    %swap3A_24 = memref.load %arg15[%swap3A_23] : memref<8xi32, #tpu.memory_space<smem>>
    memref.store %swap3A_22, %arg15[%swap3A_23] : memref<8xi32, #tpu.memory_space<smem>>
    %swap3A_25 = arith.constant 0 : i32
    %swap3A_26 = arith.constant 7 : index
    %swap3A_27 = memref.load %arg15[%swap3A_26] : memref<8xi32, #tpu.memory_space<smem>>
    memref.store %swap3A_25, %arg15[%swap3A_26] : memref<8xi32, #tpu.memory_space<smem>>
    %get3A = arith.constant 0 : index
    %get3A_28 = arith.constant 0 : index
    %get3A_29 = vector.load %arg2[%get3A, %get3A_28] : memref<2048x384xf32, #tpu.memory_space<vmem>>, vector<2048x384xf32>
    %convert_element_type3A = arith.truncf %get3A_29 : vector<2048x384xf32> to vector<2048x384xbf16>
    %get3A_30 = arith.constant 0 : index
    %get3A_31 = arith.constant 0 : index
    %get3A_32 = vector.load %arg2[%get3A_30, %get3A_31] : memref<2048x384xf32, #tpu.memory_space<vmem>>, vector<2048x384xf32>
    %convert_element_type3A_33 = arith.extf %convert_element_type3A : vector<2048x384xbf16> to vector<2048x384xf32>
    %sub3A = arith.subf %get3A_32, %convert_element_type3A_33 : vector<2048x384xf32>
    %convert_element_type3A_34 = arith.truncf %sub3A : vector<2048x384xf32> to vector<2048x384xbf16>
    %get3A_35 = arith.constant 0 : index
    %get3A_36 = arith.constant 0 : index
    %get3A_37 = vector.load %arg3[%get3A_35, %get3A_36] : memref<2048x128xf32, #tpu.memory_space<vmem>>, vector<2048x128xf32>
    %convert_element_type3A_38 = arith.truncf %get3A_37 : vector<2048x128xf32> to vector<2048x128xbf16>
    %get3A_39 = arith.constant 0 : index
    %get3A_40 = arith.constant 0 : index
    %get3A_41 = vector.load %arg3[%get3A_39, %get3A_40] : memref<2048x128xf32, #tpu.memory_space<vmem>>, vector<2048x128xf32>
    %convert_element_type3A_42 = arith.extf %convert_element_type3A_38 : vector<2048x128xbf16> to vector<2048x128xf32>
    %sub3A_43 = arith.subf %get3A_41, %convert_element_type3A_42 : vector<2048x128xf32>
    %convert_element_type3A_44 = arith.truncf %sub3A_43 : vector<2048x128xf32> to vector<2048x128xbf16>
    %iota3A = tpu.iota {dimensions = array<i32: 0>} : vector<128x2048xi32>
    %add3A = arith.constant 0 : i32
    %add3A_45 = vector.broadcast %add3A : i32 to vector<128x2048xi32>
    %add3A_46 = arith.addi %iota3A, %add3A_45 : vector<128x2048xi32>
    %get3A_47 = arith.constant 0 : index
    %get3A_48 = arith.constant 0 : index
    %get3A_49 = vector.load %arg6[%get3A_47, %get3A_48] : memref<1x2048xi32, #tpu.memory_space<vmem>>, vector<1x2048xi32>
    %eq3A = vector.broadcast %get3A_49 : vector<1x2048xi32> to vector<128x2048xi32>
    %eq3A_50 = arith.cmpi eq, %eq3A, %add3A_46 : vector<128x2048xi32>
    %convert_element_type3A_51 = arith.extui %eq3A_50 : vector<128x2048xi1> to vector<128x2048xi32>
    %convert_element_type3A_52 = arith.sitofp %convert_element_type3A_51 : vector<128x2048xi32> to vector<128x2048xf32>
    %convert_element_type3A_53 = arith.truncf %convert_element_type3A_52 : vector<128x2048xf32> to vector<128x2048xbf16>
    %dot_general3A = arith.constant dense<0.000000e+00> : vector<128x384xf32>
    %dot_general3A_54 = tpu.matmul %convert_element_type3A_53, %convert_element_type3A, %dot_general3A {dimension_numbers = #tpu.dot_dimension_numbers<[1], [0], [0], [1], [0, 0, 1, 1], [], []>, transpose_lhs_hint = false} : vector<128x2048xbf16>, vector<2048x384xbf16>, vector<128x384xf32> -> vector<128x384xf32>
    %dot_general3A_55 = arith.constant dense<0.000000e+00> : vector<128x384xf32>
    %dot_general3A_56 = tpu.matmul %convert_element_type3A_53, %convert_element_type3A_34, %dot_general3A_55 {dimension_numbers = #tpu.dot_dimension_numbers<[1], [0], [0], [1], [0, 0, 1, 1], [], []>, transpose_lhs_hint = false} : vector<128x2048xbf16>, vector<2048x384xbf16>, vector<128x384xf32> -> vector<128x384xf32>
    %add3A_57 = arith.addf %dot_general3A_54, %dot_general3A_56 : vector<128x384xf32>
    %dot_general3A_58 = arith.constant dense<0.000000e+00> : vector<128x128xf32>
    %dot_general3A_59 = tpu.matmul %convert_element_type3A_53, %convert_element_type3A_38, %dot_general3A_58 {dimension_numbers = #tpu.dot_dimension_numbers<[1], [0], [0], [1], [0, 0, 1, 1], [], []>, transpose_lhs_hint = false} : vector<128x2048xbf16>, vector<2048x128xbf16>, vector<128x128xf32> -> vector<128x128xf32>
    %dot_general3A_60 = arith.constant dense<0.000000e+00> : vector<128x128xf32>
    %dot_general3A_61 = tpu.matmul %convert_element_type3A_53, %convert_element_type3A_44, %dot_general3A_60 {dimension_numbers = #tpu.dot_dimension_numbers<[1], [0], [0], [1], [0, 0, 1, 1], [], []>, transpose_lhs_hint = false} : vector<128x2048xbf16>, vector<2048x128xbf16>, vector<128x128xf32> -> vector<128x128xf32>
    %add3A_62 = arith.addf %dot_general3A_59, %dot_general3A_61 : vector<128x128xf32>
    %get3A_63 = arith.constant 0 : index
    %get3A_64 = arith.constant 0 : index
    %get3A_65 = vector.load %arg1[%get3A_63, %get3A_64] : memref<2048x384xf32, #tpu.memory_space<vmem>>, vector<128x384xf32>
    %add3A_66 = arith.addf %get3A_65, %add3A_57 : vector<128x384xf32>
    %swap3A_67 = arith.constant 0 : index
    %swap3A_68 = arith.constant 0 : index
    %swap3A_69 = vector.load %arg9[%swap3A_67, %swap3A_68] : memref<2048x512xf32, #tpu.memory_space<vmem>>, vector<128x384xf32>
    tpu.vector_store %arg9[%swap3A_67, %swap3A_68], %add3A_66 {strides = array<i32>} : memref<2048x512xf32, #tpu.memory_space<vmem>>, vector<128x384xf32>,
    %swap3A_70 = arith.constant 0 : index
    %swap3A_71 = arith.constant 384 : index
    %swap3A_72 = vector.load %arg9[%swap3A_70, %swap3A_71] : memref<2048x512xf32, #tpu.memory_space<vmem>>, vector<128x128xf32>
    tpu.vector_store %arg9[%swap3A_70, %swap3A_71], %add3A_62 {strides = array<i32>} : memref<2048x512xf32, #tpu.memory_space<vmem>>, vector<128x128xf32>,
    %iota3A_73 = tpu.iota {dimensions = array<i32: 0>} : vector<128x2048xi32>
    %add3A_74 = arith.constant 128 : i32
    %add3A_75 = vector.broadcast %add3A_74 : i32 to vector<128x2048xi32>
    %add3A_76 = arith.addi %iota3A_73, %add3A_75 : vector<128x2048xi32>
    %get3A_77 = arith.constant 0 : index
    %get3A_78 = arith.constant 0 : index
    %get3A_79 = vector.load %arg6[%get3A_77, %get3A_78] : memref<1x2048xi32, #tpu.memory_space<vmem>>, vector<1x2048xi32>
    %eq3A_80 = vector.broadcast %get3A_79 : vector<1x2048xi32> to vector<128x2048xi32>
    %eq3A_81 = arith.cmpi eq, %eq3A_80, %add3A_76 : vector<128x2048xi32>
    %convert_element_type3A_82 = arith.extui %eq3A_81 : vector<128x2048xi1> to vector<128x2048xi32>
    %convert_element_type3A_83 = arith.sitofp %convert_element_type3A_82 : vector<128x2048xi32> to vector<128x2048xf32>
    %convert_element_type3A_84 = arith.truncf %convert_element_type3A_83 : vector<128x2048xf32> to vector<128x2048xbf16>
    %dot_general3A_85 = arith.constant dense<0.000000e+00> : vector<128x384xf32>
    %dot_general3A_86 = tpu.matmul %convert_element_type3A_84, %convert_element_type3A, %dot_general3A_85 {dimension_numbers = #tpu.dot_dimension_numbers<[1], [0], [0], [1], [0, 0, 1, 1], [], []>, transpose_lhs_hint = false} : vector<128x2048xbf16>, vector<2048x384xbf16>, vector<128x384xf32> -> vector<128x384xf32>
    %dot_general3A_87 = arith.constant dense<0.000000e+00> : vector<128x384xf32>
    %dot_general3A_88 = tpu.matmul %convert_element_type3A_84, %convert_element_type3A_34, %dot_general3A_87 {dimension_numbers = #tpu.dot_dimension_numbers<[1], [0], [0], [1], [0, 0, 1, 1], [], []>, transpose_lhs_hint = false} : vector<128x2048xbf16>, vector<2048x384xbf16>, vector<128x384xf32> -> vector<128x384xf32>
    %add3A_89 = arith.addf %dot_general3A_86, %dot_general3A_88 : vector<128x384xf32>
    %dot_general3A_90 = arith.constant dense<0.000000e+00> : vector<128x128xf32>
    %dot_general3A_91 = tpu.matmul %convert_element_type3A_84, %convert_element_type3A_38, %dot_general3A_90 {dimension_numbers = #tpu.dot_dimension_numbers<[1], [0], [0], [1], [0, 0, 1, 1], [], []>, transpose_lhs_hint = false} : vector<128x2048xbf16>, vector<2048x128xbf16>, vector<128x128xf32> -> vector<128x128xf32>
    %dot_general3A_92 = arith.constant dense<0.000000e+00> : vector<128x128xf32>
    %dot_general3A_93 = tpu.matmul %convert_element_type3A_84, %convert_element_type3A_44, %dot_general3A_92 {dimension_numbers = #tpu.dot_dimension_numbers<[1], [0], [0], [1], [0, 0, 1, 1], [], []>, transpose_lhs_hint = false} : vector<128x2048xbf16>, vector<2048x128xbf16>, vector<128x128xf32> -> vector<128x128xf32>
    %add3A_94 = arith.addf %dot_general3A_91, %dot_general3A_93 : vector<128x128xf32>
    %get3A_95 = arith.constant 128 : index
    %get3A_96 = arith.constant 0 : index
    %get3A_97 = vector.load %arg1[%get3A_95, %get3A_96] : memref<2048x384xf32, #tpu.memory_space<vmem>>, vector<128x384xf32>
    %add3A_98 = arith.addf %get3A_97, %add3A_89 : vector<128x384xf32>
    %swap3A_99 = arith.constant 128 : index
    %swap3A_100 = arith.constant 0 : index
    %swap3A_101 = vector.load %arg9[%swap3A_99, %swap3A_100] : memref<2048x512xf32, #tpu.memory_space<vmem>>, vector<128x384xf32>
    tpu.vector_store %arg9[%swap3A_99, %swap3A_100], %add3A_98 {strides = array<i32>} : memref<2048x512xf32, #tpu.memory_space<vmem>>, vector<128x384xf32>,
    %swap3A_102 = arith.constant 128 : index
    %swap3A_103 = arith.constant 384 : index
    %swap3A_104 = vector.load %arg9[%swap3A_102, %swap3A_103] : memref<2048x512xf32, #tpu.memory_space<vmem>>, vector<128x128xf32>
    tpu.vector_store %arg9[%swap3A_102, %swap3A_103], %add3A_94 {strides = array<i32>} : memref<2048x512xf32, #tpu.memory_space<vmem>>, vector<128x128xf32>,
    %iota3A_105 = tpu.iota {dimensions = array<i32: 0>} : vector<128x2048xi32>
    %add3A_106 = arith.constant 256 : i32
    %add3A_107 = vector.broadcast %add3A_106 : i32 to vector<128x2048xi32>
    %add3A_108 = arith.addi %iota3A_105, %add3A_107 : vector<128x2048xi32>
    %get3A_109 = arith.constant 0 : index
    %get3A_110 = arith.constant 0 : index
    %get3A_111 = vector.load %arg6[%get3A_109, %get3A_110] : memref<1x2048xi32, #tpu.memory_space<vmem>>, vector<1x2048xi32>
    %eq3A_112 = vector.broadcast %get3A_111 : vector<1x2048xi32> to vector<128x2048xi32>
    %eq3A_113 = arith.cmpi eq, %eq3A_112, %add3A_108 : vector<128x2048xi32>
    %convert_element_type3A_114 = arith.extui %eq3A_113 : vector<128x2048xi1> to vector<128x2048xi32>
    %convert_element_type3A_115 = arith.sitofp %convert_element_type3A_114 : vector<128x2048xi32> to vector<128x2048xf32>
    %convert_element_type3A_116 = arith.truncf %convert_element_type3A_115 : vector<128x2048xf32> to vector<128x2048xbf16>
    %dot_general3A_117 = arith.constant dense<0.000000e+00> : vector<128x384xf32>
    %dot_general3A_118 = tpu.matmul %convert_element_type3A_116, %convert_element_type3A, %dot_general3A_117 {dimension_numbers = #tpu.dot_dimension_numbers<[1], [0], [0], [1], [0, 0, 1, 1], [], []>, transpose_lhs_hint = false} : vector<128x2048xbf16>, vector<2048x384xbf16>, vector<128x384xf32> -> vector<128x384xf32>
    %dot_general3A_119 = arith.constant dense<0.000000e+00> : vector<128x384xf32>
    %dot_general3A_120 = tpu.matmul %convert_element_type3A_116, %convert_element_type3A_34, %dot_general3A_119 {dimension_numbers = #tpu.dot_dimension_numbers<[1], [0], [0], [1], [0, 0, 1, 1], [], []>, transpose_lhs_hint = false} : vector<128x2048xbf16>, vector<2048x384xbf16>, vector<128x384xf32> -> vector<128x384xf32>
    %add3A_121 = arith.addf %dot_general3A_118, %dot_general3A_120 : vector<128x384xf32>
    %dot_general3A_122 = arith.constant dense<0.000000e+00> : vector<128x128xf32>
    %dot_general3A_123 = tpu.matmul %convert_element_type3A_116, %convert_element_type3A_38, %dot_general3A_122 {dimension_numbers = #tpu.dot_dimension_numbers<[1], [0], [0], [1], [0, 0, 1, 1], [], []>, transpose_lhs_hint = false} : vector<128x2048xbf16>, vector<2048x128xbf16>, vector<128x128xf32> -> vector<128x128xf32>
    %dot_general3A_124 = arith.constant dense<0.000000e+00> : vector<128x128xf32>
    %dot_general3A_125 = tpu.matmul %convert_element_type3A_116, %convert_element_type3A_44, %dot_general3A_124 {dimension_numbers = #tpu.dot_dimension_numbers<[1], [0], [0], [1], [0, 0, 1, 1], [], []>, transpose_lhs_hint = false} : vector<128x2048xbf16>, vector<2048x128xbf16>, vector<128x128xf32> -> vector<128x128xf32>
    %add3A_126 = arith.addf %dot_general3A_123, %dot_general3A_125 : vector<128x128xf32>
    %get3A_127 = arith.constant 256 : index
    %get3A_128 = arith.constant 0 : index
    %get3A_129 = vector.load %arg1[%get3A_127, %get3A_128] : memref<2048x384xf32, #tpu.memory_space<vmem>>, vector<128x384xf32>
    %add3A_130 = arith.addf %get3A_129, %add3A_121 : vector<128x384xf32>
    %swap3A_131 = arith.constant 256 : index
    %swap3A_132 = arith.constant 0 : index
    %swap3A_133 = vector.load %arg9[%swap3A_131, %swap3A_132] : memref<2048x512xf32, #tpu.memory_space<vmem>>, vector<128x384xf32>
    tpu.vector_store %arg9[%swap3A_131, %swap3A_132], %add3A_130 {strides = array<i32>} : memref<2048x512xf32, #tpu.memory_space<vmem>>, vector<128x384xf32>,
    %swap3A_134 = arith.constant 256 : index
    %swap3A_135 = arith.constant 384 : index
    %swap3A_136 = vector.load %arg9[%swap3A_134, %swap3A_135] : memref<2048x512xf32, #tpu.memory_space<vmem>>, vector<128x128xf32>
    tpu.vector_store %arg9[%swap3A_134, %swap3A_135], %add3A_126 {strides = array<i32>} : memref<2048x512xf32, #tpu.memory_space<vmem>>, vector<128x128xf32>,
    %iota3A_137 = tpu.iota {dimensions = array<i32: 0>} : vector<128x2048xi32>
    %add3A_138 = arith.constant 384 : i32
    %add3A_139 = vector.broadcast %add3A_138 : i32 to vector<128x2048xi32>
    %add3A_140 = arith.addi %iota3A_137, %add3A_139 : vector<128x2048xi32>
    %get3A_141 = arith.constant 0 : index
    %get3A_142 = arith.constant 0 : index
    %get3A_143 = vector.load %arg6[%get3A_141, %get3A_142] : memref<1x2048xi32, #tpu.memory_space<vmem>>, vector<1x2048xi32>
    %eq3A_144 = vector.broadcast %get3A_143 : vector<1x2048xi32> to vector<128x2048xi32>
    %eq3A_145 = arith.cmpi eq, %eq3A_144, %add3A_140 : vector<128x2048xi32>
    %convert_element_type3A_146 = arith.extui %eq3A_145 : vector<128x2048xi1> to vector<128x2048xi32>
    %convert_element_type3A_147 = arith.sitofp %convert_element_type3A_146 : vector<128x2048xi32> to vector<128x2048xf32>
    %convert_element_type3A_148 = arith.truncf %convert_element_type3A_147 : vector<128x2048xf32> to vector<128x2048xbf16>
    %dot_general3A_149 = arith.constant dense<0.000000e+00> : vector<128x384xf32>
    %dot_general3A_150 = tpu.matmul %convert_element_type3A_148, %convert_element_type3A, %dot_general3A_149 {dimension_numbers = #tpu.dot_dimension_numbers<[1], [0], [0], [1], [0, 0, 1, 1], [], []>, transpose_lhs_hint = false} : vector<128x2048xbf16>, vector<2048x384xbf16>, vector<128x384xf32> -> vector<128x384xf32>
    %dot_general3A_151 = arith.constant dense<0.000000e+00> : vector<128x384xf32>
    %dot_general3A_152 = tpu.matmul %convert_element_type3A_148, %convert_element_type3A_34, %dot_general3A_151 {dimension_numbers = #tpu.dot_dimension_numbers<[1], [0], [0], [1], [0, 0, 1, 1], [], []>, transpose_lhs_hint = false} : vector<128x2048xbf16>, vector<2048x384xbf16>, vector<128x384xf32> -> vector<128x384xf32>
    %add3A_153 = arith.addf %dot_general3A_150, %dot_general3A_152 : vector<128x384xf32>
    %dot_general3A_154 = arith.constant dense<0.000000e+00> : vector<128x128xf32>
    %dot_general3A_155 = tpu.matmul %convert_element_type3A_148, %convert_element_type3A_38, %dot_general3A_154 {dimension_numbers = #tpu.dot_dimension_numbers<[1], [0], [0], [1], [0, 0, 1, 1], [], []>, transpose_lhs_hint = false} : vector<128x2048xbf16>, vector<2048x128xbf16>, vector<128x128xf32> -> vector<128x128xf32>
    %dot_general3A_156 = arith.constant dense<0.000000e+00> : vector<128x128xf32>
    %dot_general3A_157 = tpu.matmul %convert_element_type3A_148, %convert_element_type3A_44, %dot_general3A_156 {dimension_numbers = #tpu.dot_dimension_numbers<[1], [0], [0], [1], [0, 0, 1, 1], [], []>, transpose_lhs_hint = false} : vector<128x2048xbf16>, vector<2048x128xbf16>, vector<128x128xf32> -> vector<128x128xf32>
    %add3A_158 = arith.addf %dot_general3A_155, %dot_general3A_157 : vector<128x128xf32>
    %get3A_159 = arith.constant 384 : index
    %get3A_160 = arith.constant 0 : index
    %get3A_161 = vector.load %arg1[%get3A_159, %get3A_160] : memref<2048x384xf32, #tpu.memory_space<vmem>>, vector<128x384xf32>
    %add3A_162 = arith.addf %get3A_161, %add3A_153 : vector<128x384xf32>
    %swap3A_163 = arith.constant 384 : index
    %swap3A_164 = arith.constant 0 : index
    %swap3A_165 = vector.load %arg9[%swap3A_163, %swap3A_164] : memref<2048x512xf32, #tpu.memory_space<vmem>>, vector<128x384xf32>
    tpu.vector_store %arg9[%swap3A_163, %swap3A_164], %add3A_162 {strides = array<i32>} : memref<2048x512xf32, #tpu.memory_space<vmem>>, vector<128x384xf32>,
    %swap3A_166 = arith.constant 384 : index
    %swap3A_167 = arith.constant 384 : index
    %swap3A_168 = vector.load %arg9[%swap3A_166, %swap3A_167] : memref<2048x512xf32, #tpu.memory_space<vmem>>, vector<128x128xf32>
    tpu.vector_store %arg9[%swap3A_166, %swap3A_167], %add3A_158 {strides = array<i32>} : memref<2048x512xf32, #tpu.memory_space<vmem>>, vector<128x128xf32>,
    %iota3A_169 = tpu.iota {dimensions = array<i32: 0>} : vector<128x2048xi32>
    %add3A_170 = arith.constant 512 : i32
    %add3A_171 = vector.broadcast %add3A_170 : i32 to vector<128x2048xi32>
    %add3A_172 = arith.addi %iota3A_169, %add3A_171 : vector<128x2048xi32>
    %get3A_173 = arith.constant 0 : index
    %get3A_174 = arith.constant 0 : index
    %get3A_175 = vector.load %arg6[%get3A_173, %get3A_174] : memref<1x2048xi32, #tpu.memory_space<vmem>>, vector<1x2048xi32>
    %eq3A_176 = vector.broadcast %get3A_175 : vector<1x2048xi32> to vector<128x2048xi32>
    %eq3A_177 = arith.cmpi eq, %eq3A_176, %add3A_172 : vector<128x2048xi32>
    %convert_element_type3A_178 = arith.extui %eq3A_177 : vector<128x2048xi1> to vector<128x2048xi32>
    %convert_element_type3A_179 = arith.sitofp %convert_element_type3A_178 : vector<128x2048xi32> to vector<128x2048xf32>
    %convert_element_type3A_180 = arith.truncf %convert_element_type3A_179 : vector<128x2048xf32> to vector<128x2048xbf16>
    %dot_general3A_181 = arith.constant dense<0.000000e+00> : vector<128x384xf32>
    %dot_general3A_182 = tpu.matmul %convert_element_type3A_180, %convert_element_type3A, %dot_general3A_181 {dimension_numbers = #tpu.dot_dimension_numbers<[1], [0], [0], [1], [0, 0, 1, 1], [], []>, transpose_lhs_hint = false} : vector<128x2048xbf16>, vector<2048x384xbf16>, vector<128x384xf32> -> vector<128x384xf32>
    %dot_general3A_183 = arith.constant dense<0.000000e+00> : vector<128x384xf32>
    %dot_general3A_184 = tpu.matmul %convert_element_type3A_180, %convert_element_type3A_34, %dot_general3A_183 {dimension_numbers = #tpu.dot_dimension_numbers<[1], [0], [0], [1], [0, 0, 1, 1], [], []>, transpose_lhs_hint = false} : vector<128x2048xbf16>, vector<2048x384xbf16>, vector<128x384xf32> -> vector<128x384xf32>
    %add3A_185 = arith.addf %dot_general3A_182, %dot_general3A_184 : vector<128x384xf32>
    %dot_general3A_186 = arith.constant dense<0.000000e+00> : vector<128x128xf32>
    %dot_general3A_187 = tpu.matmul %convert_element_type3A_180, %convert_element_type3A_38, %dot_general3A_186 {dimension_numbers = #tpu.dot_dimension_numbers<[1], [0], [0], [1], [0, 0, 1, 1], [], []>, transpose_lhs_hint = false} : vector<128x2048xbf16>, vector<2048x128xbf16>, vector<128x128xf32> -> vector<128x128xf32>
    %dot_general3A_188 = arith.constant dense<0.000000e+00> : vector<128x128xf32>
    %dot_general3A_189 = tpu.matmul %convert_element_type3A_180, %convert_element_type3A_44, %dot_general3A_188 {dimension_numbers = #tpu.dot_dimension_numbers<[1], [0], [0], [1], [0, 0, 1, 1], [], []>, transpose_lhs_hint = false} : vector<128x2048xbf16>, vector<2048x128xbf16>, vector<128x128xf32> -> vector<128x128xf32>
    %add3A_190 = arith.addf %dot_general3A_187, %dot_general3A_189 : vector<128x128xf32>
    %get3A_191 = arith.constant 512 : index
    %get3A_192 = arith.constant 0 : index
    %get3A_193 = vector.load %arg1[%get3A_191, %get3A_192] : memref<2048x384xf32, #tpu.memory_space<vmem>>, vector<128x384xf32>
    %add3A_194 = arith.addf %get3A_193, %add3A_185 : vector<128x384xf32>
    %swap3A_195 = arith.constant 512 : index
    %swap3A_196 = arith.constant 0 : index
    %swap3A_197 = vector.load %arg9[%swap3A_195, %swap3A_196] : memref<2048x512xf32, #tpu.memory_space<vmem>>, vector<128x384xf32>
    tpu.vector_store %arg9[%swap3A_195, %swap3A_196], %add3A_194 {strides = array<i32>} : memref<2048x512xf32, #tpu.memory_space<vmem>>, vector<128x384xf32>,
    %swap3A_198 = arith.constant 512 : index
    %swap3A_199 = arith.constant 384 : index
    %swap3A_200 = vector.load %arg9[%swap3A_198, %swap3A_199] : memref<2048x512xf32, #tpu.memory_space<vmem>>, vector<128x128xf32>
    tpu.vector_store %arg9[%swap3A_198, %swap3A_199], %add3A_190 {strides = array<i32>} : memref<2048x512xf32, #tpu.memory_space<vmem>>, vector<128x128xf32>,
    %iota3A_201 = tpu.iota {dimensions = array<i32: 0>} : vector<128x2048xi32>
    %add3A_202 = arith.constant 640 : i32
    %add3A_203 = vector.broadcast %add3A_202 : i32 to vector<128x2048xi32>
    %add3A_204 = arith.addi %iota3A_201, %add3A_203 : vector<128x2048xi32>
    %get3A_205 = arith.constant 0 : index
    %get3A_206 = arith.constant 0 : index
    %get3A_207 = vector.load %arg6[%get3A_205, %get3A_206] : memref<1x2048xi32, #tpu.memory_space<vmem>>, vector<1x2048xi32>
    %eq3A_208 = vector.broadcast %get3A_207 : vector<1x2048xi32> to vector<128x2048xi32>
    %eq3A_209 = arith.cmpi eq, %eq3A_208, %add3A_204 : vector<128x2048xi32>
    %convert_element_type3A_210 = arith.extui %eq3A_209 : vector<128x2048xi1> to vector<128x2048xi32>
    %convert_element_type3A_211 = arith.sitofp %convert_element_type3A_210 : vector<128x2048xi32> to vector<128x2048xf32>
    %convert_element_type3A_212 = arith.truncf %convert_element_type3A_211 : vector<128x2048xf32> to vector<128x2048xbf16>
    %dot_general3A_213 = arith.constant dense<0.000000e+00> : vector<128x384xf32>
    %dot_general3A_214 = tpu.matmul %convert_element_type3A_212, %convert_element_type3A, %dot_general3A_213 {dimension_numbers = #tpu.dot_dimension_numbers<[1], [0], [0], [1], [0, 0, 1, 1], [], []>, transpose_lhs_hint = false} : vector<128x2048xbf16>, vector<2048x384xbf16>, vector<128x384xf32> -> vector<128x384xf32>
    %dot_general3A_215 = arith.constant dense<0.000000e+00> : vector<128x384xf32>
    %dot_general3A_216 = tpu.matmul %convert_element_type3A_212, %convert_element_type3A_34, %dot_general3A_215 {dimension_numbers = #tpu.dot_dimension_numbers<[1], [0], [0], [1], [0, 0, 1, 1], [], []>, transpose_lhs_hint = false} : vector<128x2048xbf16>, vector<2048x384xbf16>, vector<128x384xf32> -> vector<128x384xf32>
    %add3A_217 = arith.addf %dot_general3A_214, %dot_general3A_216 : vector<128x384xf32>
    %dot_general3A_218 = arith.constant dense<0.000000e+00> : vector<128x128xf32>
    %dot_general3A_219 = tpu.matmul %convert_element_type3A_212, %convert_element_type3A_38, %dot_general3A_218 {dimension_numbers = #tpu.dot_dimension_numbers<[1], [0], [0], [1], [0, 0, 1, 1], [], []>, transpose_lhs_hint = false} : vector<128x2048xbf16>, vector<2048x128xbf16>, vector<128x128xf32> -> vector<128x128xf32>
    %dot_general3A_220 = arith.constant dense<0.000000e+00> : vector<128x128xf32>
    %dot_general3A_221 = tpu.matmul %convert_element_type3A_212, %convert_element_type3A_44, %dot_general3A_220 {dimension_numbers = #tpu.dot_dimension_numbers<[1], [0], [0], [1], [0, 0, 1, 1], [], []>, transpose_lhs_hint = false} : vector<128x2048xbf16>, vector<2048x128xbf16>, vector<128x128xf32> -> vector<128x128xf32>
    %add3A_222 = arith.addf %dot_general3A_219, %dot_general3A_221 : vector<128x128xf32>
    %get3A_223 = arith.constant 640 : index
    %get3A_224 = arith.constant 0 : index
    %get3A_225 = vector.load %arg1[%get3A_223, %get3A_224] : memref<2048x384xf32, #tpu.memory_space<vmem>>, vector<128x384xf32>
    %add3A_226 = arith.addf %get3A_225, %add3A_217 : vector<128x384xf32>
    %swap3A_227 = arith.constant 640 : index
    %swap3A_228 = arith.constant 0 : index
    %swap3A_229 = vector.load %arg9[%swap3A_227, %swap3A_228] : memref<2048x512xf32, #tpu.memory_space<vmem>>, vector<128x384xf32>
    tpu.vector_store %arg9[%swap3A_227, %swap3A_228], %add3A_226 {strides = array<i32>} : memref<2048x512xf32, #tpu.memory_space<vmem>>, vector<128x384xf32>,
    %swap3A_230 = arith.constant 640 : index
    %swap3A_231 = arith.constant 384 : index
    %swap3A_232 = vector.load %arg9[%swap3A_230, %swap3A_231] : memref<2048x512xf32, #tpu.memory_space<vmem>>, vector<128x128xf32>
    tpu.vector_store %arg9[%swap3A_230, %swap3A_231], %add3A_222 {strides = array<i32>} : memref<2048x512xf32, #tpu.memory_space<vmem>>, vector<128x128xf32>,
    %iota3A_233 = tpu.iota {dimensions = array<i32: 0>} : vector<128x2048xi32>
    %add3A_234 = arith.constant 768 : i32
    %add3A_235 = vector.broadcast %add3A_234 : i32 to vector<128x2048xi32>
    %add3A_236 = arith.addi %iota3A_233, %add3A_235 : vector<128x2048xi32>
    %get3A_237 = arith.constant 0 : index
    %get3A_238 = arith.constant 0 : index
    %get3A_239 = vector.load %arg6[%get3A_237, %get3A_238] : memref<1x2048xi32, #tpu.memory_space<vmem>>, vector<1x2048xi32>
    %eq3A_240 = vector.broadcast %get3A_239 : vector<1x2048xi32> to vector<128x2048xi32>
    %eq3A_241 = arith.cmpi eq, %eq3A_240, %add3A_236 : vector<128x2048xi32>
    %convert_element_type3A_242 = arith.extui %eq3A_241 : vector<128x2048xi1> to vector<128x2048xi32>
    %convert_element_type3A_243 = arith.sitofp %convert_element_type3A_242 : vector<128x2048xi32> to vector<128x2048xf32>
    %convert_element_type3A_244 = arith.truncf %convert_element_type3A_243 : vector<128x2048xf32> to vector<128x2048xbf16>
    %dot_general3A_245 = arith.constant dense<0.000000e+00> : vector<128x384xf32>
    %dot_general3A_246 = tpu.matmul %convert_element_type3A_244, %convert_element_type3A, %dot_general3A_245 {dimension_numbers = #tpu.dot_dimension_numbers<[1], [0], [0], [1], [0, 0, 1, 1], [], []>, transpose_lhs_hint = false} : vector<128x2048xbf16>, vector<2048x384xbf16>, vector<128x384xf32> -> vector<128x384xf32>
    %dot_general3A_247 = arith.constant dense<0.000000e+00> : vector<128x384xf32>
    %dot_general3A_248 = tpu.matmul %convert_element_type3A_244, %convert_element_type3A_34, %dot_general3A_247 {dimension_numbers = #tpu.dot_dimension_numbers<[1], [0], [0], [1], [0, 0, 1, 1], [], []>, transpose_lhs_hint = false} : vector<128x2048xbf16>, vector<2048x384xbf16>, vector<128x384xf32> -> vector<128x384xf32>
    %add3A_249 = arith.addf %dot_general3A_246, %dot_general3A_248 : vector<128x384xf32>
    %dot_general3A_250 = arith.constant dense<0.000000e+00> : vector<128x128xf32>
    %dot_general3A_251 = tpu.matmul %convert_element_type3A_244, %convert_element_type3A_38, %dot_general3A_250 {dimension_numbers = #tpu.dot_dimension_numbers<[1], [0], [0], [1], [0, 0, 1, 1], [], []>, transpose_lhs_hint = false} : vector<128x2048xbf16>, vector<2048x128xbf16>, vector<128x128xf32> -> vector<128x128xf32>
    %dot_general3A_252 = arith.constant dense<0.000000e+00> : vector<128x128xf32>
    %dot_general3A_253 = tpu.matmul %convert_element_type3A_244, %convert_element_type3A_44, %dot_general3A_252 {dimension_numbers = #tpu.dot_dimension_numbers<[1], [0], [0], [1], [0, 0, 1, 1], [], []>, transpose_lhs_hint = false} : vector<128x2048xbf16>, vector<2048x128xbf16>, vector<128x128xf32> -> vector<128x128xf32>
    %add3A_254 = arith.addf %dot_general3A_251, %dot_general3A_253 : vector<128x128xf32>
    %get3A_255 = arith.constant 768 : index
    %get3A_256 = arith.constant 0 : index
    %get3A_257 = vector.load %arg1[%get3A_255, %get3A_256] : memref<2048x384xf32, #tpu.memory_space<vmem>>, vector<128x384xf32>
    %add3A_258 = arith.addf %get3A_257, %add3A_249 : vector<128x384xf32>
    %swap3A_259 = arith.constant 768 : index
    %swap3A_260 = arith.constant 0 : index
    %swap3A_261 = vector.load %arg9[%swap3A_259, %swap3A_260] : memref<2048x512xf32, #tpu.memory_space<vmem>>, vector<128x384xf32>
    tpu.vector_store %arg9[%swap3A_259, %swap3A_260], %add3A_258 {strides = array<i32>} : memref<2048x512xf32, #tpu.memory_space<vmem>>, vector<128x384xf32>,
    %swap3A_262 = arith.constant 768 : index
    %swap3A_263 = arith.constant 384 : index
    %swap3A_264 = vector.load %arg9[%swap3A_262, %swap3A_263] : memref<2048x512xf32, #tpu.memory_space<vmem>>, vector<128x128xf32>
    tpu.vector_store %arg9[%swap3A_262, %swap3A_263], %add3A_254 {strides = array<i32>} : memref<2048x512xf32, #tpu.memory_space<vmem>>, vector<128x128xf32>,
    %iota3A_265 = tpu.iota {dimensions = array<i32: 0>} : vector<128x2048xi32>
    %add3A_266 = arith.constant 896 : i32
    %add3A_267 = vector.broadcast %add3A_266 : i32 to vector<128x2048xi32>
    %add3A_268 = arith.addi %iota3A_265, %add3A_267 : vector<128x2048xi32>
    %get3A_269 = arith.constant 0 : index
    %get3A_270 = arith.constant 0 : index
    %get3A_271 = vector.load %arg6[%get3A_269, %get3A_270] : memref<1x2048xi32, #tpu.memory_space<vmem>>, vector<1x2048xi32>
    %eq3A_272 = vector.broadcast %get3A_271 : vector<1x2048xi32> to vector<128x2048xi32>
    %eq3A_273 = arith.cmpi eq, %eq3A_272, %add3A_268 : vector<128x2048xi32>
    %convert_element_type3A_274 = arith.extui %eq3A_273 : vector<128x2048xi1> to vector<128x2048xi32>
    %convert_element_type3A_275 = arith.sitofp %convert_element_type3A_274 : vector<128x2048xi32> to vector<128x2048xf32>
    %convert_element_type3A_276 = arith.truncf %convert_element_type3A_275 : vector<128x2048xf32> to vector<128x2048xbf16>
    %dot_general3A_277 = arith.constant dense<0.000000e+00> : vector<128x384xf32>
    %dot_general3A_278 = tpu.matmul %convert_element_type3A_276, %convert_element_type3A, %dot_general3A_277 {dimension_numbers = #tpu.dot_dimension_numbers<[1], [0], [0], [1], [0, 0, 1, 1], [], []>, transpose_lhs_hint = false} : vector<128x2048xbf16>, vector<2048x384xbf16>, vector<128x384xf32> -> vector<128x384xf32>
    %dot_general3A_279 = arith.constant dense<0.000000e+00> : vector<128x384xf32>
    %dot_general3A_280 = tpu.matmul %convert_element_type3A_276, %convert_element_type3A_34, %dot_general3A_279 {dimension_numbers = #tpu.dot_dimension_numbers<[1], [0], [0], [1], [0, 0, 1, 1], [], []>, transpose_lhs_hint = false} : vector<128x2048xbf16>, vector<2048x384xbf16>, vector<128x384xf32> -> vector<128x384xf32>
    %add3A_281 = arith.addf %dot_general3A_278, %dot_general3A_280 : vector<128x384xf32>
    %dot_general3A_282 = arith.constant dense<0.000000e+00> : vector<128x128xf32>
    %dot_general3A_283 = tpu.matmul %convert_element_type3A_276, %convert_element_type3A_38, %dot_general3A_282 {dimension_numbers = #tpu.dot_dimension_numbers<[1], [0], [0], [1], [0, 0, 1, 1], [], []>, transpose_lhs_hint = false} : vector<128x2048xbf16>, vector<2048x128xbf16>, vector<128x128xf32> -> vector<128x128xf32>
    %dot_general3A_284 = arith.constant dense<0.000000e+00> : vector<128x128xf32>
    %dot_general3A_285 = tpu.matmul %convert_element_type3A_276, %convert_element_type3A_44, %dot_general3A_284 {dimension_numbers = #tpu.dot_dimension_numbers<[1], [0], [0], [1], [0, 0, 1, 1], [], []>, transpose_lhs_hint = false} : vector<128x2048xbf16>, vector<2048x128xbf16>, vector<128x128xf32> -> vector<128x128xf32>
    %add3A_286 = arith.addf %dot_general3A_283, %dot_general3A_285 : vector<128x128xf32>
    %get3A_287 = arith.constant 896 : index
    %get3A_288 = arith.constant 0 : index
    %get3A_289 = vector.load %arg1[%get3A_287, %get3A_288] : memref<2048x384xf32, #tpu.memory_space<vmem>>, vector<128x384xf32>
    %add3A_290 = arith.addf %get3A_289, %add3A_281 : vector<128x384xf32>
    %swap3A_291 = arith.constant 896 : index
    %swap3A_292 = arith.constant 0 : index
    %swap3A_293 = vector.load %arg9[%swap3A_291, %swap3A_292] : memref<2048x512xf32, #tpu.memory_space<vmem>>, vector<128x384xf32>
    tpu.vector_store %arg9[%swap3A_291, %swap3A_292], %add3A_290 {strides = array<i32>} : memref<2048x512xf32, #tpu.memory_space<vmem>>, vector<128x384xf32>,
    %swap3A_294 = arith.constant 896 : index
    %swap3A_295 = arith.constant 384 : index
    %swap3A_296 = vector.load %arg9[%swap3A_294, %swap3A_295] : memref<2048x512xf32, #tpu.memory_space<vmem>>, vector<128x128xf32>
    tpu.vector_store %arg9[%swap3A_294, %swap3A_295], %add3A_286 {strides = array<i32>} : memref<2048x512xf32, #tpu.memory_space<vmem>>, vector<128x128xf32>,
    %iota3A_297 = tpu.iota {dimensions = array<i32: 0>} : vector<128x2048xi32>
    %add3A_298 = arith.constant 1024 : i32
    %add3A_299 = vector.broadcast %add3A_298 : i32 to vector<128x2048xi32>
    %add3A_300 = arith.addi %iota3A_297, %add3A_299 : vector<128x2048xi32>
    %get3A_301 = arith.constant 0 : index
    %get3A_302 = arith.constant 0 : index
    %get3A_303 = vector.load %arg6[%get3A_301, %get3A_302] : memref<1x2048xi32, #tpu.memory_space<vmem>>, vector<1x2048xi32>
    %eq3A_304 = vector.broadcast %get3A_303 : vector<1x2048xi32> to vector<128x2048xi32>
    %eq3A_305 = arith.cmpi eq, %eq3A_304, %add3A_300 : vector<128x2048xi32>
    %convert_element_type3A_306 = arith.extui %eq3A_305 : vector<128x2048xi1> to vector<128x2048xi32>
    %convert_element_type3A_307 = arith.sitofp %convert_element_type3A_306 : vector<128x2048xi32> to vector<128x2048xf32>
    %convert_element_type3A_308 = arith.truncf %convert_element_type3A_307 : vector<128x2048xf32> to vector<128x2048xbf16>
    %dot_general3A_309 = arith.constant dense<0.000000e+00> : vector<128x384xf32>
    %dot_general3A_310 = tpu.matmul %convert_element_type3A_308, %convert_element_type3A, %dot_general3A_309 {dimension_numbers = #tpu.dot_dimension_numbers<[1], [0], [0], [1], [0, 0, 1, 1], [], []>, transpose_lhs_hint = false} : vector<128x2048xbf16>, vector<2048x384xbf16>, vector<128x384xf32> -> vector<128x384xf32>
    %dot_general3A_311 = arith.constant dense<0.000000e+00> : vector<128x384xf32>
    %dot_general3A_312 = tpu.matmul %convert_element_type3A_308, %convert_element_type3A_34, %dot_general3A_311 {dimension_numbers = #tpu.dot_dimension_numbers<[1], [0], [0], [1], [0, 0, 1, 1], [], []>, transpose_lhs_hint = false} : vector<128x2048xbf16>, vector<2048x384xbf16>, vector<128x384xf32> -> vector<128x384xf32>
    %add3A_313 = arith.addf %dot_general3A_310, %dot_general3A_312 : vector<128x384xf32>
    %dot_general3A_314 = arith.constant dense<0.000000e+00> : vector<128x128xf32>
    %dot_general3A_315 = tpu.matmul %convert_element_type3A_308, %convert_element_type3A_38, %dot_general3A_314 {dimension_numbers = #tpu.dot_dimension_numbers<[1], [0], [0], [1], [0, 0, 1, 1], [], []>, transpose_lhs_hint = false} : vector<128x2048xbf16>, vector<2048x128xbf16>, vector<128x128xf32> -> vector<128x128xf32>
    %dot_general3A_316 = arith.constant dense<0.000000e+00> : vector<128x128xf32>
    %dot_general3A_317 = tpu.matmul %convert_element_type3A_308, %convert_element_type3A_44, %dot_general3A_316 {dimension_numbers = #tpu.dot_dimension_numbers<[1], [0], [0], [1], [0, 0, 1, 1], [], []>, transpose_lhs_hint = false} : vector<128x2048xbf16>, vector<2048x128xbf16>, vector<128x128xf32> -> vector<128x128xf32>
    %add3A_318 = arith.addf %dot_general3A_315, %dot_general3A_317 : vector<128x128xf32>
    %get3A_319 = arith.constant 1024 : index
    %get3A_320 = arith.constant 0 : index
    %get3A_321 = vector.load %arg1[%get3A_319, %get3A_320] : memref<2048x384xf32, #tpu.memory_space<vmem>>, vector<128x384xf32>
    %add3A_322 = arith.addf %get3A_321, %add3A_313 : vector<128x384xf32>
    %swap3A_323 = arith.constant 1024 : index
    %swap3A_324 = arith.constant 0 : index
    %swap3A_325 = vector.load %arg9[%swap3A_323, %swap3A_324] : memref<2048x512xf32, #tpu.memory_space<vmem>>, vector<128x384xf32>
    tpu.vector_store %arg9[%swap3A_323, %swap3A_324], %add3A_322 {strides = array<i32>} : memref<2048x512xf32, #tpu.memory_space<vmem>>, vector<128x384xf32>,
    %swap3A_326 = arith.constant 1024 : index
    %swap3A_327 = arith.constant 384 : index
    %swap3A_328 = vector.load %arg9[%swap3A_326, %swap3A_327] : memref<2048x512xf32, #tpu.memory_space<vmem>>, vector<128x128xf32>
    tpu.vector_store %arg9[%swap3A_326, %swap3A_327], %add3A_318 {strides = array<i32>} : memref<2048x512xf32, #tpu.memory_space<vmem>>, vector<128x128xf32>,
    %iota3A_329 = tpu.iota {dimensions = array<i32: 0>} : vector<128x2048xi32>
    %add3A_330 = arith.constant 1152 : i32
    %add3A_331 = vector.broadcast %add3A_330 : i32 to vector<128x2048xi32>
    %add3A_332 = arith.addi %iota3A_329, %add3A_331 : vector<128x2048xi32>
    %get3A_333 = arith.constant 0 : index
    %get3A_334 = arith.constant 0 : index
    %get3A_335 = vector.load %arg6[%get3A_333, %get3A_334] : memref<1x2048xi32, #tpu.memory_space<vmem>>, vector<1x2048xi32>
    %eq3A_336 = vector.broadcast %get3A_335 : vector<1x2048xi32> to vector<128x2048xi32>
    %eq3A_337 = arith.cmpi eq, %eq3A_336, %add3A_332 : vector<128x2048xi32>
    %convert_element_type3A_338 = arith.extui %eq3A_337 : vector<128x2048xi1> to vector<128x2048xi32>
    %convert_element_type3A_339 = arith.sitofp %convert_element_type3A_338 : vector<128x2048xi32> to vector<128x2048xf32>
    %convert_element_type3A_340 = arith.truncf %convert_element_type3A_339 : vector<128x2048xf32> to vector<128x2048xbf16>
    %dot_general3A_341 = arith.constant dense<0.000000e+00> : vector<128x384xf32>
    %dot_general3A_342 = tpu.matmul %convert_element_type3A_340, %convert_element_type3A, %dot_general3A_341 {dimension_numbers = #tpu.dot_dimension_numbers<[1], [0], [0], [1], [0, 0, 1, 1], [], []>, transpose_lhs_hint = false} : vector<128x2048xbf16>, vector<2048x384xbf16>, vector<128x384xf32> -> vector<128x384xf32>
    %dot_general3A_343 = arith.constant dense<0.000000e+00> : vector<128x384xf32>
    %dot_general3A_344 = tpu.matmul %convert_element_type3A_340, %convert_element_type3A_34, %dot_general3A_343 {dimension_numbers = #tpu.dot_dimension_numbers<[1], [0], [0], [1], [0, 0, 1, 1], [], []>, transpose_lhs_hint = false} : vector<128x2048xbf16>, vector<2048x384xbf16>, vector<128x384xf32> -> vector<128x384xf32>
    %add3A_345 = arith.addf %dot_general3A_342, %dot_general3A_344 : vector<128x384xf32>
    %dot_general3A_346 = arith.constant dense<0.000000e+00> : vector<128x128xf32>
    %dot_general3A_347 = tpu.matmul %convert_element_type3A_340, %convert_element_type3A_38, %dot_general3A_346 {dimension_numbers = #tpu.dot_dimension_numbers<[1], [0], [0], [1], [0, 0, 1, 1], [], []>, transpose_lhs_hint = false} : vector<128x2048xbf16>, vector<2048x128xbf16>, vector<128x128xf32> -> vector<128x128xf32>
    %dot_general3A_348 = arith.constant dense<0.000000e+00> : vector<128x128xf32>
    %dot_general3A_349 = tpu.matmul %convert_element_type3A_340, %convert_element_type3A_44, %dot_general3A_348 {dimension_numbers = #tpu.dot_dimension_numbers<[1], [0], [0], [1], [0, 0, 1, 1], [], []>, transpose_lhs_hint = false} : vector<128x2048xbf16>, vector<2048x128xbf16>, vector<128x128xf32> -> vector<128x128xf32>
    %add3A_350 = arith.addf %dot_general3A_347, %dot_general3A_349 : vector<128x128xf32>
    %get3A_351 = arith.constant 1152 : index
    %get3A_352 = arith.constant 0 : index
    %get3A_353 = vector.load %arg1[%get3A_351, %get3A_352] : memref<2048x384xf32, #tpu.memory_space<vmem>>, vector<128x384xf32>
    %add3A_354 = arith.addf %get3A_353, %add3A_345 : vector<128x384xf32>
    %swap3A_355 = arith.constant 1152 : index
    %swap3A_356 = arith.constant 0 : index
    %swap3A_357 = vector.load %arg9[%swap3A_355, %swap3A_356] : memref<2048x512xf32, #tpu.memory_space<vmem>>, vector<128x384xf32>
    tpu.vector_store %arg9[%swap3A_355, %swap3A_356], %add3A_354 {strides = array<i32>} : memref<2048x512xf32, #tpu.memory_space<vmem>>, vector<128x384xf32>,
    %swap3A_358 = arith.constant 1152 : index
    %swap3A_359 = arith.constant 384 : index
    %swap3A_360 = vector.load %arg9[%swap3A_358, %swap3A_359] : memref<2048x512xf32, #tpu.memory_space<vmem>>, vector<128x128xf32>
    tpu.vector_store %arg9[%swap3A_358, %swap3A_359], %add3A_350 {strides = array<i32>} : memref<2048x512xf32, #tpu.memory_space<vmem>>, vector<128x128xf32>,
    %iota3A_361 = tpu.iota {dimensions = array<i32: 0>} : vector<128x2048xi32>
    %add3A_362 = arith.constant 1280 : i32
    %add3A_363 = vector.broadcast %add3A_362 : i32 to vector<128x2048xi32>
    %add3A_364 = arith.addi %iota3A_361, %add3A_363 : vector<128x2048xi32>
    %get3A_365 = arith.constant 0 : index
    %get3A_366 = arith.constant 0 : index
    %get3A_367 = vector.load %arg6[%get3A_365, %get3A_366] : memref<1x2048xi32, #tpu.memory_space<vmem>>, vector<1x2048xi32>
    %eq3A_368 = vector.broadcast %get3A_367 : vector<1x2048xi32> to vector<128x2048xi32>
    %eq3A_369 = arith.cmpi eq, %eq3A_368, %add3A_364 : vector<128x2048xi32>
    %convert_element_type3A_370 = arith.extui %eq3A_369 : vector<128x2048xi1> to vector<128x2048xi32>
    %convert_element_type3A_371 = arith.sitofp %convert_element_type3A_370 : vector<128x2048xi32> to vector<128x2048xf32>
    %convert_element_type3A_372 = arith.truncf %convert_element_type3A_371 : vector<128x2048xf32> to vector<128x2048xbf16>
    %dot_general3A_373 = arith.constant dense<0.000000e+00> : vector<128x384xf32>
    %dot_general3A_374 = tpu.matmul %convert_element_type3A_372, %convert_element_type3A, %dot_general3A_373 {dimension_numbers = #tpu.dot_dimension_numbers<[1], [0], [0], [1], [0, 0, 1, 1], [], []>, transpose_lhs_hint = false} : vector<128x2048xbf16>, vector<2048x384xbf16>, vector<128x384xf32> -> vector<128x384xf32>
    %dot_general3A_375 = arith.constant dense<0.000000e+00> : vector<128x384xf32>
    %dot_general3A_376 = tpu.matmul %convert_element_type3A_372, %convert_element_type3A_34, %dot_general3A_375 {dimension_numbers = #tpu.dot_dimension_numbers<[1], [0], [0], [1], [0, 0, 1, 1], [], []>, transpose_lhs_hint = false} : vector<128x2048xbf16>, vector<2048x384xbf16>, vector<128x384xf32> -> vector<128x384xf32>
    %add3A_377 = arith.addf %dot_general3A_374, %dot_general3A_376 : vector<128x384xf32>
    %dot_general3A_378 = arith.constant dense<0.000000e+00> : vector<128x128xf32>
    %dot_general3A_379 = tpu.matmul %convert_element_type3A_372, %convert_element_type3A_38, %dot_general3A_378 {dimension_numbers = #tpu.dot_dimension_numbers<[1], [0], [0], [1], [0, 0, 1, 1], [], []>, transpose_lhs_hint = false} : vector<128x2048xbf16>, vector<2048x128xbf16>, vector<128x128xf32> -> vector<128x128xf32>
    %dot_general3A_380 = arith.constant dense<0.000000e+00> : vector<128x128xf32>
    %dot_general3A_381 = tpu.matmul %convert_element_type3A_372, %convert_element_type3A_44, %dot_general3A_380 {dimension_numbers = #tpu.dot_dimension_numbers<[1], [0], [0], [1], [0, 0, 1, 1], [], []>, transpose_lhs_hint = false} : vector<128x2048xbf16>, vector<2048x128xbf16>, vector<128x128xf32> -> vector<128x128xf32>
    %add3A_382 = arith.addf %dot_general3A_379, %dot_general3A_381 : vector<128x128xf32>
    %get3A_383 = arith.constant 1280 : index
    %get3A_384 = arith.constant 0 : index
    %get3A_385 = vector.load %arg1[%get3A_383, %get3A_384] : memref<2048x384xf32, #tpu.memory_space<vmem>>, vector<128x384xf32>
    %add3A_386 = arith.addf %get3A_385, %add3A_377 : vector<128x384xf32>
    %swap3A_387 = arith.constant 1280 : index
    %swap3A_388 = arith.constant 0 : index
    %swap3A_389 = vector.load %arg9[%swap3A_387, %swap3A_388] : memref<2048x512xf32, #tpu.memory_space<vmem>>, vector<128x384xf32>
    tpu.vector_store %arg9[%swap3A_387, %swap3A_388], %add3A_386 {strides = array<i32>} : memref<2048x512xf32, #tpu.memory_space<vmem>>, vector<128x384xf32>,
    %swap3A_390 = arith.constant 1280 : index
    %swap3A_391 = arith.constant 384 : index
    %swap3A_392 = vector.load %arg9[%swap3A_390, %swap3A_391] : memref<2048x512xf32, #tpu.memory_space<vmem>>, vector<128x128xf32>
    tpu.vector_store %arg9[%swap3A_390, %swap3A_391], %add3A_382 {strides = array<i32>} : memref<2048x512xf32, #tpu.memory_space<vmem>>, vector<128x128xf32>,
    %iota3A_393 = tpu.iota {dimensions = array<i32: 0>} : vector<128x2048xi32>
    %add3A_394 = arith.constant 1408 : i32
    %add3A_395 = vector.broadcast %add3A_394 : i32 to vector<128x2048xi32>
    %add3A_396 = arith.addi %iota3A_393, %add3A_395 : vector<128x2048xi32>
    %get3A_397 = arith.constant 0 : index
    %get3A_398 = arith.constant 0 : index
    %get3A_399 = vector.load %arg6[%get3A_397, %get3A_398] : memref<1x2048xi32, #tpu.memory_space<vmem>>, vector<1x2048xi32>
    %eq3A_400 = vector.broadcast %get3A_399 : vector<1x2048xi32> to vector<128x2048xi32>
    %eq3A_401 = arith.cmpi eq, %eq3A_400, %add3A_396 : vector<128x2048xi32>
    %convert_element_type3A_402 = arith.extui %eq3A_401 : vector<128x2048xi1> to vector<128x2048xi32>
    %convert_element_type3A_403 = arith.sitofp %convert_element_type3A_402 : vector<128x2048xi32> to vector<128x2048xf32>
    %convert_element_type3A_404 = arith.truncf %convert_element_type3A_403 : vector<128x2048xf32> to vector<128x2048xbf16>
    %dot_general3A_405 = arith.constant dense<0.000000e+00> : vector<128x384xf32>
    %dot_general3A_406 = tpu.matmul %convert_element_type3A_404, %convert_element_type3A, %dot_general3A_405 {dimension_numbers = #tpu.dot_dimension_numbers<[1], [0], [0], [1], [0, 0, 1, 1], [], []>, transpose_lhs_hint = false} : vector<128x2048xbf16>, vector<2048x384xbf16>, vector<128x384xf32> -> vector<128x384xf32>
    %dot_general3A_407 = arith.constant dense<0.000000e+00> : vector<128x384xf32>
    %dot_general3A_408 = tpu.matmul %convert_element_type3A_404, %convert_element_type3A_34, %dot_general3A_407 {dimension_numbers = #tpu.dot_dimension_numbers<[1], [0], [0], [1], [0, 0, 1, 1], [], []>, transpose_lhs_hint = false} : vector<128x2048xbf16>, vector<2048x384xbf16>, vector<128x384xf32> -> vector<128x384xf32>
    %add3A_409 = arith.addf %dot_general3A_406, %dot_general3A_408 : vector<128x384xf32>
    %dot_general3A_410 = arith.constant dense<0.000000e+00> : vector<128x128xf32>
    %dot_general3A_411 = tpu.matmul %convert_element_type3A_404, %convert_element_type3A_38, %dot_general3A_410 {dimension_numbers = #tpu.dot_dimension_numbers<[1], [0], [0], [1], [0, 0, 1, 1], [], []>, transpose_lhs_hint = false} : vector<128x2048xbf16>, vector<2048x128xbf16>, vector<128x128xf32> -> vector<128x128xf32>
    %dot_general3A_412 = arith.constant dense<0.000000e+00> : vector<128x128xf32>
    %dot_general3A_413 = tpu.matmul %convert_element_type3A_404, %convert_element_type3A_44, %dot_general3A_412 {dimension_numbers = #tpu.dot_dimension_numbers<[1], [0], [0], [1], [0, 0, 1, 1], [], []>, transpose_lhs_hint = false} : vector<128x2048xbf16>, vector<2048x128xbf16>, vector<128x128xf32> -> vector<128x128xf32>
    %add3A_414 = arith.addf %dot_general3A_411, %dot_general3A_413 : vector<128x128xf32>
    %get3A_415 = arith.constant 1408 : index
    %get3A_416 = arith.constant 0 : index
    %get3A_417 = vector.load %arg1[%get3A_415, %get3A_416] : memref<2048x384xf32, #tpu.memory_space<vmem>>, vector<128x384xf32>
    %add3A_418 = arith.addf %get3A_417, %add3A_409 : vector<128x384xf32>
    %swap3A_419 = arith.constant 1408 : index
    %swap3A_420 = arith.constant 0 : index
    %swap3A_421 = vector.load %arg9[%swap3A_419, %swap3A_420] : memref<2048x512xf32, #tpu.memory_space<vmem>>, vector<128x384xf32>
    tpu.vector_store %arg9[%swap3A_419, %swap3A_420], %add3A_418 {strides = array<i32>} : memref<2048x512xf32, #tpu.memory_space<vmem>>, vector<128x384xf32>,
    %swap3A_422 = arith.constant 1408 : index
    %swap3A_423 = arith.constant 384 : index
    %swap3A_424 = vector.load %arg9[%swap3A_422, %swap3A_423] : memref<2048x512xf32, #tpu.memory_space<vmem>>, vector<128x128xf32>
    tpu.vector_store %arg9[%swap3A_422, %swap3A_423], %add3A_414 {strides = array<i32>} : memref<2048x512xf32, #tpu.memory_space<vmem>>, vector<128x128xf32>,
    %iota3A_425 = tpu.iota {dimensions = array<i32: 0>} : vector<128x2048xi32>
    %add3A_426 = arith.constant 1536 : i32
    %add3A_427 = vector.broadcast %add3A_426 : i32 to vector<128x2048xi32>
    %add3A_428 = arith.addi %iota3A_425, %add3A_427 : vector<128x2048xi32>
    %get3A_429 = arith.constant 0 : index
    %get3A_430 = arith.constant 0 : index
    %get3A_431 = vector.load %arg6[%get3A_429, %get3A_430] : memref<1x2048xi32, #tpu.memory_space<vmem>>, vector<1x2048xi32>
    %eq3A_432 = vector.broadcast %get3A_431 : vector<1x2048xi32> to vector<128x2048xi32>
    %eq3A_433 = arith.cmpi eq, %eq3A_432, %add3A_428 : vector<128x2048xi32>
    %convert_element_type3A_434 = arith.extui %eq3A_433 : vector<128x2048xi1> to vector<128x2048xi32>
    %convert_element_type3A_435 = arith.sitofp %convert_element_type3A_434 : vector<128x2048xi32> to vector<128x2048xf32>
    %convert_element_type3A_436 = arith.truncf %convert_element_type3A_435 : vector<128x2048xf32> to vector<128x2048xbf16>
    %dot_general3A_437 = arith.constant dense<0.000000e+00> : vector<128x384xf32>
    %dot_general3A_438 = tpu.matmul %convert_element_type3A_436, %convert_element_type3A, %dot_general3A_437 {dimension_numbers = #tpu.dot_dimension_numbers<[1], [0], [0], [1], [0, 0, 1, 1], [], []>, transpose_lhs_hint = false} : vector<128x2048xbf16>, vector<2048x384xbf16>, vector<128x384xf32> -> vector<128x384xf32>
    %dot_general3A_439 = arith.constant dense<0.000000e+00> : vector<128x384xf32>
    %dot_general3A_440 = tpu.matmul %convert_element_type3A_436, %convert_element_type3A_34, %dot_general3A_439 {dimension_numbers = #tpu.dot_dimension_numbers<[1], [0], [0], [1], [0, 0, 1, 1], [], []>, transpose_lhs_hint = false} : vector<128x2048xbf16>, vector<2048x384xbf16>, vector<128x384xf32> -> vector<128x384xf32>
    %add3A_441 = arith.addf %dot_general3A_438, %dot_general3A_440 : vector<128x384xf32>
    %dot_general3A_442 = arith.constant dense<0.000000e+00> : vector<128x128xf32>
    %dot_general3A_443 = tpu.matmul %convert_element_type3A_436, %convert_element_type3A_38, %dot_general3A_442 {dimension_numbers = #tpu.dot_dimension_numbers<[1], [0], [0], [1], [0, 0, 1, 1], [], []>, transpose_lhs_hint = false} : vector<128x2048xbf16>, vector<2048x128xbf16>, vector<128x128xf32> -> vector<128x128xf32>
    %dot_general3A_444 = arith.constant dense<0.000000e+00> : vector<128x128xf32>
    %dot_general3A_445 = tpu.matmul %convert_element_type3A_436, %convert_element_type3A_44, %dot_general3A_444 {dimension_numbers = #tpu.dot_dimension_numbers<[1], [0], [0], [1], [0, 0, 1, 1], [], []>, transpose_lhs_hint = false} : vector<128x2048xbf16>, vector<2048x128xbf16>, vector<128x128xf32> -> vector<128x128xf32>
    %add3A_446 = arith.addf %dot_general3A_443, %dot_general3A_445 : vector<128x128xf32>
    %get3A_447 = arith.constant 1536 : index
    %get3A_448 = arith.constant 0 : index
    %get3A_449 = vector.load %arg1[%get3A_447, %get3A_448] : memref<2048x384xf32, #tpu.memory_space<vmem>>, vector<128x384xf32>
    %add3A_450 = arith.addf %get3A_449, %add3A_441 : vector<128x384xf32>
    %swap3A_451 = arith.constant 1536 : index
    %swap3A_452 = arith.constant 0 : index
    %swap3A_453 = vector.load %arg9[%swap3A_451, %swap3A_452] : memref<2048x512xf32, #tpu.memory_space<vmem>>, vector<128x384xf32>
    tpu.vector_store %arg9[%swap3A_451, %swap3A_452], %add3A_450 {strides = array<i32>} : memref<2048x512xf32, #tpu.memory_space<vmem>>, vector<128x384xf32>,
    %swap3A_454 = arith.constant 1536 : index
    %swap3A_455 = arith.constant 384 : index
    %swap3A_456 = vector.load %arg9[%swap3A_454, %swap3A_455] : memref<2048x512xf32, #tpu.memory_space<vmem>>, vector<128x128xf32>
    tpu.vector_store %arg9[%swap3A_454, %swap3A_455], %add3A_446 {strides = array<i32>} : memref<2048x512xf32, #tpu.memory_space<vmem>>, vector<128x128xf32>,
    %iota3A_457 = tpu.iota {dimensions = array<i32: 0>} : vector<128x2048xi32>
    %add3A_458 = arith.constant 1664 : i32
    %add3A_459 = vector.broadcast %add3A_458 : i32 to vector<128x2048xi32>
    %add3A_460 = arith.addi %iota3A_457, %add3A_459 : vector<128x2048xi32>
    %get3A_461 = arith.constant 0 : index
    %get3A_462 = arith.constant 0 : index
    %get3A_463 = vector.load %arg6[%get3A_461, %get3A_462] : memref<1x2048xi32, #tpu.memory_space<vmem>>, vector<1x2048xi32>
    %eq3A_464 = vector.broadcast %get3A_463 : vector<1x2048xi32> to vector<128x2048xi32>
    %eq3A_465 = arith.cmpi eq, %eq3A_464, %add3A_460 : vector<128x2048xi32>
    %convert_element_type3A_466 = arith.extui %eq3A_465 : vector<128x2048xi1> to vector<128x2048xi32>
    %convert_element_type3A_467 = arith.sitofp %convert_element_type3A_466 : vector<128x2048xi32> to vector<128x2048xf32>
    %convert_element_type3A_468 = arith.truncf %convert_element_type3A_467 : vector<128x2048xf32> to vector<128x2048xbf16>
    %dot_general3A_469 = arith.constant dense<0.000000e+00> : vector<128x384xf32>
    %dot_general3A_470 = tpu.matmul %convert_element_type3A_468, %convert_element_type3A, %dot_general3A_469 {dimension_numbers = #tpu.dot_dimension_numbers<[1], [0], [0], [1], [0, 0, 1, 1], [], []>, transpose_lhs_hint = false} : vector<128x2048xbf16>, vector<2048x384xbf16>, vector<128x384xf32> -> vector<128x384xf32>
    %dot_general3A_471 = arith.constant dense<0.000000e+00> : vector<128x384xf32>
    %dot_general3A_472 = tpu.matmul %convert_element_type3A_468, %convert_element_type3A_34, %dot_general3A_471 {dimension_numbers = #tpu.dot_dimension_numbers<[1], [0], [0], [1], [0, 0, 1, 1], [], []>, transpose_lhs_hint = false} : vector<128x2048xbf16>, vector<2048x384xbf16>, vector<128x384xf32> -> vector<128x384xf32>
    %add3A_473 = arith.addf %dot_general3A_470, %dot_general3A_472 : vector<128x384xf32>
    %dot_general3A_474 = arith.constant dense<0.000000e+00> : vector<128x128xf32>
    %dot_general3A_475 = tpu.matmul %convert_element_type3A_468, %convert_element_type3A_38, %dot_general3A_474 {dimension_numbers = #tpu.dot_dimension_numbers<[1], [0], [0], [1], [0, 0, 1, 1], [], []>, transpose_lhs_hint = false} : vector<128x2048xbf16>, vector<2048x128xbf16>, vector<128x128xf32> -> vector<128x128xf32>
    %dot_general3A_476 = arith.constant dense<0.000000e+00> : vector<128x128xf32>
    %dot_general3A_477 = tpu.matmul %convert_element_type3A_468, %convert_element_type3A_44, %dot_general3A_476 {dimension_numbers = #tpu.dot_dimension_numbers<[1], [0], [0], [1], [0, 0, 1, 1], [], []>, transpose_lhs_hint = false} : vector<128x2048xbf16>, vector<2048x128xbf16>, vector<128x128xf32> -> vector<128x128xf32>
    %add3A_478 = arith.addf %dot_general3A_475, %dot_general3A_477 : vector<128x128xf32>
    %get3A_479 = arith.constant 1664 : index
    %get3A_480 = arith.constant 0 : index
    %get3A_481 = vector.load %arg1[%get3A_479, %get3A_480] : memref<2048x384xf32, #tpu.memory_space<vmem>>, vector<128x384xf32>
    %add3A_482 = arith.addf %get3A_481, %add3A_473 : vector<128x384xf32>
    %swap3A_483 = arith.constant 1664 : index
    %swap3A_484 = arith.constant 0 : index
    %swap3A_485 = vector.load %arg9[%swap3A_483, %swap3A_484] : memref<2048x512xf32, #tpu.memory_space<vmem>>, vector<128x384xf32>
    tpu.vector_store %arg9[%swap3A_483, %swap3A_484], %add3A_482 {strides = array<i32>} : memref<2048x512xf32, #tpu.memory_space<vmem>>, vector<128x384xf32>,
    %swap3A_486 = arith.constant 1664 : index
    %swap3A_487 = arith.constant 384 : index
    %swap3A_488 = vector.load %arg9[%swap3A_486, %swap3A_487] : memref<2048x512xf32, #tpu.memory_space<vmem>>, vector<128x128xf32>
    tpu.vector_store %arg9[%swap3A_486, %swap3A_487], %add3A_478 {strides = array<i32>} : memref<2048x512xf32, #tpu.memory_space<vmem>>, vector<128x128xf32>,
    %iota3A_489 = tpu.iota {dimensions = array<i32: 0>} : vector<128x2048xi32>
    %add3A_490 = arith.constant 1792 : i32
    %add3A_491 = vector.broadcast %add3A_490 : i32 to vector<128x2048xi32>
    %add3A_492 = arith.addi %iota3A_489, %add3A_491 : vector<128x2048xi32>
    %get3A_493 = arith.constant 0 : index
    %get3A_494 = arith.constant 0 : index
    %get3A_495 = vector.load %arg6[%get3A_493, %get3A_494] : memref<1x2048xi32, #tpu.memory_space<vmem>>, vector<1x2048xi32>
    %eq3A_496 = vector.broadcast %get3A_495 : vector<1x2048xi32> to vector<128x2048xi32>
    %eq3A_497 = arith.cmpi eq, %eq3A_496, %add3A_492 : vector<128x2048xi32>
    %convert_element_type3A_498 = arith.extui %eq3A_497 : vector<128x2048xi1> to vector<128x2048xi32>
    %convert_element_type3A_499 = arith.sitofp %convert_element_type3A_498 : vector<128x2048xi32> to vector<128x2048xf32>
    %convert_element_type3A_500 = arith.truncf %convert_element_type3A_499 : vector<128x2048xf32> to vector<128x2048xbf16>
    %dot_general3A_501 = arith.constant dense<0.000000e+00> : vector<128x384xf32>
    %dot_general3A_502 = tpu.matmul %convert_element_type3A_500, %convert_element_type3A, %dot_general3A_501 {dimension_numbers = #tpu.dot_dimension_numbers<[1], [0], [0], [1], [0, 0, 1, 1], [], []>, transpose_lhs_hint = false} : vector<128x2048xbf16>, vector<2048x384xbf16>, vector<128x384xf32> -> vector<128x384xf32>
    %dot_general3A_503 = arith.constant dense<0.000000e+00> : vector<128x384xf32>
    %dot_general3A_504 = tpu.matmul %convert_element_type3A_500, %convert_element_type3A_34, %dot_general3A_503 {dimension_numbers = #tpu.dot_dimension_numbers<[1], [0], [0], [1], [0, 0, 1, 1], [], []>, transpose_lhs_hint = false} : vector<128x2048xbf16>, vector<2048x384xbf16>, vector<128x384xf32> -> vector<128x384xf32>
    %add3A_505 = arith.addf %dot_general3A_502, %dot_general3A_504 : vector<128x384xf32>
    %dot_general3A_506 = arith.constant dense<0.000000e+00> : vector<128x128xf32>
    %dot_general3A_507 = tpu.matmul %convert_element_type3A_500, %convert_element_type3A_38, %dot_general3A_506 {dimension_numbers = #tpu.dot_dimension_numbers<[1], [0], [0], [1], [0, 0, 1, 1], [], []>, transpose_lhs_hint = false} : vector<128x2048xbf16>, vector<2048x128xbf16>, vector<128x128xf32> -> vector<128x128xf32>
    %dot_general3A_508 = arith.constant dense<0.000000e+00> : vector<128x128xf32>
    %dot_general3A_509 = tpu.matmul %convert_element_type3A_500, %convert_element_type3A_44, %dot_general3A_508 {dimension_numbers = #tpu.dot_dimension_numbers<[1], [0], [0], [1], [0, 0, 1, 1], [], []>, transpose_lhs_hint = false} : vector<128x2048xbf16>, vector<2048x128xbf16>, vector<128x128xf32> -> vector<128x128xf32>
    %add3A_510 = arith.addf %dot_general3A_507, %dot_general3A_509 : vector<128x128xf32>
    %get3A_511 = arith.constant 1792 : index
    %get3A_512 = arith.constant 0 : index
    %get3A_513 = vector.load %arg1[%get3A_511, %get3A_512] : memref<2048x384xf32, #tpu.memory_space<vmem>>, vector<128x384xf32>
    %add3A_514 = arith.addf %get3A_513, %add3A_505 : vector<128x384xf32>
    %swap3A_515 = arith.constant 1792 : index
    %swap3A_516 = arith.constant 0 : index
    %swap3A_517 = vector.load %arg9[%swap3A_515, %swap3A_516] : memref<2048x512xf32, #tpu.memory_space<vmem>>, vector<128x384xf32>
    tpu.vector_store %arg9[%swap3A_515, %swap3A_516], %add3A_514 {strides = array<i32>} : memref<2048x512xf32, #tpu.memory_space<vmem>>, vector<128x384xf32>,
    %swap3A_518 = arith.constant 1792 : index
    %swap3A_519 = arith.constant 384 : index
    %swap3A_520 = vector.load %arg9[%swap3A_518, %swap3A_519] : memref<2048x512xf32, #tpu.memory_space<vmem>>, vector<128x128xf32>
    tpu.vector_store %arg9[%swap3A_518, %swap3A_519], %add3A_510 {strides = array<i32>} : memref<2048x512xf32, #tpu.memory_space<vmem>>, vector<128x128xf32>,
    %iota3A_521 = tpu.iota {dimensions = array<i32: 0>} : vector<128x2048xi32>
    %add3A_522 = arith.constant 1920 : i32
    %add3A_523 = vector.broadcast %add3A_522 : i32 to vector<128x2048xi32>
    %add3A_524 = arith.addi %iota3A_521, %add3A_523 : vector<128x2048xi32>
    %get3A_525 = arith.constant 0 : index
    %get3A_526 = arith.constant 0 : index
    %get3A_527 = vector.load %arg6[%get3A_525, %get3A_526] : memref<1x2048xi32, #tpu.memory_space<vmem>>, vector<1x2048xi32>
    %eq3A_528 = vector.broadcast %get3A_527 : vector<1x2048xi32> to vector<128x2048xi32>
    %eq3A_529 = arith.cmpi eq, %eq3A_528, %add3A_524 : vector<128x2048xi32>
    %convert_element_type3A_530 = arith.extui %eq3A_529 : vector<128x2048xi1> to vector<128x2048xi32>
    %convert_element_type3A_531 = arith.sitofp %convert_element_type3A_530 : vector<128x2048xi32> to vector<128x2048xf32>
    %convert_element_type3A_532 = arith.truncf %convert_element_type3A_531 : vector<128x2048xf32> to vector<128x2048xbf16>
    %dot_general3A_533 = arith.constant dense<0.000000e+00> : vector<128x384xf32>
    %dot_general3A_534 = tpu.matmul %convert_element_type3A_532, %convert_element_type3A, %dot_general3A_533 {dimension_numbers = #tpu.dot_dimension_numbers<[1], [0], [0], [1], [0, 0, 1, 1], [], []>, transpose_lhs_hint = false} : vector<128x2048xbf16>, vector<2048x384xbf16>, vector<128x384xf32> -> vector<128x384xf32>
    %dot_general3A_535 = arith.constant dense<0.000000e+00> : vector<128x384xf32>
    %dot_general3A_536 = tpu.matmul %convert_element_type3A_532, %convert_element_type3A_34, %dot_general3A_535 {dimension_numbers = #tpu.dot_dimension_numbers<[1], [0], [0], [1], [0, 0, 1, 1], [], []>, transpose_lhs_hint = false} : vector<128x2048xbf16>, vector<2048x384xbf16>, vector<128x384xf32> -> vector<128x384xf32>
    %add3A_537 = arith.addf %dot_general3A_534, %dot_general3A_536 : vector<128x384xf32>
    %dot_general3A_538 = arith.constant dense<0.000000e+00> : vector<128x128xf32>
    %dot_general3A_539 = tpu.matmul %convert_element_type3A_532, %convert_element_type3A_38, %dot_general3A_538 {dimension_numbers = #tpu.dot_dimension_numbers<[1], [0], [0], [1], [0, 0, 1, 1], [], []>, transpose_lhs_hint = false} : vector<128x2048xbf16>, vector<2048x128xbf16>, vector<128x128xf32> -> vector<128x128xf32>
    %dot_general3A_540 = arith.constant dense<0.000000e+00> : vector<128x128xf32>
    %dot_general3A_541 = tpu.matmul %convert_element_type3A_532, %convert_element_type3A_44, %dot_general3A_540 {dimension_numbers = #tpu.dot_dimension_numbers<[1], [0], [0], [1], [0, 0, 1, 1], [], []>, transpose_lhs_hint = false} : vector<128x2048xbf16>, vector<2048x128xbf16>, vector<128x128xf32> -> vector<128x128xf32>
    %add3A_542 = arith.addf %dot_general3A_539, %dot_general3A_541 : vector<128x128xf32>
    %get3A_543 = arith.constant 1920 : index
    %get3A_544 = arith.constant 0 : index
    %get3A_545 = vector.load %arg1[%get3A_543, %get3A_544] : memref<2048x384xf32, #tpu.memory_space<vmem>>, vector<128x384xf32>
    %add3A_546 = arith.addf %get3A_545, %add3A_537 : vector<128x384xf32>
    %swap3A_547 = arith.constant 1920 : index
    %swap3A_548 = arith.constant 0 : index
    %swap3A_549 = vector.load %arg9[%swap3A_547, %swap3A_548] : memref<2048x512xf32, #tpu.memory_space<vmem>>, vector<128x384xf32>
    tpu.vector_store %arg9[%swap3A_547, %swap3A_548], %add3A_546 {strides = array<i32>} : memref<2048x512xf32, #tpu.memory_space<vmem>>, vector<128x384xf32>,
    %swap3A_550 = arith.constant 1920 : index
    %swap3A_551 = arith.constant 384 : index
    %swap3A_552 = vector.load %arg9[%swap3A_550, %swap3A_551] : memref<2048x512xf32, #tpu.memory_space<vmem>>, vector<128x128xf32>
    tpu.vector_store %arg9[%swap3A_550, %swap3A_551], %add3A_542 {strides = array<i32>} : memref<2048x512xf32, #tpu.memory_space<vmem>>, vector<128x128xf32>,
    %get3A_553 = arith.constant 0 : index
    %get3A_554 = arith.constant 0 : index
    %get3A_555 = vector.load %arg9[%get3A_553, %get3A_554] : memref<2048x512xf32, #tpu.memory_space<vmem>>, vector<2048x384xf32>
    %get3A_556 = arith.constant 0 : index
    %get3A_557 = arith.constant 384 : index
    %get3A_558 = vector.load %arg9[%get3A_556, %get3A_557] : memref<2048x512xf32, #tpu.memory_space<vmem>>, vector<2048x128xf32>
    %slice3A = vector.extract_strided_slice %get3A_555 {offsets = [0, 0], sizes = [2048, 128], strides = [1, 1]} : vector<2048x384xf32> to vector<2048x128xf32>
    %logistic3A = arith.negf %slice3A : vector<2048x128xf32>
    %logistic3A_559 = math.exp %logistic3A : vector<2048x128xf32>
    %logistic3A_560 = arith.constant 1.000000e+00 : f32
    %logistic3A_561 = vector.broadcast %logistic3A_560 : f32 to vector<2048x128xf32>
    %logistic3A_562 = arith.addf %logistic3A_561, %logistic3A_559 : vector<2048x128xf32>
    %logistic3A_563 = arith.divf %logistic3A_561, %logistic3A_562 : vector<2048x128xf32>
    %slice3A_564 = vector.extract_strided_slice %get3A_555 {offsets = [0, 128], sizes = [2048, 128], strides = [1, 1]} : vector<2048x384xf32> to vector<2048x128xf32>
    %logistic3A_565 = arith.negf %slice3A_564 : vector<2048x128xf32>
    %logistic3A_566 = math.exp %logistic3A_565 : vector<2048x128xf32>
    %logistic3A_567 = arith.constant 1.000000e+00 : f32
    %logistic3A_568 = vector.broadcast %logistic3A_567 : f32 to vector<2048x128xf32>
    %logistic3A_569 = arith.addf %logistic3A_568, %logistic3A_566 : vector<2048x128xf32>
    %logistic3A_570 = arith.divf %logistic3A_568, %logistic3A_569 : vector<2048x128xf32>
    %slice3A_571 = vector.extract_strided_slice %get3A_555 {offsets = [0, 256], sizes = [2048, 128], strides = [1, 1]} : vector<2048x384xf32> to vector<2048x128xf32>
    %tanh3A = math.tanh %slice3A_571 : vector<2048x128xf32>
    %mul3A = arith.mulf %logistic3A_563, %tanh3A : vector<2048x128xf32>
    %add3A_572 = arith.addf %mul3A, %get3A_558 : vector<2048x128xf32>
    %tanh3A_573 = math.tanh %add3A_572 : vector<2048x128xf32>
    %mul3A_574 = arith.mulf %logistic3A_570, %tanh3A_573 : vector<2048x128xf32>
    %get3A_575 = arith.constant 0 : index
    %get3A_576 = arith.constant 0 : index
    %get3A_577 = vector.load %arg4[%get3A_575, %get3A_576] : memref<2048x1xi32, #tpu.memory_space<vmem>>, vector<2048x1xi32>
    %eq3A_578 = arith.constant 1 : i32
    %eq3A_579 = vector.broadcast %eq3A_578 : i32 to vector<2048x1xi32>
    %eq3A_580 = arith.cmpi eq, %get3A_577, %eq3A_579 : vector<2048x1xi32>
    %iota3A_581 = tpu.iota {dimensions = array<i32: 0>} : vector<2048x1xi32>
    %eq3A_582 = arith.constant 1 : i32
    %eq3A_583 = vector.broadcast %eq3A_582 : i32 to vector<2048x1xi32>
    %eq3A_584 = arith.cmpi eq, %get3A_577, %eq3A_583 : vector<2048x1xi32>
    %get3A_585 = arith.constant 0 : index
    %get3A_586 = arith.constant 0 : index
    %get3A_587 = vector.load %arg5[%get3A_585, %get3A_586] : memref<2048x1xi32, #tpu.memory_space<vmem>>, vector<2048x1xi32>
    %lt3A = arith.cmpi slt, %get3A_587, %iota3A_581 : vector<2048x1xi32>
    %and3A = arith.andi %eq3A_584, %lt3A : vector<2048x1xi1>
    %convert_element_type3A_588 = arith.extui %and3A : vector<2048x1xi1> to vector<2048x1xi32>
    %convert_element_type3A_589 = arith.sitofp %convert_element_type3A_588 : vector<2048x1xi32> to vector<2048x1xf32>
    %get3A_590 = arith.constant 0 : index
    %get3A_591 = arith.constant 0 : index
    %get3A_592 = vector.load %arg7[%get3A_590, %get3A_591] : memref<2048x128xf32, #tpu.memory_space<vmem>>, vector<2048x128xf32>
    %broadcast_in_dim3A = vector.shape_cast %eq3A_580 : vector<2048x1xi1> to vector<2048x1xi1>
    %broadcast_in_dim3A_593 = vector.broadcast %broadcast_in_dim3A : vector<2048x1xi1> to vector<2048x128xi1>
    %select_n3A = arith.select %broadcast_in_dim3A_593, %mul3A_574, %get3A_592 : vector<2048x128xi1>, vector<2048x128xf32>
    %swap3A_594 = arith.constant 0 : index
    %swap3A_595 = arith.constant 0 : index
    %swap3A_596 = vector.load %arg13[%swap3A_594, %swap3A_595] : memref<2048x128xf32, #tpu.memory_space<vmem>>, vector<2048x128xf32>
    tpu.vector_store %arg13[%swap3A_594, %swap3A_595], %select_n3A {strides = array<i32>} : memref<2048x128xf32, #tpu.memory_space<vmem>>, vector<2048x128xf32>,
    %mul3A_597 = vector.broadcast %convert_element_type3A_589 : vector<2048x1xf32> to vector<2048x128xf32>
    %mul3A_598 = arith.mulf %mul3A_574, %mul3A_597 : vector<2048x128xf32>
    %get3A_599 = arith.constant 0 : index
    %get3A_600 = arith.constant 0 : index
    %get3A_601 = vector.load %arg8[%get3A_599, %get3A_600] : memref<512x128xf32, #tpu.memory_space<vmem>>, vector<512x128xf32>
    %dot_general3A_602 = arith.constant dense<0.000000e+00> : vector<2048x512xf32>
    %dot_general3A_603 = tpu.matmul %mul3A_598, %get3A_601, %dot_general3A_602 {dimension_numbers = #tpu.dot_dimension_numbers<[1], [1], [0], [0], [0, 0, 1, 0], [], []>, transpose_lhs_hint = false} : vector<2048x128xf32>, vector<512x128xf32>, vector<2048x512xf32> -> vector<2048x512xf32>
    %slice3A_604 = vector.extract_strided_slice %dot_general3A_603 {offsets = [0, 0], sizes = [2048, 384], strides = [1, 1]} : vector<2048x512xf32> to vector<2048x384xf32>
    %swap3A_605 = arith.constant 0 : index
    %swap3A_606 = arith.constant 0 : index
    %swap3A_607 = vector.load %arg10[%swap3A_605, %swap3A_606] : memref<2048x384xf32, #tpu.memory_space<vmem>>, vector<2048x384xf32>
    tpu.vector_store %arg10[%swap3A_605, %swap3A_606], %slice3A_604 {strides = array<i32>} : memref<2048x384xf32, #tpu.memory_space<vmem>>, vector<2048x384xf32>,
    %slice3A_608 = vector.extract_strided_slice %dot_general3A_603 {offsets = [0, 384], sizes = [2048, 128], strides = [1, 1]} : vector<2048x512xf32> to vector<2048x128xf32>
    %swap3A_609 = arith.constant 0 : index
    %swap3A_610 = arith.constant 0 : index
    %swap3A_611 = vector.load %arg11[%swap3A_609, %swap3A_610] : memref<2048x128xf32, #tpu.memory_space<vmem>>, vector<2048x128xf32>
    tpu.vector_store %arg11[%swap3A_609, %swap3A_610], %slice3A_608 {strides = array<i32>} : memref<2048x128xf32, #tpu.memory_space<vmem>>, vector<2048x128xf32>,
    %mul3A_612 = vector.broadcast %convert_element_type3A_589 : vector<2048x1xf32> to vector<2048x128xf32>
    %mul3A_613 = arith.mulf %add3A_572, %mul3A_612 : vector<2048x128xf32>
    %swap3A_614 = arith.constant 0 : index
    %swap3A_615 = arith.constant 0 : index
    %swap3A_616 = vector.load %arg12[%swap3A_614, %swap3A_615] : memref<2048x128xf32, #tpu.memory_space<vmem>>, vector<2048x128xf32>
    tpu.vector_store %arg12[%swap3A_614, %swap3A_615], %mul3A_613 {strides = array<i32>} : memref<2048x128xf32, #tpu.memory_space<vmem>>, vector<2048x128xf32>,
    return
  }
}

module attributes {stable_mosaic.version = 14 : i64} {
  func.func @_apply_residue_body(%arg0: memref<2048xi32, #tpu.memory_space<smem>>, %arg1: memref<2048xi32, #tpu.memory_space<smem>>, %arg2: memref<8xi32, #tpu.memory_space<smem>>, %arg3: memref<2048x512xf32, #tpu.memory_space<vmem>>, %arg4: memref<2048x384xf32, #tpu.memory_space<vmem>>, %arg5: memref<2048x128xf32, #tpu.memory_space<vmem>>, %arg6: memref<2048x128xf32, #tpu.memory_space<vmem>>, %arg7: memref<2048x128xf32, #tpu.memory_space<vmem>>, %arg8: memref<1x2048xi32, #tpu.memory_space<vmem>>, %arg9: memref<512x128xf32, #tpu.memory_space<vmem>>, %arg10: memref<2048x128xf32, #tpu.memory_space<vmem>>, %arg11: memref<2048x512xf32, #tpu.memory_space<vmem>>) attributes {dimension_semantics = [], scalar_prefetch = 0 : i64, scratch_operands = 1 : i64, tpu.core_type = #tpu.core_type<tc>} {
    %get3A = arith.constant 0 : index
    %get3A_0 = arith.constant 0 : index
    %get3A_1 = vector.load %arg7[%get3A, %get3A_0] : memref<2048x128xf32, #tpu.memory_space<vmem>>, vector<2048x128xf32>
    %swap3A = arith.constant 0 : index
    %swap3A_2 = arith.constant 0 : index
    %swap3A_3 = vector.load %arg10[%swap3A, %swap3A_2] : memref<2048x128xf32, #tpu.memory_space<vmem>>, vector<2048x128xf32>
    tpu.vector_store %arg10[%swap3A, %swap3A_2], %get3A_1 {strides = array<i32>} : memref<2048x128xf32, #tpu.memory_space<vmem>>, vector<2048x128xf32>,
    %get3A_4 = arith.constant 0 : index
    %get3A_5 = arith.constant 0 : index
    %get3A_6 = vector.load %arg4[%get3A_4, %get3A_5] : memref<2048x384xf32, #tpu.memory_space<vmem>>, vector<2048x384xf32>
    %convert_element_type3A = arith.truncf %get3A_6 : vector<2048x384xf32> to vector<2048x384xbf16>
    %get3A_7 = arith.constant 0 : index
    %get3A_8 = arith.constant 0 : index
    %get3A_9 = vector.load %arg4[%get3A_7, %get3A_8] : memref<2048x384xf32, #tpu.memory_space<vmem>>, vector<2048x384xf32>
    %convert_element_type3A_10 = arith.extf %convert_element_type3A : vector<2048x384xbf16> to vector<2048x384xf32>
    %sub3A = arith.subf %get3A_9, %convert_element_type3A_10 : vector<2048x384xf32>
    %convert_element_type3A_11 = arith.truncf %sub3A : vector<2048x384xf32> to vector<2048x384xbf16>
    %get3A_12 = arith.constant 0 : index
    %get3A_13 = arith.constant 0 : index
    %get3A_14 = vector.load %arg5[%get3A_12, %get3A_13] : memref<2048x128xf32, #tpu.memory_space<vmem>>, vector<2048x128xf32>
    %convert_element_type3A_15 = arith.truncf %get3A_14 : vector<2048x128xf32> to vector<2048x128xbf16>
    %get3A_16 = arith.constant 0 : index
    %get3A_17 = arith.constant 0 : index
    %get3A_18 = vector.load %arg5[%get3A_16, %get3A_17] : memref<2048x128xf32, #tpu.memory_space<vmem>>, vector<2048x128xf32>
    %convert_element_type3A_19 = arith.extf %convert_element_type3A_15 : vector<2048x128xbf16> to vector<2048x128xf32>
    %sub3A_20 = arith.subf %get3A_18, %convert_element_type3A_19 : vector<2048x128xf32>
    %convert_element_type3A_21 = arith.truncf %sub3A_20 : vector<2048x128xf32> to vector<2048x128xbf16>
    %iota3A = tpu.iota {dimensions = array<i32: 0>} : vector<128x2048xi32>
    %add3A = arith.constant 0 : i32
    %add3A_22 = vector.broadcast %add3A : i32 to vector<128x2048xi32>
    %add3A_23 = arith.addi %iota3A, %add3A_22 : vector<128x2048xi32>
    %get3A_24 = arith.constant 0 : index
    %get3A_25 = arith.constant 0 : index
    %get3A_26 = vector.load %arg8[%get3A_24, %get3A_25] : memref<1x2048xi32, #tpu.memory_space<vmem>>, vector<1x2048xi32>
    %eq3A = vector.broadcast %get3A_26 : vector<1x2048xi32> to vector<128x2048xi32>
    %eq3A_27 = arith.cmpi eq, %eq3A, %add3A_23 : vector<128x2048xi32>
    %convert_element_type3A_28 = arith.extui %eq3A_27 : vector<128x2048xi1> to vector<128x2048xi32>
    %convert_element_type3A_29 = arith.sitofp %convert_element_type3A_28 : vector<128x2048xi32> to vector<128x2048xf32>
    %convert_element_type3A_30 = arith.truncf %convert_element_type3A_29 : vector<128x2048xf32> to vector<128x2048xbf16>
    %dot_general3A = arith.constant dense<0.000000e+00> : vector<128x384xf32>
    %dot_general3A_31 = tpu.matmul %convert_element_type3A_30, %convert_element_type3A, %dot_general3A {dimension_numbers = #tpu.dot_dimension_numbers<[1], [0], [0], [1], [0, 0, 1, 1], [], []>, transpose_lhs_hint = false} : vector<128x2048xbf16>, vector<2048x384xbf16>, vector<128x384xf32> -> vector<128x384xf32>
    %dot_general3A_32 = arith.constant dense<0.000000e+00> : vector<128x384xf32>
    %dot_general3A_33 = tpu.matmul %convert_element_type3A_30, %convert_element_type3A_11, %dot_general3A_32 {dimension_numbers = #tpu.dot_dimension_numbers<[1], [0], [0], [1], [0, 0, 1, 1], [], []>, transpose_lhs_hint = false} : vector<128x2048xbf16>, vector<2048x384xbf16>, vector<128x384xf32> -> vector<128x384xf32>
    %add3A_34 = arith.addf %dot_general3A_31, %dot_general3A_33 : vector<128x384xf32>
    %dot_general3A_35 = arith.constant dense<0.000000e+00> : vector<128x128xf32>
    %dot_general3A_36 = tpu.matmul %convert_element_type3A_30, %convert_element_type3A_15, %dot_general3A_35 {dimension_numbers = #tpu.dot_dimension_numbers<[1], [0], [0], [1], [0, 0, 1, 1], [], []>, transpose_lhs_hint = false} : vector<128x2048xbf16>, vector<2048x128xbf16>, vector<128x128xf32> -> vector<128x128xf32>
    %dot_general3A_37 = arith.constant dense<0.000000e+00> : vector<128x128xf32>
    %dot_general3A_38 = tpu.matmul %convert_element_type3A_30, %convert_element_type3A_21, %dot_general3A_37 {dimension_numbers = #tpu.dot_dimension_numbers<[1], [0], [0], [1], [0, 0, 1, 1], [], []>, transpose_lhs_hint = false} : vector<128x2048xbf16>, vector<2048x128xbf16>, vector<128x128xf32> -> vector<128x128xf32>
    %add3A_39 = arith.addf %dot_general3A_36, %dot_general3A_38 : vector<128x128xf32>
    %get3A_40 = arith.constant 0 : index
    %get3A_41 = arith.constant 0 : index
    %get3A_42 = vector.load %arg3[%get3A_40, %get3A_41] : memref<2048x512xf32, #tpu.memory_space<vmem>>, vector<128x384xf32>
    %add3A_43 = arith.addf %get3A_42, %add3A_34 : vector<128x384xf32>
    %swap3A_44 = arith.constant 0 : index
    %swap3A_45 = arith.constant 0 : index
    %swap3A_46 = vector.load %arg11[%swap3A_44, %swap3A_45] : memref<2048x512xf32, #tpu.memory_space<vmem>>, vector<128x384xf32>
    tpu.vector_store %arg11[%swap3A_44, %swap3A_45], %add3A_43 {strides = array<i32>} : memref<2048x512xf32, #tpu.memory_space<vmem>>, vector<128x384xf32>,
    %get3A_47 = arith.constant 0 : index
    %get3A_48 = arith.constant 384 : index
    %get3A_49 = vector.load %arg3[%get3A_47, %get3A_48] : memref<2048x512xf32, #tpu.memory_space<vmem>>, vector<128x128xf32>
    %add3A_50 = arith.addf %get3A_49, %add3A_39 : vector<128x128xf32>
    %swap3A_51 = arith.constant 0 : index
    %swap3A_52 = arith.constant 384 : index
    %swap3A_53 = vector.load %arg11[%swap3A_51, %swap3A_52] : memref<2048x512xf32, #tpu.memory_space<vmem>>, vector<128x128xf32>
    tpu.vector_store %arg11[%swap3A_51, %swap3A_52], %add3A_50 {strides = array<i32>} : memref<2048x512xf32, #tpu.memory_space<vmem>>, vector<128x128xf32>,
    %iota3A_54 = tpu.iota {dimensions = array<i32: 0>} : vector<128x2048xi32>
    %add3A_55 = arith.constant 128 : i32
    %add3A_56 = vector.broadcast %add3A_55 : i32 to vector<128x2048xi32>
    %add3A_57 = arith.addi %iota3A_54, %add3A_56 : vector<128x2048xi32>
    %get3A_58 = arith.constant 0 : index
    %get3A_59 = arith.constant 0 : index
    %get3A_60 = vector.load %arg8[%get3A_58, %get3A_59] : memref<1x2048xi32, #tpu.memory_space<vmem>>, vector<1x2048xi32>
    %eq3A_61 = vector.broadcast %get3A_60 : vector<1x2048xi32> to vector<128x2048xi32>
    %eq3A_62 = arith.cmpi eq, %eq3A_61, %add3A_57 : vector<128x2048xi32>
    %convert_element_type3A_63 = arith.extui %eq3A_62 : vector<128x2048xi1> to vector<128x2048xi32>
    %convert_element_type3A_64 = arith.sitofp %convert_element_type3A_63 : vector<128x2048xi32> to vector<128x2048xf32>
    %convert_element_type3A_65 = arith.truncf %convert_element_type3A_64 : vector<128x2048xf32> to vector<128x2048xbf16>
    %dot_general3A_66 = arith.constant dense<0.000000e+00> : vector<128x384xf32>
    %dot_general3A_67 = tpu.matmul %convert_element_type3A_65, %convert_element_type3A, %dot_general3A_66 {dimension_numbers = #tpu.dot_dimension_numbers<[1], [0], [0], [1], [0, 0, 1, 1], [], []>, transpose_lhs_hint = false} : vector<128x2048xbf16>, vector<2048x384xbf16>, vector<128x384xf32> -> vector<128x384xf32>
    %dot_general3A_68 = arith.constant dense<0.000000e+00> : vector<128x384xf32>
    %dot_general3A_69 = tpu.matmul %convert_element_type3A_65, %convert_element_type3A_11, %dot_general3A_68 {dimension_numbers = #tpu.dot_dimension_numbers<[1], [0], [0], [1], [0, 0, 1, 1], [], []>, transpose_lhs_hint = false} : vector<128x2048xbf16>, vector<2048x384xbf16>, vector<128x384xf32> -> vector<128x384xf32>
    %add3A_70 = arith.addf %dot_general3A_67, %dot_general3A_69 : vector<128x384xf32>
    %dot_general3A_71 = arith.constant dense<0.000000e+00> : vector<128x128xf32>
    %dot_general3A_72 = tpu.matmul %convert_element_type3A_65, %convert_element_type3A_15, %dot_general3A_71 {dimension_numbers = #tpu.dot_dimension_numbers<[1], [0], [0], [1], [0, 0, 1, 1], [], []>, transpose_lhs_hint = false} : vector<128x2048xbf16>, vector<2048x128xbf16>, vector<128x128xf32> -> vector<128x128xf32>
    %dot_general3A_73 = arith.constant dense<0.000000e+00> : vector<128x128xf32>
    %dot_general3A_74 = tpu.matmul %convert_element_type3A_65, %convert_element_type3A_21, %dot_general3A_73 {dimension_numbers = #tpu.dot_dimension_numbers<[1], [0], [0], [1], [0, 0, 1, 1], [], []>, transpose_lhs_hint = false} : vector<128x2048xbf16>, vector<2048x128xbf16>, vector<128x128xf32> -> vector<128x128xf32>
    %add3A_75 = arith.addf %dot_general3A_72, %dot_general3A_74 : vector<128x128xf32>
    %get3A_76 = arith.constant 128 : index
    %get3A_77 = arith.constant 0 : index
    %get3A_78 = vector.load %arg3[%get3A_76, %get3A_77] : memref<2048x512xf32, #tpu.memory_space<vmem>>, vector<128x384xf32>
    %add3A_79 = arith.addf %get3A_78, %add3A_70 : vector<128x384xf32>
    %swap3A_80 = arith.constant 128 : index
    %swap3A_81 = arith.constant 0 : index
    %swap3A_82 = vector.load %arg11[%swap3A_80, %swap3A_81] : memref<2048x512xf32, #tpu.memory_space<vmem>>, vector<128x384xf32>
    tpu.vector_store %arg11[%swap3A_80, %swap3A_81], %add3A_79 {strides = array<i32>} : memref<2048x512xf32, #tpu.memory_space<vmem>>, vector<128x384xf32>,
    %get3A_83 = arith.constant 128 : index
    %get3A_84 = arith.constant 384 : index
    %get3A_85 = vector.load %arg3[%get3A_83, %get3A_84] : memref<2048x512xf32, #tpu.memory_space<vmem>>, vector<128x128xf32>
    %add3A_86 = arith.addf %get3A_85, %add3A_75 : vector<128x128xf32>
    %swap3A_87 = arith.constant 128 : index
    %swap3A_88 = arith.constant 384 : index
    %swap3A_89 = vector.load %arg11[%swap3A_87, %swap3A_88] : memref<2048x512xf32, #tpu.memory_space<vmem>>, vector<128x128xf32>
    tpu.vector_store %arg11[%swap3A_87, %swap3A_88], %add3A_86 {strides = array<i32>} : memref<2048x512xf32, #tpu.memory_space<vmem>>, vector<128x128xf32>,
    %iota3A_90 = tpu.iota {dimensions = array<i32: 0>} : vector<128x2048xi32>
    %add3A_91 = arith.constant 256 : i32
    %add3A_92 = vector.broadcast %add3A_91 : i32 to vector<128x2048xi32>
    %add3A_93 = arith.addi %iota3A_90, %add3A_92 : vector<128x2048xi32>
    %get3A_94 = arith.constant 0 : index
    %get3A_95 = arith.constant 0 : index
    %get3A_96 = vector.load %arg8[%get3A_94, %get3A_95] : memref<1x2048xi32, #tpu.memory_space<vmem>>, vector<1x2048xi32>
    %eq3A_97 = vector.broadcast %get3A_96 : vector<1x2048xi32> to vector<128x2048xi32>
    %eq3A_98 = arith.cmpi eq, %eq3A_97, %add3A_93 : vector<128x2048xi32>
    %convert_element_type3A_99 = arith.extui %eq3A_98 : vector<128x2048xi1> to vector<128x2048xi32>
    %convert_element_type3A_100 = arith.sitofp %convert_element_type3A_99 : vector<128x2048xi32> to vector<128x2048xf32>
    %convert_element_type3A_101 = arith.truncf %convert_element_type3A_100 : vector<128x2048xf32> to vector<128x2048xbf16>
    %dot_general3A_102 = arith.constant dense<0.000000e+00> : vector<128x384xf32>
    %dot_general3A_103 = tpu.matmul %convert_element_type3A_101, %convert_element_type3A, %dot_general3A_102 {dimension_numbers = #tpu.dot_dimension_numbers<[1], [0], [0], [1], [0, 0, 1, 1], [], []>, transpose_lhs_hint = false} : vector<128x2048xbf16>, vector<2048x384xbf16>, vector<128x384xf32> -> vector<128x384xf32>
    %dot_general3A_104 = arith.constant dense<0.000000e+00> : vector<128x384xf32>
    %dot_general3A_105 = tpu.matmul %convert_element_type3A_101, %convert_element_type3A_11, %dot_general3A_104 {dimension_numbers = #tpu.dot_dimension_numbers<[1], [0], [0], [1], [0, 0, 1, 1], [], []>, transpose_lhs_hint = false} : vector<128x2048xbf16>, vector<2048x384xbf16>, vector<128x384xf32> -> vector<128x384xf32>
    %add3A_106 = arith.addf %dot_general3A_103, %dot_general3A_105 : vector<128x384xf32>
    %dot_general3A_107 = arith.constant dense<0.000000e+00> : vector<128x128xf32>
    %dot_general3A_108 = tpu.matmul %convert_element_type3A_101, %convert_element_type3A_15, %dot_general3A_107 {dimension_numbers = #tpu.dot_dimension_numbers<[1], [0], [0], [1], [0, 0, 1, 1], [], []>, transpose_lhs_hint = false} : vector<128x2048xbf16>, vector<2048x128xbf16>, vector<128x128xf32> -> vector<128x128xf32>
    %dot_general3A_109 = arith.constant dense<0.000000e+00> : vector<128x128xf32>
    %dot_general3A_110 = tpu.matmul %convert_element_type3A_101, %convert_element_type3A_21, %dot_general3A_109 {dimension_numbers = #tpu.dot_dimension_numbers<[1], [0], [0], [1], [0, 0, 1, 1], [], []>, transpose_lhs_hint = false} : vector<128x2048xbf16>, vector<2048x128xbf16>, vector<128x128xf32> -> vector<128x128xf32>
    %add3A_111 = arith.addf %dot_general3A_108, %dot_general3A_110 : vector<128x128xf32>
    %get3A_112 = arith.constant 256 : index
    %get3A_113 = arith.constant 0 : index
    %get3A_114 = vector.load %arg3[%get3A_112, %get3A_113] : memref<2048x512xf32, #tpu.memory_space<vmem>>, vector<128x384xf32>
    %add3A_115 = arith.addf %get3A_114, %add3A_106 : vector<128x384xf32>
    %swap3A_116 = arith.constant 256 : index
    %swap3A_117 = arith.constant 0 : index
    %swap3A_118 = vector.load %arg11[%swap3A_116, %swap3A_117] : memref<2048x512xf32, #tpu.memory_space<vmem>>, vector<128x384xf32>
    tpu.vector_store %arg11[%swap3A_116, %swap3A_117], %add3A_115 {strides = array<i32>} : memref<2048x512xf32, #tpu.memory_space<vmem>>, vector<128x384xf32>,
    %get3A_119 = arith.constant 256 : index
    %get3A_120 = arith.constant 384 : index
    %get3A_121 = vector.load %arg3[%get3A_119, %get3A_120] : memref<2048x512xf32, #tpu.memory_space<vmem>>, vector<128x128xf32>
    %add3A_122 = arith.addf %get3A_121, %add3A_111 : vector<128x128xf32>
    %swap3A_123 = arith.constant 256 : index
    %swap3A_124 = arith.constant 384 : index
    %swap3A_125 = vector.load %arg11[%swap3A_123, %swap3A_124] : memref<2048x512xf32, #tpu.memory_space<vmem>>, vector<128x128xf32>
    tpu.vector_store %arg11[%swap3A_123, %swap3A_124], %add3A_122 {strides = array<i32>} : memref<2048x512xf32, #tpu.memory_space<vmem>>, vector<128x128xf32>,
    %iota3A_126 = tpu.iota {dimensions = array<i32: 0>} : vector<128x2048xi32>
    %add3A_127 = arith.constant 384 : i32
    %add3A_128 = vector.broadcast %add3A_127 : i32 to vector<128x2048xi32>
    %add3A_129 = arith.addi %iota3A_126, %add3A_128 : vector<128x2048xi32>
    %get3A_130 = arith.constant 0 : index
    %get3A_131 = arith.constant 0 : index
    %get3A_132 = vector.load %arg8[%get3A_130, %get3A_131] : memref<1x2048xi32, #tpu.memory_space<vmem>>, vector<1x2048xi32>
    %eq3A_133 = vector.broadcast %get3A_132 : vector<1x2048xi32> to vector<128x2048xi32>
    %eq3A_134 = arith.cmpi eq, %eq3A_133, %add3A_129 : vector<128x2048xi32>
    %convert_element_type3A_135 = arith.extui %eq3A_134 : vector<128x2048xi1> to vector<128x2048xi32>
    %convert_element_type3A_136 = arith.sitofp %convert_element_type3A_135 : vector<128x2048xi32> to vector<128x2048xf32>
    %convert_element_type3A_137 = arith.truncf %convert_element_type3A_136 : vector<128x2048xf32> to vector<128x2048xbf16>
    %dot_general3A_138 = arith.constant dense<0.000000e+00> : vector<128x384xf32>
    %dot_general3A_139 = tpu.matmul %convert_element_type3A_137, %convert_element_type3A, %dot_general3A_138 {dimension_numbers = #tpu.dot_dimension_numbers<[1], [0], [0], [1], [0, 0, 1, 1], [], []>, transpose_lhs_hint = false} : vector<128x2048xbf16>, vector<2048x384xbf16>, vector<128x384xf32> -> vector<128x384xf32>
    %dot_general3A_140 = arith.constant dense<0.000000e+00> : vector<128x384xf32>
    %dot_general3A_141 = tpu.matmul %convert_element_type3A_137, %convert_element_type3A_11, %dot_general3A_140 {dimension_numbers = #tpu.dot_dimension_numbers<[1], [0], [0], [1], [0, 0, 1, 1], [], []>, transpose_lhs_hint = false} : vector<128x2048xbf16>, vector<2048x384xbf16>, vector<128x384xf32> -> vector<128x384xf32>
    %add3A_142 = arith.addf %dot_general3A_139, %dot_general3A_141 : vector<128x384xf32>
    %dot_general3A_143 = arith.constant dense<0.000000e+00> : vector<128x128xf32>
    %dot_general3A_144 = tpu.matmul %convert_element_type3A_137, %convert_element_type3A_15, %dot_general3A_143 {dimension_numbers = #tpu.dot_dimension_numbers<[1], [0], [0], [1], [0, 0, 1, 1], [], []>, transpose_lhs_hint = false} : vector<128x2048xbf16>, vector<2048x128xbf16>, vector<128x128xf32> -> vector<128x128xf32>
    %dot_general3A_145 = arith.constant dense<0.000000e+00> : vector<128x128xf32>
    %dot_general3A_146 = tpu.matmul %convert_element_type3A_137, %convert_element_type3A_21, %dot_general3A_145 {dimension_numbers = #tpu.dot_dimension_numbers<[1], [0], [0], [1], [0, 0, 1, 1], [], []>, transpose_lhs_hint = false} : vector<128x2048xbf16>, vector<2048x128xbf16>, vector<128x128xf32> -> vector<128x128xf32>
    %add3A_147 = arith.addf %dot_general3A_144, %dot_general3A_146 : vector<128x128xf32>
    %get3A_148 = arith.constant 384 : index
    %get3A_149 = arith.constant 0 : index
    %get3A_150 = vector.load %arg3[%get3A_148, %get3A_149] : memref<2048x512xf32, #tpu.memory_space<vmem>>, vector<128x384xf32>
    %add3A_151 = arith.addf %get3A_150, %add3A_142 : vector<128x384xf32>
    %swap3A_152 = arith.constant 384 : index
    %swap3A_153 = arith.constant 0 : index
    %swap3A_154 = vector.load %arg11[%swap3A_152, %swap3A_153] : memref<2048x512xf32, #tpu.memory_space<vmem>>, vector<128x384xf32>
    tpu.vector_store %arg11[%swap3A_152, %swap3A_153], %add3A_151 {strides = array<i32>} : memref<2048x512xf32, #tpu.memory_space<vmem>>, vector<128x384xf32>,
    %get3A_155 = arith.constant 384 : index
    %get3A_156 = arith.constant 384 : index
    %get3A_157 = vector.load %arg3[%get3A_155, %get3A_156] : memref<2048x512xf32, #tpu.memory_space<vmem>>, vector<128x128xf32>
    %add3A_158 = arith.addf %get3A_157, %add3A_147 : vector<128x128xf32>
    %swap3A_159 = arith.constant 384 : index
    %swap3A_160 = arith.constant 384 : index
    %swap3A_161 = vector.load %arg11[%swap3A_159, %swap3A_160] : memref<2048x512xf32, #tpu.memory_space<vmem>>, vector<128x128xf32>
    tpu.vector_store %arg11[%swap3A_159, %swap3A_160], %add3A_158 {strides = array<i32>} : memref<2048x512xf32, #tpu.memory_space<vmem>>, vector<128x128xf32>,
    %iota3A_162 = tpu.iota {dimensions = array<i32: 0>} : vector<128x2048xi32>
    %add3A_163 = arith.constant 512 : i32
    %add3A_164 = vector.broadcast %add3A_163 : i32 to vector<128x2048xi32>
    %add3A_165 = arith.addi %iota3A_162, %add3A_164 : vector<128x2048xi32>
    %get3A_166 = arith.constant 0 : index
    %get3A_167 = arith.constant 0 : index
    %get3A_168 = vector.load %arg8[%get3A_166, %get3A_167] : memref<1x2048xi32, #tpu.memory_space<vmem>>, vector<1x2048xi32>
    %eq3A_169 = vector.broadcast %get3A_168 : vector<1x2048xi32> to vector<128x2048xi32>
    %eq3A_170 = arith.cmpi eq, %eq3A_169, %add3A_165 : vector<128x2048xi32>
    %convert_element_type3A_171 = arith.extui %eq3A_170 : vector<128x2048xi1> to vector<128x2048xi32>
    %convert_element_type3A_172 = arith.sitofp %convert_element_type3A_171 : vector<128x2048xi32> to vector<128x2048xf32>
    %convert_element_type3A_173 = arith.truncf %convert_element_type3A_172 : vector<128x2048xf32> to vector<128x2048xbf16>
    %dot_general3A_174 = arith.constant dense<0.000000e+00> : vector<128x384xf32>
    %dot_general3A_175 = tpu.matmul %convert_element_type3A_173, %convert_element_type3A, %dot_general3A_174 {dimension_numbers = #tpu.dot_dimension_numbers<[1], [0], [0], [1], [0, 0, 1, 1], [], []>, transpose_lhs_hint = false} : vector<128x2048xbf16>, vector<2048x384xbf16>, vector<128x384xf32> -> vector<128x384xf32>
    %dot_general3A_176 = arith.constant dense<0.000000e+00> : vector<128x384xf32>
    %dot_general3A_177 = tpu.matmul %convert_element_type3A_173, %convert_element_type3A_11, %dot_general3A_176 {dimension_numbers = #tpu.dot_dimension_numbers<[1], [0], [0], [1], [0, 0, 1, 1], [], []>, transpose_lhs_hint = false} : vector<128x2048xbf16>, vector<2048x384xbf16>, vector<128x384xf32> -> vector<128x384xf32>
    %add3A_178 = arith.addf %dot_general3A_175, %dot_general3A_177 : vector<128x384xf32>
    %dot_general3A_179 = arith.constant dense<0.000000e+00> : vector<128x128xf32>
    %dot_general3A_180 = tpu.matmul %convert_element_type3A_173, %convert_element_type3A_15, %dot_general3A_179 {dimension_numbers = #tpu.dot_dimension_numbers<[1], [0], [0], [1], [0, 0, 1, 1], [], []>, transpose_lhs_hint = false} : vector<128x2048xbf16>, vector<2048x128xbf16>, vector<128x128xf32> -> vector<128x128xf32>
    %dot_general3A_181 = arith.constant dense<0.000000e+00> : vector<128x128xf32>
    %dot_general3A_182 = tpu.matmul %convert_element_type3A_173, %convert_element_type3A_21, %dot_general3A_181 {dimension_numbers = #tpu.dot_dimension_numbers<[1], [0], [0], [1], [0, 0, 1, 1], [], []>, transpose_lhs_hint = false} : vector<128x2048xbf16>, vector<2048x128xbf16>, vector<128x128xf32> -> vector<128x128xf32>
    %add3A_183 = arith.addf %dot_general3A_180, %dot_general3A_182 : vector<128x128xf32>
    %get3A_184 = arith.constant 512 : index
    %get3A_185 = arith.constant 0 : index
    %get3A_186 = vector.load %arg3[%get3A_184, %get3A_185] : memref<2048x512xf32, #tpu.memory_space<vmem>>, vector<128x384xf32>
    %add3A_187 = arith.addf %get3A_186, %add3A_178 : vector<128x384xf32>
    %swap3A_188 = arith.constant 512 : index
    %swap3A_189 = arith.constant 0 : index
    %swap3A_190 = vector.load %arg11[%swap3A_188, %swap3A_189] : memref<2048x512xf32, #tpu.memory_space<vmem>>, vector<128x384xf32>
    tpu.vector_store %arg11[%swap3A_188, %swap3A_189], %add3A_187 {strides = array<i32>} : memref<2048x512xf32, #tpu.memory_space<vmem>>, vector<128x384xf32>,
    %get3A_191 = arith.constant 512 : index
    %get3A_192 = arith.constant 384 : index
    %get3A_193 = vector.load %arg3[%get3A_191, %get3A_192] : memref<2048x512xf32, #tpu.memory_space<vmem>>, vector<128x128xf32>
    %add3A_194 = arith.addf %get3A_193, %add3A_183 : vector<128x128xf32>
    %swap3A_195 = arith.constant 512 : index
    %swap3A_196 = arith.constant 384 : index
    %swap3A_197 = vector.load %arg11[%swap3A_195, %swap3A_196] : memref<2048x512xf32, #tpu.memory_space<vmem>>, vector<128x128xf32>
    tpu.vector_store %arg11[%swap3A_195, %swap3A_196], %add3A_194 {strides = array<i32>} : memref<2048x512xf32, #tpu.memory_space<vmem>>, vector<128x128xf32>,
    %iota3A_198 = tpu.iota {dimensions = array<i32: 0>} : vector<128x2048xi32>
    %add3A_199 = arith.constant 640 : i32
    %add3A_200 = vector.broadcast %add3A_199 : i32 to vector<128x2048xi32>
    %add3A_201 = arith.addi %iota3A_198, %add3A_200 : vector<128x2048xi32>
    %get3A_202 = arith.constant 0 : index
    %get3A_203 = arith.constant 0 : index
    %get3A_204 = vector.load %arg8[%get3A_202, %get3A_203] : memref<1x2048xi32, #tpu.memory_space<vmem>>, vector<1x2048xi32>
    %eq3A_205 = vector.broadcast %get3A_204 : vector<1x2048xi32> to vector<128x2048xi32>
    %eq3A_206 = arith.cmpi eq, %eq3A_205, %add3A_201 : vector<128x2048xi32>
    %convert_element_type3A_207 = arith.extui %eq3A_206 : vector<128x2048xi1> to vector<128x2048xi32>
    %convert_element_type3A_208 = arith.sitofp %convert_element_type3A_207 : vector<128x2048xi32> to vector<128x2048xf32>
    %convert_element_type3A_209 = arith.truncf %convert_element_type3A_208 : vector<128x2048xf32> to vector<128x2048xbf16>
    %dot_general3A_210 = arith.constant dense<0.000000e+00> : vector<128x384xf32>
    %dot_general3A_211 = tpu.matmul %convert_element_type3A_209, %convert_element_type3A, %dot_general3A_210 {dimension_numbers = #tpu.dot_dimension_numbers<[1], [0], [0], [1], [0, 0, 1, 1], [], []>, transpose_lhs_hint = false} : vector<128x2048xbf16>, vector<2048x384xbf16>, vector<128x384xf32> -> vector<128x384xf32>
    %dot_general3A_212 = arith.constant dense<0.000000e+00> : vector<128x384xf32>
    %dot_general3A_213 = tpu.matmul %convert_element_type3A_209, %convert_element_type3A_11, %dot_general3A_212 {dimension_numbers = #tpu.dot_dimension_numbers<[1], [0], [0], [1], [0, 0, 1, 1], [], []>, transpose_lhs_hint = false} : vector<128x2048xbf16>, vector<2048x384xbf16>, vector<128x384xf32> -> vector<128x384xf32>
    %add3A_214 = arith.addf %dot_general3A_211, %dot_general3A_213 : vector<128x384xf32>
    %dot_general3A_215 = arith.constant dense<0.000000e+00> : vector<128x128xf32>
    %dot_general3A_216 = tpu.matmul %convert_element_type3A_209, %convert_element_type3A_15, %dot_general3A_215 {dimension_numbers = #tpu.dot_dimension_numbers<[1], [0], [0], [1], [0, 0, 1, 1], [], []>, transpose_lhs_hint = false} : vector<128x2048xbf16>, vector<2048x128xbf16>, vector<128x128xf32> -> vector<128x128xf32>
    %dot_general3A_217 = arith.constant dense<0.000000e+00> : vector<128x128xf32>
    %dot_general3A_218 = tpu.matmul %convert_element_type3A_209, %convert_element_type3A_21, %dot_general3A_217 {dimension_numbers = #tpu.dot_dimension_numbers<[1], [0], [0], [1], [0, 0, 1, 1], [], []>, transpose_lhs_hint = false} : vector<128x2048xbf16>, vector<2048x128xbf16>, vector<128x128xf32> -> vector<128x128xf32>
    %add3A_219 = arith.addf %dot_general3A_216, %dot_general3A_218 : vector<128x128xf32>
    %get3A_220 = arith.constant 640 : index
    %get3A_221 = arith.constant 0 : index
    %get3A_222 = vector.load %arg3[%get3A_220, %get3A_221] : memref<2048x512xf32, #tpu.memory_space<vmem>>, vector<128x384xf32>
    %add3A_223 = arith.addf %get3A_222, %add3A_214 : vector<128x384xf32>
    %swap3A_224 = arith.constant 640 : index
    %swap3A_225 = arith.constant 0 : index
    %swap3A_226 = vector.load %arg11[%swap3A_224, %swap3A_225] : memref<2048x512xf32, #tpu.memory_space<vmem>>, vector<128x384xf32>
    tpu.vector_store %arg11[%swap3A_224, %swap3A_225], %add3A_223 {strides = array<i32>} : memref<2048x512xf32, #tpu.memory_space<vmem>>, vector<128x384xf32>,
    %get3A_227 = arith.constant 640 : index
    %get3A_228 = arith.constant 384 : index
    %get3A_229 = vector.load %arg3[%get3A_227, %get3A_228] : memref<2048x512xf32, #tpu.memory_space<vmem>>, vector<128x128xf32>
    %add3A_230 = arith.addf %get3A_229, %add3A_219 : vector<128x128xf32>
    %swap3A_231 = arith.constant 640 : index
    %swap3A_232 = arith.constant 384 : index
    %swap3A_233 = vector.load %arg11[%swap3A_231, %swap3A_232] : memref<2048x512xf32, #tpu.memory_space<vmem>>, vector<128x128xf32>
    tpu.vector_store %arg11[%swap3A_231, %swap3A_232], %add3A_230 {strides = array<i32>} : memref<2048x512xf32, #tpu.memory_space<vmem>>, vector<128x128xf32>,
    %iota3A_234 = tpu.iota {dimensions = array<i32: 0>} : vector<128x2048xi32>
    %add3A_235 = arith.constant 768 : i32
    %add3A_236 = vector.broadcast %add3A_235 : i32 to vector<128x2048xi32>
    %add3A_237 = arith.addi %iota3A_234, %add3A_236 : vector<128x2048xi32>
    %get3A_238 = arith.constant 0 : index
    %get3A_239 = arith.constant 0 : index
    %get3A_240 = vector.load %arg8[%get3A_238, %get3A_239] : memref<1x2048xi32, #tpu.memory_space<vmem>>, vector<1x2048xi32>
    %eq3A_241 = vector.broadcast %get3A_240 : vector<1x2048xi32> to vector<128x2048xi32>
    %eq3A_242 = arith.cmpi eq, %eq3A_241, %add3A_237 : vector<128x2048xi32>
    %convert_element_type3A_243 = arith.extui %eq3A_242 : vector<128x2048xi1> to vector<128x2048xi32>
    %convert_element_type3A_244 = arith.sitofp %convert_element_type3A_243 : vector<128x2048xi32> to vector<128x2048xf32>
    %convert_element_type3A_245 = arith.truncf %convert_element_type3A_244 : vector<128x2048xf32> to vector<128x2048xbf16>
    %dot_general3A_246 = arith.constant dense<0.000000e+00> : vector<128x384xf32>
    %dot_general3A_247 = tpu.matmul %convert_element_type3A_245, %convert_element_type3A, %dot_general3A_246 {dimension_numbers = #tpu.dot_dimension_numbers<[1], [0], [0], [1], [0, 0, 1, 1], [], []>, transpose_lhs_hint = false} : vector<128x2048xbf16>, vector<2048x384xbf16>, vector<128x384xf32> -> vector<128x384xf32>
    %dot_general3A_248 = arith.constant dense<0.000000e+00> : vector<128x384xf32>
    %dot_general3A_249 = tpu.matmul %convert_element_type3A_245, %convert_element_type3A_11, %dot_general3A_248 {dimension_numbers = #tpu.dot_dimension_numbers<[1], [0], [0], [1], [0, 0, 1, 1], [], []>, transpose_lhs_hint = false} : vector<128x2048xbf16>, vector<2048x384xbf16>, vector<128x384xf32> -> vector<128x384xf32>
    %add3A_250 = arith.addf %dot_general3A_247, %dot_general3A_249 : vector<128x384xf32>
    %dot_general3A_251 = arith.constant dense<0.000000e+00> : vector<128x128xf32>
    %dot_general3A_252 = tpu.matmul %convert_element_type3A_245, %convert_element_type3A_15, %dot_general3A_251 {dimension_numbers = #tpu.dot_dimension_numbers<[1], [0], [0], [1], [0, 0, 1, 1], [], []>, transpose_lhs_hint = false} : vector<128x2048xbf16>, vector<2048x128xbf16>, vector<128x128xf32> -> vector<128x128xf32>
    %dot_general3A_253 = arith.constant dense<0.000000e+00> : vector<128x128xf32>
    %dot_general3A_254 = tpu.matmul %convert_element_type3A_245, %convert_element_type3A_21, %dot_general3A_253 {dimension_numbers = #tpu.dot_dimension_numbers<[1], [0], [0], [1], [0, 0, 1, 1], [], []>, transpose_lhs_hint = false} : vector<128x2048xbf16>, vector<2048x128xbf16>, vector<128x128xf32> -> vector<128x128xf32>
    %add3A_255 = arith.addf %dot_general3A_252, %dot_general3A_254 : vector<128x128xf32>
    %get3A_256 = arith.constant 768 : index
    %get3A_257 = arith.constant 0 : index
    %get3A_258 = vector.load %arg3[%get3A_256, %get3A_257] : memref<2048x512xf32, #tpu.memory_space<vmem>>, vector<128x384xf32>
    %add3A_259 = arith.addf %get3A_258, %add3A_250 : vector<128x384xf32>
    %swap3A_260 = arith.constant 768 : index
    %swap3A_261 = arith.constant 0 : index
    %swap3A_262 = vector.load %arg11[%swap3A_260, %swap3A_261] : memref<2048x512xf32, #tpu.memory_space<vmem>>, vector<128x384xf32>
    tpu.vector_store %arg11[%swap3A_260, %swap3A_261], %add3A_259 {strides = array<i32>} : memref<2048x512xf32, #tpu.memory_space<vmem>>, vector<128x384xf32>,
    %get3A_263 = arith.constant 768 : index
    %get3A_264 = arith.constant 384 : index
    %get3A_265 = vector.load %arg3[%get3A_263, %get3A_264] : memref<2048x512xf32, #tpu.memory_space<vmem>>, vector<128x128xf32>
    %add3A_266 = arith.addf %get3A_265, %add3A_255 : vector<128x128xf32>
    %swap3A_267 = arith.constant 768 : index
    %swap3A_268 = arith.constant 384 : index
    %swap3A_269 = vector.load %arg11[%swap3A_267, %swap3A_268] : memref<2048x512xf32, #tpu.memory_space<vmem>>, vector<128x128xf32>
    tpu.vector_store %arg11[%swap3A_267, %swap3A_268], %add3A_266 {strides = array<i32>} : memref<2048x512xf32, #tpu.memory_space<vmem>>, vector<128x128xf32>,
    %iota3A_270 = tpu.iota {dimensions = array<i32: 0>} : vector<128x2048xi32>
    %add3A_271 = arith.constant 896 : i32
    %add3A_272 = vector.broadcast %add3A_271 : i32 to vector<128x2048xi32>
    %add3A_273 = arith.addi %iota3A_270, %add3A_272 : vector<128x2048xi32>
    %get3A_274 = arith.constant 0 : index
    %get3A_275 = arith.constant 0 : index
    %get3A_276 = vector.load %arg8[%get3A_274, %get3A_275] : memref<1x2048xi32, #tpu.memory_space<vmem>>, vector<1x2048xi32>
    %eq3A_277 = vector.broadcast %get3A_276 : vector<1x2048xi32> to vector<128x2048xi32>
    %eq3A_278 = arith.cmpi eq, %eq3A_277, %add3A_273 : vector<128x2048xi32>
    %convert_element_type3A_279 = arith.extui %eq3A_278 : vector<128x2048xi1> to vector<128x2048xi32>
    %convert_element_type3A_280 = arith.sitofp %convert_element_type3A_279 : vector<128x2048xi32> to vector<128x2048xf32>
    %convert_element_type3A_281 = arith.truncf %convert_element_type3A_280 : vector<128x2048xf32> to vector<128x2048xbf16>
    %dot_general3A_282 = arith.constant dense<0.000000e+00> : vector<128x384xf32>
    %dot_general3A_283 = tpu.matmul %convert_element_type3A_281, %convert_element_type3A, %dot_general3A_282 {dimension_numbers = #tpu.dot_dimension_numbers<[1], [0], [0], [1], [0, 0, 1, 1], [], []>, transpose_lhs_hint = false} : vector<128x2048xbf16>, vector<2048x384xbf16>, vector<128x384xf32> -> vector<128x384xf32>
    %dot_general3A_284 = arith.constant dense<0.000000e+00> : vector<128x384xf32>
    %dot_general3A_285 = tpu.matmul %convert_element_type3A_281, %convert_element_type3A_11, %dot_general3A_284 {dimension_numbers = #tpu.dot_dimension_numbers<[1], [0], [0], [1], [0, 0, 1, 1], [], []>, transpose_lhs_hint = false} : vector<128x2048xbf16>, vector<2048x384xbf16>, vector<128x384xf32> -> vector<128x384xf32>
    %add3A_286 = arith.addf %dot_general3A_283, %dot_general3A_285 : vector<128x384xf32>
    %dot_general3A_287 = arith.constant dense<0.000000e+00> : vector<128x128xf32>
    %dot_general3A_288 = tpu.matmul %convert_element_type3A_281, %convert_element_type3A_15, %dot_general3A_287 {dimension_numbers = #tpu.dot_dimension_numbers<[1], [0], [0], [1], [0, 0, 1, 1], [], []>, transpose_lhs_hint = false} : vector<128x2048xbf16>, vector<2048x128xbf16>, vector<128x128xf32> -> vector<128x128xf32>
    %dot_general3A_289 = arith.constant dense<0.000000e+00> : vector<128x128xf32>
    %dot_general3A_290 = tpu.matmul %convert_element_type3A_281, %convert_element_type3A_21, %dot_general3A_289 {dimension_numbers = #tpu.dot_dimension_numbers<[1], [0], [0], [1], [0, 0, 1, 1], [], []>, transpose_lhs_hint = false} : vector<128x2048xbf16>, vector<2048x128xbf16>, vector<128x128xf32> -> vector<128x128xf32>
    %add3A_291 = arith.addf %dot_general3A_288, %dot_general3A_290 : vector<128x128xf32>
    %get3A_292 = arith.constant 896 : index
    %get3A_293 = arith.constant 0 : index
    %get3A_294 = vector.load %arg3[%get3A_292, %get3A_293] : memref<2048x512xf32, #tpu.memory_space<vmem>>, vector<128x384xf32>
    %add3A_295 = arith.addf %get3A_294, %add3A_286 : vector<128x384xf32>
    %swap3A_296 = arith.constant 896 : index
    %swap3A_297 = arith.constant 0 : index
    %swap3A_298 = vector.load %arg11[%swap3A_296, %swap3A_297] : memref<2048x512xf32, #tpu.memory_space<vmem>>, vector<128x384xf32>
    tpu.vector_store %arg11[%swap3A_296, %swap3A_297], %add3A_295 {strides = array<i32>} : memref<2048x512xf32, #tpu.memory_space<vmem>>, vector<128x384xf32>,
    %get3A_299 = arith.constant 896 : index
    %get3A_300 = arith.constant 384 : index
    %get3A_301 = vector.load %arg3[%get3A_299, %get3A_300] : memref<2048x512xf32, #tpu.memory_space<vmem>>, vector<128x128xf32>
    %add3A_302 = arith.addf %get3A_301, %add3A_291 : vector<128x128xf32>
    %swap3A_303 = arith.constant 896 : index
    %swap3A_304 = arith.constant 384 : index
    %swap3A_305 = vector.load %arg11[%swap3A_303, %swap3A_304] : memref<2048x512xf32, #tpu.memory_space<vmem>>, vector<128x128xf32>
    tpu.vector_store %arg11[%swap3A_303, %swap3A_304], %add3A_302 {strides = array<i32>} : memref<2048x512xf32, #tpu.memory_space<vmem>>, vector<128x128xf32>,
    %iota3A_306 = tpu.iota {dimensions = array<i32: 0>} : vector<128x2048xi32>
    %add3A_307 = arith.constant 1024 : i32
    %add3A_308 = vector.broadcast %add3A_307 : i32 to vector<128x2048xi32>
    %add3A_309 = arith.addi %iota3A_306, %add3A_308 : vector<128x2048xi32>
    %get3A_310 = arith.constant 0 : index
    %get3A_311 = arith.constant 0 : index
    %get3A_312 = vector.load %arg8[%get3A_310, %get3A_311] : memref<1x2048xi32, #tpu.memory_space<vmem>>, vector<1x2048xi32>
    %eq3A_313 = vector.broadcast %get3A_312 : vector<1x2048xi32> to vector<128x2048xi32>
    %eq3A_314 = arith.cmpi eq, %eq3A_313, %add3A_309 : vector<128x2048xi32>
    %convert_element_type3A_315 = arith.extui %eq3A_314 : vector<128x2048xi1> to vector<128x2048xi32>
    %convert_element_type3A_316 = arith.sitofp %convert_element_type3A_315 : vector<128x2048xi32> to vector<128x2048xf32>
    %convert_element_type3A_317 = arith.truncf %convert_element_type3A_316 : vector<128x2048xf32> to vector<128x2048xbf16>
    %dot_general3A_318 = arith.constant dense<0.000000e+00> : vector<128x384xf32>
    %dot_general3A_319 = tpu.matmul %convert_element_type3A_317, %convert_element_type3A, %dot_general3A_318 {dimension_numbers = #tpu.dot_dimension_numbers<[1], [0], [0], [1], [0, 0, 1, 1], [], []>, transpose_lhs_hint = false} : vector<128x2048xbf16>, vector<2048x384xbf16>, vector<128x384xf32> -> vector<128x384xf32>
    %dot_general3A_320 = arith.constant dense<0.000000e+00> : vector<128x384xf32>
    %dot_general3A_321 = tpu.matmul %convert_element_type3A_317, %convert_element_type3A_11, %dot_general3A_320 {dimension_numbers = #tpu.dot_dimension_numbers<[1], [0], [0], [1], [0, 0, 1, 1], [], []>, transpose_lhs_hint = false} : vector<128x2048xbf16>, vector<2048x384xbf16>, vector<128x384xf32> -> vector<128x384xf32>
    %add3A_322 = arith.addf %dot_general3A_319, %dot_general3A_321 : vector<128x384xf32>
    %dot_general3A_323 = arith.constant dense<0.000000e+00> : vector<128x128xf32>
    %dot_general3A_324 = tpu.matmul %convert_element_type3A_317, %convert_element_type3A_15, %dot_general3A_323 {dimension_numbers = #tpu.dot_dimension_numbers<[1], [0], [0], [1], [0, 0, 1, 1], [], []>, transpose_lhs_hint = false} : vector<128x2048xbf16>, vector<2048x128xbf16>, vector<128x128xf32> -> vector<128x128xf32>
    %dot_general3A_325 = arith.constant dense<0.000000e+00> : vector<128x128xf32>
    %dot_general3A_326 = tpu.matmul %convert_element_type3A_317, %convert_element_type3A_21, %dot_general3A_325 {dimension_numbers = #tpu.dot_dimension_numbers<[1], [0], [0], [1], [0, 0, 1, 1], [], []>, transpose_lhs_hint = false} : vector<128x2048xbf16>, vector<2048x128xbf16>, vector<128x128xf32> -> vector<128x128xf32>
    %add3A_327 = arith.addf %dot_general3A_324, %dot_general3A_326 : vector<128x128xf32>
    %get3A_328 = arith.constant 1024 : index
    %get3A_329 = arith.constant 0 : index
    %get3A_330 = vector.load %arg3[%get3A_328, %get3A_329] : memref<2048x512xf32, #tpu.memory_space<vmem>>, vector<128x384xf32>
    %add3A_331 = arith.addf %get3A_330, %add3A_322 : vector<128x384xf32>
    %swap3A_332 = arith.constant 1024 : index
    %swap3A_333 = arith.constant 0 : index
    %swap3A_334 = vector.load %arg11[%swap3A_332, %swap3A_333] : memref<2048x512xf32, #tpu.memory_space<vmem>>, vector<128x384xf32>
    tpu.vector_store %arg11[%swap3A_332, %swap3A_333], %add3A_331 {strides = array<i32>} : memref<2048x512xf32, #tpu.memory_space<vmem>>, vector<128x384xf32>,
    %get3A_335 = arith.constant 1024 : index
    %get3A_336 = arith.constant 384 : index
    %get3A_337 = vector.load %arg3[%get3A_335, %get3A_336] : memref<2048x512xf32, #tpu.memory_space<vmem>>, vector<128x128xf32>
    %add3A_338 = arith.addf %get3A_337, %add3A_327 : vector<128x128xf32>
    %swap3A_339 = arith.constant 1024 : index
    %swap3A_340 = arith.constant 384 : index
    %swap3A_341 = vector.load %arg11[%swap3A_339, %swap3A_340] : memref<2048x512xf32, #tpu.memory_space<vmem>>, vector<128x128xf32>
    tpu.vector_store %arg11[%swap3A_339, %swap3A_340], %add3A_338 {strides = array<i32>} : memref<2048x512xf32, #tpu.memory_space<vmem>>, vector<128x128xf32>,
    %iota3A_342 = tpu.iota {dimensions = array<i32: 0>} : vector<128x2048xi32>
    %add3A_343 = arith.constant 1152 : i32
    %add3A_344 = vector.broadcast %add3A_343 : i32 to vector<128x2048xi32>
    %add3A_345 = arith.addi %iota3A_342, %add3A_344 : vector<128x2048xi32>
    %get3A_346 = arith.constant 0 : index
    %get3A_347 = arith.constant 0 : index
    %get3A_348 = vector.load %arg8[%get3A_346, %get3A_347] : memref<1x2048xi32, #tpu.memory_space<vmem>>, vector<1x2048xi32>
    %eq3A_349 = vector.broadcast %get3A_348 : vector<1x2048xi32> to vector<128x2048xi32>
    %eq3A_350 = arith.cmpi eq, %eq3A_349, %add3A_345 : vector<128x2048xi32>
    %convert_element_type3A_351 = arith.extui %eq3A_350 : vector<128x2048xi1> to vector<128x2048xi32>
    %convert_element_type3A_352 = arith.sitofp %convert_element_type3A_351 : vector<128x2048xi32> to vector<128x2048xf32>
    %convert_element_type3A_353 = arith.truncf %convert_element_type3A_352 : vector<128x2048xf32> to vector<128x2048xbf16>
    %dot_general3A_354 = arith.constant dense<0.000000e+00> : vector<128x384xf32>
    %dot_general3A_355 = tpu.matmul %convert_element_type3A_353, %convert_element_type3A, %dot_general3A_354 {dimension_numbers = #tpu.dot_dimension_numbers<[1], [0], [0], [1], [0, 0, 1, 1], [], []>, transpose_lhs_hint = false} : vector<128x2048xbf16>, vector<2048x384xbf16>, vector<128x384xf32> -> vector<128x384xf32>
    %dot_general3A_356 = arith.constant dense<0.000000e+00> : vector<128x384xf32>
    %dot_general3A_357 = tpu.matmul %convert_element_type3A_353, %convert_element_type3A_11, %dot_general3A_356 {dimension_numbers = #tpu.dot_dimension_numbers<[1], [0], [0], [1], [0, 0, 1, 1], [], []>, transpose_lhs_hint = false} : vector<128x2048xbf16>, vector<2048x384xbf16>, vector<128x384xf32> -> vector<128x384xf32>
    %add3A_358 = arith.addf %dot_general3A_355, %dot_general3A_357 : vector<128x384xf32>
    %dot_general3A_359 = arith.constant dense<0.000000e+00> : vector<128x128xf32>
    %dot_general3A_360 = tpu.matmul %convert_element_type3A_353, %convert_element_type3A_15, %dot_general3A_359 {dimension_numbers = #tpu.dot_dimension_numbers<[1], [0], [0], [1], [0, 0, 1, 1], [], []>, transpose_lhs_hint = false} : vector<128x2048xbf16>, vector<2048x128xbf16>, vector<128x128xf32> -> vector<128x128xf32>
    %dot_general3A_361 = arith.constant dense<0.000000e+00> : vector<128x128xf32>
    %dot_general3A_362 = tpu.matmul %convert_element_type3A_353, %convert_element_type3A_21, %dot_general3A_361 {dimension_numbers = #tpu.dot_dimension_numbers<[1], [0], [0], [1], [0, 0, 1, 1], [], []>, transpose_lhs_hint = false} : vector<128x2048xbf16>, vector<2048x128xbf16>, vector<128x128xf32> -> vector<128x128xf32>
    %add3A_363 = arith.addf %dot_general3A_360, %dot_general3A_362 : vector<128x128xf32>
    %get3A_364 = arith.constant 1152 : index
    %get3A_365 = arith.constant 0 : index
    %get3A_366 = vector.load %arg3[%get3A_364, %get3A_365] : memref<2048x512xf32, #tpu.memory_space<vmem>>, vector<128x384xf32>
    %add3A_367 = arith.addf %get3A_366, %add3A_358 : vector<128x384xf32>
    %swap3A_368 = arith.constant 1152 : index
    %swap3A_369 = arith.constant 0 : index
    %swap3A_370 = vector.load %arg11[%swap3A_368, %swap3A_369] : memref<2048x512xf32, #tpu.memory_space<vmem>>, vector<128x384xf32>
    tpu.vector_store %arg11[%swap3A_368, %swap3A_369], %add3A_367 {strides = array<i32>} : memref<2048x512xf32, #tpu.memory_space<vmem>>, vector<128x384xf32>,
    %get3A_371 = arith.constant 1152 : index
    %get3A_372 = arith.constant 384 : index
    %get3A_373 = vector.load %arg3[%get3A_371, %get3A_372] : memref<2048x512xf32, #tpu.memory_space<vmem>>, vector<128x128xf32>
    %add3A_374 = arith.addf %get3A_373, %add3A_363 : vector<128x128xf32>
    %swap3A_375 = arith.constant 1152 : index
    %swap3A_376 = arith.constant 384 : index
    %swap3A_377 = vector.load %arg11[%swap3A_375, %swap3A_376] : memref<2048x512xf32, #tpu.memory_space<vmem>>, vector<128x128xf32>
    tpu.vector_store %arg11[%swap3A_375, %swap3A_376], %add3A_374 {strides = array<i32>} : memref<2048x512xf32, #tpu.memory_space<vmem>>, vector<128x128xf32>,
    %iota3A_378 = tpu.iota {dimensions = array<i32: 0>} : vector<128x2048xi32>
    %add3A_379 = arith.constant 1280 : i32
    %add3A_380 = vector.broadcast %add3A_379 : i32 to vector<128x2048xi32>
    %add3A_381 = arith.addi %iota3A_378, %add3A_380 : vector<128x2048xi32>
    %get3A_382 = arith.constant 0 : index
    %get3A_383 = arith.constant 0 : index
    %get3A_384 = vector.load %arg8[%get3A_382, %get3A_383] : memref<1x2048xi32, #tpu.memory_space<vmem>>, vector<1x2048xi32>
    %eq3A_385 = vector.broadcast %get3A_384 : vector<1x2048xi32> to vector<128x2048xi32>
    %eq3A_386 = arith.cmpi eq, %eq3A_385, %add3A_381 : vector<128x2048xi32>
    %convert_element_type3A_387 = arith.extui %eq3A_386 : vector<128x2048xi1> to vector<128x2048xi32>
    %convert_element_type3A_388 = arith.sitofp %convert_element_type3A_387 : vector<128x2048xi32> to vector<128x2048xf32>
    %convert_element_type3A_389 = arith.truncf %convert_element_type3A_388 : vector<128x2048xf32> to vector<128x2048xbf16>
    %dot_general3A_390 = arith.constant dense<0.000000e+00> : vector<128x384xf32>
    %dot_general3A_391 = tpu.matmul %convert_element_type3A_389, %convert_element_type3A, %dot_general3A_390 {dimension_numbers = #tpu.dot_dimension_numbers<[1], [0], [0], [1], [0, 0, 1, 1], [], []>, transpose_lhs_hint = false} : vector<128x2048xbf16>, vector<2048x384xbf16>, vector<128x384xf32> -> vector<128x384xf32>
    %dot_general3A_392 = arith.constant dense<0.000000e+00> : vector<128x384xf32>
    %dot_general3A_393 = tpu.matmul %convert_element_type3A_389, %convert_element_type3A_11, %dot_general3A_392 {dimension_numbers = #tpu.dot_dimension_numbers<[1], [0], [0], [1], [0, 0, 1, 1], [], []>, transpose_lhs_hint = false} : vector<128x2048xbf16>, vector<2048x384xbf16>, vector<128x384xf32> -> vector<128x384xf32>
    %add3A_394 = arith.addf %dot_general3A_391, %dot_general3A_393 : vector<128x384xf32>
    %dot_general3A_395 = arith.constant dense<0.000000e+00> : vector<128x128xf32>
    %dot_general3A_396 = tpu.matmul %convert_element_type3A_389, %convert_element_type3A_15, %dot_general3A_395 {dimension_numbers = #tpu.dot_dimension_numbers<[1], [0], [0], [1], [0, 0, 1, 1], [], []>, transpose_lhs_hint = false} : vector<128x2048xbf16>, vector<2048x128xbf16>, vector<128x128xf32> -> vector<128x128xf32>
    %dot_general3A_397 = arith.constant dense<0.000000e+00> : vector<128x128xf32>
    %dot_general3A_398 = tpu.matmul %convert_element_type3A_389, %convert_element_type3A_21, %dot_general3A_397 {dimension_numbers = #tpu.dot_dimension_numbers<[1], [0], [0], [1], [0, 0, 1, 1], [], []>, transpose_lhs_hint = false} : vector<128x2048xbf16>, vector<2048x128xbf16>, vector<128x128xf32> -> vector<128x128xf32>
    %add3A_399 = arith.addf %dot_general3A_396, %dot_general3A_398 : vector<128x128xf32>
    %get3A_400 = arith.constant 1280 : index
    %get3A_401 = arith.constant 0 : index
    %get3A_402 = vector.load %arg3[%get3A_400, %get3A_401] : memref<2048x512xf32, #tpu.memory_space<vmem>>, vector<128x384xf32>
    %add3A_403 = arith.addf %get3A_402, %add3A_394 : vector<128x384xf32>
    %swap3A_404 = arith.constant 1280 : index
    %swap3A_405 = arith.constant 0 : index
    %swap3A_406 = vector.load %arg11[%swap3A_404, %swap3A_405] : memref<2048x512xf32, #tpu.memory_space<vmem>>, vector<128x384xf32>
    tpu.vector_store %arg11[%swap3A_404, %swap3A_405], %add3A_403 {strides = array<i32>} : memref<2048x512xf32, #tpu.memory_space<vmem>>, vector<128x384xf32>,
    %get3A_407 = arith.constant 1280 : index
    %get3A_408 = arith.constant 384 : index
    %get3A_409 = vector.load %arg3[%get3A_407, %get3A_408] : memref<2048x512xf32, #tpu.memory_space<vmem>>, vector<128x128xf32>
    %add3A_410 = arith.addf %get3A_409, %add3A_399 : vector<128x128xf32>
    %swap3A_411 = arith.constant 1280 : index
    %swap3A_412 = arith.constant 384 : index
    %swap3A_413 = vector.load %arg11[%swap3A_411, %swap3A_412] : memref<2048x512xf32, #tpu.memory_space<vmem>>, vector<128x128xf32>
    tpu.vector_store %arg11[%swap3A_411, %swap3A_412], %add3A_410 {strides = array<i32>} : memref<2048x512xf32, #tpu.memory_space<vmem>>, vector<128x128xf32>,
    %iota3A_414 = tpu.iota {dimensions = array<i32: 0>} : vector<128x2048xi32>
    %add3A_415 = arith.constant 1408 : i32
    %add3A_416 = vector.broadcast %add3A_415 : i32 to vector<128x2048xi32>
    %add3A_417 = arith.addi %iota3A_414, %add3A_416 : vector<128x2048xi32>
    %get3A_418 = arith.constant 0 : index
    %get3A_419 = arith.constant 0 : index
    %get3A_420 = vector.load %arg8[%get3A_418, %get3A_419] : memref<1x2048xi32, #tpu.memory_space<vmem>>, vector<1x2048xi32>
    %eq3A_421 = vector.broadcast %get3A_420 : vector<1x2048xi32> to vector<128x2048xi32>
    %eq3A_422 = arith.cmpi eq, %eq3A_421, %add3A_417 : vector<128x2048xi32>
    %convert_element_type3A_423 = arith.extui %eq3A_422 : vector<128x2048xi1> to vector<128x2048xi32>
    %convert_element_type3A_424 = arith.sitofp %convert_element_type3A_423 : vector<128x2048xi32> to vector<128x2048xf32>
    %convert_element_type3A_425 = arith.truncf %convert_element_type3A_424 : vector<128x2048xf32> to vector<128x2048xbf16>
    %dot_general3A_426 = arith.constant dense<0.000000e+00> : vector<128x384xf32>
    %dot_general3A_427 = tpu.matmul %convert_element_type3A_425, %convert_element_type3A, %dot_general3A_426 {dimension_numbers = #tpu.dot_dimension_numbers<[1], [0], [0], [1], [0, 0, 1, 1], [], []>, transpose_lhs_hint = false} : vector<128x2048xbf16>, vector<2048x384xbf16>, vector<128x384xf32> -> vector<128x384xf32>
    %dot_general3A_428 = arith.constant dense<0.000000e+00> : vector<128x384xf32>
    %dot_general3A_429 = tpu.matmul %convert_element_type3A_425, %convert_element_type3A_11, %dot_general3A_428 {dimension_numbers = #tpu.dot_dimension_numbers<[1], [0], [0], [1], [0, 0, 1, 1], [], []>, transpose_lhs_hint = false} : vector<128x2048xbf16>, vector<2048x384xbf16>, vector<128x384xf32> -> vector<128x384xf32>
    %add3A_430 = arith.addf %dot_general3A_427, %dot_general3A_429 : vector<128x384xf32>
    %dot_general3A_431 = arith.constant dense<0.000000e+00> : vector<128x128xf32>
    %dot_general3A_432 = tpu.matmul %convert_element_type3A_425, %convert_element_type3A_15, %dot_general3A_431 {dimension_numbers = #tpu.dot_dimension_numbers<[1], [0], [0], [1], [0, 0, 1, 1], [], []>, transpose_lhs_hint = false} : vector<128x2048xbf16>, vector<2048x128xbf16>, vector<128x128xf32> -> vector<128x128xf32>
    %dot_general3A_433 = arith.constant dense<0.000000e+00> : vector<128x128xf32>
    %dot_general3A_434 = tpu.matmul %convert_element_type3A_425, %convert_element_type3A_21, %dot_general3A_433 {dimension_numbers = #tpu.dot_dimension_numbers<[1], [0], [0], [1], [0, 0, 1, 1], [], []>, transpose_lhs_hint = false} : vector<128x2048xbf16>, vector<2048x128xbf16>, vector<128x128xf32> -> vector<128x128xf32>
    %add3A_435 = arith.addf %dot_general3A_432, %dot_general3A_434 : vector<128x128xf32>
    %get3A_436 = arith.constant 1408 : index
    %get3A_437 = arith.constant 0 : index
    %get3A_438 = vector.load %arg3[%get3A_436, %get3A_437] : memref<2048x512xf32, #tpu.memory_space<vmem>>, vector<128x384xf32>
    %add3A_439 = arith.addf %get3A_438, %add3A_430 : vector<128x384xf32>
    %swap3A_440 = arith.constant 1408 : index
    %swap3A_441 = arith.constant 0 : index
    %swap3A_442 = vector.load %arg11[%swap3A_440, %swap3A_441] : memref<2048x512xf32, #tpu.memory_space<vmem>>, vector<128x384xf32>
    tpu.vector_store %arg11[%swap3A_440, %swap3A_441], %add3A_439 {strides = array<i32>} : memref<2048x512xf32, #tpu.memory_space<vmem>>, vector<128x384xf32>,
    %get3A_443 = arith.constant 1408 : index
    %get3A_444 = arith.constant 384 : index
    %get3A_445 = vector.load %arg3[%get3A_443, %get3A_444] : memref<2048x512xf32, #tpu.memory_space<vmem>>, vector<128x128xf32>
    %add3A_446 = arith.addf %get3A_445, %add3A_435 : vector<128x128xf32>
    %swap3A_447 = arith.constant 1408 : index
    %swap3A_448 = arith.constant 384 : index
    %swap3A_449 = vector.load %arg11[%swap3A_447, %swap3A_448] : memref<2048x512xf32, #tpu.memory_space<vmem>>, vector<128x128xf32>
    tpu.vector_store %arg11[%swap3A_447, %swap3A_448], %add3A_446 {strides = array<i32>} : memref<2048x512xf32, #tpu.memory_space<vmem>>, vector<128x128xf32>,
    %iota3A_450 = tpu.iota {dimensions = array<i32: 0>} : vector<128x2048xi32>
    %add3A_451 = arith.constant 1536 : i32
    %add3A_452 = vector.broadcast %add3A_451 : i32 to vector<128x2048xi32>
    %add3A_453 = arith.addi %iota3A_450, %add3A_452 : vector<128x2048xi32>
    %get3A_454 = arith.constant 0 : index
    %get3A_455 = arith.constant 0 : index
    %get3A_456 = vector.load %arg8[%get3A_454, %get3A_455] : memref<1x2048xi32, #tpu.memory_space<vmem>>, vector<1x2048xi32>
    %eq3A_457 = vector.broadcast %get3A_456 : vector<1x2048xi32> to vector<128x2048xi32>
    %eq3A_458 = arith.cmpi eq, %eq3A_457, %add3A_453 : vector<128x2048xi32>
    %convert_element_type3A_459 = arith.extui %eq3A_458 : vector<128x2048xi1> to vector<128x2048xi32>
    %convert_element_type3A_460 = arith.sitofp %convert_element_type3A_459 : vector<128x2048xi32> to vector<128x2048xf32>
    %convert_element_type3A_461 = arith.truncf %convert_element_type3A_460 : vector<128x2048xf32> to vector<128x2048xbf16>
    %dot_general3A_462 = arith.constant dense<0.000000e+00> : vector<128x384xf32>
    %dot_general3A_463 = tpu.matmul %convert_element_type3A_461, %convert_element_type3A, %dot_general3A_462 {dimension_numbers = #tpu.dot_dimension_numbers<[1], [0], [0], [1], [0, 0, 1, 1], [], []>, transpose_lhs_hint = false} : vector<128x2048xbf16>, vector<2048x384xbf16>, vector<128x384xf32> -> vector<128x384xf32>
    %dot_general3A_464 = arith.constant dense<0.000000e+00> : vector<128x384xf32>
    %dot_general3A_465 = tpu.matmul %convert_element_type3A_461, %convert_element_type3A_11, %dot_general3A_464 {dimension_numbers = #tpu.dot_dimension_numbers<[1], [0], [0], [1], [0, 0, 1, 1], [], []>, transpose_lhs_hint = false} : vector<128x2048xbf16>, vector<2048x384xbf16>, vector<128x384xf32> -> vector<128x384xf32>
    %add3A_466 = arith.addf %dot_general3A_463, %dot_general3A_465 : vector<128x384xf32>
    %dot_general3A_467 = arith.constant dense<0.000000e+00> : vector<128x128xf32>
    %dot_general3A_468 = tpu.matmul %convert_element_type3A_461, %convert_element_type3A_15, %dot_general3A_467 {dimension_numbers = #tpu.dot_dimension_numbers<[1], [0], [0], [1], [0, 0, 1, 1], [], []>, transpose_lhs_hint = false} : vector<128x2048xbf16>, vector<2048x128xbf16>, vector<128x128xf32> -> vector<128x128xf32>
    %dot_general3A_469 = arith.constant dense<0.000000e+00> : vector<128x128xf32>
    %dot_general3A_470 = tpu.matmul %convert_element_type3A_461, %convert_element_type3A_21, %dot_general3A_469 {dimension_numbers = #tpu.dot_dimension_numbers<[1], [0], [0], [1], [0, 0, 1, 1], [], []>, transpose_lhs_hint = false} : vector<128x2048xbf16>, vector<2048x128xbf16>, vector<128x128xf32> -> vector<128x128xf32>
    %add3A_471 = arith.addf %dot_general3A_468, %dot_general3A_470 : vector<128x128xf32>
    %get3A_472 = arith.constant 1536 : index
    %get3A_473 = arith.constant 0 : index
    %get3A_474 = vector.load %arg3[%get3A_472, %get3A_473] : memref<2048x512xf32, #tpu.memory_space<vmem>>, vector<128x384xf32>
    %add3A_475 = arith.addf %get3A_474, %add3A_466 : vector<128x384xf32>
    %swap3A_476 = arith.constant 1536 : index
    %swap3A_477 = arith.constant 0 : index
    %swap3A_478 = vector.load %arg11[%swap3A_476, %swap3A_477] : memref<2048x512xf32, #tpu.memory_space<vmem>>, vector<128x384xf32>
    tpu.vector_store %arg11[%swap3A_476, %swap3A_477], %add3A_475 {strides = array<i32>} : memref<2048x512xf32, #tpu.memory_space<vmem>>, vector<128x384xf32>,
    %get3A_479 = arith.constant 1536 : index
    %get3A_480 = arith.constant 384 : index
    %get3A_481 = vector.load %arg3[%get3A_479, %get3A_480] : memref<2048x512xf32, #tpu.memory_space<vmem>>, vector<128x128xf32>
    %add3A_482 = arith.addf %get3A_481, %add3A_471 : vector<128x128xf32>
    %swap3A_483 = arith.constant 1536 : index
    %swap3A_484 = arith.constant 384 : index
    %swap3A_485 = vector.load %arg11[%swap3A_483, %swap3A_484] : memref<2048x512xf32, #tpu.memory_space<vmem>>, vector<128x128xf32>
    tpu.vector_store %arg11[%swap3A_483, %swap3A_484], %add3A_482 {strides = array<i32>} : memref<2048x512xf32, #tpu.memory_space<vmem>>, vector<128x128xf32>,
    %iota3A_486 = tpu.iota {dimensions = array<i32: 0>} : vector<128x2048xi32>
    %add3A_487 = arith.constant 1664 : i32
    %add3A_488 = vector.broadcast %add3A_487 : i32 to vector<128x2048xi32>
    %add3A_489 = arith.addi %iota3A_486, %add3A_488 : vector<128x2048xi32>
    %get3A_490 = arith.constant 0 : index
    %get3A_491 = arith.constant 0 : index
    %get3A_492 = vector.load %arg8[%get3A_490, %get3A_491] : memref<1x2048xi32, #tpu.memory_space<vmem>>, vector<1x2048xi32>
    %eq3A_493 = vector.broadcast %get3A_492 : vector<1x2048xi32> to vector<128x2048xi32>
    %eq3A_494 = arith.cmpi eq, %eq3A_493, %add3A_489 : vector<128x2048xi32>
    %convert_element_type3A_495 = arith.extui %eq3A_494 : vector<128x2048xi1> to vector<128x2048xi32>
    %convert_element_type3A_496 = arith.sitofp %convert_element_type3A_495 : vector<128x2048xi32> to vector<128x2048xf32>
    %convert_element_type3A_497 = arith.truncf %convert_element_type3A_496 : vector<128x2048xf32> to vector<128x2048xbf16>
    %dot_general3A_498 = arith.constant dense<0.000000e+00> : vector<128x384xf32>
    %dot_general3A_499 = tpu.matmul %convert_element_type3A_497, %convert_element_type3A, %dot_general3A_498 {dimension_numbers = #tpu.dot_dimension_numbers<[1], [0], [0], [1], [0, 0, 1, 1], [], []>, transpose_lhs_hint = false} : vector<128x2048xbf16>, vector<2048x384xbf16>, vector<128x384xf32> -> vector<128x384xf32>
    %dot_general3A_500 = arith.constant dense<0.000000e+00> : vector<128x384xf32>
    %dot_general3A_501 = tpu.matmul %convert_element_type3A_497, %convert_element_type3A_11, %dot_general3A_500 {dimension_numbers = #tpu.dot_dimension_numbers<[1], [0], [0], [1], [0, 0, 1, 1], [], []>, transpose_lhs_hint = false} : vector<128x2048xbf16>, vector<2048x384xbf16>, vector<128x384xf32> -> vector<128x384xf32>
    %add3A_502 = arith.addf %dot_general3A_499, %dot_general3A_501 : vector<128x384xf32>
    %dot_general3A_503 = arith.constant dense<0.000000e+00> : vector<128x128xf32>
    %dot_general3A_504 = tpu.matmul %convert_element_type3A_497, %convert_element_type3A_15, %dot_general3A_503 {dimension_numbers = #tpu.dot_dimension_numbers<[1], [0], [0], [1], [0, 0, 1, 1], [], []>, transpose_lhs_hint = false} : vector<128x2048xbf16>, vector<2048x128xbf16>, vector<128x128xf32> -> vector<128x128xf32>
    %dot_general3A_505 = arith.constant dense<0.000000e+00> : vector<128x128xf32>
    %dot_general3A_506 = tpu.matmul %convert_element_type3A_497, %convert_element_type3A_21, %dot_general3A_505 {dimension_numbers = #tpu.dot_dimension_numbers<[1], [0], [0], [1], [0, 0, 1, 1], [], []>, transpose_lhs_hint = false} : vector<128x2048xbf16>, vector<2048x128xbf16>, vector<128x128xf32> -> vector<128x128xf32>
    %add3A_507 = arith.addf %dot_general3A_504, %dot_general3A_506 : vector<128x128xf32>
    %get3A_508 = arith.constant 1664 : index
    %get3A_509 = arith.constant 0 : index
    %get3A_510 = vector.load %arg3[%get3A_508, %get3A_509] : memref<2048x512xf32, #tpu.memory_space<vmem>>, vector<128x384xf32>
    %add3A_511 = arith.addf %get3A_510, %add3A_502 : vector<128x384xf32>
    %swap3A_512 = arith.constant 1664 : index
    %swap3A_513 = arith.constant 0 : index
    %swap3A_514 = vector.load %arg11[%swap3A_512, %swap3A_513] : memref<2048x512xf32, #tpu.memory_space<vmem>>, vector<128x384xf32>
    tpu.vector_store %arg11[%swap3A_512, %swap3A_513], %add3A_511 {strides = array<i32>} : memref<2048x512xf32, #tpu.memory_space<vmem>>, vector<128x384xf32>,
    %get3A_515 = arith.constant 1664 : index
    %get3A_516 = arith.constant 384 : index
    %get3A_517 = vector.load %arg3[%get3A_515, %get3A_516] : memref<2048x512xf32, #tpu.memory_space<vmem>>, vector<128x128xf32>
    %add3A_518 = arith.addf %get3A_517, %add3A_507 : vector<128x128xf32>
    %swap3A_519 = arith.constant 1664 : index
    %swap3A_520 = arith.constant 384 : index
    %swap3A_521 = vector.load %arg11[%swap3A_519, %swap3A_520] : memref<2048x512xf32, #tpu.memory_space<vmem>>, vector<128x128xf32>
    tpu.vector_store %arg11[%swap3A_519, %swap3A_520], %add3A_518 {strides = array<i32>} : memref<2048x512xf32, #tpu.memory_space<vmem>>, vector<128x128xf32>,
    %iota3A_522 = tpu.iota {dimensions = array<i32: 0>} : vector<128x2048xi32>
    %add3A_523 = arith.constant 1792 : i32
    %add3A_524 = vector.broadcast %add3A_523 : i32 to vector<128x2048xi32>
    %add3A_525 = arith.addi %iota3A_522, %add3A_524 : vector<128x2048xi32>
    %get3A_526 = arith.constant 0 : index
    %get3A_527 = arith.constant 0 : index
    %get3A_528 = vector.load %arg8[%get3A_526, %get3A_527] : memref<1x2048xi32, #tpu.memory_space<vmem>>, vector<1x2048xi32>
    %eq3A_529 = vector.broadcast %get3A_528 : vector<1x2048xi32> to vector<128x2048xi32>
    %eq3A_530 = arith.cmpi eq, %eq3A_529, %add3A_525 : vector<128x2048xi32>
    %convert_element_type3A_531 = arith.extui %eq3A_530 : vector<128x2048xi1> to vector<128x2048xi32>
    %convert_element_type3A_532 = arith.sitofp %convert_element_type3A_531 : vector<128x2048xi32> to vector<128x2048xf32>
    %convert_element_type3A_533 = arith.truncf %convert_element_type3A_532 : vector<128x2048xf32> to vector<128x2048xbf16>
    %dot_general3A_534 = arith.constant dense<0.000000e+00> : vector<128x384xf32>
    %dot_general3A_535 = tpu.matmul %convert_element_type3A_533, %convert_element_type3A, %dot_general3A_534 {dimension_numbers = #tpu.dot_dimension_numbers<[1], [0], [0], [1], [0, 0, 1, 1], [], []>, transpose_lhs_hint = false} : vector<128x2048xbf16>, vector<2048x384xbf16>, vector<128x384xf32> -> vector<128x384xf32>
    %dot_general3A_536 = arith.constant dense<0.000000e+00> : vector<128x384xf32>
    %dot_general3A_537 = tpu.matmul %convert_element_type3A_533, %convert_element_type3A_11, %dot_general3A_536 {dimension_numbers = #tpu.dot_dimension_numbers<[1], [0], [0], [1], [0, 0, 1, 1], [], []>, transpose_lhs_hint = false} : vector<128x2048xbf16>, vector<2048x384xbf16>, vector<128x384xf32> -> vector<128x384xf32>
    %add3A_538 = arith.addf %dot_general3A_535, %dot_general3A_537 : vector<128x384xf32>
    %dot_general3A_539 = arith.constant dense<0.000000e+00> : vector<128x128xf32>
    %dot_general3A_540 = tpu.matmul %convert_element_type3A_533, %convert_element_type3A_15, %dot_general3A_539 {dimension_numbers = #tpu.dot_dimension_numbers<[1], [0], [0], [1], [0, 0, 1, 1], [], []>, transpose_lhs_hint = false} : vector<128x2048xbf16>, vector<2048x128xbf16>, vector<128x128xf32> -> vector<128x128xf32>
    %dot_general3A_541 = arith.constant dense<0.000000e+00> : vector<128x128xf32>
    %dot_general3A_542 = tpu.matmul %convert_element_type3A_533, %convert_element_type3A_21, %dot_general3A_541 {dimension_numbers = #tpu.dot_dimension_numbers<[1], [0], [0], [1], [0, 0, 1, 1], [], []>, transpose_lhs_hint = false} : vector<128x2048xbf16>, vector<2048x128xbf16>, vector<128x128xf32> -> vector<128x128xf32>
    %add3A_543 = arith.addf %dot_general3A_540, %dot_general3A_542 : vector<128x128xf32>
    %get3A_544 = arith.constant 1792 : index
    %get3A_545 = arith.constant 0 : index
    %get3A_546 = vector.load %arg3[%get3A_544, %get3A_545] : memref<2048x512xf32, #tpu.memory_space<vmem>>, vector<128x384xf32>
    %add3A_547 = arith.addf %get3A_546, %add3A_538 : vector<128x384xf32>
    %swap3A_548 = arith.constant 1792 : index
    %swap3A_549 = arith.constant 0 : index
    %swap3A_550 = vector.load %arg11[%swap3A_548, %swap3A_549] : memref<2048x512xf32, #tpu.memory_space<vmem>>, vector<128x384xf32>
    tpu.vector_store %arg11[%swap3A_548, %swap3A_549], %add3A_547 {strides = array<i32>} : memref<2048x512xf32, #tpu.memory_space<vmem>>, vector<128x384xf32>,
    %get3A_551 = arith.constant 1792 : index
    %get3A_552 = arith.constant 384 : index
    %get3A_553 = vector.load %arg3[%get3A_551, %get3A_552] : memref<2048x512xf32, #tpu.memory_space<vmem>>, vector<128x128xf32>
    %add3A_554 = arith.addf %get3A_553, %add3A_543 : vector<128x128xf32>
    %swap3A_555 = arith.constant 1792 : index
    %swap3A_556 = arith.constant 384 : index
    %swap3A_557 = vector.load %arg11[%swap3A_555, %swap3A_556] : memref<2048x512xf32, #tpu.memory_space<vmem>>, vector<128x128xf32>
    tpu.vector_store %arg11[%swap3A_555, %swap3A_556], %add3A_554 {strides = array<i32>} : memref<2048x512xf32, #tpu.memory_space<vmem>>, vector<128x128xf32>,
    %iota3A_558 = tpu.iota {dimensions = array<i32: 0>} : vector<128x2048xi32>
    %add3A_559 = arith.constant 1920 : i32
    %add3A_560 = vector.broadcast %add3A_559 : i32 to vector<128x2048xi32>
    %add3A_561 = arith.addi %iota3A_558, %add3A_560 : vector<128x2048xi32>
    %get3A_562 = arith.constant 0 : index
    %get3A_563 = arith.constant 0 : index
    %get3A_564 = vector.load %arg8[%get3A_562, %get3A_563] : memref<1x2048xi32, #tpu.memory_space<vmem>>, vector<1x2048xi32>
    %eq3A_565 = vector.broadcast %get3A_564 : vector<1x2048xi32> to vector<128x2048xi32>
    %eq3A_566 = arith.cmpi eq, %eq3A_565, %add3A_561 : vector<128x2048xi32>
    %convert_element_type3A_567 = arith.extui %eq3A_566 : vector<128x2048xi1> to vector<128x2048xi32>
    %convert_element_type3A_568 = arith.sitofp %convert_element_type3A_567 : vector<128x2048xi32> to vector<128x2048xf32>
    %convert_element_type3A_569 = arith.truncf %convert_element_type3A_568 : vector<128x2048xf32> to vector<128x2048xbf16>
    %dot_general3A_570 = arith.constant dense<0.000000e+00> : vector<128x384xf32>
    %dot_general3A_571 = tpu.matmul %convert_element_type3A_569, %convert_element_type3A, %dot_general3A_570 {dimension_numbers = #tpu.dot_dimension_numbers<[1], [0], [0], [1], [0, 0, 1, 1], [], []>, transpose_lhs_hint = false} : vector<128x2048xbf16>, vector<2048x384xbf16>, vector<128x384xf32> -> vector<128x384xf32>
    %dot_general3A_572 = arith.constant dense<0.000000e+00> : vector<128x384xf32>
    %dot_general3A_573 = tpu.matmul %convert_element_type3A_569, %convert_element_type3A_11, %dot_general3A_572 {dimension_numbers = #tpu.dot_dimension_numbers<[1], [0], [0], [1], [0, 0, 1, 1], [], []>, transpose_lhs_hint = false} : vector<128x2048xbf16>, vector<2048x384xbf16>, vector<128x384xf32> -> vector<128x384xf32>
    %add3A_574 = arith.addf %dot_general3A_571, %dot_general3A_573 : vector<128x384xf32>
    %dot_general3A_575 = arith.constant dense<0.000000e+00> : vector<128x128xf32>
    %dot_general3A_576 = tpu.matmul %convert_element_type3A_569, %convert_element_type3A_15, %dot_general3A_575 {dimension_numbers = #tpu.dot_dimension_numbers<[1], [0], [0], [1], [0, 0, 1, 1], [], []>, transpose_lhs_hint = false} : vector<128x2048xbf16>, vector<2048x128xbf16>, vector<128x128xf32> -> vector<128x128xf32>
    %dot_general3A_577 = arith.constant dense<0.000000e+00> : vector<128x128xf32>
    %dot_general3A_578 = tpu.matmul %convert_element_type3A_569, %convert_element_type3A_21, %dot_general3A_577 {dimension_numbers = #tpu.dot_dimension_numbers<[1], [0], [0], [1], [0, 0, 1, 1], [], []>, transpose_lhs_hint = false} : vector<128x2048xbf16>, vector<2048x128xbf16>, vector<128x128xf32> -> vector<128x128xf32>
    %add3A_579 = arith.addf %dot_general3A_576, %dot_general3A_578 : vector<128x128xf32>
    %get3A_580 = arith.constant 1920 : index
    %get3A_581 = arith.constant 0 : index
    %get3A_582 = vector.load %arg3[%get3A_580, %get3A_581] : memref<2048x512xf32, #tpu.memory_space<vmem>>, vector<128x384xf32>
    %add3A_583 = arith.addf %get3A_582, %add3A_574 : vector<128x384xf32>
    %swap3A_584 = arith.constant 1920 : index
    %swap3A_585 = arith.constant 0 : index
    %swap3A_586 = vector.load %arg11[%swap3A_584, %swap3A_585] : memref<2048x512xf32, #tpu.memory_space<vmem>>, vector<128x384xf32>
    tpu.vector_store %arg11[%swap3A_584, %swap3A_585], %add3A_583 {strides = array<i32>} : memref<2048x512xf32, #tpu.memory_space<vmem>>, vector<128x384xf32>,
    %get3A_587 = arith.constant 1920 : index
    %get3A_588 = arith.constant 384 : index
    %get3A_589 = vector.load %arg3[%get3A_587, %get3A_588] : memref<2048x512xf32, #tpu.memory_space<vmem>>, vector<128x128xf32>
    %add3A_590 = arith.addf %get3A_589, %add3A_579 : vector<128x128xf32>
    %swap3A_591 = arith.constant 1920 : index
    %swap3A_592 = arith.constant 384 : index
    %swap3A_593 = vector.load %arg11[%swap3A_591, %swap3A_592] : memref<2048x512xf32, #tpu.memory_space<vmem>>, vector<128x128xf32>
    tpu.vector_store %arg11[%swap3A_591, %swap3A_592], %add3A_590 {strides = array<i32>} : memref<2048x512xf32, #tpu.memory_space<vmem>>, vector<128x128xf32>,
    %get3A_594 = arith.constant 0 : index
    %get3A_595 = memref.load %arg2[%get3A_594] : memref<8xi32, #tpu.memory_space<smem>>
    %while3A = arith.constant 0 : i32
    %while3A_596 = arith.constant 0 : i32
    %while3A_597 = arith.subi %get3A_595, %while3A : i32
    %while3A_598 = arith.addi %while3A, %while3A_597 : i32
    %while3A_599 = arith.constant 1 : i32
    %while3A_600 = arith.divsi %while3A_597, %while3A_599 : i32
    %while3A_601 = arith.muli %while3A_600, %while3A_599 : i32
    %while3A_602 = arith.addi %while3A, %while3A_601 : i32
    %while3A_603 = arith.constant 1 : i32
    %while3A_604 = scf.for %while3A_607 = %while3A to %while3A_602 step %while3A_603 iter_args(%while3A_608 = %while3A_596) -> (i32)  : i32 {
      %get3A_609 = arith.index_cast %while3A_607 : i32 to index
      %get3A_610 = memref.load %arg1[%get3A_609] : memref<2048xi32, #tpu.memory_space<smem>>
      %get3A_611 = arith.index_cast %get3A_610 : i32 to index
      %get3A_612 = memref.load %arg0[%get3A_611] : memref<2048xi32, #tpu.memory_space<smem>>
      %get3A_613 = arith.index_cast %get3A_610 : i32 to index
      %get3A_614 = arith.constant 0 : index
      %get3A_615 = vector.load %arg11[%get3A_613, %get3A_614] : memref<2048x512xf32, #tpu.memory_space<vmem>>, vector<1x512xf32>
      %slice3A = vector.extract_strided_slice %get3A_615 {offsets = [0, 0], sizes = [1, 384], strides = [1, 1]} : vector<1x512xf32> to vector<1x384xf32>
      %slice3A_616 = vector.extract_strided_slice %get3A_615 {offsets = [0, 384], sizes = [1, 128], strides = [1, 1]} : vector<1x512xf32> to vector<1x128xf32>
      %slice3A_617 = vector.extract_strided_slice %slice3A {offsets = [0, 0], sizes = [1, 128], strides = [1, 1]} : vector<1x384xf32> to vector<1x128xf32>
      %logistic3A = arith.negf %slice3A_617 : vector<1x128xf32>
      %logistic3A_618 = math.exp %logistic3A : vector<1x128xf32>
      %logistic3A_619 = arith.constant 1.000000e+00 : f32
      %logistic3A_620 = vector.broadcast %logistic3A_619 : f32 to vector<1x128xf32>
      %logistic3A_621 = arith.addf %logistic3A_620, %logistic3A_618 : vector<1x128xf32>
      %logistic3A_622 = arith.divf %logistic3A_620, %logistic3A_621 : vector<1x128xf32>
      %slice3A_623 = vector.extract_strided_slice %slice3A {offsets = [0, 128], sizes = [1, 128], strides = [1, 1]} : vector<1x384xf32> to vector<1x128xf32>
      %logistic3A_624 = arith.negf %slice3A_623 : vector<1x128xf32>
      %logistic3A_625 = math.exp %logistic3A_624 : vector<1x128xf32>
      %logistic3A_626 = arith.constant 1.000000e+00 : f32
      %logistic3A_627 = vector.broadcast %logistic3A_626 : f32 to vector<1x128xf32>
      %logistic3A_628 = arith.addf %logistic3A_627, %logistic3A_625 : vector<1x128xf32>
      %logistic3A_629 = arith.divf %logistic3A_627, %logistic3A_628 : vector<1x128xf32>
      %slice3A_630 = vector.extract_strided_slice %slice3A {offsets = [0, 256], sizes = [1, 128], strides = [1, 1]} : vector<1x384xf32> to vector<1x128xf32>
      %tanh3A = math.tanh %slice3A_630 : vector<1x128xf32>
      %mul3A = arith.mulf %logistic3A_622, %tanh3A : vector<1x128xf32>
      %add3A_631 = arith.addf %mul3A, %slice3A_616 : vector<1x128xf32>
      %tanh3A_632 = math.tanh %add3A_631 : vector<1x128xf32>
      %mul3A_633 = arith.mulf %logistic3A_629, %tanh3A_632 : vector<1x128xf32>
      %swap3A_634 = arith.index_cast %get3A_610 : i32 to index
      %swap3A_635 = arith.constant 0 : index
      %swap3A_636 = vector.load %arg10[%swap3A_634, %swap3A_635] : memref<2048x128xf32, #tpu.memory_space<vmem>>, vector<1x128xf32>
      tpu.vector_store %arg10[%swap3A_634, %swap3A_635], %mul3A_633 {strides = array<i32>} : memref<2048x128xf32, #tpu.memory_space<vmem>>, vector<1x128xf32>,
      %lt3A = arith.cmpi slt, %get3A_612, %get3A_610 : i32
      %convert_element_type3A_637 = arith.extui %lt3A : i1 to i32
      %cond3A = arith.constant 0 : i32
      %cond3A_638 = arith.cmpi ne, %convert_element_type3A_637, %cond3A : i32
      scf.if %cond3A_638 {
        %get3A_640 = arith.constant 0 : index
        %get3A_641 = arith.constant 0 : index
        %get3A_642 = vector.load %arg9[%get3A_640, %get3A_641] : memref<512x128xf32, #tpu.memory_space<vmem>>, vector<512x128xf32>
        %dot_general3A_643 = arith.constant dense<0.000000e+00> : vector<1x512xf32>
        %dot_general3A_644 = tpu.matmul %mul3A_633, %get3A_642, %dot_general3A_643 {dimension_numbers = #tpu.dot_dimension_numbers<[1], [1], [0], [0], [0, 0, 1, 0], [], []>, transpose_lhs_hint = false} : vector<1x128xf32>, vector<512x128xf32>, vector<1x512xf32> -> vector<1x512xf32>
        %get3A_645 = arith.index_cast %get3A_612 : i32 to index
        %get3A_646 = arith.constant 0 : index
        %get3A_647 = vector.load %arg11[%get3A_645, %get3A_646] : memref<2048x512xf32, #tpu.memory_space<vmem>>, vector<1x512xf32>
        %get3A_648 = arith.index_cast %get3A_612 : i32 to index
        %get3A_649 = arith.constant 0 : index
        %get3A_650 = vector.load %arg6[%get3A_648, %get3A_649] : memref<2048x128xf32, #tpu.memory_space<vmem>>, vector<1x128xf32>
        %slice3A_651 = vector.extract_strided_slice %dot_general3A_644 {offsets = [0, 384], sizes = [1, 128], strides = [1, 1]} : vector<1x512xf32> to vector<1x128xf32>
        %add3A_652 = arith.addf %get3A_650, %slice3A_651 : vector<1x128xf32>
        %logistic3A_653 = arith.negf %add3A_652 : vector<1x128xf32>
        %logistic3A_654 = math.exp %logistic3A_653 : vector<1x128xf32>
        %logistic3A_655 = arith.constant 1.000000e+00 : f32
        %logistic3A_656 = vector.broadcast %logistic3A_655 : f32 to vector<1x128xf32>
        %logistic3A_657 = arith.addf %logistic3A_656, %logistic3A_654 : vector<1x128xf32>
        %logistic3A_658 = arith.divf %logistic3A_656, %logistic3A_657 : vector<1x128xf32>
        %mul3A_659 = arith.mulf %logistic3A_658, %add3A_631 : vector<1x128xf32>
        %slice3A_660 = vector.extract_strided_slice %dot_general3A_644 {offsets = [0, 0], sizes = [1, 384], strides = [1, 1]} : vector<1x512xf32> to vector<1x384xf32>
        %concatenate3A = tpu.concatenate %slice3A_660, %mul3A_659 in 1 : vector<1x384xf32>, vector<1x128xf32> -> vector<1x512xf32>
        %add3A_661 = arith.addf %get3A_647, %concatenate3A : vector<1x512xf32>
        %swap3A_662 = arith.index_cast %get3A_612 : i32 to index
        %swap3A_663 = arith.constant 0 : index
        %swap3A_664 = vector.load %arg11[%swap3A_662, %swap3A_663] : memref<2048x512xf32, #tpu.memory_space<vmem>>, vector<1x512xf32>
        tpu.vector_store %arg11[%swap3A_662, %swap3A_663], %add3A_661 {strides = array<i32>} : memref<2048x512xf32, #tpu.memory_space<vmem>>, vector<1x512xf32>,
      } else {
      }
      %while3A_639 = arith.constant 0 : i32
      scf.yield %while3A_639 : i32
    }
    %while3A_605 = arith.constant 1 : i32
    %while3A_606 = scf.for %while3A_607 = %while3A_602 to %while3A_598 step %while3A_605 iter_args(%while3A_608 = %while3A_604) -> (i32)  : i32 {
      %get3A_609 = arith.index_cast %while3A_607 : i32 to index
      %get3A_610 = memref.load %arg1[%get3A_609] : memref<2048xi32, #tpu.memory_space<smem>>
      %get3A_611 = arith.index_cast %get3A_610 : i32 to index
      %get3A_612 = memref.load %arg0[%get3A_611] : memref<2048xi32, #tpu.memory_space<smem>>
      %get3A_613 = arith.index_cast %get3A_610 : i32 to index
      %get3A_614 = arith.constant 0 : index
      %get3A_615 = vector.load %arg11[%get3A_613, %get3A_614] : memref<2048x512xf32, #tpu.memory_space<vmem>>, vector<1x512xf32>
      %slice3A = vector.extract_strided_slice %get3A_615 {offsets = [0, 0], sizes = [1, 384], strides = [1, 1]} : vector<1x512xf32> to vector<1x384xf32>
      %slice3A_616 = vector.extract_strided_slice %get3A_615 {offsets = [0, 384], sizes = [1, 128], strides = [1, 1]} : vector<1x512xf32> to vector<1x128xf32>
      %slice3A_617 = vector.extract_strided_slice %slice3A {offsets = [0, 0], sizes = [1, 128], strides = [1, 1]} : vector<1x384xf32> to vector<1x128xf32>
      %logistic3A = arith.negf %slice3A_617 : vector<1x128xf32>
      %logistic3A_618 = math.exp %logistic3A : vector<1x128xf32>
      %logistic3A_619 = arith.constant 1.000000e+00 : f32
      %logistic3A_620 = vector.broadcast %logistic3A_619 : f32 to vector<1x128xf32>
      %logistic3A_621 = arith.addf %logistic3A_620, %logistic3A_618 : vector<1x128xf32>
      %logistic3A_622 = arith.divf %logistic3A_620, %logistic3A_621 : vector<1x128xf32>
      %slice3A_623 = vector.extract_strided_slice %slice3A {offsets = [0, 128], sizes = [1, 128], strides = [1, 1]} : vector<1x384xf32> to vector<1x128xf32>
      %logistic3A_624 = arith.negf %slice3A_623 : vector<1x128xf32>
      %logistic3A_625 = math.exp %logistic3A_624 : vector<1x128xf32>
      %logistic3A_626 = arith.constant 1.000000e+00 : f32
      %logistic3A_627 = vector.broadcast %logistic3A_626 : f32 to vector<1x128xf32>
      %logistic3A_628 = arith.addf %logistic3A_627, %logistic3A_625 : vector<1x128xf32>
      %logistic3A_629 = arith.divf %logistic3A_627, %logistic3A_628 : vector<1x128xf32>
      %slice3A_630 = vector.extract_strided_slice %slice3A {offsets = [0, 256], sizes = [1, 128], strides = [1, 1]} : vector<1x384xf32> to vector<1x128xf32>
      %tanh3A = math.tanh %slice3A_630 : vector<1x128xf32>
      %mul3A = arith.mulf %logistic3A_622, %tanh3A : vector<1x128xf32>
      %add3A_631 = arith.addf %mul3A, %slice3A_616 : vector<1x128xf32>
      %tanh3A_632 = math.tanh %add3A_631 : vector<1x128xf32>
      %mul3A_633 = arith.mulf %logistic3A_629, %tanh3A_632 : vector<1x128xf32>
      %swap3A_634 = arith.index_cast %get3A_610 : i32 to index
      %swap3A_635 = arith.constant 0 : index
      %swap3A_636 = vector.load %arg10[%swap3A_634, %swap3A_635] : memref<2048x128xf32, #tpu.memory_space<vmem>>, vector<1x128xf32>
      tpu.vector_store %arg10[%swap3A_634, %swap3A_635], %mul3A_633 {strides = array<i32>} : memref<2048x128xf32, #tpu.memory_space<vmem>>, vector<1x128xf32>,
      %lt3A = arith.cmpi slt, %get3A_612, %get3A_610 : i32
      %convert_element_type3A_637 = arith.extui %lt3A : i1 to i32
      %cond3A = arith.constant 0 : i32
      %cond3A_638 = arith.cmpi ne, %convert_element_type3A_637, %cond3A : i32
      scf.if %cond3A_638 {
        %get3A_640 = arith.constant 0 : index
        %get3A_641 = arith.constant 0 : index
        %get3A_642 = vector.load %arg9[%get3A_640, %get3A_641] : memref<512x128xf32, #tpu.memory_space<vmem>>, vector<512x128xf32>
        %dot_general3A_643 = arith.constant dense<0.000000e+00> : vector<1x512xf32>
        %dot_general3A_644 = tpu.matmul %mul3A_633, %get3A_642, %dot_general3A_643 {dimension_numbers = #tpu.dot_dimension_numbers<[1], [1], [0], [0], [0, 0, 1, 0], [], []>, transpose_lhs_hint = false} : vector<1x128xf32>, vector<512x128xf32>, vector<1x512xf32> -> vector<1x512xf32>
        %get3A_645 = arith.index_cast %get3A_612 : i32 to index
        %get3A_646 = arith.constant 0 : index
        %get3A_647 = vector.load %arg11[%get3A_645, %get3A_646] : memref<2048x512xf32, #tpu.memory_space<vmem>>, vector<1x512xf32>
        %get3A_648 = arith.index_cast %get3A_612 : i32 to index
        %get3A_649 = arith.constant 0 : index
        %get3A_650 = vector.load %arg6[%get3A_648, %get3A_649] : memref<2048x128xf32, #tpu.memory_space<vmem>>, vector<1x128xf32>
        %slice3A_651 = vector.extract_strided_slice %dot_general3A_644 {offsets = [0, 384], sizes = [1, 128], strides = [1, 1]} : vector<1x512xf32> to vector<1x128xf32>
        %add3A_652 = arith.addf %get3A_650, %slice3A_651 : vector<1x128xf32>
        %logistic3A_653 = arith.negf %add3A_652 : vector<1x128xf32>
        %logistic3A_654 = math.exp %logistic3A_653 : vector<1x128xf32>
        %logistic3A_655 = arith.constant 1.000000e+00 : f32
        %logistic3A_656 = vector.broadcast %logistic3A_655 : f32 to vector<1x128xf32>
        %logistic3A_657 = arith.addf %logistic3A_656, %logistic3A_654 : vector<1x128xf32>
        %logistic3A_658 = arith.divf %logistic3A_656, %logistic3A_657 : vector<1x128xf32>
        %mul3A_659 = arith.mulf %logistic3A_658, %add3A_631 : vector<1x128xf32>
        %slice3A_660 = vector.extract_strided_slice %dot_general3A_644 {offsets = [0, 0], sizes = [1, 384], strides = [1, 1]} : vector<1x512xf32> to vector<1x384xf32>
        %concatenate3A = tpu.concatenate %slice3A_660, %mul3A_659 in 1 : vector<1x384xf32>, vector<1x128xf32> -> vector<1x512xf32>
        %add3A_661 = arith.addf %get3A_647, %concatenate3A : vector<1x512xf32>
        %swap3A_662 = arith.index_cast %get3A_612 : i32 to index
        %swap3A_663 = arith.constant 0 : index
        %swap3A_664 = vector.load %arg11[%swap3A_662, %swap3A_663] : memref<2048x512xf32, #tpu.memory_space<vmem>>, vector<1x512xf32>
        tpu.vector_store %arg11[%swap3A_662, %swap3A_663], %add3A_661 {strides = array<i32>} : memref<2048x512xf32, #tpu.memory_space<vmem>>, vector<1x512xf32>,
      } else {
      }
      %while3A_639 = arith.constant 0 : i32
      scf.yield %while3A_639 : i32
    }
    return
  }
}

</mosaic_0001>

<sc_bundles>
// kernel: kernel.10.cloned.1.call-start
scs
__scs_entry_jumppad:
0x0: {  	(pc) =	sbr.rel $0x88, $3  }
0x1: {  	(tag) =	ssettag $0x0;
	lr =	simm.s32 $0x1  }
0x2: {  	[smem:$0x3F9B] =	sst lr;
	_ =	strace $0xD0000000  }
0x3: {  	_ = 	snop  }
0x4: {  	_ = 	snop  }
0x5: {  	_ = 	snop  }
0x6: {  	_ = 	snop  }
0x7: {  	_ = 	snop  }
__scs_overlays_trampoline_lowered:
0x8: {  	[smem:$0x3FAA] =	sst s0  }
0x9: {  	[smem:$0x3FAB] =	sst s1  }
0xa: {  	[smem:$0x3FAC] =	sst s2  }
0xb: {  	[smem:$0x3FAD] =	sst s3  }
0xc: {  	[smem:$0x3FAE] =	sst s4  }
0xd: {  	[smem:$0x3FAF] =	sst s5  }
0xe: {  	[smem:$0x3FB0] =	sst s6  }
0xf: {  	[smem:$0x3FB1] =	sst s7  }
0x10: {  	[smem:$0x3FB2] =	sst s8  }
0x11: {  	[smem:$0x3FB3] =	sst s9;
	s0 =	simm.s32 @!p0 $0x0  }
0x12: {  	s1 =	sld [smem:$0x3F99];
	s0 =	simm.s32 @p0 $0x1  }
0x13: {  	[smem:$0x3FB4] =	sst s0;
	s0 =	simm.s32 @!p1 $0x0  }
0x14: {  	s2 =	sld [smem:$0x3F98];
	s0 =	simm.s32 @p1 $0x1  }
0x15: {  	[smem:$0x3FB5] =	sst s0;
	s0 =	simm.s32 @!p2 $0x0  }
0x16: {  	s3 =	sld [smem:$0x3FDB];
	s0 =	simm.s32 @p2 $0x1  }
0x17: {  	s4 =	simm.s32 $0x1BF5;
	[smem:$0x3FB7] =	sst s0  }
0x18: {  	s0 =	sld [smem:$0x3F9A];
	_ =	swait.ge [sflag:s4], $0x0  }
0x19: {  	s7 =	sld [smem:$0x3F9B]  }
0x1a: {  	s8 =	sadd.s32 $0xFFFFE003, lr  }
0x1b: {  	s9 =	sadd.s32 $0xFFFFFEF7, lr;
	s5 =	simm.s32 $0xFFFFFFFF;
	p2 =	slt.u32 s8, $0xFFFFF086  }
0x1c: {  	p1 =	slt.u32 s9, $0xF7A;
	s5 =	simm.s32 @!p2 $0x0  }
0x1d: {  	s5 =	simm.s32 @p1 $0x1;
	p0 =	seq.s32 s7, s2  }
0x1e: {  	s7 =	smul.u32 @!p0 $0xF7A, s2;
	p2 =	seq.s32 @!p0 s5, $0x0  }
0x1f: {  	s9 =	smul.u32 $0xF7A, s1;
	s8 =	simm.s32 @!p0 $0x1BF5;
	p2 =	por !p2, p0  }
0x20: {  	[sflag:s8] =	ssyncset.s32 @!p0 $0xFFFFF086;
	s6 =	sadd.s32 @!p0 s3, s7;
	s7 =	simm.s32 @!p0 $0x108  }
0x21: {  	s3 =	sadd.s32 s3, s9;
	s6 =	sadd.s32 @!p0 $0x88, s6;
	s7 =	simm.s32 @p2 $0x1082  }
0x22: {  	[simem:s7], [sflag:s8] =	dma.local @!p0 [hbm:s6], $0xF7A  }
0x23: {  	s9 =	sor.u32 $0xD0000000, s2;
	s6 =	simm.s32 $0x108;
	_ =	swait.ge @!p0 [sflag:s8], $0x0  }
0x24: {  	s3 =	sadd.s32 $0x88, s3;
	s6 =	simm.s32 @!p1 $0x1082;
	[sflag:s4] =	ssyncset.s32 $0xFFFFF086  }
0x25: {  	[simem:s6], [sflag:s4] =	dma.local [hbm:s3], $0xF7A  }
0x26: {  	[smem:$0x3F9B] =	sst s1;
	(tag) =	ssettag s2;
	_ =	strace s9  }
0x27: {  	s1 =	sld [smem:$0x3FAB]  }
0x28: {  	s2 =	sld [smem:$0x3FAC]  }
0x29: {  	s4 =	sld [smem:$0x3FAE]  }
0x2a: {  	p0 =	seq.s32 s5, $0x0;
	s5 =	sld [smem:$0x3FAF]  }
0x2b: {  	s6 =	sld [smem:$0x3FB0]  }
0x2c: {  	s7 =	sld [smem:$0x3FB1]  }
0x2d: {  	s3 =	simm.s32 $0x108;
	s8 =	sld [smem:$0x3FB2]  }
0x2e: {  	s3 =	simm.s32 @!p0 $0x1082;
	s9 =	sld [smem:$0x3FB3]  }
0x2f: {  	lr =	sadd.s32 s0, s3;
	s0 =	sld [smem:$0x3FAA]  }
0x30: {  	s3 =	sld [smem:$0x3FAD]  }
0x31: {  	[smem:$0x3FB6] =	sst s10  }
0x32: {  	s10 =	sld [smem:$0x3FB4];
	_ =	sdelay $0x3  }
0x33: {  	p0 =	seq.s32 s10, $0x1;
	s10 =	sld [smem:$0x3FB6];
	_ =	sdelay $0x3  }
0x34: {  	[smem:$0x3FB6] =	sst s10  }
0x35: {  	s10 =	sld [smem:$0x3FB5];
	_ =	sdelay $0x3  }
0x36: {  	p1 =	seq.s32 s10, $0x1;
	s10 =	sld [smem:$0x3FB6];
	_ =	sdelay $0x3  }
0x37: {  	[smem:$0x3FB6] =	sst s10  }
0x38: {  	s10 =	sld [smem:$0x3FB7]  }
0x39: {  	_ = 	snop;
	(pc) =	sbr.ind lr, $3  }
0x3a: {  	_ = 	snop  }
0x3b: {  	_ = 	snop  }
0x3c: {  	p2 =	seq.s32 s10, $0x1;
	s10 =	sld [smem:$0x3FB6]  }
0x3d: {  	_ =	shalt  }
0x3e: {  	_ =	shalt  }
0x3f: {  	_ =	shalt  }
0x40: {  	_ =	shalt  }
0x41: {  	_ =	shalt  }
0x42: {  	_ =	shalt  }
0x43: {  	_ =	shalt  }
0x44: {  	_ =	shalt  }
0x45: {  	_ =	shalt  }
0x46: {  	_ =	shalt  }
0x47: {  	_ =	shalt  }
0x48: {  	_ =	shalt  }
0x49: {  	_ =	shalt  }
0x4a: {  	_ =	shalt  }
0x4b: {  	_ =	shalt  }
0x4c: {  	_ =	shalt  }
0x4d: {  	_ =	shalt  }
0x4e: {  	_ =	shalt  }
0x4f: {  	_ =	shalt  }
0x50: {  	_ =	shalt  }
0x51: {  	_ =	shalt  }
0x52: {  	_ =	shalt  }
0x53: {  	_ =	shalt  }
0x54: {  	_ =	shalt  }
0x55: {  	_ =	shalt  }
0x56: {  	_ =	shalt  }
0x57: {  	_ =	shalt  }
0x58: {  	_ =	shalt  }
0x59: {  	_ =	shalt  }
0x5a: {  	_ =	shalt  }
0x5b: {  	_ =	shalt  }
0x5c: {  	_ =	shalt  }
0x5d: {  	_ =	shalt  }
0x5e: {  	_ =	shalt  }
0x5f: {  	_ =	shalt  }
0x60: {  	_ =	shalt  }
0x61: {  	_ =	shalt  }
0x62: {  	_ =	shalt  }
0x63: {  	_ =	shalt  }
0x64: {  	_ =	shalt  }
0x65: {  	_ =	shalt  }
0x66: {  	_ =	shalt  }
0x67: {  	_ =	shalt  }
0x68: {  	_ =	shalt  }
0x69: {  	_ =	shalt  }
0x6a: {  	_ =	shalt  }
0x6b: {  	_ =	shalt  }
0x6c: {  	_ =	shalt  }
0x6d: {  	_ =	shalt  }
0x6e: {  	_ =	shalt  }
0x6f: {  	_ =	shalt  }
0x70: {  	_ =	shalt  }
0x71: {  	_ =	shalt  }
0x72: {  	_ =	shalt  }
0x73: {  	_ =	shalt  }
0x74: {  	_ =	shalt  }
0x75: {  	_ =	shalt  }
0x76: {  	_ =	shalt  }
0x77: {  	_ =	shalt  }
0x78: {  	_ =	shalt  }
0x79: {  	_ =	shalt  }
0x7a: {  	_ =	shalt  }
0x7b: {  	_ =	shalt  }
0x7c: {  	_ =	shalt  }
0x7d: {  	_ =	shalt  }
0x7e: {  	_ =	shalt  }
0x7f: {  	_ =	shalt  }
0x80: {  	_ =	shalt  }
0x81: {  	_ =	shalt  }
0x82: {  	_ =	shalt  }
0x83: {  	_ =	shalt  }
0x84: {  	_ =	shalt  }
0x85: {  	_ =	shalt  }
0x86: {  	_ =	shalt  }
0x87: {  	_ =	shalt  }
.Lfunc_end0:
.L_simem_size_0:
called_computation.1_lowered:
.L_overlay_start_0:
0x88: {  	s2 =	sld [smem:$0x3FD9]  }
0x89: {  	s3 =	sld [smem:$0x3FFE];
	_ =	sdelay $0x1  }
0x8a: {  	s1 =	srdreg.scid  }
0x8b: {  	s0 =	sand.u32 $0x1, s1  }
0x8c: {  	s17 =	sshll.u32 s0, $0xA;
	s2 =	sadd.s32 s3, s2  }
0x8d: {  	s2 =	sadd.s32 s2, s17  }
0x8e: {  	[smem:$0x3FC2] =	sst s2  }
0x8f: {  	_ = 	snop  }
0x90: {  	s2 =	sld [smem:$0x3FC8]  }
0x91: {  	s18 =	sld [smem:$0x3FD0];
	(tm) =	ssettm $0x1  }
0x92: {  	s4 =	sld [smem:$0x3FFB];
	_ =	sdelay $0x3  }
0x93: {  	_ =	strace s4  }
0x94: {  	s4 =	sld [smem:$0x3FFC];
	_ =	sdelay $0x3  }
0x95: {  	_ =	strace s4  }
0x96: {  	s4 =	sld [smem:$0x3FFD];
	_ =	sdelay $0x3  }
0x97: {  	_ =	strace s4  }
0x98: {  	_ =	strace $0x8FFFFFFF  }
0x99: {  	s19 =	sld [smem:$0x3FDB];
	_ =	sdelay $0x1  }
0x9a: {  	s5 =	simm.s32 $_scs_section_size  }
0x9b: {  	s6 =	simm.s32 $_size__tile_overlayer_lowered;
	s7 =	simm.s32 $_tile_overlayer_lowered  }
0x9c: {  	s22 =	simm.s32 $0x1BFF;
	s21 =	sshll.u32 s7, $0x1;
	s4 =	sadd.s32 s5, s19  }
0x9d: {  	s8 =	simm.s32 $0x0;
	s20 =	sshll.u32 s6, $0x1;
	s6 =	sadd.s32 s21, s4  }
0x9e: {  	[timem:s8], [sflag:s22] =	dma.local [hbm:s6], s20  }
0x9f: {  	_ =	swait.ge [sflag:s22], s20  }
0xa0: {  	s5 =	ssub.s32 $0x0, s20;
	[sflag:s22] =	ssyncset.done $0x0  }
0xa1: {  	[sflag:s22] =	ssyncadd.s32 s5;
	_ =	sdelay $0x1  }
0xa2: {  	s23 =	simm.s32 $0x1B8B  }
0xa3: {  	_ =	swait.ge [sflag:s23], $0x1  }
0xa4: {  	[sflag:s23] =	ssyncset.done $0x0  }
0xa5: {  	s25 =	simm.s32 $0x1B8E;
	s24 =	sld [smem:$0x3FFE];
	[sflag:s23] =	ssyncadd.s32 $0xFFFFFFFF  }
0xa6: {  	s26 =	simm.s32 $execute0_lowered;
	[smem:$0x3FD2] =	sst s25  }
0xa7: {  	s6 =	sshll.u32 s26, $0x1;
	_ =	strace $0x80000049;
	[dreg:$0x1] =	wrdreg $0xFFFFFFFF  }
0xa8: {  	s28 =	simm.s32 $_size_execute0_lowered;
	s4 =	sadd.s32 s4, s6;
	[dreg:$0x0] =	wrdreg $0x0  }
0xa9: {  	s6 =	sshll.u32 s28, $0x1;
	[dreg:$0x2] =	wrdreg s4  }
0xaa: {  	[dreg:$0x3] =	wrdreg s6  }
0xab: {  	[dreg:$0x4] =	wrdreg $0xC0  }
0xac: {  	_ =	task [dreg:s8], $0x5FFFF  }
0xad: {  	[dreg:$0x1] =	wrdreg $0xFFFFFFFF  }
0xae: {  	[dreg:$0x0] =	wrdreg $0x60  }
0xaf: {  	[dreg:$0x2] =	wrdreg s18  }
0xb0: {  	[dreg:$0x3] =	wrdreg s24  }
0xb1: {  	[dreg:$0x4] =	wrdreg s2  }
0xb2: {  	[dreg:$0x5] =	wrdreg $0x9  }
0xb3: {  	_ =	task.clear_ibuf [dreg:s8], $0x6FFFF;
	_ =	strace $0x90000049  }
0xb4: {  	s29 =	simm.s32 $0x9;
	_ =	strace $0x8000004B  }
0xb5: {  	_ =	swait.ge [sflag:s29], $0x1  }
0xb6: {  	[sflag:s29] =	ssyncadd.s32 $0xFFFFFFFF  }
0xb7: {  	_ =	strace $0x9000004B  }
0xb8: {  	_ =	sfence  }
0xb9: {  	s30 =	sld [smem:$0x0];
	_ =	sdelay $0x2  }
0xba: {  	s31 =	sshll.u32 s1, $0xD;
	s1 =	sshrl.u32 s1, $0x2  }
0xbb: {  	s3 =	sand.u32 $0x4000, s31;
	s1 =	sadd.s32 s1, s30  }
0xbc: {  	s0 =	sor.u32 s3, s0;
	s1 =	sshll.u32 s1, $0x11  }
0xbd: {  	s0 =	sor.u32 s1, s0  }
0xbe: {  	s0 =	sadd.s32 $0x8F2B, s0  }
0xbf: {  	[sflag:s0] =	ssyncadd.remote.s32 $0x1  }
0xc0: {  	_ =	sfence.sel $0xFFFF  }
0xc1: {  	[dreg:$0x0] =	wrdreg $0xFFFFFFFF;
	(pc) =	sbr.abs _section_cstart, $3  }
0xc2: {  	[dreg:$0x1] =	wrdreg $0xFFFFFFFF  }
0xc3: {  	_ =	task.clear_ibuf [dreg:s8], $0x2FFFF;
	_ =	strace $0x9FFFFFFF  }
0xc4: {  	(tm) =	ssettm $0x7FFFFFFF  }
0xc5: {  	_ =	shalt  }
tec
execute0_lowered:
.L_overlay_start_1:
0x0: {  	(tag) =	ssettag $0x1  }
0x1: {  	s2 =	rddreg [dreg:$0x0]  }
0x2: {  	s4 =	rddreg [dreg:$0x1];
	s0 =	srdreg.scid  }
0x3: {  	s6 =	rddreg [dreg:$0x2];
	s1 =	stileid.u32;
	s3 =	simm.s32 $0x0  }
0x4: {  	s10 =	simm.s32 $0x2080;
	s11 =	simm.s32 $0x4;
	s12 =	simm.s32 $0x40  }
0x5: {  	s13 =	simm.s32 $0x4080;
	s14 =	simm.s32 $0x1;
	s15 =	simm.s32 $0x2  }
0x6: {  	s16 =	simm.s32 $0x3;
	s17 =	simm.s32 $0x0;
	s5 =	sand.u32 $0x1, s0  }
0x7: {  	s0 =	rddreg [dreg:$0x3];
	s8 =	sshll.u32 s1, $0x6;
	s7 =	sshll.u32 s5, $0xA  }
0x8: {  	[smem:$0x7FF] =	sst s3;
	s5 =	ssub.s32 $0x2, s5;
	s7 =	sor.u32 s8, s7  }
0x9: {  	_ =	strace $0x8000004A;
	s9 =	sshrl.u32 s5, $0x1;
	s8 =	sshll.u32 s7, $0x4  }
0xa: {  	s9 =	ssub.s32 s5, s9;
	s7 =	sshrl.u32 s7, $0x3;
	s8 =	sadd.s32 s8, s4  }
0xb: {  	s6 =	sadd.s32 s6, s7;
	s4 =	sadd.s32 $0x2200, s8;
	s5 =	sadd.s32 $0xA200, s8  }
0xc: {  	s7 =	sadd.s32 $0x12200, s8;
	s8 =	smax.u32 s9, $0x1;
	s9 =	simm.s32 $0x80  }
.LBB2_1:
0xd: {  	[tilespmem:s9], [sflag:$0x2] =	stream.linear.gather [hbm4b:s4+s3], $0x2000, $0x38;
	[tilespmem:$0x6080] =	vst v63  }
0xe: {  	_ = 	snop  }
0xf: {  	[tilespmem:s10], [sflag:$0x3] =	stream.linear.gather [hbm4b:s5+s3], $0x2000, $0x38;
	[tilespmem:$0x6080] =	vst v63  }
0x10: {  	_ = 	snop  }
0x11: {  	[tilespmem:s3], [sflag:$0x4] =	stream.linear.gather [hbm4b:s6+s3], $0x40, $0x38;
	[tilespmem:$0x6080] =	vst v63  }
0x12: {  	_ =	swait.ge [sflag:s11], $0x40  }
0x13: {  	[sflag:s11] =	ssyncset.done $0x0  }
0x14: {  	[sflag:s11] =	ssyncadd.s32 $0xFFFFFFC0  }
0x15: {  	[tilespmem:s13], [sflag:$0x1] =	stream.indirect.gather [hbm4b:s2+s12], $0x80, s3, s12, $0xb8;
	[tilespmem:$0x6080] =	vst v63  }
0x16: {  	_ =	swait.ge [sflag:s14], $0x2000  }
0x17: {  	[sflag:s14] =	ssyncset.done $0x0  }
0x18: {  	[sflag:s14] =	ssyncadd.s32 $0xFFFFE000  }
0x19: {  	_ =	swait.ge [sflag:s15], $0x2000  }
0x1a: {  	[sflag:s15] =	ssyncset.done $0x0  }
0x1b: {  	[sflag:s15] =	ssyncadd.s32 $0xFFFFE000  }
0x1c: {  	_ =	swait.ge [sflag:s16], $0x2000  }
0x1d: {  	[sflag:s16] =	ssyncset.done $0x0  }
0x1e: {  	s18 =	simm.s32 $0x0;
	[sflag:s16] =	ssyncadd.s32 $0xFFFFE000  }
0x1f: {  	v0 =	vld [tilespmem:s18+$0x40D0]  }
0x20: {  	v1 =	vld [tilespmem:s18+$0xD0]  }
0x21: {  	v2 =	vld [tilespmem:s18+$0x40C0]  }
0x22: {  	v3 =	vld [tilespmem:s18+$0x40B0]  }
0x23: {  	v5 =	vld [tilespmem:s18+$0x4090]  }
0x24: {  	v6 =	vld [tilespmem:s18+$0xB0]  }
0x25: {  	v7 =	vld [tilespmem:s18+$0x90];
	v0 =	vadd.f32 v0, v1  }
0x26: {  	v1 =	vld [tilespmem:s18+$0xC0]  }
0x27: {  	v8 =	vld [tilespmem:s18+$0x40F0];
	v0 =	vsub.f32 $0.0e+00, v0  }
0x28: {  	v9 =	vld [tilespmem:s18+$0xF0]  }
0x29: {  	v4 =	vld [tilespmem:s18+$0x4080];
	v0 =	vmul.f32 $1.442695020e+00, v0  }
0x2a: {  	v10 =	vld [tilespmem:s18+$0x80]  }
0x2b: {  	(erf) = vpow2.f32 v0;
	v0 =	vadd.f32 v2, v1  }
0x2c: {  	v1 =	vadd.f32 v3, v6;
	v3 =	vadd.f32 v5, v7  }
0x2d: {  	v2 =	vld [tilespmem:s18+$0x40E0];
	v6 =	vadd.f32 v8, v9;
	v0 =	vsub.f32 $0.0e+00, v0  }
0x2e: {  	v5 =	vld [tilespmem:s18+$0xE0];
	v1 =	vsub.f32 $0.0e+00, v1;
	v3 =	vsub.f32 $0.0e+00, v3  }
0x2f: {  	v4 =	vadd.f32 v4, v10;
	v7 =	vld [tilespmem:s18+$0x40A0];
	v0 =	vmul.f32 $1.442695020e+00, v0  }
0x30: {  	v8 =	vld [tilespmem:s18+$0xA0];
	v6 =	vsub.f32 $0.0e+00, v6;
	v1 =	vmul.f32 $1.442695020e+00, v1;
	v3 =	vmul.f32 $1.442695020e+00, v3  }
0x31: {  	(erf) = vpow2.f32 v0;
	v0 =	vsub.f32 $0.0e+00, v4  }
0x32: {  	(erf) = vpow2.f32 v1;
	v1 =	vmul.f32 $1.442695020e+00, v6  }
0x33: {  	v2 =	vadd.f32 v2, v5;
	(erf) = vpow2.f32 v3;
	v0 =	vmul.f32 $1.442695020e+00, v0  }
0x34: {  	v3 =	vpop (erf);
	(erf) = vpow2.f32 v1  }
0x35: {  	v2 =	vsub.f32 $0.0e+00, v2;
	(erf) = vpow2.f32 v0;
	v0 =	vadd.f32 v7, v8  }
0x36: {  	v3 =	vadd.f32 $1.000000000e+00, v3  }
0x37: {  	v1 =	vmul.f32 $1.442695020e+00, v2;
	v0 =	vsub.f32 $0.0e+00, v0  }
0x38: {  	(erf) = vrcp.f32 v3  }
0x39: {  	(erf) = vpow2.f32 v1;
	v0 =	vmul.f32 $1.442695020e+00, v0  }
0x3a: {  	v2 =	vpop (erf)  }
0x3b: {  	v3 =	vpop (erf);
	(erf) = vpow2.f32 v0  }
0x3c: {  	v4 =	vld [tilespmem:s18+$0x20D0]  }
0x3d: {  	v1 =	vld [tilespmem:s18+$0x20C0];
	v2 =	vadd.f32 $1.000000000e+00, v2  }
0x3e: {  	v0 =	vld [tilespmem:s18+$0x20A0];
	v3 =	vadd.f32 $1.000000000e+00, v3;
	v5 =	vpop (erf)  }
0x3f: {  	v5 =	vadd.f32 $1.000000000e+00, v5;
	(erf) = vrcp.f32 v2;
	v2 =	vld [tilespmem:s18+$0x20E0];
	v6 =	vpop (erf)  }
0x40: {  	(erf) = vrcp.f32 v3;
	v3 =	vld [tilespmem:s18+$0x2080];
	v9 =	vadd.f32 $1.000000000e+00, v6;
	v6 =	vpop (erf)  }
0x41: {  	(erf) = vrcp.f32 v5;
	v5 =	vld [tilespmem:s18+$0x2090];
	v7 =	vpop (erf)  }
0x42: {  	s20 =	simm.s32 $0x200;
	s19 =	simm.s32 $0x400;
	v6 =	vadd.f32 $1.000000000e+00, v6;
	(erf) = vrcp.f32 v9;
	v7 =	vmul.f32 v7, v4;
	v4 =	vld [tilespmem:s18+$0x20F0];
	v8 =	vpop (erf)  }
.LBB2_2:
0x43: {  	p0 =	sne.s32 s19, $0x7E00  }
0x44: {  	s21 =	sshra.s32 s20, $0x2;
	v9 =	vld [tilespmem:s18+$0x20B0];
	v8 =	vadd.f32 $1.000000000e+00, v8;
	(erf) = vrcp.f32 v6;
	v6 =	vpop (erf);
	s20 =	smov.u32 s19;
	s19 =	sadd.s32 $0x200, s19  }
0x45: {  	v10 =	vld [tilespmem:s21+$0x40D0];
	v6 =	vadd.f32 $1.000000000e+00, v6;
	[tilespmem:s18+$0xD0] =	vst v7  }
0x46: {  	v7 =	vld [tilespmem:s21+$0xD0];
	(erf) = vrcp.f32 v8  }
0x47: {  	v8 =	vld [tilespmem:s21+$0x40C0];
	(erf) = vrcp.f32 v6  }
0x48: {  	v6 =	vld [tilespmem:s21+$0x40A0];
	v11 =	vpop (erf)  }
0x49: {  	v12 =	vld [tilespmem:s21+$0x40B0];
	v1 =	vmul.f32 v11, v1;
	v11 =	vpop (erf)  }
0x4a: {  	v13 =	vld [tilespmem:s21+$0x4080];
	v15 =	vmul.f32 v11, v9;
	v11 =	vpop (erf)  }
0x4b: {  	v14 =	vld [tilespmem:s21+$0x4090];
	v7 =	vadd.f32 v10, v7;
	v11 =	vmul.f32 v11, v5;
	[tilespmem:s18+$0xC0] =	vst v1  }
0x4c: {  	v1 =	vld [tilespmem:s21+$0xC0];
	[tilespmem:s18+$0xB0] =	vst v15;
	v9 =	vpop (erf)  }
0x4d: {  	v10 =	vld [tilespmem:s21+$0xB0];
	v7 =	vsub.f32 $0.0e+00, v7;
	[tilespmem:s18+$0x90] =	vst v11;
	v11 =	vmul.f32 v9, v4;
	v5 =	vpop (erf)  }
0x4e: {  	v9 =	vld [tilespmem:s21+$0x90];
	v15 =	vmul.f32 v5, v3  }
0x4f: {  	v5 =	vmul.f32 $1.442695020e+00, v7;
	v7 =	vld [tilespmem:s21+$0x40F0];
	[tilespmem:s18+$0xF0] =	vst v11;
	v4 =	vpop (erf)  }
0x50: {  	v11 =	vld [tilespmem:s21+$0xF0];
	[tilespmem:s18+$0x80] =	vst v15;
	v2 =	vmul.f32 v4, v2;
	v3 =	vpop (erf)  }
0x51: {  	v4 =	vld [tilespmem:s21+$0x80];
	v1 =	vadd.f32 v8, v1;
	(erf) = vpow2.f32 v5;
	v0 =	vmul.f32 v3, v0  }
0x52: {  	v3 =	vadd.f32 v12, v10;
	v5 =	vld [tilespmem:s21+$0x40E0];
	[tilespmem:s18+$0xE0] =	vst v2  }
0x53: {  	v2 =	vadd.f32 v14, v9;
	v1 =	vsub.f32 $0.0e+00, v1;
	v8 =	vld [tilespmem:s21+$0xE0];
	[tilespmem:s18+$0xA0] =	vst v0;
	s18 =	smov.u32 s21  }
0x54: {  	v0 =	vld [tilespmem:s18+$0xA0];
	v3 =	vsub.f32 $0.0e+00, v3  }
0x55: {  	v2 =	vsub.f32 $0.0e+00, v2;
	v9 =	vmul.f32 $1.442695020e+00, v1;
	v1 =	vld [tilespmem:s18+$0x20C0];
	v7 =	vadd.f32 v7, v11  }
0x56: {  	v4 =	vadd.f32 v13, v4;
	v3 =	vmul.f32 $1.442695020e+00, v3  }
0x57: {  	v2 =	vmul.f32 $1.442695020e+00, v2;
	v7 =	vsub.f32 $0.0e+00, v7;
	(erf) = vpow2.f32 v9  }
0x58: {  	v4 =	vsub.f32 $0.0e+00, v4;
	v8 =	vadd.f32 v5, v8;
	(erf) = vpow2.f32 v3  }
0x59: {  	v0 =	vadd.f32 v6, v0;
	v3 =	vmul.f32 $1.442695020e+00, v7;
	(erf) = vpow2.f32 v2  }
0x5a: {  	v2 =	vmul.f32 $1.442695020e+00, v4;
	v4 =	vsub.f32 $0.0e+00, v8;
	v5 =	vpop (erf)  }
0x5b: {  	v0 =	vsub.f32 $0.0e+00, v0;
	v5 =	vadd.f32 $1.000000000e+00, v5;
	(erf) = vpow2.f32 v3  }
0x5c: {  	v3 =	vmul.f32 $1.442695020e+00, v4;
	(erf) = vpow2.f32 v2  }
0x5d: {  	v2 =	vmul.f32 $1.442695020e+00, v0;
	(erf) = vrcp.f32 v5  }
0x5e: {  	(erf) = vpow2.f32 v3  }
0x5f: {  	(erf) = vpow2.f32 v2  }
0x60: {  	v0 =	vpop (erf)  }
0x61: {  	v2 =	vadd.f32 $1.000000000e+00, v0;
	v4 =	vld [tilespmem:s18+$0x20D0];
	v0 =	vpop (erf)  }
0x62: {  	v3 =	vadd.f32 $1.000000000e+00, v0;
	v0 =	vpop (erf)  }
.Ltmp0:
0x63: {  	v5 =	vadd.f32 $1.000000000e+00, v0;
	v0 =	vld [tilespmem:s18+$0x20A0];
	(erf) = vrcp.f32 v2;
	(pc) =	sbr.rel @p0 .LBB2_2-.Ltmp0, $4  }
0x64: {  	v2 =	vld [tilespmem:s18+$0x20E0];
	(erf) = vrcp.f32 v3;
	v6 =	vpop (erf)  }
0x65: {  	v3 =	vld [tilespmem:s18+$0x2080];
	v9 =	vadd.f32 $1.000000000e+00, v6;
	v6 =	vpop (erf);
	(erf) = vrcp.f32 v5  }
0x66: {  	v6 =	vadd.f32 $1.000000000e+00, v6;
	v5 =	vld [tilespmem:s18+$0x2090];
	v7 =	vpop (erf)  }
0x67: {  	v7 =	vmul.f32 v7, v4;
	v4 =	vld [tilespmem:s18+$0x20F0];
	v8 =	vpop (erf);
	(erf) = vrcp.f32 v9  }
0x68: {  	s19 =	sshra.s32 s20, $0x2;
	v9 =	vld [tilespmem:s18+$0x20B0];
	v12 =	vpop (erf);
	(erf) = vrcp.f32 v6;
	v8 =	vadd.f32 $1.000000000e+00, v8  }
0x69: {  	v10 =	vld [tilespmem:s19+$0x40D0];
	[tilespmem:s18+$0xD0] =	vst v7;
	v57 =	vadd.f32 $1.000000000e+00, v12  }
0x6a: {  	v7 =	vld [tilespmem:s19+$0xD0];
	(erf) = vrcp.f32 v8  }
0x6b: {  	v11 =	vld [tilespmem:s19+$0x40C0];
	(erf) = vrcp.f32 v57  }
0x6c: {  	v13 =	vld [tilespmem:s19+$0x40A0];
	v55 =	vpop (erf)  }
0x6d: {  	v14 =	vld [tilespmem:s19+$0x40B0];
	v1 =	vmul.f32 v55, v1;
	v15 =	vpop (erf)  }
0x6e: {  	v56 =	vld [tilespmem:s19+$0x4080];
	v9 =	vmul.f32 v15, v9;
	v58 =	vpop (erf)  }
0x6f: {  	v16 =	vld [tilespmem:s19+$0x4090];
	[tilespmem:s18+$0xC0] =	vst v1;
	v1 =	vmul.f32 v58, v5;
	v7 =	vadd.f32 v10, v7  }
0x70: {  	v59 =	vld [tilespmem:s19+$0xC0];
	[tilespmem:s18+$0xB0] =	vst v9;
	v61 =	vpop (erf)  }
0x71: {  	v60 =	vld [tilespmem:s19+$0xB0];
	[tilespmem:s18+$0x90] =	vst v1;
	v62 =	vmul.f32 v61, v4;
	v15 =	vpop (erf);
	v17 =	vsub.f32 $0.0e+00, v7  }
0x72: {  	v63 =	vld [tilespmem:s19+$0x90];
	v3 =	vmul.f32 v15, v3  }
0x73: {  	v9 =	vld [tilespmem:s19+$0x40F0];
	[tilespmem:s18+$0xF0] =	vst v62;
	v19 =	vpop (erf);
	v1 =	vmul.f32 $1.442695020e+00, v17  }
0x74: {  	v18 =	vld [tilespmem:s19+$0xF0];
	[tilespmem:s18+$0x80] =	vst v3;
	v2 =	vmul.f32 v19, v2;
	v20 =	vpop (erf)  }
0x75: {  	v3 =	vld [tilespmem:s19+$0x80];
	(erf) = vpow2.f32 v1;
	v0 =	vmul.f32 v20, v0  }
0x76: {  	v21 =	vld [tilespmem:s19+$0x40E0];
	v22 =	vadd.f32 v11, v59;
	[tilespmem:s18+$0xE0] =	vst v2;
	v23 =	vadd.f32 v14, v60  }
0x77: {  	v24 =	vld [tilespmem:s19+$0xE0];
	v4 =	vadd.f32 v16, v63;
	[tilespmem:s18+$0xA0] =	vst v0  }
0x78: {  	v25 =	vsub.f32 $0.0e+00, v22;
	v26 =	vld [tilespmem:s19+$0xA0];
	v2 =	vsub.f32 $0.0e+00, v23  }
0x79: {  	v4 =	vsub.f32 $0.0e+00, v4;
	v7 =	vadd.f32 v9, v18  }
0x7a: {  	v0 =	vmul.f32 $1.442695020e+00, v25;
	v3 =	vadd.f32 v56, v3  }
0x7b: {  	v2 =	vmul.f32 $1.442695020e+00, v2;
	v4 =	vmul.f32 $1.442695020e+00, v4;
	v27 =	vsub.f32 $0.0e+00, v7  }
0x7c: {  	(erf) = vpow2.f32 v0;
	v28 =	vsub.f32 $0.0e+00, v3;
	v29 =	vadd.f32 v21, v24  }
0x7d: {  	(erf) = vpow2.f32 v2;
	v1 =	vadd.f32 v13, v26;
	v30 =	vmul.f32 $1.442695020e+00, v27  }
0x7e: {  	(erf) = vpow2.f32 v4;
	v0 =	vmul.f32 $1.442695020e+00, v28;
	v3 =	vsub.f32 $0.0e+00, v29;
	v31 =	vpop (erf)  }
0x7f: {  	v1 =	vsub.f32 $0.0e+00, v1;
	v4 =	vadd.f32 $1.000000000e+00, v31;
	(erf) = vpow2.f32 v30  }
0x80: {  	v32 =	vmul.f32 $1.442695020e+00, v3;
	(erf) = vpow2.f32 v0  }
0x81: {  	v33 =	vmul.f32 $1.442695020e+00, v1;
	(erf) = vrcp.f32 v4  }
0x82: {  	(erf) = vpow2.f32 v32  }
0x83: {  	(erf) = vpow2.f32 v33;
	_ =	sdelay $0x1  }
0x84: {  	v34 =	vpop (erf)  }
0x85: {  	v35 =	vpop (erf)  }
0x86: {  	v0 =	vadd.f32 $1.000000000e+00, v34;
	v36 =	vpop (erf)  }
0x87: {  	v1 =	vadd.f32 $1.000000000e+00, v35;
	v37 =	vpop (erf)  }
0x88: {  	v2 =	vadd.f32 $1.000000000e+00, v36;
	(erf) = vrcp.f32 v0;
	v38 =	vpop (erf)  }
0x89: {  	(erf) = vrcp.f32 v1;
	v39 =	vadd.f32 $1.000000000e+00, v37;
	v40 =	vpop (erf)  }
0x8a: {  	(erf) = vrcp.f32 v2;
	v0 =	vadd.f32 $1.000000000e+00, v38;
	v41 =	vpop (erf)  }
0x8b: {  	(erf) = vrcp.f32 v39;
	v42 =	vadd.f32 $1.000000000e+00, v41;
	v43 =	vpop (erf)  }
0x8c: {  	v44 =	vld [tilespmem:s19+$0x20D0];
	(erf) = vrcp.f32 v0;
	v45 =	vadd.f32 $1.000000000e+00, v43  }
0x8d: {  	v46 =	vld [tilespmem:s19+$0x20C0];
	(erf) = vrcp.f32 v42  }
0x8e: {  	v47 =	vld [tilespmem:s19+$0x20B0];
	(erf) = vrcp.f32 v45  }
0x8f: {  	v48 =	vld [tilespmem:s19+$0x2090]  }
0x90: {  	v49 =	vld [tilespmem:s19+$0x20F0]  }
0x91: {  	v50 =	vld [tilespmem:s19+$0x2080];
	v3 =	vmul.f32 v40, v44;
	v51 =	vpop (erf)  }
0x92: {  	v52 =	vld [tilespmem:s19+$0x20E0];
	v2 =	vmul.f32 v51, v46;
	v53 =	vpop (erf)  }
0x93: {  	v54 =	vld [tilespmem:s19+$0x20A0];
	[tilespmem:s19+$0xD0] =	vst v3;
	v1 =	vmul.f32 v53, v47;
	v55 =	vpop (erf)  }
0x94: {  	v0 =	vmul.f32 v55, v48;
	[tilespmem:s19+$0xC0] =	vst v2;
	v56 =	vpop (erf)  }
0x95: {  	[tilespmem:s19+$0xB0] =	vst v1;
	v57 =	vmul.f32 v56, v49;
	v58 =	vpop (erf)  }
0x96: {  	[tilespmem:s19+$0x90] =	vst v0;
	v59 =	vmul.f32 v58, v50;
	v60 =	vpop (erf)  }
0x97: {  	[tilespmem:s19+$0xF0] =	vst v57;
	v61 =	vmul.f32 v60, v52;
	v62 =	vpop (erf)  }
0x98: {  	s17 =	sadd.s32 $0x1, s17;
	[tilespmem:s19+$0x80] =	vst v59;
	v63 =	vmul.f32 v62, v54  }
0x99: {  	p0 =	sne.s32 s17, s8;
	[tilespmem:s19+$0xE0] =	vst v61  }
.Ltmp1:
0x9a: {  	[tilespmem:s19+$0xA0] =	vst v63;
	(pc) =	sbr.rel @p0 .LBB2_1-.Ltmp1, $4  }
0x9b: {  	[hbm4b:s7+s3] =	stream.linear.scatter [tilespmem:s9], [sflag:$0x4], $0x2000, $0x38;
	[tilespmem:$0x6080] =	vst v63  }
0x9c: {  	_ =	swait.ge [sflag:s11], $0x2000  }
0x9d: {  	[sflag:s11] =	ssyncset.done $0x0  }
0x9e: {  	[sflag:s11] =	ssyncadd.s32 $0xFFFFE000  }
0x9f: {  	_ =	sfence.sel $0x180000  }
0xa0: {  	[bflag:$0x0] =	sbarrier.arrive $0xFFFF  }
0xa1: {  	p0 =	sne.s32 s1, $0x0;
	_ =	strace $0x9000004A  }
0xa2: {  	s0 =	sadd.s32 @!p0 $0x100000, s0;
	[bflag:$0x2] =	sbarrier.arrive $0xFFFF  }
0xa3: {  	[sflag:s0] =	ssyncadd.tile.s32 @!p0 $0x1;
	_ =	shalt  }
.Lfunc_end2:
_tile_overlayer_lowered:
.L_overlay_start_2:
0xa4: {  	(tag) =	ssettag $0x2  }
0xa5: {  	s0 =	rddreg [dreg:$0x0];
	s2 =	stileid.u32  }
0xa6: {  	s1 =	rddreg [dreg:$0x1];
	p0 =	sne.s32 s2, $0x0  }
0xa7: {  	s3 =	rddreg [dreg:$0x2];
	[bflag:$0x3] =	sbarrier.arrive $0xFFFF;
	s2 =	simm.s32 @!p0 $0x1C04  }
0xa8: {  	[timem:s3], [sflag:s2] =	dma.local @!p0 [hbm:s0], s1  }
0xa9: {  	s0 =	simm.s32 @!p0 $0x4  }
0xaa: {  	_ =	swait.ge @!p0 [sflag:s0], s1  }
0xab: {  	s1 =	ssub.s32 @!p0 $0x0, s1;
	[sflag:s0] =	ssyncset.done @!p0 $0x0  }
0xac: {  	[sflag:s0] =	ssyncadd.s32 @!p0 s1  }
0xad: {  	[bflag:$0x3] =	sbarrier.arrive $0xFFFF  }
0xae: {  	_ =	shalt  }

// kernel: kernel.7.cloned.1.call-start
scs
__scs_entry_jumppad:
0x0: {  	(pc) =	sbr.rel $0x88, $3  }
0x1: {  	(tag) =	ssettag $0x0;
	lr =	simm.s32 $0x1  }
0x2: {  	[smem:$0x3F9B] =	sst lr;
	_ =	strace $0xD0000000  }
0x3: {  	_ = 	snop  }
0x4: {  	_ = 	snop  }
0x5: {  	_ = 	snop  }
0x6: {  	_ = 	snop  }
0x7: {  	_ = 	snop  }
__scs_overlays_trampoline_lowered:
0x8: {  	[smem:$0x3FAA] =	sst s0  }
0x9: {  	[smem:$0x3FAB] =	sst s1  }
0xa: {  	[smem:$0x3FAC] =	sst s2  }
0xb: {  	[smem:$0x3FAD] =	sst s3  }
0xc: {  	[smem:$0x3FAE] =	sst s4  }
0xd: {  	[smem:$0x3FAF] =	sst s5  }
0xe: {  	[smem:$0x3FB0] =	sst s6  }
0xf: {  	[smem:$0x3FB1] =	sst s7  }
0x10: {  	[smem:$0x3FB2] =	sst s8  }
0x11: {  	[smem:$0x3FB3] =	sst s9;
	s0 =	simm.s32 @!p0 $0x0  }
0x12: {  	s1 =	sld [smem:$0x3F99];
	s0 =	simm.s32 @p0 $0x1  }
0x13: {  	[smem:$0x3FB4] =	sst s0;
	s0 =	simm.s32 @!p1 $0x0  }
0x14: {  	s2 =	sld [smem:$0x3F98];
	s0 =	simm.s32 @p1 $0x1  }
0x15: {  	[smem:$0x3FB5] =	sst s0;
	s0 =	simm.s32 @!p2 $0x0  }
0x16: {  	s3 =	sld [smem:$0x3FDB];
	s0 =	simm.s32 @p2 $0x1  }
0x17: {  	s4 =	simm.s32 $0x1BF5;
	[smem:$0x3FB7] =	sst s0  }
0x18: {  	s0 =	sld [smem:$0x3F9A];
	_ =	swait.ge [sflag:s4], $0x0  }
0x19: {  	s7 =	sld [smem:$0x3F9B]  }
0x1a: {  	s8 =	sadd.s32 $0xFFFFE003, lr  }
0x1b: {  	s9 =	sadd.s32 $0xFFFFFEF7, lr;
	s5 =	simm.s32 $0xFFFFFFFF;
	p2 =	slt.u32 s8, $0xFFFFF086  }
0x1c: {  	p1 =	slt.u32 s9, $0xF7A;
	s5 =	simm.s32 @!p2 $0x0  }
0x1d: {  	s5 =	simm.s32 @p1 $0x1;
	p0 =	seq.s32 s7, s2  }
0x1e: {  	s7 =	smul.u32 @!p0 $0xF7A, s2;
	p2 =	seq.s32 @!p0 s5, $0x0  }
0x1f: {  	s9 =	smul.u32 $0xF7A, s1;
	s8 =	simm.s32 @!p0 $0x1BF5;
	p2 =	por !p2, p0  }
0x20: {  	[sflag:s8] =	ssyncset.s32 @!p0 $0xFFFFF086;
	s6 =	sadd.s32 @!p0 s3, s7;
	s7 =	simm.s32 @!p0 $0x108  }
0x21: {  	s3 =	sadd.s32 s3, s9;
	s6 =	sadd.s32 @!p0 $0x88, s6;
	s7 =	simm.s32 @p2 $0x1082  }
0x22: {  	[simem:s7], [sflag:s8] =	dma.local @!p0 [hbm:s6], $0xF7A  }
0x23: {  	s9 =	sor.u32 $0xD0000000, s2;
	s6 =	simm.s32 $0x108;
	_ =	swait.ge @!p0 [sflag:s8], $0x0  }
0x24: {  	s3 =	sadd.s32 $0x88, s3;
	s6 =	simm.s32 @!p1 $0x1082;
	[sflag:s4] =	ssyncset.s32 $0xFFFFF086  }
0x25: {  	[simem:s6], [sflag:s4] =	dma.local [hbm:s3], $0xF7A  }
0x26: {  	[smem:$0x3F9B] =	sst s1;
	(tag) =	ssettag s2;
	_ =	strace s9  }
0x27: {  	s1 =	sld [smem:$0x3FAB]  }
0x28: {  	s2 =	sld [smem:$0x3FAC]  }
0x29: {  	s4 =	sld [smem:$0x3FAE]  }
0x2a: {  	p0 =	seq.s32 s5, $0x0;
	s5 =	sld [smem:$0x3FAF]  }
0x2b: {  	s6 =	sld [smem:$0x3FB0]  }
0x2c: {  	s7 =	sld [smem:$0x3FB1]  }
0x2d: {  	s3 =	simm.s32 $0x108;
	s8 =	sld [smem:$0x3FB2]  }
0x2e: {  	s3 =	simm.s32 @!p0 $0x1082;
	s9 =	sld [smem:$0x3FB3]  }
0x2f: {  	lr =	sadd.s32 s0, s3;
	s0 =	sld [smem:$0x3FAA]  }
0x30: {  	s3 =	sld [smem:$0x3FAD]  }
0x31: {  	[smem:$0x3FB6] =	sst s10  }
0x32: {  	s10 =	sld [smem:$0x3FB4];
	_ =	sdelay $0x3  }
0x33: {  	p0 =	seq.s32 s10, $0x1;
	s10 =	sld [smem:$0x3FB6];
	_ =	sdelay $0x3  }
0x34: {  	[smem:$0x3FB6] =	sst s10  }
0x35: {  	s10 =	sld [smem:$0x3FB5];
	_ =	sdelay $0x3  }
0x36: {  	p1 =	seq.s32 s10, $0x1;
	s10 =	sld [smem:$0x3FB6];
	_ =	sdelay $0x3  }
0x37: {  	[smem:$0x3FB6] =	sst s10  }
0x38: {  	s10 =	sld [smem:$0x3FB7]  }
0x39: {  	_ = 	snop;
	(pc) =	sbr.ind lr, $3  }
0x3a: {  	_ = 	snop  }
0x3b: {  	_ = 	snop  }
0x3c: {  	p2 =	seq.s32 s10, $0x1;
	s10 =	sld [smem:$0x3FB6]  }
0x3d: {  	_ =	shalt  }
0x3e: {  	_ =	shalt  }
0x3f: {  	_ =	shalt  }
0x40: {  	_ =	shalt  }
0x41: {  	_ =	shalt  }
0x42: {  	_ =	shalt  }
0x43: {  	_ =	shalt  }
0x44: {  	_ =	shalt  }
0x45: {  	_ =	shalt  }
0x46: {  	_ =	shalt  }
0x47: {  	_ =	shalt  }
0x48: {  	_ =	shalt  }
0x49: {  	_ =	shalt  }
0x4a: {  	_ =	shalt  }
0x4b: {  	_ =	shalt  }
0x4c: {  	_ =	shalt  }
0x4d: {  	_ =	shalt  }
0x4e: {  	_ =	shalt  }
0x4f: {  	_ =	shalt  }
0x50: {  	_ =	shalt  }
0x51: {  	_ =	shalt  }
0x52: {  	_ =	shalt  }
0x53: {  	_ =	shalt  }
0x54: {  	_ =	shalt  }
0x55: {  	_ =	shalt  }
0x56: {  	_ =	shalt  }
0x57: {  	_ =	shalt  }
0x58: {  	_ =	shalt  }
0x59: {  	_ =	shalt  }
0x5a: {  	_ =	shalt  }
0x5b: {  	_ =	shalt  }
0x5c: {  	_ =	shalt  }
0x5d: {  	_ =	shalt  }
0x5e: {  	_ =	shalt  }
0x5f: {  	_ =	shalt  }
0x60: {  	_ =	shalt  }
0x61: {  	_ =	shalt  }
0x62: {  	_ =	shalt  }
0x63: {  	_ =	shalt  }
0x64: {  	_ =	shalt  }
0x65: {  	_ =	shalt  }
0x66: {  	_ =	shalt  }
0x67: {  	_ =	shalt  }
0x68: {  	_ =	shalt  }
0x69: {  	_ =	shalt  }
0x6a: {  	_ =	shalt  }
0x6b: {  	_ =	shalt  }
0x6c: {  	_ =	shalt  }
0x6d: {  	_ =	shalt  }
0x6e: {  	_ =	shalt  }
0x6f: {  	_ =	shalt  }
0x70: {  	_ =	shalt  }
0x71: {  	_ =	shalt  }
0x72: {  	_ =	shalt  }
0x73: {  	_ =	shalt  }
0x74: {  	_ =	shalt  }
0x75: {  	_ =	shalt  }
0x76: {  	_ =	shalt  }
0x77: {  	_ =	shalt  }
0x78: {  	_ =	shalt  }
0x79: {  	_ =	shalt  }
0x7a: {  	_ =	shalt  }
0x7b: {  	_ =	shalt  }
0x7c: {  	_ =	shalt  }
0x7d: {  	_ =	shalt  }
0x7e: {  	_ =	shalt  }
0x7f: {  	_ =	shalt  }
0x80: {  	_ =	shalt  }
0x81: {  	_ =	shalt  }
0x82: {  	_ =	shalt  }
0x83: {  	_ =	shalt  }
0x84: {  	_ =	shalt  }
0x85: {  	_ =	shalt  }
0x86: {  	_ =	shalt  }
0x87: {  	_ =	shalt  }
.Lfunc_end0:
.L_simem_size_0:
called_computation_lowered:
.L_overlay_start_0:
0x88: {  	s2 =	sld [smem:$0x3FD9]  }
0x89: {  	s3 =	sld [smem:$0x3FFE];
	_ =	sdelay $0x1  }
0x8a: {  	s1 =	srdreg.scid  }
0x8b: {  	s0 =	sand.u32 $0x1, s1  }
0x8c: {  	s17 =	sshll.u32 s0, $0xA;
	s2 =	sadd.s32 s3, s2  }
0x8d: {  	s2 =	sadd.s32 s2, s17  }
0x8e: {  	[smem:$0x3FC2] =	sst s2  }
0x8f: {  	_ = 	snop  }
0x90: {  	s2 =	sld [smem:$0x3FC8]  }
0x91: {  	s18 =	sld [smem:$0x3FD0];
	(tm) =	ssettm $0x1  }
0x92: {  	s4 =	sld [smem:$0x3FFB];
	_ =	sdelay $0x3  }
0x93: {  	_ =	strace s4  }
0x94: {  	s4 =	sld [smem:$0x3FFC];
	_ =	sdelay $0x3  }
0x95: {  	_ =	strace s4  }
0x96: {  	s4 =	sld [smem:$0x3FFD];
	_ =	sdelay $0x3  }
0x97: {  	_ =	strace s4  }
0x98: {  	_ =	strace $0x8FFFFFFF  }
0x99: {  	s19 =	sld [smem:$0x3FDB];
	_ =	sdelay $0x1  }
0x9a: {  	s5 =	simm.s32 $_scs_section_size  }
0x9b: {  	s6 =	simm.s32 $_size__tile_overlayer_lowered;
	s7 =	simm.s32 $_tile_overlayer_lowered  }
0x9c: {  	s22 =	simm.s32 $0x1BFF;
	s21 =	sshll.u32 s7, $0x1;
	s4 =	sadd.s32 s5, s19  }
0x9d: {  	s8 =	simm.s32 $0x0;
	s20 =	sshll.u32 s6, $0x1;
	s6 =	sadd.s32 s21, s4  }
0x9e: {  	[timem:s8], [sflag:s22] =	dma.local [hbm:s6], s20  }
0x9f: {  	_ =	swait.ge [sflag:s22], s20  }
0xa0: {  	s5 =	ssub.s32 $0x0, s20;
	[sflag:s22] =	ssyncset.done $0x0  }
0xa1: {  	[sflag:s22] =	ssyncadd.s32 s5;
	_ =	sdelay $0x1  }
0xa2: {  	s23 =	simm.s32 $0x1B8B  }
0xa3: {  	_ =	swait.ge [sflag:s23], $0x1  }
0xa4: {  	[sflag:s23] =	ssyncset.done $0x0  }
0xa5: {  	s25 =	simm.s32 $0x1B8E;
	s24 =	sld [smem:$0x3FFE];
	[sflag:s23] =	ssyncadd.s32 $0xFFFFFFFF  }
0xa6: {  	s26 =	simm.s32 $execute0_lowered;
	[smem:$0x3FD2] =	sst s25  }
0xa7: {  	s6 =	sshll.u32 s26, $0x1;
	_ =	strace $0x80000046;
	[dreg:$0x1] =	wrdreg $0xFFFFFFFF  }
0xa8: {  	s28 =	simm.s32 $_size_execute0_lowered;
	s4 =	sadd.s32 s4, s6;
	[dreg:$0x0] =	wrdreg $0x0  }
0xa9: {  	s6 =	sshll.u32 s28, $0x1;
	[dreg:$0x2] =	wrdreg s4  }
0xaa: {  	[dreg:$0x3] =	wrdreg s6  }
0xab: {  	[dreg:$0x4] =	wrdreg $0xC0  }
0xac: {  	_ =	task [dreg:s8], $0x5FFFF  }
0xad: {  	[dreg:$0x1] =	wrdreg $0xFFFFFFFF  }
0xae: {  	[dreg:$0x0] =	wrdreg $0x60  }
0xaf: {  	[dreg:$0x2] =	wrdreg s18  }
0xb0: {  	[dreg:$0x3] =	wrdreg s24  }
0xb1: {  	[dreg:$0x4] =	wrdreg s2  }
0xb2: {  	[dreg:$0x5] =	wrdreg $0x9  }
0xb3: {  	_ =	task.clear_ibuf [dreg:s8], $0x6FFFF;
	_ =	strace $0x90000046  }
0xb4: {  	s29 =	simm.s32 $0x9;
	_ =	strace $0x80000048  }
0xb5: {  	_ =	swait.ge [sflag:s29], $0x1  }
0xb6: {  	[sflag:s29] =	ssyncadd.s32 $0xFFFFFFFF  }
0xb7: {  	_ =	strace $0x90000048  }
0xb8: {  	_ =	sfence  }
0xb9: {  	s30 =	sld [smem:$0x0];
	_ =	sdelay $0x2  }
0xba: {  	s31 =	sshll.u32 s1, $0xD;
	s1 =	sshrl.u32 s1, $0x2  }
0xbb: {  	s3 =	sand.u32 $0x4000, s31;
	s1 =	sadd.s32 s1, s30  }
0xbc: {  	s0 =	sor.u32 s3, s0;
	s1 =	sshll.u32 s1, $0x11  }
0xbd: {  	s0 =	sor.u32 s1, s0  }
0xbe: {  	s0 =	sadd.s32 $0x8F2B, s0  }
0xbf: {  	[sflag:s0] =	ssyncadd.remote.s32 $0x1  }
0xc0: {  	_ =	sfence.sel $0xFFFF  }
0xc1: {  	[dreg:$0x0] =	wrdreg $0xFFFFFFFF;
	(pc) =	sbr.abs _section_cstart, $3  }
0xc2: {  	[dreg:$0x1] =	wrdreg $0xFFFFFFFF  }
0xc3: {  	_ =	task.clear_ibuf [dreg:s8], $0x2FFFF;
	_ =	strace $0x9FFFFFFF  }
0xc4: {  	(tm) =	ssettm $0x7FFFFFFF  }
0xc5: {  	_ =	shalt  }
tec
execute0_lowered:
.L_overlay_start_1:
0x0: {  	(tag) =	ssettag $0x1  }
0x1: {  	s2 =	rddreg [dreg:$0x0]  }
0x2: {  	s4 =	rddreg [dreg:$0x1];
	s0 =	srdreg.scid  }
0x3: {  	s6 =	rddreg [dreg:$0x2];
	s1 =	stileid.u32;
	s3 =	simm.s32 $0x0  }
0x4: {  	s10 =	simm.s32 $0x2080;
	s11 =	simm.s32 $0x4;
	s12 =	simm.s32 $0x40  }
0x5: {  	s13 =	simm.s32 $0x4080;
	s14 =	simm.s32 $0x1;
	s15 =	simm.s32 $0x2  }
0x6: {  	s16 =	simm.s32 $0x3;
	s17 =	simm.s32 $0x0;
	s5 =	sand.u32 $0x1, s0  }
0x7: {  	s0 =	rddreg [dreg:$0x3];
	s8 =	sshll.u32 s1, $0x6;
	s7 =	sshll.u32 s5, $0xA  }
0x8: {  	[smem:$0x7FF] =	sst s3;
	s5 =	ssub.s32 $0x2, s5;
	s7 =	sor.u32 s8, s7  }
0x9: {  	_ =	strace $0x80000047;
	s9 =	sshrl.u32 s5, $0x1;
	s8 =	sshll.u32 s7, $0x4  }
0xa: {  	s9 =	ssub.s32 s5, s9;
	s7 =	sshrl.u32 s7, $0x3;
	s8 =	sadd.s32 s8, s4  }
0xb: {  	s6 =	sadd.s32 s6, s7;
	s4 =	sadd.s32 $0x2200, s8;
	s5 =	sadd.s32 $0xA200, s8  }
0xc: {  	s7 =	sadd.s32 $0x12200, s8;
	s8 =	smax.u32 s9, $0x1;
	s9 =	simm.s32 $0x80  }
.LBB2_1:
0xd: {  	[tilespmem:s9], [sflag:$0x2] =	stream.linear.gather [hbm4b:s4+s3], $0x2000, $0x38;
	[tilespmem:$0x6080] =	vst v63  }
0xe: {  	_ = 	snop  }
0xf: {  	[tilespmem:s10], [sflag:$0x3] =	stream.linear.gather [hbm4b:s5+s3], $0x2000, $0x38;
	[tilespmem:$0x6080] =	vst v63  }
0x10: {  	_ = 	snop  }
0x11: {  	[tilespmem:s3], [sflag:$0x4] =	stream.linear.gather [hbm4b:s6+s3], $0x40, $0x38;
	[tilespmem:$0x6080] =	vst v63  }
0x12: {  	_ =	swait.ge [sflag:s11], $0x40  }
0x13: {  	[sflag:s11] =	ssyncset.done $0x0  }
0x14: {  	[sflag:s11] =	ssyncadd.s32 $0xFFFFFFC0  }
0x15: {  	[tilespmem:s13], [sflag:$0x1] =	stream.indirect.gather [hbm4b:s2+s12], $0x80, s3, s12, $0xb8;
	[tilespmem:$0x6080] =	vst v63  }
0x16: {  	_ =	swait.ge [sflag:s14], $0x2000  }
0x17: {  	[sflag:s14] =	ssyncset.done $0x0  }
0x18: {  	[sflag:s14] =	ssyncadd.s32 $0xFFFFE000  }
0x19: {  	_ =	swait.ge [sflag:s15], $0x2000  }
0x1a: {  	[sflag:s15] =	ssyncset.done $0x0  }
0x1b: {  	[sflag:s15] =	ssyncadd.s32 $0xFFFFE000  }
0x1c: {  	_ =	swait.ge [sflag:s16], $0x2000  }
0x1d: {  	[sflag:s16] =	ssyncset.done $0x0  }
0x1e: {  	s18 =	simm.s32 $0x0;
	[sflag:s16] =	ssyncadd.s32 $0xFFFFE000  }
0x1f: {  	v0 =	vld [tilespmem:s18+$0x40D0]  }
0x20: {  	v1 =	vld [tilespmem:s18+$0xD0]  }
0x21: {  	v2 =	vld [tilespmem:s18+$0x40C0]  }
0x22: {  	v3 =	vld [tilespmem:s18+$0x40B0]  }
0x23: {  	v5 =	vld [tilespmem:s18+$0x4090]  }
0x24: {  	v6 =	vld [tilespmem:s18+$0xB0]  }
0x25: {  	v7 =	vld [tilespmem:s18+$0x90];
	v0 =	vadd.f32 v0, v1  }
0x26: {  	v1 =	vld [tilespmem:s18+$0xC0]  }
0x27: {  	v8 =	vld [tilespmem:s18+$0x40F0];
	v0 =	vsub.f32 $0.0e+00, v0  }
0x28: {  	v9 =	vld [tilespmem:s18+$0xF0]  }
0x29: {  	v4 =	vld [tilespmem:s18+$0x4080];
	v0 =	vmul.f32 $1.442695020e+00, v0  }
0x2a: {  	v10 =	vld [tilespmem:s18+$0x80]  }
0x2b: {  	(erf) = vpow2.f32 v0;
	v0 =	vadd.f32 v2, v1  }
0x2c: {  	v1 =	vadd.f32 v3, v6;
	v3 =	vadd.f32 v5, v7  }
0x2d: {  	v2 =	vld [tilespmem:s18+$0x40E0];
	v6 =	vadd.f32 v8, v9;
	v0 =	vsub.f32 $0.0e+00, v0  }
0x2e: {  	v5 =	vld [tilespmem:s18+$0xE0];
	v1 =	vsub.f32 $0.0e+00, v1;
	v3 =	vsub.f32 $0.0e+00, v3  }
0x2f: {  	v4 =	vadd.f32 v4, v10;
	v7 =	vld [tilespmem:s18+$0x40A0];
	v0 =	vmul.f32 $1.442695020e+00, v0  }
0x30: {  	v8 =	vld [tilespmem:s18+$0xA0];
	v6 =	vsub.f32 $0.0e+00, v6;
	v1 =	vmul.f32 $1.442695020e+00, v1;
	v3 =	vmul.f32 $1.442695020e+00, v3  }
0x31: {  	(erf) = vpow2.f32 v0;
	v0 =	vsub.f32 $0.0e+00, v4  }
0x32: {  	(erf) = vpow2.f32 v1;
	v1 =	vmul.f32 $1.442695020e+00, v6  }
0x33: {  	v2 =	vadd.f32 v2, v5;
	(erf) = vpow2.f32 v3;
	v0 =	vmul.f32 $1.442695020e+00, v0  }
0x34: {  	v3 =	vpop (erf);
	(erf) = vpow2.f32 v1  }
0x35: {  	v2 =	vsub.f32 $0.0e+00, v2;
	(erf) = vpow2.f32 v0;
	v0 =	vadd.f32 v7, v8  }
0x36: {  	v3 =	vadd.f32 $1.000000000e+00, v3  }
0x37: {  	v1 =	vmul.f32 $1.442695020e+00, v2;
	v0 =	vsub.f32 $0.0e+00, v0  }
0x38: {  	(erf) = vrcp.f32 v3  }
0x39: {  	(erf) = vpow2.f32 v1;
	v0 =	vmul.f32 $1.442695020e+00, v0  }
0x3a: {  	v2 =	vpop (erf)  }
0x3b: {  	v3 =	vpop (erf);
	(erf) = vpow2.f32 v0  }
0x3c: {  	v4 =	vld [tilespmem:s18+$0x20D0]  }
0x3d: {  	v1 =	vld [tilespmem:s18+$0x20C0];
	v2 =	vadd.f32 $1.000000000e+00, v2  }
0x3e: {  	v0 =	vld [tilespmem:s18+$0x20A0];
	v3 =	vadd.f32 $1.000000000e+00, v3;
	v5 =	vpop (erf)  }
0x3f: {  	v5 =	vadd.f32 $1.000000000e+00, v5;
	(erf) = vrcp.f32 v2;
	v2 =	vld [tilespmem:s18+$0x20E0];
	v6 =	vpop (erf)  }
0x40: {  	(erf) = vrcp.f32 v3;
	v3 =	vld [tilespmem:s18+$0x2080];
	v9 =	vadd.f32 $1.000000000e+00, v6;
	v6 =	vpop (erf)  }
0x41: {  	(erf) = vrcp.f32 v5;
	v5 =	vld [tilespmem:s18+$0x2090];
	v7 =	vpop (erf)  }
0x42: {  	s20 =	simm.s32 $0x200;
	s19 =	simm.s32 $0x400;
	v6 =	vadd.f32 $1.000000000e+00, v6;
	(erf) = vrcp.f32 v9;
	v7 =	vmul.f32 v7, v4;
	v4 =	vld [tilespmem:s18+$0x20F0];
	v8 =	vpop (erf)  }
.LBB2_2:
0x43: {  	p0 =	sne.s32 s19, $0x7E00  }
0x44: {  	s21 =	sshra.s32 s20, $0x2;
	v9 =	vld [tilespmem:s18+$0x20B0];
	v8 =	vadd.f32 $1.000000000e+00, v8;
	(erf) = vrcp.f32 v6;
	v6 =	vpop (erf);
	s20 =	smov.u32 s19;
	s19 =	sadd.s32 $0x200, s19  }
0x45: {  	v10 =	vld [tilespmem:s21+$0x40D0];
	v6 =	vadd.f32 $1.000000000e+00, v6;
	[tilespmem:s18+$0xD0] =	vst v7  }
0x46: {  	v7 =	vld [tilespmem:s21+$0xD0];
	(erf) = vrcp.f32 v8  }
0x47: {  	v8 =	vld [tilespmem:s21+$0x40C0];
	(erf) = vrcp.f32 v6  }
0x48: {  	v6 =	vld [tilespmem:s21+$0x40A0];
	v11 =	vpop (erf)  }
0x49: {  	v12 =	vld [tilespmem:s21+$0x40B0];
	v1 =	vmul.f32 v11, v1;
	v11 =	vpop (erf)  }
0x4a: {  	v13 =	vld [tilespmem:s21+$0x4080];
	v15 =	vmul.f32 v11, v9;
	v11 =	vpop (erf)  }
0x4b: {  	v14 =	vld [tilespmem:s21+$0x4090];
	v7 =	vadd.f32 v10, v7;
	v11 =	vmul.f32 v11, v5;
	[tilespmem:s18+$0xC0] =	vst v1  }
0x4c: {  	v1 =	vld [tilespmem:s21+$0xC0];
	[tilespmem:s18+$0xB0] =	vst v15;
	v9 =	vpop (erf)  }
0x4d: {  	v10 =	vld [tilespmem:s21+$0xB0];
	v7 =	vsub.f32 $0.0e+00, v7;
	[tilespmem:s18+$0x90] =	vst v11;
	v11 =	vmul.f32 v9, v4;
	v5 =	vpop (erf)  }
0x4e: {  	v9 =	vld [tilespmem:s21+$0x90];
	v15 =	vmul.f32 v5, v3  }
0x4f: {  	v5 =	vmul.f32 $1.442695020e+00, v7;
	v7 =	vld [tilespmem:s21+$0x40F0];
	[tilespmem:s18+$0xF0] =	vst v11;
	v4 =	vpop (erf)  }
0x50: {  	v11 =	vld [tilespmem:s21+$0xF0];
	[tilespmem:s18+$0x80] =	vst v15;
	v2 =	vmul.f32 v4, v2;
	v3 =	vpop (erf)  }
0x51: {  	v4 =	vld [tilespmem:s21+$0x80];
	v1 =	vadd.f32 v8, v1;
	(erf) = vpow2.f32 v5;
	v0 =	vmul.f32 v3, v0  }
0x52: {  	v3 =	vadd.f32 v12, v10;
	v5 =	vld [tilespmem:s21+$0x40E0];
	[tilespmem:s18+$0xE0] =	vst v2  }
0x53: {  	v2 =	vadd.f32 v14, v9;
	v1 =	vsub.f32 $0.0e+00, v1;
	v8 =	vld [tilespmem:s21+$0xE0];
	[tilespmem:s18+$0xA0] =	vst v0;
	s18 =	smov.u32 s21  }
0x54: {  	v0 =	vld [tilespmem:s18+$0xA0];
	v3 =	vsub.f32 $0.0e+00, v3  }
0x55: {  	v2 =	vsub.f32 $0.0e+00, v2;
	v9 =	vmul.f32 $1.442695020e+00, v1;
	v1 =	vld [tilespmem:s18+$0x20C0];
	v7 =	vadd.f32 v7, v11  }
0x56: {  	v4 =	vadd.f32 v13, v4;
	v3 =	vmul.f32 $1.442695020e+00, v3  }
0x57: {  	v2 =	vmul.f32 $1.442695020e+00, v2;
	v7 =	vsub.f32 $0.0e+00, v7;
	(erf) = vpow2.f32 v9  }
0x58: {  	v4 =	vsub.f32 $0.0e+00, v4;
	v8 =	vadd.f32 v5, v8;
	(erf) = vpow2.f32 v3  }
0x59: {  	v0 =	vadd.f32 v6, v0;
	v3 =	vmul.f32 $1.442695020e+00, v7;
	(erf) = vpow2.f32 v2  }
0x5a: {  	v2 =	vmul.f32 $1.442695020e+00, v4;
	v4 =	vsub.f32 $0.0e+00, v8;
	v5 =	vpop (erf)  }
0x5b: {  	v0 =	vsub.f32 $0.0e+00, v0;
	v5 =	vadd.f32 $1.000000000e+00, v5;
	(erf) = vpow2.f32 v3  }
0x5c: {  	v3 =	vmul.f32 $1.442695020e+00, v4;
	(erf) = vpow2.f32 v2  }
0x5d: {  	v2 =	vmul.f32 $1.442695020e+00, v0;
	(erf) = vrcp.f32 v5  }
0x5e: {  	(erf) = vpow2.f32 v3  }
0x5f: {  	(erf) = vpow2.f32 v2  }
0x60: {  	v0 =	vpop (erf)  }
0x61: {  	v2 =	vadd.f32 $1.000000000e+00, v0;
	v4 =	vld [tilespmem:s18+$0x20D0];
	v0 =	vpop (erf)  }
0x62: {  	v3 =	vadd.f32 $1.000000000e+00, v0;
	v0 =	vpop (erf)  }
.Ltmp0:
0x63: {  	v5 =	vadd.f32 $1.000000000e+00, v0;
	v0 =	vld [tilespmem:s18+$0x20A0];
	(erf) = vrcp.f32 v2;
	(pc) =	sbr.rel @p0 .LBB2_2-.Ltmp0, $4  }
0x64: {  	v2 =	vld [tilespmem:s18+$0x20E0];
	(erf) = vrcp.f32 v3;
	v6 =	vpop (erf)  }
0x65: {  	v3 =	vld [tilespmem:s18+$0x2080];
	v9 =	vadd.f32 $1.000000000e+00, v6;
	v6 =	vpop (erf);
	(erf) = vrcp.f32 v5  }
0x66: {  	v6 =	vadd.f32 $1.000000000e+00, v6;
	v5 =	vld [tilespmem:s18+$0x2090];
	v7 =	vpop (erf)  }
0x67: {  	v7 =	vmul.f32 v7, v4;
	v4 =	vld [tilespmem:s18+$0x20F0];
	v8 =	vpop (erf);
	(erf) = vrcp.f32 v9  }
0x68: {  	s19 =	sshra.s32 s20, $0x2;
	v9 =	vld [tilespmem:s18+$0x20B0];
	v12 =	vpop (erf);
	(erf) = vrcp.f32 v6;
	v8 =	vadd.f32 $1.000000000e+00, v8  }
0x69: {  	v10 =	vld [tilespmem:s19+$0x40D0];
	[tilespmem:s18+$0xD0] =	vst v7;
	v57 =	vadd.f32 $1.000000000e+00, v12  }
0x6a: {  	v7 =	vld [tilespmem:s19+$0xD0];
	(erf) = vrcp.f32 v8  }
0x6b: {  	v11 =	vld [tilespmem:s19+$0x40C0];
	(erf) = vrcp.f32 v57  }
0x6c: {  	v13 =	vld [tilespmem:s19+$0x40A0];
	v55 =	vpop (erf)  }
0x6d: {  	v14 =	vld [tilespmem:s19+$0x40B0];
	v1 =	vmul.f32 v55, v1;
	v15 =	vpop (erf)  }
0x6e: {  	v56 =	vld [tilespmem:s19+$0x4080];
	v9 =	vmul.f32 v15, v9;
	v58 =	vpop (erf)  }
0x6f: {  	v16 =	vld [tilespmem:s19+$0x4090];
	[tilespmem:s18+$0xC0] =	vst v1;
	v1 =	vmul.f32 v58, v5;
	v7 =	vadd.f32 v10, v7  }
0x70: {  	v59 =	vld [tilespmem:s19+$0xC0];
	[tilespmem:s18+$0xB0] =	vst v9;
	v61 =	vpop (erf)  }
0x71: {  	v60 =	vld [tilespmem:s19+$0xB0];
	[tilespmem:s18+$0x90] =	vst v1;
	v62 =	vmul.f32 v61, v4;
	v15 =	vpop (erf);
	v17 =	vsub.f32 $0.0e+00, v7  }
0x72: {  	v63 =	vld [tilespmem:s19+$0x90];
	v3 =	vmul.f32 v15, v3  }
0x73: {  	v9 =	vld [tilespmem:s19+$0x40F0];
	[tilespmem:s18+$0xF0] =	vst v62;
	v19 =	vpop (erf);
	v1 =	vmul.f32 $1.442695020e+00, v17  }
0x74: {  	v18 =	vld [tilespmem:s19+$0xF0];
	[tilespmem:s18+$0x80] =	vst v3;
	v2 =	vmul.f32 v19, v2;
	v20 =	vpop (erf)  }
0x75: {  	v3 =	vld [tilespmem:s19+$0x80];
	(erf) = vpow2.f32 v1;
	v0 =	vmul.f32 v20, v0  }
0x76: {  	v21 =	vld [tilespmem:s19+$0x40E0];
	v22 =	vadd.f32 v11, v59;
	[tilespmem:s18+$0xE0] =	vst v2;
	v23 =	vadd.f32 v14, v60  }
0x77: {  	v24 =	vld [tilespmem:s19+$0xE0];
	v4 =	vadd.f32 v16, v63;
	[tilespmem:s18+$0xA0] =	vst v0  }
0x78: {  	v25 =	vsub.f32 $0.0e+00, v22;
	v26 =	vld [tilespmem:s19+$0xA0];
	v2 =	vsub.f32 $0.0e+00, v23  }
0x79: {  	v4 =	vsub.f32 $0.0e+00, v4;
	v7 =	vadd.f32 v9, v18  }
0x7a: {  	v0 =	vmul.f32 $1.442695020e+00, v25;
	v3 =	vadd.f32 v56, v3  }
0x7b: {  	v2 =	vmul.f32 $1.442695020e+00, v2;
	v4 =	vmul.f32 $1.442695020e+00, v4;
	v27 =	vsub.f32 $0.0e+00, v7  }
0x7c: {  	(erf) = vpow2.f32 v0;
	v28 =	vsub.f32 $0.0e+00, v3;
	v29 =	vadd.f32 v21, v24  }
0x7d: {  	(erf) = vpow2.f32 v2;
	v1 =	vadd.f32 v13, v26;
	v30 =	vmul.f32 $1.442695020e+00, v27  }
0x7e: {  	(erf) = vpow2.f32 v4;
	v0 =	vmul.f32 $1.442695020e+00, v28;
	v3 =	vsub.f32 $0.0e+00, v29;
	v31 =	vpop (erf)  }
0x7f: {  	v1 =	vsub.f32 $0.0e+00, v1;
	v4 =	vadd.f32 $1.000000000e+00, v31;
	(erf) = vpow2.f32 v30  }
0x80: {  	v32 =	vmul.f32 $1.442695020e+00, v3;
	(erf) = vpow2.f32 v0  }
0x81: {  	v33 =	vmul.f32 $1.442695020e+00, v1;
	(erf) = vrcp.f32 v4  }
0x82: {  	(erf) = vpow2.f32 v32  }
0x83: {  	(erf) = vpow2.f32 v33;
	_ =	sdelay $0x1  }
0x84: {  	v34 =	vpop (erf)  }
0x85: {  	v35 =	vpop (erf)  }
0x86: {  	v0 =	vadd.f32 $1.000000000e+00, v34;
	v36 =	vpop (erf)  }
0x87: {  	v1 =	vadd.f32 $1.000000000e+00, v35;
	v37 =	vpop (erf)  }
0x88: {  	v2 =	vadd.f32 $1.000000000e+00, v36;
	(erf) = vrcp.f32 v0;
	v38 =	vpop (erf)  }
0x89: {  	(erf) = vrcp.f32 v1;
	v39 =	vadd.f32 $1.000000000e+00, v37;
	v40 =	vpop (erf)  }
0x8a: {  	(erf) = vrcp.f32 v2;
	v0 =	vadd.f32 $1.000000000e+00, v38;
	v41 =	vpop (erf)  }
0x8b: {  	(erf) = vrcp.f32 v39;
	v42 =	vadd.f32 $1.000000000e+00, v41;
	v43 =	vpop (erf)  }
0x8c: {  	v44 =	vld [tilespmem:s19+$0x20D0];
	(erf) = vrcp.f32 v0;
	v45 =	vadd.f32 $1.000000000e+00, v43  }
0x8d: {  	v46 =	vld [tilespmem:s19+$0x20C0];
	(erf) = vrcp.f32 v42  }
0x8e: {  	v47 =	vld [tilespmem:s19+$0x20B0];
	(erf) = vrcp.f32 v45  }
0x8f: {  	v48 =	vld [tilespmem:s19+$0x2090]  }
0x90: {  	v49 =	vld [tilespmem:s19+$0x20F0]  }
0x91: {  	v50 =	vld [tilespmem:s19+$0x2080];
	v3 =	vmul.f32 v40, v44;
	v51 =	vpop (erf)  }
0x92: {  	v52 =	vld [tilespmem:s19+$0x20E0];
	v2 =	vmul.f32 v51, v46;
	v53 =	vpop (erf)  }
0x93: {  	v54 =	vld [tilespmem:s19+$0x20A0];
	[tilespmem:s19+$0xD0] =	vst v3;
	v1 =	vmul.f32 v53, v47;
	v55 =	vpop (erf)  }
0x94: {  	v0 =	vmul.f32 v55, v48;
	[tilespmem:s19+$0xC0] =	vst v2;
	v56 =	vpop (erf)  }
0x95: {  	[tilespmem:s19+$0xB0] =	vst v1;
	v57 =	vmul.f32 v56, v49;
	v58 =	vpop (erf)  }
0x96: {  	[tilespmem:s19+$0x90] =	vst v0;
	v59 =	vmul.f32 v58, v50;
	v60 =	vpop (erf)  }
0x97: {  	[tilespmem:s19+$0xF0] =	vst v57;
	v61 =	vmul.f32 v60, v52;
	v62 =	vpop (erf)  }
0x98: {  	s17 =	sadd.s32 $0x1, s17;
	[tilespmem:s19+$0x80] =	vst v59;
	v63 =	vmul.f32 v62, v54  }
0x99: {  	p0 =	sne.s32 s17, s8;
	[tilespmem:s19+$0xE0] =	vst v61  }
.Ltmp1:
0x9a: {  	[tilespmem:s19+$0xA0] =	vst v63;
	(pc) =	sbr.rel @p0 .LBB2_1-.Ltmp1, $4  }
0x9b: {  	[hbm4b:s7+s3] =	stream.linear.scatter [tilespmem:s9], [sflag:$0x4], $0x2000, $0x38;
	[tilespmem:$0x6080] =	vst v63  }
0x9c: {  	_ =	swait.ge [sflag:s11], $0x2000  }
0x9d: {  	[sflag:s11] =	ssyncset.done $0x0  }
0x9e: {  	[sflag:s11] =	ssyncadd.s32 $0xFFFFE000  }
0x9f: {  	_ =	sfence.sel $0x180000  }
0xa0: {  	[bflag:$0x0] =	sbarrier.arrive $0xFFFF  }
0xa1: {  	p0 =	sne.s32 s1, $0x0;
	_ =	strace $0x90000047  }
0xa2: {  	s0 =	sadd.s32 @!p0 $0x100000, s0;
	[bflag:$0x2] =	sbarrier.arrive $0xFFFF  }
0xa3: {  	[sflag:s0] =	ssyncadd.tile.s32 @!p0 $0x1;
	_ =	shalt  }
.Lfunc_end2:
_tile_overlayer_lowered:
.L_overlay_start_2:
0xa4: {  	(tag) =	ssettag $0x2  }
0xa5: {  	s0 =	rddreg [dreg:$0x0];
	s2 =	stileid.u32  }
0xa6: {  	s1 =	rddreg [dreg:$0x1];
	p0 =	sne.s32 s2, $0x0  }
0xa7: {  	s3 =	rddreg [dreg:$0x2];
	[bflag:$0x3] =	sbarrier.arrive $0xFFFF;
	s2 =	simm.s32 @!p0 $0x1C04  }
0xa8: {  	[timem:s3], [sflag:s2] =	dma.local @!p0 [hbm:s0], s1  }
0xa9: {  	s0 =	simm.s32 @!p0 $0x4  }
0xaa: {  	_ =	swait.ge @!p0 [sflag:s0], s1  }
0xab: {  	s1 =	ssub.s32 @!p0 $0x0, s1;
	[sflag:s0] =	ssyncset.done @!p0 $0x0  }
0xac: {  	[sflag:s0] =	ssyncadd.s32 @!p0 s1  }
0xad: {  	[bflag:$0x3] =	sbarrier.arrive $0xFFFF  }
0xae: {  	_ =	shalt  }

</sc_bundles>
